<compile_context>
chip_gen: v7x
topology: tpu7x:2x2x1
jax: 0.10.2.dev20260603
libtpu: 0.0.44.dev20260713+nightly
codegen_flags: <defaults>
</compile_context>

<pallas_src>
import functools

import jax
import jax.numpy as jnp
from jax import lax
from jax.experimental import pallas as pl
from jax.experimental.pallas import tpu as pltpu
from jax.experimental.pallas import tpu_sc as plsc

_T = 26
_N = 100000
_D = 64
_B = 4096
_L = 20

_NC = 2
_NS = 16
_NW = _NC * _NS
_C = 16
_CHUNKS = _B // (_NW * _C)
_ROWS = _C * _L
_DV = _D // 16

_NB = 4
_HC = _C // 2
_HROWS = _HC * _L
_UNITS = 2 * _T
_TOTAL = _CHUNKS * _UNITS


def _make_emb():
    mesh = plsc.VectorSubcoreMesh(core_axis_name="c", subcore_axis_name="s")

    @functools.partial(
        pl.kernel,
        out_type=jax.ShapeDtypeStruct((_B * _T, _D), jnp.float32),
        mesh=mesh,
        compiler_params=pltpu.CompilerParams(use_tc_tiling_on_sc=False),
        scratch_types=[
            pltpu.VMEM((2 * _T, _ROWS), jnp.int32),
            [pltpu.VMEM((_HROWS,), jnp.int32) for _ in range(_NB)],
            [pltpu.VMEM((_HROWS, _D), jnp.float32) for _ in range(_NB)],
            pltpu.VMEM((2 * _C * _T, _D), jnp.float32),
            pltpu.SemaphoreType.DMA,
            [pltpu.SemaphoreType.DMA for _ in range(_NB)],
            pltpu.SemaphoreType.DMA,
            pltpu.SemaphoreType.DMA,
        ],
    )
    def emb(feat_hbm, w_hbm, out_hbm,
            ixa, rows, gbuf, obuf,
            isem, gsem, osem0, osem1):
        wid = lax.axis_index("s") * _NC + lax.axis_index("c")
        osem = (osem0, osem1)

        def b0_of(i):
            return wid * (_CHUNKS * _C) + i * _C

        def copy_idx(i, hp):
            col = pl.multiple_of(b0_of(i) * _L, 8)
            pltpu.async_copy(
                feat_hbm.at[:, pl.ds(col, _ROWS)],
                ixa.at[pl.ds(hp * _T, _T), :], isem)

        def wait_idx():
            pltpu.make_async_copy(
                feat_hbm.at[:, pl.ds(0, _ROWS)],
                ixa.at[pl.ds(0, _T), :], isem).wait()

        def stage(g, half, gp):
            i = g // _UNITS
            t = (g - i * _UNITS) // 2
            irow = (i % 2) * _T + t
            t_base = t * _N
            for v in range(_HROWS // 16):
                sl16 = pl.ds(v * 16, 16)
                src = pl.ds(half * _HROWS + v * 16, 16)
                rows[gp][sl16] = ixa[irow, src] + t_base
            pltpu.async_copy(w_hbm.at[rows[gp]], gbuf[gp], gsem[gp])

        def wait_gather(gp):
            pltpu.make_async_copy(
                w_hbm.at[pl.ds(0, _HROWS)], gbuf[gp], gsem[gp]).wait()

        def reduce(g, half, gp):
            i = g // _UNITS
            t = (g - i * _UNITS) // 2
            obase = (i % 2) * (_C * _T)
            gg = gbuf[gp]

            def bag_body(c, carry):
                r0 = c * _L
                accs = [gg[r0, pl.ds(j * 16, 16)] for j in range(_DV)]
                for l in range(1, _L):
                    accs = [
                        accs[j] + gg[r0 + l, pl.ds(j * 16, 16)]
                        for j in range(_DV)
                    ]
                orow = obase + (half * _HC + c) * _T + t
                for j in range(_DV):
                    obuf[orow, pl.ds(j * 16, 16)] = accs[j]
                return carry

            lax.fori_loop(0, _HC, bag_body, 0)

        def flush(i, hp):
            pltpu.async_copy(
                obuf.at[pl.ds(hp * _C * _T, _C * _T), :],
                out_hbm.at[pl.ds(b0_of(i) * _T, _C * _T)], osem[hp])

        def wait_flush(hp):
            pltpu.make_async_copy(
                obuf.at[pl.ds(0, _C * _T), :],
                out_hbm.at[pl.ds(0, _C * _T)], osem[hp]).wait()

        copy_idx(0, 0)
        wait_idx()
        for u in range(_NB - 1):
            stage(u, u % 2, u)

        @pl.loop(0, _TOTAL // _NB)
        def quad(kk):
            for j in range(_NB):
                g = _NB * kk + j
                i = g // _UNITS
                u = g - i * _UNITS
                ip = i % 2

                @pl.when((u == 0) & (i + 1 < _CHUNKS) & ((i + 1) % 2 == 0))
                def _():
                    copy_idx(i + 1, 0)

                @pl.when((u == 0) & (i + 1 < _CHUNKS) & ((i + 1) % 2 == 1))
                def _():
                    copy_idx(i + 1, 1)

                @pl.when((u == 0) & (i >= 2) & (ip == 0))
                def _():
                    wait_flush(0)

                @pl.when((u == 0) & (i >= 2) & (ip == 1))
                def _():
                    wait_flush(1)

                @pl.when((u == _UNITS - _NB + 1) & (i + 1 < _CHUNKS))
                def _():
                    wait_idx()

                @pl.when(g + _NB - 1 < _TOTAL)
                def _():
                    stage(g + _NB - 1, (j + _NB - 1) % 2, (j + _NB - 1) % _NB)

                wait_gather(j)
                reduce(g, j % 2, j)

                @pl.when((u == _UNITS - 1) & (ip == 0))
                def _():
                    flush(i, 0)

                @pl.when((u == _UNITS - 1) & (ip == 1))
                def _():
                    flush(i, 1)

        wait_flush(0)
        wait_flush(1)

    return emb


def kernel(weights, table_offsets, sharded_sparse_features, sharded_offsets):
    feat2 = sharded_sparse_features.reshape(_T, _B * _L)
    out = _make_emb()(feat2, weights)
    return out.reshape(_B, _T, _D)

# --- scband reference (transcript-rebuilt; emitter-appended) ---
"""Pipeline reference for scband-table-batched-embedding-bags-82557861363885 (READ-ONLY COPY).

The authoritative reference and input builder live on the scoring server;
editing this copy changes nothing except your own understanding.
"""

import jax, jax.numpy as jnp
import numpy as np

T = 26          # num_tables
N = 100000      # num_embeddings per table
D = 64          # embedding_dim
B = 4096        # batch size
L = 20          # fixed bag length (pooling factor)


def setup_inputs(seed: int = 0) -> dict:
    key = jax.random.key(seed)
    k1, k2 = jax.random.split(key)
    # fused embedding table, matches torch.randn(num_tables*num_embeddings, embedding_dim)
    weights = jax.random.normal(k1, (T * N, D), dtype=jnp.float32)
    # table_offsets buffer: [0, N, 2N, ...]
    table_offsets = jnp.arange(T, dtype=jnp.int32) * N
    # per-table-local indices, laid out table-major: bag (t, b) owns slice [offsets[t*B+b], offsets[t*B+b+1])
    sharded_sparse_features = jax.random.randint(k2, (T * B * L,), 0, N, dtype=jnp.int32)
    # uniform bag length L -> offsets = arange * L
    sharded_offsets = jnp.arange(T * B + 1, dtype=jnp.int32) * L
    return {
        "weights": weights,
        "table_offsets": table_offsets,
        "sharded_sparse_features": sharded_sparse_features,
        "sharded_offsets": sharded_offsets,
    }


def reference(weights, table_offsets, sharded_sparse_features, sharded_offsets):
    # Faithful translation of table_batched_embeddings.forward with sum pooling,
    # per_sample_weights=None. Handles general (possibly ragged) offsets via
    # searchsorted + segment_sum.
    TB = sharded_offsets.shape[0] - 1  # T * B bags
    total = sharded_sparse_features.shape[0]
    pos = jnp.arange(total)
    # segment (bag) id for every index element
    seg = jnp.clip(jnp.searchsorted(sharded_offsets, pos, side="right") - 1, 0, TB - 1)
    # table id for each element (table-major bag layout: bag = t * B + b)
    t_ids = seg // B
    # global row into the fused weight matrix
    rows = sharded_sparse_features + jnp.take(table_offsets, t_ids)
    gathered = jnp.take(weights, rows, axis=0)          # [total, D]
    pooled = jax.ops.segment_sum(gathered, seg, num_segments=TB)  # [T*B, D]
    out = pooled.reshape(T, B, D).transpose(1, 0, 2)    # [B, T, D]
    return out

if __name__ == "__main__":
    import jax
    _d = setup_inputs()
    print(jax.jit(kernel)(*tuple(_d.values())))

</pallas_src>

<mosaic_0001>
#map = affine_map<(d0, d1) -> (0, 0)>
module attributes {stable_mosaic.version = 14 : i64} {
  func.func @emb(%arg0: i32, %arg1: i32, %arg2: memref<26x81920xi32, #tpu.memory_space<hbm>>, %arg3: memref<2600000x64xf32, #tpu.memory_space<hbm>>, %arg4: memref<106496x64xf32, #tpu.memory_space<hbm>>, %arg5: memref<52x320xi32, #tpu.memory_space<vmem>>, %arg6: memref<160xi32, #tpu.memory_space<vmem>>, %arg7: memref<160xi32, #tpu.memory_space<vmem>>, %arg8: memref<160xi32, #tpu.memory_space<vmem>>, %arg9: memref<160xi32, #tpu.memory_space<vmem>>, %arg10: memref<160x64xf32, #tpu.memory_space<vmem>>, %arg11: memref<160x64xf32, #tpu.memory_space<vmem>>, %arg12: memref<160x64xf32, #tpu.memory_space<vmem>>, %arg13: memref<160x64xf32, #tpu.memory_space<vmem>>, %arg14: memref<832x64xf32, #tpu.memory_space<vmem>>, %arg15: memref<!tpu.dma_semaphore, #tpu.memory_space<semaphore_mem>>, %arg16: memref<!tpu.dma_semaphore, #tpu.memory_space<semaphore_mem>>, %arg17: memref<!tpu.dma_semaphore, #tpu.memory_space<semaphore_mem>>, %arg18: memref<!tpu.dma_semaphore, #tpu.memory_space<semaphore_mem>>, %arg19: memref<!tpu.dma_semaphore, #tpu.memory_space<semaphore_mem>>, %arg20: memref<!tpu.dma_semaphore, #tpu.memory_space<semaphore_mem>>, %arg21: memref<!tpu.dma_semaphore, #tpu.memory_space<semaphore_mem>>) attributes {dimension_semantics = [#tpu.dimension_semantics<core_parallel>, #tpu.dimension_semantics<subcore_parallel>], iteration_bounds = array<i64: 2, 16>, scalar_prefetch = 0 : i64, scratch_operands = 17 : i64, tpu.core_type = #tpu.core_type<sc_vector_subcore>, window_params = [{transform_indices = #map}, {transform_indices = #map}, {transform_indices = #map}]} {
    %mul3A = arith.constant 2 : i32
    %mul3A_0 = arith.muli %arg1, %mul3A : i32
    %add3A = arith.addi %mul3A_0, %arg0 : i32
    %mul3A_1 = arith.constant 128 : i32
    %mul3A_2 = arith.muli %add3A, %mul3A_1 : i32
    %add3A_3 = arith.constant 0 : i32
    %add3A_4 = arith.addi %mul3A_2, %add3A_3 : i32
    %mul3A_5 = arith.constant 20 : i32
    %mul3A_6 = arith.muli %add3A_4, %mul3A_5 : i32
    %multiple_of3A = tpu.assume_multiple %mul3A_6, 8 : i32
    %dma_start3A = arith.constant 0 : i32
    %dma_start3A_7 = arith.constant 0 : i32
    %dma_start3A_8 = tpu.memref_slice %arg5[%dma_start3A, %dma_start3A_7] : memref<52x320xi32, #tpu.memory_space<vmem>> -> memref<26x320xi32, #tpu.memory_space<vmem>>
    %dma_start3A_9 = arith.constant 0 : i32
    %dma_start3A_10 = tpu.memref_slice %arg2[%dma_start3A_9, %multiple_of3A] : memref<26x81920xi32, #tpu.memory_space<hbm>> -> memref<26x320xi32, #tpu.memory_space<hbm>>
    %dma_start3A_11 = arith.constant 0 : i32
    %dma_start3A_12 = arith.constant 0 : i32
    %dma_start3A_13 = tpu.memref_slice %arg5[%dma_start3A_11, %dma_start3A_12] : memref<52x320xi32, #tpu.memory_space<vmem>> -> memref<26x320xi32, #tpu.memory_space<vmem>>
    %dma_start3A_14 = arith.constant 0 : i32
    %dma_start3A_15 = tpu.memref_slice %arg2[%dma_start3A_14, %multiple_of3A] : memref<26x81920xi32, #tpu.memory_space<hbm>> -> memref<26x320xi32, #tpu.memory_space<hbm>>
    tpu.enqueue_dma source(%dma_start3A_15 : memref<26x320xi32, #tpu.memory_space<hbm>>) target(%dma_start3A_13 : memref<26x320xi32, #tpu.memory_space<vmem>>) target_semaphore(%arg15 : memref<!tpu.dma_semaphore, #tpu.memory_space<semaphore_mem>>)
    %dma_wait3A = arith.constant 0 : i32
    %dma_wait3A_16 = arith.constant 0 : i32
    %dma_wait3A_17 = tpu.memref_slice %arg5[%dma_wait3A, %dma_wait3A_16] : memref<52x320xi32, #tpu.memory_space<vmem>> -> memref<26x320xi32, #tpu.memory_space<vmem>>
    %dma_wait3A_18 = arith.constant 0 : i32
    %dma_wait3A_19 = arith.constant 0 : i32
    %dma_wait3A_20 = tpu.memref_slice %arg2[%dma_wait3A_18, %dma_wait3A_19] : memref<26x81920xi32, #tpu.memory_space<hbm>> -> memref<26x320xi32, #tpu.memory_space<hbm>>
    %dma_wait3A_21 = arith.constant 0 : i32
    %dma_wait3A_22 = arith.constant 0 : i32
    %dma_wait3A_23 = tpu.memref_slice %arg5[%dma_wait3A_21, %dma_wait3A_22] : memref<52x320xi32, #tpu.memory_space<vmem>> -> memref<26x320xi32, #tpu.memory_space<vmem>>
    %dma_wait3A_24 = arith.constant 0 : i32
    %dma_wait3A_25 = arith.constant 0 : i32
    %dma_wait3A_26 = tpu.memref_slice %arg2[%dma_wait3A_24, %dma_wait3A_25] : memref<26x81920xi32, #tpu.memory_space<hbm>> -> memref<26x320xi32, #tpu.memory_space<hbm>>
    tpu.wait_dma2 semaphore(%arg15 : memref<!tpu.dma_semaphore, #tpu.memory_space<semaphore_mem>>) src(%dma_wait3A_26 : memref<26x320xi32, #tpu.memory_space<hbm>>) dst(%dma_wait3A_23 : memref<26x320xi32, #tpu.memory_space<vmem>>)
    %get3A = arith.constant 0 : i32
    %get3A_27 = arith.index_cast %get3A : i32 to index
    %get3A_28 = arith.constant 0 : index
    %get3A_29 = tpu.vector_load %arg5[%get3A_27, %get3A_28] {strides = array<i32>} : memref<52x320xi32, #tpu.memory_space<vmem>>, vector<1x16xi32>,
    %get3A_30 = vector.shape_cast %get3A_29 : vector<1x16xi32> to vector<16xi32>
    %add3A_31 = arith.constant 0 : i32
    %add3A_32 = vector.broadcast %add3A_31 : i32 to vector<16xi32>
    %add3A_33 = arith.addi %get3A_30, %add3A_32 : vector<16xi32>
    %swap3A = arith.constant 0 : index
    %swap3A_34 = tpu.vector_load %arg6[%swap3A] {strides = array<i32>} : memref<160xi32, #tpu.memory_space<vmem>>, vector<16xi32>,
    %swap3A_35 = vector.shape_cast %swap3A_34 : vector<16xi32> to vector<16xi32>
    %swap3A_36 = vector.shape_cast %add3A_33 : vector<16xi32> to vector<16xi32>
    tpu.vector_store %arg6[%swap3A], %swap3A_36 {strides = array<i32>} : memref<160xi32, #tpu.memory_space<vmem>>, vector<16xi32>,
    %get3A_37 = arith.constant 0 : i32
    %get3A_38 = arith.index_cast %get3A_37 : i32 to index
    %get3A_39 = arith.constant 16 : index
    %get3A_40 = tpu.vector_load %arg5[%get3A_38, %get3A_39] {strides = array<i32>} : memref<52x320xi32, #tpu.memory_space<vmem>>, vector<1x16xi32>,
    %get3A_41 = vector.shape_cast %get3A_40 : vector<1x16xi32> to vector<16xi32>
    %add3A_42 = arith.constant 0 : i32
    %add3A_43 = vector.broadcast %add3A_42 : i32 to vector<16xi32>
    %add3A_44 = arith.addi %get3A_41, %add3A_43 : vector<16xi32>
    %swap3A_45 = arith.constant 16 : index
    %swap3A_46 = tpu.vector_load %arg6[%swap3A_45] {strides = array<i32>} : memref<160xi32, #tpu.memory_space<vmem>>, vector<16xi32>,
    %swap3A_47 = vector.shape_cast %swap3A_46 : vector<16xi32> to vector<16xi32>
    %swap3A_48 = vector.shape_cast %add3A_44 : vector<16xi32> to vector<16xi32>
    tpu.vector_store %arg6[%swap3A_45], %swap3A_48 {strides = array<i32>} : memref<160xi32, #tpu.memory_space<vmem>>, vector<16xi32>,
    %get3A_49 = arith.constant 0 : i32
    %get3A_50 = arith.index_cast %get3A_49 : i32 to index
    %get3A_51 = arith.constant 32 : index
    %get3A_52 = tpu.vector_load %arg5[%get3A_50, %get3A_51] {strides = array<i32>} : memref<52x320xi32, #tpu.memory_space<vmem>>, vector<1x16xi32>,
    %get3A_53 = vector.shape_cast %get3A_52 : vector<1x16xi32> to vector<16xi32>
    %add3A_54 = arith.constant 0 : i32
    %add3A_55 = vector.broadcast %add3A_54 : i32 to vector<16xi32>
    %add3A_56 = arith.addi %get3A_53, %add3A_55 : vector<16xi32>
    %swap3A_57 = arith.constant 32 : index
    %swap3A_58 = tpu.vector_load %arg6[%swap3A_57] {strides = array<i32>} : memref<160xi32, #tpu.memory_space<vmem>>, vector<16xi32>,
    %swap3A_59 = vector.shape_cast %swap3A_58 : vector<16xi32> to vector<16xi32>
    %swap3A_60 = vector.shape_cast %add3A_56 : vector<16xi32> to vector<16xi32>
    tpu.vector_store %arg6[%swap3A_57], %swap3A_60 {strides = array<i32>} : memref<160xi32, #tpu.memory_space<vmem>>, vector<16xi32>,
    %get3A_61 = arith.constant 0 : i32
    %get3A_62 = arith.index_cast %get3A_61 : i32 to index
    %get3A_63 = arith.constant 48 : index
    %get3A_64 = tpu.vector_load %arg5[%get3A_62, %get3A_63] {strides = array<i32>} : memref<52x320xi32, #tpu.memory_space<vmem>>, vector<1x16xi32>,
    %get3A_65 = vector.shape_cast %get3A_64 : vector<1x16xi32> to vector<16xi32>
    %add3A_66 = arith.constant 0 : i32
    %add3A_67 = vector.broadcast %add3A_66 : i32 to vector<16xi32>
    %add3A_68 = arith.addi %get3A_65, %add3A_67 : vector<16xi32>
    %swap3A_69 = arith.constant 48 : index
    %swap3A_70 = tpu.vector_load %arg6[%swap3A_69] {strides = array<i32>} : memref<160xi32, #tpu.memory_space<vmem>>, vector<16xi32>,
    %swap3A_71 = vector.shape_cast %swap3A_70 : vector<16xi32> to vector<16xi32>
    %swap3A_72 = vector.shape_cast %add3A_68 : vector<16xi32> to vector<16xi32>
    tpu.vector_store %arg6[%swap3A_69], %swap3A_72 {strides = array<i32>} : memref<160xi32, #tpu.memory_space<vmem>>, vector<16xi32>,
    %get3A_73 = arith.constant 0 : i32
    %get3A_74 = arith.index_cast %get3A_73 : i32 to index
    %get3A_75 = arith.constant 64 : index
    %get3A_76 = tpu.vector_load %arg5[%get3A_74, %get3A_75] {strides = array<i32>} : memref<52x320xi32, #tpu.memory_space<vmem>>, vector<1x16xi32>,
    %get3A_77 = vector.shape_cast %get3A_76 : vector<1x16xi32> to vector<16xi32>
    %add3A_78 = arith.constant 0 : i32
    %add3A_79 = vector.broadcast %add3A_78 : i32 to vector<16xi32>
    %add3A_80 = arith.addi %get3A_77, %add3A_79 : vector<16xi32>
    %swap3A_81 = arith.constant 64 : index
    %swap3A_82 = tpu.vector_load %arg6[%swap3A_81] {strides = array<i32>} : memref<160xi32, #tpu.memory_space<vmem>>, vector<16xi32>,
    %swap3A_83 = vector.shape_cast %swap3A_82 : vector<16xi32> to vector<16xi32>
    %swap3A_84 = vector.shape_cast %add3A_80 : vector<16xi32> to vector<16xi32>
    tpu.vector_store %arg6[%swap3A_81], %swap3A_84 {strides = array<i32>} : memref<160xi32, #tpu.memory_space<vmem>>, vector<16xi32>,
    %get3A_85 = arith.constant 0 : i32
    %get3A_86 = arith.index_cast %get3A_85 : i32 to index
    %get3A_87 = arith.constant 80 : index
    %get3A_88 = tpu.vector_load %arg5[%get3A_86, %get3A_87] {strides = array<i32>} : memref<52x320xi32, #tpu.memory_space<vmem>>, vector<1x16xi32>,
    %get3A_89 = vector.shape_cast %get3A_88 : vector<1x16xi32> to vector<16xi32>
    %add3A_90 = arith.constant 0 : i32
    %add3A_91 = vector.broadcast %add3A_90 : i32 to vector<16xi32>
    %add3A_92 = arith.addi %get3A_89, %add3A_91 : vector<16xi32>
    %swap3A_93 = arith.constant 80 : index
    %swap3A_94 = tpu.vector_load %arg6[%swap3A_93] {strides = array<i32>} : memref<160xi32, #tpu.memory_space<vmem>>, vector<16xi32>,
    %swap3A_95 = vector.shape_cast %swap3A_94 : vector<16xi32> to vector<16xi32>
    %swap3A_96 = vector.shape_cast %add3A_92 : vector<16xi32> to vector<16xi32>
    tpu.vector_store %arg6[%swap3A_93], %swap3A_96 {strides = array<i32>} : memref<160xi32, #tpu.memory_space<vmem>>, vector<16xi32>,
    %get3A_97 = arith.constant 0 : i32
    %get3A_98 = arith.index_cast %get3A_97 : i32 to index
    %get3A_99 = arith.constant 96 : index
    %get3A_100 = tpu.vector_load %arg5[%get3A_98, %get3A_99] {strides = array<i32>} : memref<52x320xi32, #tpu.memory_space<vmem>>, vector<1x16xi32>,
    %get3A_101 = vector.shape_cast %get3A_100 : vector<1x16xi32> to vector<16xi32>
    %add3A_102 = arith.constant 0 : i32
    %add3A_103 = vector.broadcast %add3A_102 : i32 to vector<16xi32>
    %add3A_104 = arith.addi %get3A_101, %add3A_103 : vector<16xi32>
    %swap3A_105 = arith.constant 96 : index
    %swap3A_106 = tpu.vector_load %arg6[%swap3A_105] {strides = array<i32>} : memref<160xi32, #tpu.memory_space<vmem>>, vector<16xi32>,
    %swap3A_107 = vector.shape_cast %swap3A_106 : vector<16xi32> to vector<16xi32>
    %swap3A_108 = vector.shape_cast %add3A_104 : vector<16xi32> to vector<16xi32>
    tpu.vector_store %arg6[%swap3A_105], %swap3A_108 {strides = array<i32>} : memref<160xi32, #tpu.memory_space<vmem>>, vector<16xi32>,
    %get3A_109 = arith.constant 0 : i32
    %get3A_110 = arith.index_cast %get3A_109 : i32 to index
    %get3A_111 = arith.constant 112 : index
    %get3A_112 = tpu.vector_load %arg5[%get3A_110, %get3A_111] {strides = array<i32>} : memref<52x320xi32, #tpu.memory_space<vmem>>, vector<1x16xi32>,
    %get3A_113 = vector.shape_cast %get3A_112 : vector<1x16xi32> to vector<16xi32>
    %add3A_114 = arith.constant 0 : i32
    %add3A_115 = vector.broadcast %add3A_114 : i32 to vector<16xi32>
    %add3A_116 = arith.addi %get3A_113, %add3A_115 : vector<16xi32>
    %swap3A_117 = arith.constant 112 : index
    %swap3A_118 = tpu.vector_load %arg6[%swap3A_117] {strides = array<i32>} : memref<160xi32, #tpu.memory_space<vmem>>, vector<16xi32>,
    %swap3A_119 = vector.shape_cast %swap3A_118 : vector<16xi32> to vector<16xi32>
    %swap3A_120 = vector.shape_cast %add3A_116 : vector<16xi32> to vector<16xi32>
    tpu.vector_store %arg6[%swap3A_117], %swap3A_120 {strides = array<i32>} : memref<160xi32, #tpu.memory_space<vmem>>, vector<16xi32>,
    %get3A_121 = arith.constant 0 : i32
    %get3A_122 = arith.index_cast %get3A_121 : i32 to index
    %get3A_123 = arith.constant 128 : index
    %get3A_124 = tpu.vector_load %arg5[%get3A_122, %get3A_123] {strides = array<i32>} : memref<52x320xi32, #tpu.memory_space<vmem>>, vector<1x16xi32>,
    %get3A_125 = vector.shape_cast %get3A_124 : vector<1x16xi32> to vector<16xi32>
    %add3A_126 = arith.constant 0 : i32
    %add3A_127 = vector.broadcast %add3A_126 : i32 to vector<16xi32>
    %add3A_128 = arith.addi %get3A_125, %add3A_127 : vector<16xi32>
    %swap3A_129 = arith.constant 128 : index
    %swap3A_130 = tpu.vector_load %arg6[%swap3A_129] {strides = array<i32>} : memref<160xi32, #tpu.memory_space<vmem>>, vector<16xi32>,
    %swap3A_131 = vector.shape_cast %swap3A_130 : vector<16xi32> to vector<16xi32>
    %swap3A_132 = vector.shape_cast %add3A_128 : vector<16xi32> to vector<16xi32>
    tpu.vector_store %arg6[%swap3A_129], %swap3A_132 {strides = array<i32>} : memref<160xi32, #tpu.memory_space<vmem>>, vector<16xi32>,
    %get3A_133 = arith.constant 0 : i32
    %get3A_134 = arith.index_cast %get3A_133 : i32 to index
    %get3A_135 = arith.constant 144 : index
    %get3A_136 = tpu.vector_load %arg5[%get3A_134, %get3A_135] {strides = array<i32>} : memref<52x320xi32, #tpu.memory_space<vmem>>, vector<1x16xi32>,
    %get3A_137 = vector.shape_cast %get3A_136 : vector<1x16xi32> to vector<16xi32>
    %add3A_138 = arith.constant 0 : i32
    %add3A_139 = vector.broadcast %add3A_138 : i32 to vector<16xi32>
    %add3A_140 = arith.addi %get3A_137, %add3A_139 : vector<16xi32>
    %swap3A_141 = arith.constant 144 : index
    %swap3A_142 = tpu.vector_load %arg6[%swap3A_141] {strides = array<i32>} : memref<160xi32, #tpu.memory_space<vmem>>, vector<16xi32>,
    %swap3A_143 = vector.shape_cast %swap3A_142 : vector<16xi32> to vector<16xi32>
    %swap3A_144 = vector.shape_cast %add3A_140 : vector<16xi32> to vector<16xi32>
    tpu.vector_store %arg6[%swap3A_141], %swap3A_144 {strides = array<i32>} : memref<160xi32, #tpu.memory_space<vmem>>, vector<16xi32>,
    %dma_start3A_145 = arith.constant 0 : i32
    %dma_start3A_146 = arith.constant 0 : i32
    %dma_start3A_147 = tpu.memref_slice %arg3[%dma_start3A_145, %dma_start3A_146] : memref<2600000x64xf32, #tpu.memory_space<hbm>> -> memref<2600000x64xf32, #tpu.memory_space<hbm>>
    tpu.enqueue_indirect_dma source(%dma_start3A_147 : memref<2600000x64xf32, #tpu.memory_space<hbm>>) target(%arg10 : memref<160x64xf32, #tpu.memory_space<vmem>>) offsets(%arg6 : memref<160xi32, #tpu.memory_space<vmem>>) semaphore(%arg16 : memref<!tpu.dma_semaphore, #tpu.memory_space<semaphore_mem>>)
    %get3A_148 = arith.constant 0 : i32
    %get3A_149 = arith.index_cast %get3A_148 : i32 to index
    %get3A_150 = arith.constant 160 : index
    %get3A_151 = tpu.vector_load %arg5[%get3A_149, %get3A_150] {strides = array<i32>} : memref<52x320xi32, #tpu.memory_space<vmem>>, vector<1x16xi32>,
    %get3A_152 = vector.shape_cast %get3A_151 : vector<1x16xi32> to vector<16xi32>
    %add3A_153 = arith.constant 0 : i32
    %add3A_154 = vector.broadcast %add3A_153 : i32 to vector<16xi32>
    %add3A_155 = arith.addi %get3A_152, %add3A_154 : vector<16xi32>
    %swap3A_156 = arith.constant 0 : index
    %swap3A_157 = tpu.vector_load %arg7[%swap3A_156] {strides = array<i32>} : memref<160xi32, #tpu.memory_space<vmem>>, vector<16xi32>,
    %swap3A_158 = vector.shape_cast %swap3A_157 : vector<16xi32> to vector<16xi32>
    %swap3A_159 = vector.shape_cast %add3A_155 : vector<16xi32> to vector<16xi32>
    tpu.vector_store %arg7[%swap3A_156], %swap3A_159 {strides = array<i32>} : memref<160xi32, #tpu.memory_space<vmem>>, vector<16xi32>,
    %get3A_160 = arith.constant 0 : i32
    %get3A_161 = arith.index_cast %get3A_160 : i32 to index
    %get3A_162 = arith.constant 176 : index
    %get3A_163 = tpu.vector_load %arg5[%get3A_161, %get3A_162] {strides = array<i32>} : memref<52x320xi32, #tpu.memory_space<vmem>>, vector<1x16xi32>,
    %get3A_164 = vector.shape_cast %get3A_163 : vector<1x16xi32> to vector<16xi32>
    %add3A_165 = arith.constant 0 : i32
    %add3A_166 = vector.broadcast %add3A_165 : i32 to vector<16xi32>
    %add3A_167 = arith.addi %get3A_164, %add3A_166 : vector<16xi32>
    %swap3A_168 = arith.constant 16 : index
    %swap3A_169 = tpu.vector_load %arg7[%swap3A_168] {strides = array<i32>} : memref<160xi32, #tpu.memory_space<vmem>>, vector<16xi32>,
    %swap3A_170 = vector.shape_cast %swap3A_169 : vector<16xi32> to vector<16xi32>
    %swap3A_171 = vector.shape_cast %add3A_167 : vector<16xi32> to vector<16xi32>
    tpu.vector_store %arg7[%swap3A_168], %swap3A_171 {strides = array<i32>} : memref<160xi32, #tpu.memory_space<vmem>>, vector<16xi32>,
    %get3A_172 = arith.constant 0 : i32
    %get3A_173 = arith.index_cast %get3A_172 : i32 to index
    %get3A_174 = arith.constant 192 : index
    %get3A_175 = tpu.vector_load %arg5[%get3A_173, %get3A_174] {strides = array<i32>} : memref<52x320xi32, #tpu.memory_space<vmem>>, vector<1x16xi32>,
    %get3A_176 = vector.shape_cast %get3A_175 : vector<1x16xi32> to vector<16xi32>
    %add3A_177 = arith.constant 0 : i32
    %add3A_178 = vector.broadcast %add3A_177 : i32 to vector<16xi32>
    %add3A_179 = arith.addi %get3A_176, %add3A_178 : vector<16xi32>
    %swap3A_180 = arith.constant 32 : index
    %swap3A_181 = tpu.vector_load %arg7[%swap3A_180] {strides = array<i32>} : memref<160xi32, #tpu.memory_space<vmem>>, vector<16xi32>,
    %swap3A_182 = vector.shape_cast %swap3A_181 : vector<16xi32> to vector<16xi32>
    %swap3A_183 = vector.shape_cast %add3A_179 : vector<16xi32> to vector<16xi32>
    tpu.vector_store %arg7[%swap3A_180], %swap3A_183 {strides = array<i32>} : memref<160xi32, #tpu.memory_space<vmem>>, vector<16xi32>,
    %get3A_184 = arith.constant 0 : i32
    %get3A_185 = arith.index_cast %get3A_184 : i32 to index
    %get3A_186 = arith.constant 208 : index
    %get3A_187 = tpu.vector_load %arg5[%get3A_185, %get3A_186] {strides = array<i32>} : memref<52x320xi32, #tpu.memory_space<vmem>>, vector<1x16xi32>,
    %get3A_188 = vector.shape_cast %get3A_187 : vector<1x16xi32> to vector<16xi32>
    %add3A_189 = arith.constant 0 : i32
    %add3A_190 = vector.broadcast %add3A_189 : i32 to vector<16xi32>
    %add3A_191 = arith.addi %get3A_188, %add3A_190 : vector<16xi32>
    %swap3A_192 = arith.constant 48 : index
    %swap3A_193 = tpu.vector_load %arg7[%swap3A_192] {strides = array<i32>} : memref<160xi32, #tpu.memory_space<vmem>>, vector<16xi32>,
    %swap3A_194 = vector.shape_cast %swap3A_193 : vector<16xi32> to vector<16xi32>
    %swap3A_195 = vector.shape_cast %add3A_191 : vector<16xi32> to vector<16xi32>
    tpu.vector_store %arg7[%swap3A_192], %swap3A_195 {strides = array<i32>} : memref<160xi32, #tpu.memory_space<vmem>>, vector<16xi32>,
    %get3A_196 = arith.constant 0 : i32
    %get3A_197 = arith.index_cast %get3A_196 : i32 to index
    %get3A_198 = arith.constant 224 : index
    %get3A_199 = tpu.vector_load %arg5[%get3A_197, %get3A_198] {strides = array<i32>} : memref<52x320xi32, #tpu.memory_space<vmem>>, vector<1x16xi32>,
    %get3A_200 = vector.shape_cast %get3A_199 : vector<1x16xi32> to vector<16xi32>
    %add3A_201 = arith.constant 0 : i32
    %add3A_202 = vector.broadcast %add3A_201 : i32 to vector<16xi32>
    %add3A_203 = arith.addi %get3A_200, %add3A_202 : vector<16xi32>
    %swap3A_204 = arith.constant 64 : index
    %swap3A_205 = tpu.vector_load %arg7[%swap3A_204] {strides = array<i32>} : memref<160xi32, #tpu.memory_space<vmem>>, vector<16xi32>,
    %swap3A_206 = vector.shape_cast %swap3A_205 : vector<16xi32> to vector<16xi32>
    %swap3A_207 = vector.shape_cast %add3A_203 : vector<16xi32> to vector<16xi32>
    tpu.vector_store %arg7[%swap3A_204], %swap3A_207 {strides = array<i32>} : memref<160xi32, #tpu.memory_space<vmem>>, vector<16xi32>,
    %get3A_208 = arith.constant 0 : i32
    %get3A_209 = arith.index_cast %get3A_208 : i32 to index
    %get3A_210 = arith.constant 240 : index
    %get3A_211 = tpu.vector_load %arg5[%get3A_209, %get3A_210] {strides = array<i32>} : memref<52x320xi32, #tpu.memory_space<vmem>>, vector<1x16xi32>,
    %get3A_212 = vector.shape_cast %get3A_211 : vector<1x16xi32> to vector<16xi32>
    %add3A_213 = arith.constant 0 : i32
    %add3A_214 = vector.broadcast %add3A_213 : i32 to vector<16xi32>
    %add3A_215 = arith.addi %get3A_212, %add3A_214 : vector<16xi32>
    %swap3A_216 = arith.constant 80 : index
    %swap3A_217 = tpu.vector_load %arg7[%swap3A_216] {strides = array<i32>} : memref<160xi32, #tpu.memory_space<vmem>>, vector<16xi32>,
    %swap3A_218 = vector.shape_cast %swap3A_217 : vector<16xi32> to vector<16xi32>
    %swap3A_219 = vector.shape_cast %add3A_215 : vector<16xi32> to vector<16xi32>
    tpu.vector_store %arg7[%swap3A_216], %swap3A_219 {strides = array<i32>} : memref<160xi32, #tpu.memory_space<vmem>>, vector<16xi32>,
    %get3A_220 = arith.constant 0 : i32
    %get3A_221 = arith.index_cast %get3A_220 : i32 to index
    %get3A_222 = arith.constant 256 : index
    %get3A_223 = tpu.vector_load %arg5[%get3A_221, %get3A_222] {strides = array<i32>} : memref<52x320xi32, #tpu.memory_space<vmem>>, vector<1x16xi32>,
    %get3A_224 = vector.shape_cast %get3A_223 : vector<1x16xi32> to vector<16xi32>
    %add3A_225 = arith.constant 0 : i32
    %add3A_226 = vector.broadcast %add3A_225 : i32 to vector<16xi32>
    %add3A_227 = arith.addi %get3A_224, %add3A_226 : vector<16xi32>
    %swap3A_228 = arith.constant 96 : index
    %swap3A_229 = tpu.vector_load %arg7[%swap3A_228] {strides = array<i32>} : memref<160xi32, #tpu.memory_space<vmem>>, vector<16xi32>,
    %swap3A_230 = vector.shape_cast %swap3A_229 : vector<16xi32> to vector<16xi32>
    %swap3A_231 = vector.shape_cast %add3A_227 : vector<16xi32> to vector<16xi32>
    tpu.vector_store %arg7[%swap3A_228], %swap3A_231 {strides = array<i32>} : memref<160xi32, #tpu.memory_space<vmem>>, vector<16xi32>,
    %get3A_232 = arith.constant 0 : i32
    %get3A_233 = arith.index_cast %get3A_232 : i32 to index
    %get3A_234 = arith.constant 272 : index
    %get3A_235 = tpu.vector_load %arg5[%get3A_233, %get3A_234] {strides = array<i32>} : memref<52x320xi32, #tpu.memory_space<vmem>>, vector<1x16xi32>,
    %get3A_236 = vector.shape_cast %get3A_235 : vector<1x16xi32> to vector<16xi32>
    %add3A_237 = arith.constant 0 : i32
    %add3A_238 = vector.broadcast %add3A_237 : i32 to vector<16xi32>
    %add3A_239 = arith.addi %get3A_236, %add3A_238 : vector<16xi32>
    %swap3A_240 = arith.constant 112 : index
    %swap3A_241 = tpu.vector_load %arg7[%swap3A_240] {strides = array<i32>} : memref<160xi32, #tpu.memory_space<vmem>>, vector<16xi32>,
    %swap3A_242 = vector.shape_cast %swap3A_241 : vector<16xi32> to vector<16xi32>
    %swap3A_243 = vector.shape_cast %add3A_239 : vector<16xi32> to vector<16xi32>
    tpu.vector_store %arg7[%swap3A_240], %swap3A_243 {strides = array<i32>} : memref<160xi32, #tpu.memory_space<vmem>>, vector<16xi32>,
    %get3A_244 = arith.constant 0 : i32
    %get3A_245 = arith.index_cast %get3A_244 : i32 to index
    %get3A_246 = arith.constant 288 : index
    %get3A_247 = tpu.vector_load %arg5[%get3A_245, %get3A_246] {strides = array<i32>} : memref<52x320xi32, #tpu.memory_space<vmem>>, vector<1x16xi32>,
    %get3A_248 = vector.shape_cast %get3A_247 : vector<1x16xi32> to vector<16xi32>
    %add3A_249 = arith.constant 0 : i32
    %add3A_250 = vector.broadcast %add3A_249 : i32 to vector<16xi32>
    %add3A_251 = arith.addi %get3A_248, %add3A_250 : vector<16xi32>
    %swap3A_252 = arith.constant 128 : index
    %swap3A_253 = tpu.vector_load %arg7[%swap3A_252] {strides = array<i32>} : memref<160xi32, #tpu.memory_space<vmem>>, vector<16xi32>,
    %swap3A_254 = vector.shape_cast %swap3A_253 : vector<16xi32> to vector<16xi32>
    %swap3A_255 = vector.shape_cast %add3A_251 : vector<16xi32> to vector<16xi32>
    tpu.vector_store %arg7[%swap3A_252], %swap3A_255 {strides = array<i32>} : memref<160xi32, #tpu.memory_space<vmem>>, vector<16xi32>,
    %get3A_256 = arith.constant 0 : i32
    %get3A_257 = arith.index_cast %get3A_256 : i32 to index
    %get3A_258 = arith.constant 304 : index
    %get3A_259 = tpu.vector_load %arg5[%get3A_257, %get3A_258] {strides = array<i32>} : memref<52x320xi32, #tpu.memory_space<vmem>>, vector<1x16xi32>,
    %get3A_260 = vector.shape_cast %get3A_259 : vector<1x16xi32> to vector<16xi32>
    %add3A_261 = arith.constant 0 : i32
    %add3A_262 = vector.broadcast %add3A_261 : i32 to vector<16xi32>
    %add3A_263 = arith.addi %get3A_260, %add3A_262 : vector<16xi32>
    %swap3A_264 = arith.constant 144 : index
    %swap3A_265 = tpu.vector_load %arg7[%swap3A_264] {strides = array<i32>} : memref<160xi32, #tpu.memory_space<vmem>>, vector<16xi32>,
    %swap3A_266 = vector.shape_cast %swap3A_265 : vector<16xi32> to vector<16xi32>
    %swap3A_267 = vector.shape_cast %add3A_263 : vector<16xi32> to vector<16xi32>
    tpu.vector_store %arg7[%swap3A_264], %swap3A_267 {strides = array<i32>} : memref<160xi32, #tpu.memory_space<vmem>>, vector<16xi32>,
    %dma_start3A_268 = arith.constant 0 : i32
    %dma_start3A_269 = arith.constant 0 : i32
    %dma_start3A_270 = tpu.memref_slice %arg3[%dma_start3A_268, %dma_start3A_269] : memref<2600000x64xf32, #tpu.memory_space<hbm>> -> memref<2600000x64xf32, #tpu.memory_space<hbm>>
    tpu.enqueue_indirect_dma source(%dma_start3A_270 : memref<2600000x64xf32, #tpu.memory_space<hbm>>) target(%arg11 : memref<160x64xf32, #tpu.memory_space<vmem>>) offsets(%arg7 : memref<160xi32, #tpu.memory_space<vmem>>) semaphore(%arg17 : memref<!tpu.dma_semaphore, #tpu.memory_space<semaphore_mem>>)
    %get3A_271 = arith.constant 1 : i32
    %get3A_272 = arith.index_cast %get3A_271 : i32 to index
    %get3A_273 = arith.constant 0 : index
    %get3A_274 = tpu.vector_load %arg5[%get3A_272, %get3A_273] {strides = array<i32>} : memref<52x320xi32, #tpu.memory_space<vmem>>, vector<1x16xi32>,
    %get3A_275 = vector.shape_cast %get3A_274 : vector<1x16xi32> to vector<16xi32>
    %add3A_276 = arith.constant 100000 : i32
    %add3A_277 = vector.broadcast %add3A_276 : i32 to vector<16xi32>
    %add3A_278 = arith.addi %get3A_275, %add3A_277 : vector<16xi32>
    %swap3A_279 = arith.constant 0 : index
    %swap3A_280 = tpu.vector_load %arg8[%swap3A_279] {strides = array<i32>} : memref<160xi32, #tpu.memory_space<vmem>>, vector<16xi32>,
    %swap3A_281 = vector.shape_cast %swap3A_280 : vector<16xi32> to vector<16xi32>
    %swap3A_282 = vector.shape_cast %add3A_278 : vector<16xi32> to vector<16xi32>
    tpu.vector_store %arg8[%swap3A_279], %swap3A_282 {strides = array<i32>} : memref<160xi32, #tpu.memory_space<vmem>>, vector<16xi32>,
    %get3A_283 = arith.constant 1 : i32
    %get3A_284 = arith.index_cast %get3A_283 : i32 to index
    %get3A_285 = arith.constant 16 : index
    %get3A_286 = tpu.vector_load %arg5[%get3A_284, %get3A_285] {strides = array<i32>} : memref<52x320xi32, #tpu.memory_space<vmem>>, vector<1x16xi32>,
    %get3A_287 = vector.shape_cast %get3A_286 : vector<1x16xi32> to vector<16xi32>
    %add3A_288 = arith.constant 100000 : i32
    %add3A_289 = vector.broadcast %add3A_288 : i32 to vector<16xi32>
    %add3A_290 = arith.addi %get3A_287, %add3A_289 : vector<16xi32>
    %swap3A_291 = arith.constant 16 : index
    %swap3A_292 = tpu.vector_load %arg8[%swap3A_291] {strides = array<i32>} : memref<160xi32, #tpu.memory_space<vmem>>, vector<16xi32>,
    %swap3A_293 = vector.shape_cast %swap3A_292 : vector<16xi32> to vector<16xi32>
    %swap3A_294 = vector.shape_cast %add3A_290 : vector<16xi32> to vector<16xi32>
    tpu.vector_store %arg8[%swap3A_291], %swap3A_294 {strides = array<i32>} : memref<160xi32, #tpu.memory_space<vmem>>, vector<16xi32>,
    %get3A_295 = arith.constant 1 : i32
    %get3A_296 = arith.index_cast %get3A_295 : i32 to index
    %get3A_297 = arith.constant 32 : index
    %get3A_298 = tpu.vector_load %arg5[%get3A_296, %get3A_297] {strides = array<i32>} : memref<52x320xi32, #tpu.memory_space<vmem>>, vector<1x16xi32>,
    %get3A_299 = vector.shape_cast %get3A_298 : vector<1x16xi32> to vector<16xi32>
    %add3A_300 = arith.constant 100000 : i32
    %add3A_301 = vector.broadcast %add3A_300 : i32 to vector<16xi32>
    %add3A_302 = arith.addi %get3A_299, %add3A_301 : vector<16xi32>
    %swap3A_303 = arith.constant 32 : index
    %swap3A_304 = tpu.vector_load %arg8[%swap3A_303] {strides = array<i32>} : memref<160xi32, #tpu.memory_space<vmem>>, vector<16xi32>,
    %swap3A_305 = vector.shape_cast %swap3A_304 : vector<16xi32> to vector<16xi32>
    %swap3A_306 = vector.shape_cast %add3A_302 : vector<16xi32> to vector<16xi32>
    tpu.vector_store %arg8[%swap3A_303], %swap3A_306 {strides = array<i32>} : memref<160xi32, #tpu.memory_space<vmem>>, vector<16xi32>,
    %get3A_307 = arith.constant 1 : i32
    %get3A_308 = arith.index_cast %get3A_307 : i32 to index
    %get3A_309 = arith.constant 48 : index
    %get3A_310 = tpu.vector_load %arg5[%get3A_308, %get3A_309] {strides = array<i32>} : memref<52x320xi32, #tpu.memory_space<vmem>>, vector<1x16xi32>,
    %get3A_311 = vector.shape_cast %get3A_310 : vector<1x16xi32> to vector<16xi32>
    %add3A_312 = arith.constant 100000 : i32
    %add3A_313 = vector.broadcast %add3A_312 : i32 to vector<16xi32>
    %add3A_314 = arith.addi %get3A_311, %add3A_313 : vector<16xi32>
    %swap3A_315 = arith.constant 48 : index
    %swap3A_316 = tpu.vector_load %arg8[%swap3A_315] {strides = array<i32>} : memref<160xi32, #tpu.memory_space<vmem>>, vector<16xi32>,
    %swap3A_317 = vector.shape_cast %swap3A_316 : vector<16xi32> to vector<16xi32>
    %swap3A_318 = vector.shape_cast %add3A_314 : vector<16xi32> to vector<16xi32>
    tpu.vector_store %arg8[%swap3A_315], %swap3A_318 {strides = array<i32>} : memref<160xi32, #tpu.memory_space<vmem>>, vector<16xi32>,
    %get3A_319 = arith.constant 1 : i32
    %get3A_320 = arith.index_cast %get3A_319 : i32 to index
    %get3A_321 = arith.constant 64 : index
    %get3A_322 = tpu.vector_load %arg5[%get3A_320, %get3A_321] {strides = array<i32>} : memref<52x320xi32, #tpu.memory_space<vmem>>, vector<1x16xi32>,
    %get3A_323 = vector.shape_cast %get3A_322 : vector<1x16xi32> to vector<16xi32>
    %add3A_324 = arith.constant 100000 : i32
    %add3A_325 = vector.broadcast %add3A_324 : i32 to vector<16xi32>
    %add3A_326 = arith.addi %get3A_323, %add3A_325 : vector<16xi32>
    %swap3A_327 = arith.constant 64 : index
    %swap3A_328 = tpu.vector_load %arg8[%swap3A_327] {strides = array<i32>} : memref<160xi32, #tpu.memory_space<vmem>>, vector<16xi32>,
    %swap3A_329 = vector.shape_cast %swap3A_328 : vector<16xi32> to vector<16xi32>
    %swap3A_330 = vector.shape_cast %add3A_326 : vector<16xi32> to vector<16xi32>
    tpu.vector_store %arg8[%swap3A_327], %swap3A_330 {strides = array<i32>} : memref<160xi32, #tpu.memory_space<vmem>>, vector<16xi32>,
    %get3A_331 = arith.constant 1 : i32
    %get3A_332 = arith.index_cast %get3A_331 : i32 to index
    %get3A_333 = arith.constant 80 : index
    %get3A_334 = tpu.vector_load %arg5[%get3A_332, %get3A_333] {strides = array<i32>} : memref<52x320xi32, #tpu.memory_space<vmem>>, vector<1x16xi32>,
    %get3A_335 = vector.shape_cast %get3A_334 : vector<1x16xi32> to vector<16xi32>
    %add3A_336 = arith.constant 100000 : i32
    %add3A_337 = vector.broadcast %add3A_336 : i32 to vector<16xi32>
    %add3A_338 = arith.addi %get3A_335, %add3A_337 : vector<16xi32>
    %swap3A_339 = arith.constant 80 : index
    %swap3A_340 = tpu.vector_load %arg8[%swap3A_339] {strides = array<i32>} : memref<160xi32, #tpu.memory_space<vmem>>, vector<16xi32>,
    %swap3A_341 = vector.shape_cast %swap3A_340 : vector<16xi32> to vector<16xi32>
    %swap3A_342 = vector.shape_cast %add3A_338 : vector<16xi32> to vector<16xi32>
    tpu.vector_store %arg8[%swap3A_339], %swap3A_342 {strides = array<i32>} : memref<160xi32, #tpu.memory_space<vmem>>, vector<16xi32>,
    %get3A_343 = arith.constant 1 : i32
    %get3A_344 = arith.index_cast %get3A_343 : i32 to index
    %get3A_345 = arith.constant 96 : index
    %get3A_346 = tpu.vector_load %arg5[%get3A_344, %get3A_345] {strides = array<i32>} : memref<52x320xi32, #tpu.memory_space<vmem>>, vector<1x16xi32>,
    %get3A_347 = vector.shape_cast %get3A_346 : vector<1x16xi32> to vector<16xi32>
    %add3A_348 = arith.constant 100000 : i32
    %add3A_349 = vector.broadcast %add3A_348 : i32 to vector<16xi32>
    %add3A_350 = arith.addi %get3A_347, %add3A_349 : vector<16xi32>
    %swap3A_351 = arith.constant 96 : index
    %swap3A_352 = tpu.vector_load %arg8[%swap3A_351] {strides = array<i32>} : memref<160xi32, #tpu.memory_space<vmem>>, vector<16xi32>,
    %swap3A_353 = vector.shape_cast %swap3A_352 : vector<16xi32> to vector<16xi32>
    %swap3A_354 = vector.shape_cast %add3A_350 : vector<16xi32> to vector<16xi32>
    tpu.vector_store %arg8[%swap3A_351], %swap3A_354 {strides = array<i32>} : memref<160xi32, #tpu.memory_space<vmem>>, vector<16xi32>,
    %get3A_355 = arith.constant 1 : i32
    %get3A_356 = arith.index_cast %get3A_355 : i32 to index
    %get3A_357 = arith.constant 112 : index
    %get3A_358 = tpu.vector_load %arg5[%get3A_356, %get3A_357] {strides = array<i32>} : memref<52x320xi32, #tpu.memory_space<vmem>>, vector<1x16xi32>,
    %get3A_359 = vector.shape_cast %get3A_358 : vector<1x16xi32> to vector<16xi32>
    %add3A_360 = arith.constant 100000 : i32
    %add3A_361 = vector.broadcast %add3A_360 : i32 to vector<16xi32>
    %add3A_362 = arith.addi %get3A_359, %add3A_361 : vector<16xi32>
    %swap3A_363 = arith.constant 112 : index
    %swap3A_364 = tpu.vector_load %arg8[%swap3A_363] {strides = array<i32>} : memref<160xi32, #tpu.memory_space<vmem>>, vector<16xi32>,
    %swap3A_365 = vector.shape_cast %swap3A_364 : vector<16xi32> to vector<16xi32>
    %swap3A_366 = vector.shape_cast %add3A_362 : vector<16xi32> to vector<16xi32>
    tpu.vector_store %arg8[%swap3A_363], %swap3A_366 {strides = array<i32>} : memref<160xi32, #tpu.memory_space<vmem>>, vector<16xi32>,
    %get3A_367 = arith.constant 1 : i32
    %get3A_368 = arith.index_cast %get3A_367 : i32 to index
    %get3A_369 = arith.constant 128 : index
    %get3A_370 = tpu.vector_load %arg5[%get3A_368, %get3A_369] {strides = array<i32>} : memref<52x320xi32, #tpu.memory_space<vmem>>, vector<1x16xi32>,
    %get3A_371 = vector.shape_cast %get3A_370 : vector<1x16xi32> to vector<16xi32>
    %add3A_372 = arith.constant 100000 : i32
    %add3A_373 = vector.broadcast %add3A_372 : i32 to vector<16xi32>
    %add3A_374 = arith.addi %get3A_371, %add3A_373 : vector<16xi32>
    %swap3A_375 = arith.constant 128 : index
    %swap3A_376 = tpu.vector_load %arg8[%swap3A_375] {strides = array<i32>} : memref<160xi32, #tpu.memory_space<vmem>>, vector<16xi32>,
    %swap3A_377 = vector.shape_cast %swap3A_376 : vector<16xi32> to vector<16xi32>
    %swap3A_378 = vector.shape_cast %add3A_374 : vector<16xi32> to vector<16xi32>
    tpu.vector_store %arg8[%swap3A_375], %swap3A_378 {strides = array<i32>} : memref<160xi32, #tpu.memory_space<vmem>>, vector<16xi32>,
    %get3A_379 = arith.constant 1 : i32
    %get3A_380 = arith.index_cast %get3A_379 : i32 to index
    %get3A_381 = arith.constant 144 : index
    %get3A_382 = tpu.vector_load %arg5[%get3A_380, %get3A_381] {strides = array<i32>} : memref<52x320xi32, #tpu.memory_space<vmem>>, vector<1x16xi32>,
    %get3A_383 = vector.shape_cast %get3A_382 : vector<1x16xi32> to vector<16xi32>
    %add3A_384 = arith.constant 100000 : i32
    %add3A_385 = vector.broadcast %add3A_384 : i32 to vector<16xi32>
    %add3A_386 = arith.addi %get3A_383, %add3A_385 : vector<16xi32>
    %swap3A_387 = arith.constant 144 : index
    %swap3A_388 = tpu.vector_load %arg8[%swap3A_387] {strides = array<i32>} : memref<160xi32, #tpu.memory_space<vmem>>, vector<16xi32>,
    %swap3A_389 = vector.shape_cast %swap3A_388 : vector<16xi32> to vector<16xi32>
    %swap3A_390 = vector.shape_cast %add3A_386 : vector<16xi32> to vector<16xi32>
    tpu.vector_store %arg8[%swap3A_387], %swap3A_390 {strides = array<i32>} : memref<160xi32, #tpu.memory_space<vmem>>, vector<16xi32>,
    %dma_start3A_391 = arith.constant 0 : i32
    %dma_start3A_392 = arith.constant 0 : i32
    %dma_start3A_393 = tpu.memref_slice %arg3[%dma_start3A_391, %dma_start3A_392] : memref<2600000x64xf32, #tpu.memory_space<hbm>> -> memref<2600000x64xf32, #tpu.memory_space<hbm>>
    tpu.enqueue_indirect_dma source(%dma_start3A_393 : memref<2600000x64xf32, #tpu.memory_space<hbm>>) target(%arg12 : memref<160x64xf32, #tpu.memory_space<vmem>>) offsets(%arg8 : memref<160xi32, #tpu.memory_space<vmem>>) semaphore(%arg18 : memref<!tpu.dma_semaphore, #tpu.memory_space<semaphore_mem>>)
    %scan3A = arith.constant 0 : i32
    %scan3A_394 = arith.constant 104 : i32
    %scan3A_395 = arith.addi %scan3A, %scan3A_394 : i32
    %scan3A_396 = arith.constant 1 : i32
    scf.for %scan3A_422 = %scan3A to %scan3A_395 step %scan3A_396  : i32 {
      %mul3A_423 = arith.constant 1 : i32
      %mul3A_424 = arith.muli %scan3A_422, %mul3A_423 : i32
      %add3A_425 = arith.constant 0 : i32
      %add3A_426 = arith.addi %add3A_425, %mul3A_424 : i32
      %mul3A_427 = arith.constant 4 : i32
      %mul3A_428 = arith.muli %mul3A_427, %add3A_426 : i32
      %add3A_429 = arith.constant 0 : i32
      %add3A_430 = arith.addi %mul3A_428, %add3A_429 : i32
      %jit3A = arith.constant 52 : i32
      %div3A = arith.divsi %add3A_430, %jit3A : i32
      %sign3A = arith.constant 0 : i32
      %sign3A_431 = arith.cmpi sgt, %add3A_430, %sign3A : i32
      %sign3A_432 = arith.extui %sign3A_431 : i1 to i32
      %sign3A_433 = arith.constant 0 : i32
      %sign3A_434 = arith.cmpi slt, %add3A_430, %sign3A_433 : i32
      %sign3A_435 = arith.extui %sign3A_434 : i1 to i32
      %sign3A_436 = arith.subi %sign3A_432, %sign3A_435 : i32
      %sign3A_437 = arith.constant 0 : i32
      %sign3A_438 = arith.cmpi sgt, %jit3A, %sign3A_437 : i32
      %sign3A_439 = arith.extui %sign3A_438 : i1 to i32
      %sign3A_440 = arith.constant 0 : i32
      %sign3A_441 = arith.cmpi slt, %jit3A, %sign3A_440 : i32
      %sign3A_442 = arith.extui %sign3A_441 : i1 to i32
      %sign3A_443 = arith.subi %sign3A_439, %sign3A_442 : i32
      %ne3A = arith.cmpi ne, %sign3A_436, %sign3A_443 : i32
      %rem3A = arith.remsi %add3A_430, %jit3A : i32
      %ne3A_444 = arith.constant 0 : i32
      %ne3A_445 = arith.cmpi ne, %rem3A, %ne3A_444 : i32
      %and3A = arith.andi %ne3A, %ne3A_445 : i1
      %sub3A = arith.constant 1 : i32
      %sub3A_446 = arith.subi %div3A, %sub3A : i32
      %select_n3A = arith.select %and3A, %sub3A_446, %div3A : i32
      %mul3A_447 = arith.constant 52 : i32
      %mul3A_448 = arith.muli %select_n3A, %mul3A_447 : i32
      %sub3A_449 = arith.subi %add3A_430, %mul3A_448 : i32
      %jit3A_450 = arith.constant 2 : i32
      %eq3A = arith.constant 0 : i32
      %eq3A_451 = arith.cmpi eq, %jit3A_450, %eq3A : i32
      %jit3A_452 = arith.constant 1 : i32
      %select_n3A_453 = arith.select %eq3A_451, %jit3A_452, %jit3A_450 : i32
      %rem3A_454 = arith.remsi %select_n3A, %select_n3A_453 : i32
      %ne3A_455 = arith.constant 0 : i32
      %ne3A_456 = arith.cmpi ne, %rem3A_454, %ne3A_455 : i32
      %lt3A = arith.constant 0 : i32
      %lt3A_457 = arith.cmpi slt, %rem3A_454, %lt3A : i32
      %lt3A_458 = arith.constant 0 : i32
      %lt3A_459 = arith.cmpi slt, %select_n3A_453, %lt3A_458 : i32
      %ne3A_460 = arith.xori %lt3A_457, %lt3A_459 : i1
      %and3A_461 = arith.andi %ne3A_460, %ne3A_456 : i1
      %add3A_462 = arith.addi %rem3A_454, %select_n3A_453 : i32
      %select_n3A_463 = arith.select %and3A_461, %add3A_462, %rem3A_454 : i32
      %eq3A_464 = arith.constant 0 : i32
      %eq3A_465 = arith.cmpi eq, %sub3A_449, %eq3A_464 : i32
      %add3A_466 = arith.constant 1 : i32
      %add3A_467 = arith.addi %select_n3A, %add3A_466 : i32
      %lt3A_468 = arith.constant 8 : i32
      %lt3A_469 = arith.cmpi slt, %add3A_467, %lt3A_468 : i32
      %and3A_470 = arith.andi %eq3A_465, %lt3A_469 : i1
      %add3A_471 = arith.constant 1 : i32
      %add3A_472 = arith.addi %select_n3A, %add3A_471 : i32
      %jit3A_473 = arith.constant 2 : i32
      %eq3A_474 = arith.constant 0 : i32
      %eq3A_475 = arith.cmpi eq, %jit3A_473, %eq3A_474 : i32
      %jit3A_476 = arith.constant 1 : i32
      %select_n3A_477 = arith.select %eq3A_475, %jit3A_476, %jit3A_473 : i32
      %rem3A_478 = arith.remsi %add3A_472, %select_n3A_477 : i32
      %ne3A_479 = arith.constant 0 : i32
      %ne3A_480 = arith.cmpi ne, %rem3A_478, %ne3A_479 : i32
      %lt3A_481 = arith.constant 0 : i32
      %lt3A_482 = arith.cmpi slt, %rem3A_478, %lt3A_481 : i32
      %lt3A_483 = arith.constant 0 : i32
      %lt3A_484 = arith.cmpi slt, %select_n3A_477, %lt3A_483 : i32
      %ne3A_485 = arith.xori %lt3A_482, %lt3A_484 : i1
      %and3A_486 = arith.andi %ne3A_485, %ne3A_480 : i1
      %add3A_487 = arith.addi %rem3A_478, %select_n3A_477 : i32
      %select_n3A_488 = arith.select %and3A_486, %add3A_487, %rem3A_478 : i32
      %eq3A_489 = arith.constant 0 : i32
      %eq3A_490 = arith.cmpi eq, %select_n3A_488, %eq3A_489 : i32
      %and3A_491 = arith.andi %and3A_470, %eq3A_490 : i1
      %convert_element_type3A = arith.extui %and3A_491 : i1 to i32
      %cond3A = arith.constant 0 : i32
      %cond3A_492 = arith.cmpi ne, %convert_element_type3A, %cond3A : i32
      scf.if %cond3A_492 {
        %add3A_1402 = arith.constant 1 : i32
        %add3A_1403 = arith.addi %select_n3A, %add3A_1402 : i32
        %mul3A_1404 = arith.constant 128 : i32
        %mul3A_1405 = arith.muli %add3A, %mul3A_1404 : i32
        %mul3A_1406 = arith.constant 16 : i32
        %mul3A_1407 = arith.muli %add3A_1403, %mul3A_1406 : i32
        %add3A_1408 = arith.addi %mul3A_1405, %mul3A_1407 : i32
        %mul3A_1409 = arith.constant 20 : i32
        %mul3A_1410 = arith.muli %add3A_1408, %mul3A_1409 : i32
        %multiple_of3A_1411 = tpu.assume_multiple %mul3A_1410, 8 : i32
        %dma_start3A_1412 = arith.constant 0 : i32
        %dma_start3A_1413 = arith.constant 0 : i32
        %dma_start3A_1414 = tpu.memref_slice %arg5[%dma_start3A_1412, %dma_start3A_1413] : memref<52x320xi32, #tpu.memory_space<vmem>> -> memref<26x320xi32, #tpu.memory_space<vmem>>
        %dma_start3A_1415 = arith.constant 0 : i32
        %dma_start3A_1416 = tpu.memref_slice %arg2[%dma_start3A_1415, %multiple_of3A_1411] : memref<26x81920xi32, #tpu.memory_space<hbm>> -> memref<26x320xi32, #tpu.memory_space<hbm>>
        %dma_start3A_1417 = arith.constant 0 : i32
        %dma_start3A_1418 = arith.constant 0 : i32
        %dma_start3A_1419 = tpu.memref_slice %arg5[%dma_start3A_1417, %dma_start3A_1418] : memref<52x320xi32, #tpu.memory_space<vmem>> -> memref<26x320xi32, #tpu.memory_space<vmem>>
        %dma_start3A_1420 = arith.constant 0 : i32
        %dma_start3A_1421 = tpu.memref_slice %arg2[%dma_start3A_1420, %multiple_of3A_1411] : memref<26x81920xi32, #tpu.memory_space<hbm>> -> memref<26x320xi32, #tpu.memory_space<hbm>>
        tpu.enqueue_dma source(%dma_start3A_1421 : memref<26x320xi32, #tpu.memory_space<hbm>>) target(%dma_start3A_1419 : memref<26x320xi32, #tpu.memory_space<vmem>>) target_semaphore(%arg15 : memref<!tpu.dma_semaphore, #tpu.memory_space<semaphore_mem>>)
      } else {
      }
      %eq3A_493 = arith.constant 0 : i32
      %eq3A_494 = arith.cmpi eq, %sub3A_449, %eq3A_493 : i32
      %add3A_495 = arith.constant 1 : i32
      %add3A_496 = arith.addi %select_n3A, %add3A_495 : i32
      %lt3A_497 = arith.constant 8 : i32
      %lt3A_498 = arith.cmpi slt, %add3A_496, %lt3A_497 : i32
      %and3A_499 = arith.andi %eq3A_494, %lt3A_498 : i1
      %add3A_500 = arith.constant 1 : i32
      %add3A_501 = arith.addi %select_n3A, %add3A_500 : i32
      %jit3A_502 = arith.constant 2 : i32
      %eq3A_503 = arith.constant 0 : i32
      %eq3A_504 = arith.cmpi eq, %jit3A_502, %eq3A_503 : i32
      %jit3A_505 = arith.constant 1 : i32
      %select_n3A_506 = arith.select %eq3A_504, %jit3A_505, %jit3A_502 : i32
      %rem3A_507 = arith.remsi %add3A_501, %select_n3A_506 : i32
      %ne3A_508 = arith.constant 0 : i32
      %ne3A_509 = arith.cmpi ne, %rem3A_507, %ne3A_508 : i32
      %lt3A_510 = arith.constant 0 : i32
      %lt3A_511 = arith.cmpi slt, %rem3A_507, %lt3A_510 : i32
      %lt3A_512 = arith.constant 0 : i32
      %lt3A_513 = arith.cmpi slt, %select_n3A_506, %lt3A_512 : i32
      %ne3A_514 = arith.xori %lt3A_511, %lt3A_513 : i1
      %and3A_515 = arith.andi %ne3A_514, %ne3A_509 : i1
      %add3A_516 = arith.addi %rem3A_507, %select_n3A_506 : i32
      %select_n3A_517 = arith.select %and3A_515, %add3A_516, %rem3A_507 : i32
      %eq3A_518 = arith.constant 1 : i32
      %eq3A_519 = arith.cmpi eq, %select_n3A_517, %eq3A_518 : i32
      %and3A_520 = arith.andi %and3A_499, %eq3A_519 : i1
      %convert_element_type3A_521 = arith.extui %and3A_520 : i1 to i32
      %cond3A_522 = arith.constant 0 : i32
      %cond3A_523 = arith.cmpi ne, %convert_element_type3A_521, %cond3A_522 : i32
      scf.if %cond3A_523 {
        %add3A_1402 = arith.constant 1 : i32
        %add3A_1403 = arith.addi %select_n3A, %add3A_1402 : i32
        %mul3A_1404 = arith.constant 128 : i32
        %mul3A_1405 = arith.muli %add3A, %mul3A_1404 : i32
        %mul3A_1406 = arith.constant 16 : i32
        %mul3A_1407 = arith.muli %add3A_1403, %mul3A_1406 : i32
        %add3A_1408 = arith.addi %mul3A_1405, %mul3A_1407 : i32
        %mul3A_1409 = arith.constant 20 : i32
        %mul3A_1410 = arith.muli %add3A_1408, %mul3A_1409 : i32
        %multiple_of3A_1411 = tpu.assume_multiple %mul3A_1410, 8 : i32
        %dma_start3A_1412 = arith.constant 26 : i32
        %dma_start3A_1413 = arith.constant 0 : i32
        %dma_start3A_1414 = tpu.memref_slice %arg5[%dma_start3A_1412, %dma_start3A_1413] : memref<52x320xi32, #tpu.memory_space<vmem>> -> memref<26x320xi32, #tpu.memory_space<vmem>>
        %dma_start3A_1415 = arith.constant 0 : i32
        %dma_start3A_1416 = tpu.memref_slice %arg2[%dma_start3A_1415, %multiple_of3A_1411] : memref<26x81920xi32, #tpu.memory_space<hbm>> -> memref<26x320xi32, #tpu.memory_space<hbm>>
        %dma_start3A_1417 = arith.constant 26 : i32
        %dma_start3A_1418 = arith.constant 0 : i32
        %dma_start3A_1419 = tpu.memref_slice %arg5[%dma_start3A_1417, %dma_start3A_1418] : memref<52x320xi32, #tpu.memory_space<vmem>> -> memref<26x320xi32, #tpu.memory_space<vmem>>
        %dma_start3A_1420 = arith.constant 0 : i32
        %dma_start3A_1421 = tpu.memref_slice %arg2[%dma_start3A_1420, %multiple_of3A_1411] : memref<26x81920xi32, #tpu.memory_space<hbm>> -> memref<26x320xi32, #tpu.memory_space<hbm>>
        tpu.enqueue_dma source(%dma_start3A_1421 : memref<26x320xi32, #tpu.memory_space<hbm>>) target(%dma_start3A_1419 : memref<26x320xi32, #tpu.memory_space<vmem>>) target_semaphore(%arg15 : memref<!tpu.dma_semaphore, #tpu.memory_space<semaphore_mem>>)
      } else {
      }
      %eq3A_524 = arith.constant 0 : i32
      %eq3A_525 = arith.cmpi eq, %sub3A_449, %eq3A_524 : i32
      %ge3A = arith.constant 2 : i32
      %ge3A_526 = arith.cmpi sge, %select_n3A, %ge3A : i32
      %and3A_527 = arith.andi %eq3A_525, %ge3A_526 : i1
      %eq3A_528 = arith.constant 0 : i32
      %eq3A_529 = arith.cmpi eq, %select_n3A_463, %eq3A_528 : i32
      %and3A_530 = arith.andi %and3A_527, %eq3A_529 : i1
      %convert_element_type3A_531 = arith.extui %and3A_530 : i1 to i32
      %cond3A_532 = arith.constant 0 : i32
      %cond3A_533 = arith.cmpi ne, %convert_element_type3A_531, %cond3A_532 : i32
      scf.if %cond3A_533 {
        %dma_wait3A_1402 = arith.constant 0 : i32
        %dma_wait3A_1403 = arith.constant 0 : i32
        %dma_wait3A_1404 = tpu.memref_slice %arg14[%dma_wait3A_1402, %dma_wait3A_1403] : memref<832x64xf32, #tpu.memory_space<vmem>> -> memref<416x64xf32, #tpu.memory_space<vmem>>
        %dma_wait3A_1405 = arith.constant 0 : i32
        %dma_wait3A_1406 = arith.constant 0 : i32
        %dma_wait3A_1407 = tpu.memref_slice %arg4[%dma_wait3A_1405, %dma_wait3A_1406] : memref<106496x64xf32, #tpu.memory_space<hbm>> -> memref<416x64xf32, #tpu.memory_space<hbm>>
        %dma_wait3A_1408 = arith.constant 0 : i32
        %dma_wait3A_1409 = arith.constant 0 : i32
        %dma_wait3A_1410 = tpu.memref_slice %arg4[%dma_wait3A_1408, %dma_wait3A_1409] : memref<106496x64xf32, #tpu.memory_space<hbm>> -> memref<416x64xf32, #tpu.memory_space<hbm>>
        %dma_wait3A_1411 = arith.constant 0 : i32
        %dma_wait3A_1412 = arith.constant 0 : i32
        %dma_wait3A_1413 = tpu.memref_slice %arg14[%dma_wait3A_1411, %dma_wait3A_1412] : memref<832x64xf32, #tpu.memory_space<vmem>> -> memref<416x64xf32, #tpu.memory_space<vmem>>
        tpu.wait_dma2 semaphore(%arg20 : memref<!tpu.dma_semaphore, #tpu.memory_space<semaphore_mem>>) src(%dma_wait3A_1413 : memref<416x64xf32, #tpu.memory_space<vmem>>) dst(%dma_wait3A_1410 : memref<416x64xf32, #tpu.memory_space<hbm>>)
      } else {
      }
      %eq3A_534 = arith.constant 0 : i32
      %eq3A_535 = arith.cmpi eq, %sub3A_449, %eq3A_534 : i32
      %ge3A_536 = arith.constant 2 : i32
      %ge3A_537 = arith.cmpi sge, %select_n3A, %ge3A_536 : i32
      %and3A_538 = arith.andi %eq3A_535, %ge3A_537 : i1
      %eq3A_539 = arith.constant 1 : i32
      %eq3A_540 = arith.cmpi eq, %select_n3A_463, %eq3A_539 : i32
      %and3A_541 = arith.andi %and3A_538, %eq3A_540 : i1
      %convert_element_type3A_542 = arith.extui %and3A_541 : i1 to i32
      %cond3A_543 = arith.constant 0 : i32
      %cond3A_544 = arith.cmpi ne, %convert_element_type3A_542, %cond3A_543 : i32
      scf.if %cond3A_544 {
        %dma_wait3A_1402 = arith.constant 0 : i32
        %dma_wait3A_1403 = arith.constant 0 : i32
        %dma_wait3A_1404 = tpu.memref_slice %arg14[%dma_wait3A_1402, %dma_wait3A_1403] : memref<832x64xf32, #tpu.memory_space<vmem>> -> memref<416x64xf32, #tpu.memory_space<vmem>>
        %dma_wait3A_1405 = arith.constant 0 : i32
        %dma_wait3A_1406 = arith.constant 0 : i32
        %dma_wait3A_1407 = tpu.memref_slice %arg4[%dma_wait3A_1405, %dma_wait3A_1406] : memref<106496x64xf32, #tpu.memory_space<hbm>> -> memref<416x64xf32, #tpu.memory_space<hbm>>
        %dma_wait3A_1408 = arith.constant 0 : i32
        %dma_wait3A_1409 = arith.constant 0 : i32
        %dma_wait3A_1410 = tpu.memref_slice %arg4[%dma_wait3A_1408, %dma_wait3A_1409] : memref<106496x64xf32, #tpu.memory_space<hbm>> -> memref<416x64xf32, #tpu.memory_space<hbm>>
        %dma_wait3A_1411 = arith.constant 0 : i32
        %dma_wait3A_1412 = arith.constant 0 : i32
        %dma_wait3A_1413 = tpu.memref_slice %arg14[%dma_wait3A_1411, %dma_wait3A_1412] : memref<832x64xf32, #tpu.memory_space<vmem>> -> memref<416x64xf32, #tpu.memory_space<vmem>>
        tpu.wait_dma2 semaphore(%arg21 : memref<!tpu.dma_semaphore, #tpu.memory_space<semaphore_mem>>) src(%dma_wait3A_1413 : memref<416x64xf32, #tpu.memory_space<vmem>>) dst(%dma_wait3A_1410 : memref<416x64xf32, #tpu.memory_space<hbm>>)
      } else {
      }
      %eq3A_545 = arith.constant 49 : i32
      %eq3A_546 = arith.cmpi eq, %sub3A_449, %eq3A_545 : i32
      %add3A_547 = arith.constant 1 : i32
      %add3A_548 = arith.addi %select_n3A, %add3A_547 : i32
      %lt3A_549 = arith.constant 8 : i32
      %lt3A_550 = arith.cmpi slt, %add3A_548, %lt3A_549 : i32
      %and3A_551 = arith.andi %eq3A_546, %lt3A_550 : i1
      %convert_element_type3A_552 = arith.extui %and3A_551 : i1 to i32
      %cond3A_553 = arith.constant 0 : i32
      %cond3A_554 = arith.cmpi ne, %convert_element_type3A_552, %cond3A_553 : i32
      scf.if %cond3A_554 {
        %dma_wait3A_1402 = arith.constant 0 : i32
        %dma_wait3A_1403 = arith.constant 0 : i32
        %dma_wait3A_1404 = tpu.memref_slice %arg5[%dma_wait3A_1402, %dma_wait3A_1403] : memref<52x320xi32, #tpu.memory_space<vmem>> -> memref<26x320xi32, #tpu.memory_space<vmem>>
        %dma_wait3A_1405 = arith.constant 0 : i32
        %dma_wait3A_1406 = arith.constant 0 : i32
        %dma_wait3A_1407 = tpu.memref_slice %arg2[%dma_wait3A_1405, %dma_wait3A_1406] : memref<26x81920xi32, #tpu.memory_space<hbm>> -> memref<26x320xi32, #tpu.memory_space<hbm>>
        %dma_wait3A_1408 = arith.constant 0 : i32
        %dma_wait3A_1409 = arith.constant 0 : i32
        %dma_wait3A_1410 = tpu.memref_slice %arg5[%dma_wait3A_1408, %dma_wait3A_1409] : memref<52x320xi32, #tpu.memory_space<vmem>> -> memref<26x320xi32, #tpu.memory_space<vmem>>
        %dma_wait3A_1411 = arith.constant 0 : i32
        %dma_wait3A_1412 = arith.constant 0 : i32
        %dma_wait3A_1413 = tpu.memref_slice %arg2[%dma_wait3A_1411, %dma_wait3A_1412] : memref<26x81920xi32, #tpu.memory_space<hbm>> -> memref<26x320xi32, #tpu.memory_space<hbm>>
        tpu.wait_dma2 semaphore(%arg15 : memref<!tpu.dma_semaphore, #tpu.memory_space<semaphore_mem>>) src(%dma_wait3A_1413 : memref<26x320xi32, #tpu.memory_space<hbm>>) dst(%dma_wait3A_1410 : memref<26x320xi32, #tpu.memory_space<vmem>>)
      } else {
      }
      %add3A_555 = arith.constant 4 : i32
      %add3A_556 = arith.addi %add3A_430, %add3A_555 : i32
      %sub3A_557 = arith.constant 1 : i32
      %sub3A_558 = arith.subi %add3A_556, %sub3A_557 : i32
      %lt3A_559 = arith.constant 416 : i32
      %lt3A_560 = arith.cmpi slt, %sub3A_558, %lt3A_559 : i32
      %convert_element_type3A_561 = arith.extui %lt3A_560 : i1 to i32
      %cond3A_562 = arith.constant 0 : i32
      %cond3A_563 = arith.cmpi ne, %convert_element_type3A_561, %cond3A_562 : i32
      scf.if %cond3A_563 {
        %add3A_1402 = arith.constant 4 : i32
        %add3A_1403 = arith.addi %add3A_430, %add3A_1402 : i32
        %sub3A_1404 = arith.constant 1 : i32
        %sub3A_1405 = arith.subi %add3A_1403, %sub3A_1404 : i32
        %jit3A_1406 = arith.constant 52 : i32
        %div3A_1407 = arith.divsi %sub3A_1405, %jit3A_1406 : i32
        %sign3A_1408 = arith.constant 0 : i32
        %sign3A_1409 = arith.cmpi sgt, %sub3A_1405, %sign3A_1408 : i32
        %sign3A_1410 = arith.extui %sign3A_1409 : i1 to i32
        %sign3A_1411 = arith.constant 0 : i32
        %sign3A_1412 = arith.cmpi slt, %sub3A_1405, %sign3A_1411 : i32
        %sign3A_1413 = arith.extui %sign3A_1412 : i1 to i32
        %sign3A_1414 = arith.subi %sign3A_1410, %sign3A_1413 : i32
        %sign3A_1415 = arith.constant 0 : i32
        %sign3A_1416 = arith.cmpi sgt, %jit3A_1406, %sign3A_1415 : i32
        %sign3A_1417 = arith.extui %sign3A_1416 : i1 to i32
        %sign3A_1418 = arith.constant 0 : i32
        %sign3A_1419 = arith.cmpi slt, %jit3A_1406, %sign3A_1418 : i32
        %sign3A_1420 = arith.extui %sign3A_1419 : i1 to i32
        %sign3A_1421 = arith.subi %sign3A_1417, %sign3A_1420 : i32
        %ne3A_1422 = arith.cmpi ne, %sign3A_1414, %sign3A_1421 : i32
        %rem3A_1423 = arith.remsi %sub3A_1405, %jit3A_1406 : i32
        %ne3A_1424 = arith.constant 0 : i32
        %ne3A_1425 = arith.cmpi ne, %rem3A_1423, %ne3A_1424 : i32
        %and3A_1426 = arith.andi %ne3A_1422, %ne3A_1425 : i1
        %sub3A_1427 = arith.constant 1 : i32
        %sub3A_1428 = arith.subi %div3A_1407, %sub3A_1427 : i32
        %select_n3A_1429 = arith.select %and3A_1426, %sub3A_1428, %div3A_1407 : i32
        %mul3A_1430 = arith.constant 52 : i32
        %mul3A_1431 = arith.muli %select_n3A_1429, %mul3A_1430 : i32
        %sub3A_1432 = arith.subi %sub3A_1405, %mul3A_1431 : i32
        %jit3A_1433 = arith.constant 2 : i32
        %div3A_1434 = arith.divsi %sub3A_1432, %jit3A_1433 : i32
        %sign3A_1435 = arith.constant 0 : i32
        %sign3A_1436 = arith.cmpi sgt, %sub3A_1432, %sign3A_1435 : i32
        %sign3A_1437 = arith.extui %sign3A_1436 : i1 to i32
        %sign3A_1438 = arith.constant 0 : i32
        %sign3A_1439 = arith.cmpi slt, %sub3A_1432, %sign3A_1438 : i32
        %sign3A_1440 = arith.extui %sign3A_1439 : i1 to i32
        %sign3A_1441 = arith.subi %sign3A_1437, %sign3A_1440 : i32
        %sign3A_1442 = arith.constant 0 : i32
        %sign3A_1443 = arith.cmpi sgt, %jit3A_1433, %sign3A_1442 : i32
        %sign3A_1444 = arith.extui %sign3A_1443 : i1 to i32
        %sign3A_1445 = arith.constant 0 : i32
        %sign3A_1446 = arith.cmpi slt, %jit3A_1433, %sign3A_1445 : i32
        %sign3A_1447 = arith.extui %sign3A_1446 : i1 to i32
        %sign3A_1448 = arith.subi %sign3A_1444, %sign3A_1447 : i32
        %ne3A_1449 = arith.cmpi ne, %sign3A_1441, %sign3A_1448 : i32
        %rem3A_1450 = arith.remsi %sub3A_1432, %jit3A_1433 : i32
        %ne3A_1451 = arith.constant 0 : i32
        %ne3A_1452 = arith.cmpi ne, %rem3A_1450, %ne3A_1451 : i32
        %and3A_1453 = arith.andi %ne3A_1449, %ne3A_1452 : i1
        %sub3A_1454 = arith.constant 1 : i32
        %sub3A_1455 = arith.subi %div3A_1434, %sub3A_1454 : i32
        %select_n3A_1456 = arith.select %and3A_1453, %sub3A_1455, %div3A_1434 : i32
        %jit3A_1457 = arith.constant 2 : i32
        %eq3A_1458 = arith.constant 0 : i32
        %eq3A_1459 = arith.cmpi eq, %jit3A_1457, %eq3A_1458 : i32
        %jit3A_1460 = arith.constant 1 : i32
        %select_n3A_1461 = arith.select %eq3A_1459, %jit3A_1460, %jit3A_1457 : i32
        %rem3A_1462 = arith.remsi %select_n3A_1429, %select_n3A_1461 : i32
        %ne3A_1463 = arith.constant 0 : i32
        %ne3A_1464 = arith.cmpi ne, %rem3A_1462, %ne3A_1463 : i32
        %lt3A_1465 = arith.constant 0 : i32
        %lt3A_1466 = arith.cmpi slt, %rem3A_1462, %lt3A_1465 : i32
        %lt3A_1467 = arith.constant 0 : i32
        %lt3A_1468 = arith.cmpi slt, %select_n3A_1461, %lt3A_1467 : i32
        %ne3A_1469 = arith.xori %lt3A_1466, %lt3A_1468 : i1
        %and3A_1470 = arith.andi %ne3A_1469, %ne3A_1464 : i1
        %add3A_1471 = arith.addi %rem3A_1462, %select_n3A_1461 : i32
        %select_n3A_1472 = arith.select %and3A_1470, %add3A_1471, %rem3A_1462 : i32
        %mul3A_1473 = arith.constant 26 : i32
        %mul3A_1474 = arith.muli %select_n3A_1472, %mul3A_1473 : i32
        %add3A_1475 = arith.addi %mul3A_1474, %select_n3A_1456 : i32
        %mul3A_1476 = arith.constant 100000 : i32
        %mul3A_1477 = arith.muli %select_n3A_1456, %mul3A_1476 : i32
        %get3A_1478 = arith.index_cast %add3A_1475 : i32 to index
        %get3A_1479 = arith.constant 160 : index
        %get3A_1480 = tpu.vector_load %arg5[%get3A_1478, %get3A_1479] {strides = array<i32>} : memref<52x320xi32, #tpu.memory_space<vmem>>, vector<1x16xi32>,
        %get3A_1481 = vector.shape_cast %get3A_1480 : vector<1x16xi32> to vector<16xi32>
        %add3A_1482 = vector.broadcast %mul3A_1477 : i32 to vector<16xi32>
        %add3A_1483 = arith.addi %get3A_1481, %add3A_1482 : vector<16xi32>
        %swap3A_1484 = arith.constant 0 : index
        %swap3A_1485 = tpu.vector_load %arg9[%swap3A_1484] {strides = array<i32>} : memref<160xi32, #tpu.memory_space<vmem>>, vector<16xi32>,
        %swap3A_1486 = vector.shape_cast %swap3A_1485 : vector<16xi32> to vector<16xi32>
        %swap3A_1487 = vector.shape_cast %add3A_1483 : vector<16xi32> to vector<16xi32>
        tpu.vector_store %arg9[%swap3A_1484], %swap3A_1487 {strides = array<i32>} : memref<160xi32, #tpu.memory_space<vmem>>, vector<16xi32>,
        %get3A_1488 = arith.index_cast %add3A_1475 : i32 to index
        %get3A_1489 = arith.constant 176 : index
        %get3A_1490 = tpu.vector_load %arg5[%get3A_1488, %get3A_1489] {strides = array<i32>} : memref<52x320xi32, #tpu.memory_space<vmem>>, vector<1x16xi32>,
        %get3A_1491 = vector.shape_cast %get3A_1490 : vector<1x16xi32> to vector<16xi32>
        %add3A_1492 = vector.broadcast %mul3A_1477 : i32 to vector<16xi32>
        %add3A_1493 = arith.addi %get3A_1491, %add3A_1492 : vector<16xi32>
        %swap3A_1494 = arith.constant 16 : index
        %swap3A_1495 = tpu.vector_load %arg9[%swap3A_1494] {strides = array<i32>} : memref<160xi32, #tpu.memory_space<vmem>>, vector<16xi32>,
        %swap3A_1496 = vector.shape_cast %swap3A_1495 : vector<16xi32> to vector<16xi32>
        %swap3A_1497 = vector.shape_cast %add3A_1493 : vector<16xi32> to vector<16xi32>
        tpu.vector_store %arg9[%swap3A_1494], %swap3A_1497 {strides = array<i32>} : memref<160xi32, #tpu.memory_space<vmem>>, vector<16xi32>,
        %get3A_1498 = arith.index_cast %add3A_1475 : i32 to index
        %get3A_1499 = arith.constant 192 : index
        %get3A_1500 = tpu.vector_load %arg5[%get3A_1498, %get3A_1499] {strides = array<i32>} : memref<52x320xi32, #tpu.memory_space<vmem>>, vector<1x16xi32>,
        %get3A_1501 = vector.shape_cast %get3A_1500 : vector<1x16xi32> to vector<16xi32>
        %add3A_1502 = vector.broadcast %mul3A_1477 : i32 to vector<16xi32>
        %add3A_1503 = arith.addi %get3A_1501, %add3A_1502 : vector<16xi32>
        %swap3A_1504 = arith.constant 32 : index
        %swap3A_1505 = tpu.vector_load %arg9[%swap3A_1504] {strides = array<i32>} : memref<160xi32, #tpu.memory_space<vmem>>, vector<16xi32>,
        %swap3A_1506 = vector.shape_cast %swap3A_1505 : vector<16xi32> to vector<16xi32>
        %swap3A_1507 = vector.shape_cast %add3A_1503 : vector<16xi32> to vector<16xi32>
        tpu.vector_store %arg9[%swap3A_1504], %swap3A_1507 {strides = array<i32>} : memref<160xi32, #tpu.memory_space<vmem>>, vector<16xi32>,
        %get3A_1508 = arith.index_cast %add3A_1475 : i32 to index
        %get3A_1509 = arith.constant 208 : index
        %get3A_1510 = tpu.vector_load %arg5[%get3A_1508, %get3A_1509] {strides = array<i32>} : memref<52x320xi32, #tpu.memory_space<vmem>>, vector<1x16xi32>,
        %get3A_1511 = vector.shape_cast %get3A_1510 : vector<1x16xi32> to vector<16xi32>
        %add3A_1512 = vector.broadcast %mul3A_1477 : i32 to vector<16xi32>
        %add3A_1513 = arith.addi %get3A_1511, %add3A_1512 : vector<16xi32>
        %swap3A_1514 = arith.constant 48 : index
        %swap3A_1515 = tpu.vector_load %arg9[%swap3A_1514] {strides = array<i32>} : memref<160xi32, #tpu.memory_space<vmem>>, vector<16xi32>,
        %swap3A_1516 = vector.shape_cast %swap3A_1515 : vector<16xi32> to vector<16xi32>
        %swap3A_1517 = vector.shape_cast %add3A_1513 : vector<16xi32> to vector<16xi32>
        tpu.vector_store %arg9[%swap3A_1514], %swap3A_1517 {strides = array<i32>} : memref<160xi32, #tpu.memory_space<vmem>>, vector<16xi32>,
        %get3A_1518 = arith.index_cast %add3A_1475 : i32 to index
        %get3A_1519 = arith.constant 224 : index
        %get3A_1520 = tpu.vector_load %arg5[%get3A_1518, %get3A_1519] {strides = array<i32>} : memref<52x320xi32, #tpu.memory_space<vmem>>, vector<1x16xi32>,
        %get3A_1521 = vector.shape_cast %get3A_1520 : vector<1x16xi32> to vector<16xi32>
        %add3A_1522 = vector.broadcast %mul3A_1477 : i32 to vector<16xi32>
        %add3A_1523 = arith.addi %get3A_1521, %add3A_1522 : vector<16xi32>
        %swap3A_1524 = arith.constant 64 : index
        %swap3A_1525 = tpu.vector_load %arg9[%swap3A_1524] {strides = array<i32>} : memref<160xi32, #tpu.memory_space<vmem>>, vector<16xi32>,
        %swap3A_1526 = vector.shape_cast %swap3A_1525 : vector<16xi32> to vector<16xi32>
        %swap3A_1527 = vector.shape_cast %add3A_1523 : vector<16xi32> to vector<16xi32>
        tpu.vector_store %arg9[%swap3A_1524], %swap3A_1527 {strides = array<i32>} : memref<160xi32, #tpu.memory_space<vmem>>, vector<16xi32>,
        %get3A_1528 = arith.index_cast %add3A_1475 : i32 to index
        %get3A_1529 = arith.constant 240 : index
        %get3A_1530 = tpu.vector_load %arg5[%get3A_1528, %get3A_1529] {strides = array<i32>} : memref<52x320xi32, #tpu.memory_space<vmem>>, vector<1x16xi32>,
        %get3A_1531 = vector.shape_cast %get3A_1530 : vector<1x16xi32> to vector<16xi32>
        %add3A_1532 = vector.broadcast %mul3A_1477 : i32 to vector<16xi32>
        %add3A_1533 = arith.addi %get3A_1531, %add3A_1532 : vector<16xi32>
        %swap3A_1534 = arith.constant 80 : index
        %swap3A_1535 = tpu.vector_load %arg9[%swap3A_1534] {strides = array<i32>} : memref<160xi32, #tpu.memory_space<vmem>>, vector<16xi32>,
        %swap3A_1536 = vector.shape_cast %swap3A_1535 : vector<16xi32> to vector<16xi32>
        %swap3A_1537 = vector.shape_cast %add3A_1533 : vector<16xi32> to vector<16xi32>
        tpu.vector_store %arg9[%swap3A_1534], %swap3A_1537 {strides = array<i32>} : memref<160xi32, #tpu.memory_space<vmem>>, vector<16xi32>,
        %get3A_1538 = arith.index_cast %add3A_1475 : i32 to index
        %get3A_1539 = arith.constant 256 : index
        %get3A_1540 = tpu.vector_load %arg5[%get3A_1538, %get3A_1539] {strides = array<i32>} : memref<52x320xi32, #tpu.memory_space<vmem>>, vector<1x16xi32>,
        %get3A_1541 = vector.shape_cast %get3A_1540 : vector<1x16xi32> to vector<16xi32>
        %add3A_1542 = vector.broadcast %mul3A_1477 : i32 to vector<16xi32>
        %add3A_1543 = arith.addi %get3A_1541, %add3A_1542 : vector<16xi32>
        %swap3A_1544 = arith.constant 96 : index
        %swap3A_1545 = tpu.vector_load %arg9[%swap3A_1544] {strides = array<i32>} : memref<160xi32, #tpu.memory_space<vmem>>, vector<16xi32>,
        %swap3A_1546 = vector.shape_cast %swap3A_1545 : vector<16xi32> to vector<16xi32>
        %swap3A_1547 = vector.shape_cast %add3A_1543 : vector<16xi32> to vector<16xi32>
        tpu.vector_store %arg9[%swap3A_1544], %swap3A_1547 {strides = array<i32>} : memref<160xi32, #tpu.memory_space<vmem>>, vector<16xi32>,
        %get3A_1548 = arith.index_cast %add3A_1475 : i32 to index
        %get3A_1549 = arith.constant 272 : index
        %get3A_1550 = tpu.vector_load %arg5[%get3A_1548, %get3A_1549] {strides = array<i32>} : memref<52x320xi32, #tpu.memory_space<vmem>>, vector<1x16xi32>,
        %get3A_1551 = vector.shape_cast %get3A_1550 : vector<1x16xi32> to vector<16xi32>
        %add3A_1552 = vector.broadcast %mul3A_1477 : i32 to vector<16xi32>
        %add3A_1553 = arith.addi %get3A_1551, %add3A_1552 : vector<16xi32>
        %swap3A_1554 = arith.constant 112 : index
        %swap3A_1555 = tpu.vector_load %arg9[%swap3A_1554] {strides = array<i32>} : memref<160xi32, #tpu.memory_space<vmem>>, vector<16xi32>,
        %swap3A_1556 = vector.shape_cast %swap3A_1555 : vector<16xi32> to vector<16xi32>
        %swap3A_1557 = vector.shape_cast %add3A_1553 : vector<16xi32> to vector<16xi32>
        tpu.vector_store %arg9[%swap3A_1554], %swap3A_1557 {strides = array<i32>} : memref<160xi32, #tpu.memory_space<vmem>>, vector<16xi32>,
        %get3A_1558 = arith.index_cast %add3A_1475 : i32 to index
        %get3A_1559 = arith.constant 288 : index
        %get3A_1560 = tpu.vector_load %arg5[%get3A_1558, %get3A_1559] {strides = array<i32>} : memref<52x320xi32, #tpu.memory_space<vmem>>, vector<1x16xi32>,
        %get3A_1561 = vector.shape_cast %get3A_1560 : vector<1x16xi32> to vector<16xi32>
        %add3A_1562 = vector.broadcast %mul3A_1477 : i32 to vector<16xi32>
        %add3A_1563 = arith.addi %get3A_1561, %add3A_1562 : vector<16xi32>
        %swap3A_1564 = arith.constant 128 : index
        %swap3A_1565 = tpu.vector_load %arg9[%swap3A_1564] {strides = array<i32>} : memref<160xi32, #tpu.memory_space<vmem>>, vector<16xi32>,
        %swap3A_1566 = vector.shape_cast %swap3A_1565 : vector<16xi32> to vector<16xi32>
        %swap3A_1567 = vector.shape_cast %add3A_1563 : vector<16xi32> to vector<16xi32>
        tpu.vector_store %arg9[%swap3A_1564], %swap3A_1567 {strides = array<i32>} : memref<160xi32, #tpu.memory_space<vmem>>, vector<16xi32>,
        %get3A_1568 = arith.index_cast %add3A_1475 : i32 to index
        %get3A_1569 = arith.constant 304 : index
        %get3A_1570 = tpu.vector_load %arg5[%get3A_1568, %get3A_1569] {strides = array<i32>} : memref<52x320xi32, #tpu.memory_space<vmem>>, vector<1x16xi32>,
        %get3A_1571 = vector.shape_cast %get3A_1570 : vector<1x16xi32> to vector<16xi32>
        %add3A_1572 = vector.broadcast %mul3A_1477 : i32 to vector<16xi32>
        %add3A_1573 = arith.addi %get3A_1571, %add3A_1572 : vector<16xi32>
        %swap3A_1574 = arith.constant 144 : index
        %swap3A_1575 = tpu.vector_load %arg9[%swap3A_1574] {strides = array<i32>} : memref<160xi32, #tpu.memory_space<vmem>>, vector<16xi32>,
        %swap3A_1576 = vector.shape_cast %swap3A_1575 : vector<16xi32> to vector<16xi32>
        %swap3A_1577 = vector.shape_cast %add3A_1573 : vector<16xi32> to vector<16xi32>
        tpu.vector_store %arg9[%swap3A_1574], %swap3A_1577 {strides = array<i32>} : memref<160xi32, #tpu.memory_space<vmem>>, vector<16xi32>,
        %dma_start3A_1578 = arith.constant 0 : i32
        %dma_start3A_1579 = arith.constant 0 : i32
        %dma_start3A_1580 = tpu.memref_slice %arg3[%dma_start3A_1578, %dma_start3A_1579] : memref<2600000x64xf32, #tpu.memory_space<hbm>> -> memref<2600000x64xf32, #tpu.memory_space<hbm>>
        tpu.enqueue_indirect_dma source(%dma_start3A_1580 : memref<2600000x64xf32, #tpu.memory_space<hbm>>) target(%arg13 : memref<160x64xf32, #tpu.memory_space<vmem>>) offsets(%arg9 : memref<160xi32, #tpu.memory_space<vmem>>) semaphore(%arg19 : memref<!tpu.dma_semaphore, #tpu.memory_space<semaphore_mem>>)
      } else {
      }
      %dma_wait3A_564 = arith.constant 0 : i32
      %dma_wait3A_565 = arith.constant 0 : i32
      %dma_wait3A_566 = tpu.memref_slice %arg3[%dma_wait3A_564, %dma_wait3A_565] : memref<2600000x64xf32, #tpu.memory_space<hbm>> -> memref<160x64xf32, #tpu.memory_space<hbm>>
      %dma_wait3A_567 = arith.constant 0 : i32
      %dma_wait3A_568 = arith.constant 0 : i32
      %dma_wait3A_569 = tpu.memref_slice %arg3[%dma_wait3A_567, %dma_wait3A_568] : memref<2600000x64xf32, #tpu.memory_space<hbm>> -> memref<160x64xf32, #tpu.memory_space<hbm>>
      tpu.wait_dma2 semaphore(%arg16 : memref<!tpu.dma_semaphore, #tpu.memory_space<semaphore_mem>>) src(%dma_wait3A_569 : memref<160x64xf32, #tpu.memory_space<hbm>>) dst(%arg10 : memref<160x64xf32, #tpu.memory_space<vmem>>)
      %jit3A_570 = arith.constant 52 : i32
      %div3A_571 = arith.divsi %add3A_430, %jit3A_570 : i32
      %sign3A_572 = arith.constant 0 : i32
      %sign3A_573 = arith.cmpi sgt, %add3A_430, %sign3A_572 : i32
      %sign3A_574 = arith.extui %sign3A_573 : i1 to i32
      %sign3A_575 = arith.constant 0 : i32
      %sign3A_576 = arith.cmpi slt, %add3A_430, %sign3A_575 : i32
      %sign3A_577 = arith.extui %sign3A_576 : i1 to i32
      %sign3A_578 = arith.subi %sign3A_574, %sign3A_577 : i32
      %sign3A_579 = arith.constant 0 : i32
      %sign3A_580 = arith.cmpi sgt, %jit3A_570, %sign3A_579 : i32
      %sign3A_581 = arith.extui %sign3A_580 : i1 to i32
      %sign3A_582 = arith.constant 0 : i32
      %sign3A_583 = arith.cmpi slt, %jit3A_570, %sign3A_582 : i32
      %sign3A_584 = arith.extui %sign3A_583 : i1 to i32
      %sign3A_585 = arith.subi %sign3A_581, %sign3A_584 : i32
      %ne3A_586 = arith.cmpi ne, %sign3A_578, %sign3A_585 : i32
      %rem3A_587 = arith.remsi %add3A_430, %jit3A_570 : i32
      %ne3A_588 = arith.constant 0 : i32
      %ne3A_589 = arith.cmpi ne, %rem3A_587, %ne3A_588 : i32
      %and3A_590 = arith.andi %ne3A_586, %ne3A_589 : i1
      %sub3A_591 = arith.constant 1 : i32
      %sub3A_592 = arith.subi %div3A_571, %sub3A_591 : i32
      %select_n3A_593 = arith.select %and3A_590, %sub3A_592, %div3A_571 : i32
      %mul3A_594 = arith.constant 52 : i32
      %mul3A_595 = arith.muli %select_n3A_593, %mul3A_594 : i32
      %sub3A_596 = arith.subi %add3A_430, %mul3A_595 : i32
      %jit3A_597 = arith.constant 2 : i32
      %div3A_598 = arith.divsi %sub3A_596, %jit3A_597 : i32
      %sign3A_599 = arith.constant 0 : i32
      %sign3A_600 = arith.cmpi sgt, %sub3A_596, %sign3A_599 : i32
      %sign3A_601 = arith.extui %sign3A_600 : i1 to i32
      %sign3A_602 = arith.constant 0 : i32
      %sign3A_603 = arith.cmpi slt, %sub3A_596, %sign3A_602 : i32
      %sign3A_604 = arith.extui %sign3A_603 : i1 to i32
      %sign3A_605 = arith.subi %sign3A_601, %sign3A_604 : i32
      %sign3A_606 = arith.constant 0 : i32
      %sign3A_607 = arith.cmpi sgt, %jit3A_597, %sign3A_606 : i32
      %sign3A_608 = arith.extui %sign3A_607 : i1 to i32
      %sign3A_609 = arith.constant 0 : i32
      %sign3A_610 = arith.cmpi slt, %jit3A_597, %sign3A_609 : i32
      %sign3A_611 = arith.extui %sign3A_610 : i1 to i32
      %sign3A_612 = arith.subi %sign3A_608, %sign3A_611 : i32
      %ne3A_613 = arith.cmpi ne, %sign3A_605, %sign3A_612 : i32
      %rem3A_614 = arith.remsi %sub3A_596, %jit3A_597 : i32
      %ne3A_615 = arith.constant 0 : i32
      %ne3A_616 = arith.cmpi ne, %rem3A_614, %ne3A_615 : i32
      %and3A_617 = arith.andi %ne3A_613, %ne3A_616 : i1
      %sub3A_618 = arith.constant 1 : i32
      %sub3A_619 = arith.subi %div3A_598, %sub3A_618 : i32
      %select_n3A_620 = arith.select %and3A_617, %sub3A_619, %div3A_598 : i32
      %jit3A_621 = arith.constant 2 : i32
      %eq3A_622 = arith.constant 0 : i32
      %eq3A_623 = arith.cmpi eq, %jit3A_621, %eq3A_622 : i32
      %jit3A_624 = arith.constant 1 : i32
      %select_n3A_625 = arith.select %eq3A_623, %jit3A_624, %jit3A_621 : i32
      %rem3A_626 = arith.remsi %select_n3A_593, %select_n3A_625 : i32
      %ne3A_627 = arith.constant 0 : i32
      %ne3A_628 = arith.cmpi ne, %rem3A_626, %ne3A_627 : i32
      %lt3A_629 = arith.constant 0 : i32
      %lt3A_630 = arith.cmpi slt, %rem3A_626, %lt3A_629 : i32
      %lt3A_631 = arith.constant 0 : i32
      %lt3A_632 = arith.cmpi slt, %select_n3A_625, %lt3A_631 : i32
      %ne3A_633 = arith.xori %lt3A_630, %lt3A_632 : i1
      %and3A_634 = arith.andi %ne3A_633, %ne3A_628 : i1
      %add3A_635 = arith.addi %rem3A_626, %select_n3A_625 : i32
      %select_n3A_636 = arith.select %and3A_634, %add3A_635, %rem3A_626 : i32
      %mul3A_637 = arith.constant 416 : i32
      %mul3A_638 = arith.muli %select_n3A_636, %mul3A_637 : i32
      %scan3A_639 = arith.constant 0 : i32
      %scan3A_640 = arith.constant 0 : i32
      %scan3A_641 = arith.constant 8 : i32
      %scan3A_642 = arith.addi %scan3A_640, %scan3A_641 : i32
      %scan3A_643 = arith.constant 1 : i32
      scf.for %scan3A_1402 = %scan3A_640 to %scan3A_642 step %scan3A_643  : i32 {
        %mul3A_1403 = arith.constant 20 : i32
        %mul3A_1404 = arith.muli %scan3A_1402, %mul3A_1403 : i32
        %get3A_1405 = arith.index_cast %mul3A_1404 : i32 to index
        %get3A_1406 = arith.constant 0 : index
        %get3A_1407 = tpu.vector_load %arg10[%get3A_1405, %get3A_1406] {strides = array<i32>} : memref<160x64xf32, #tpu.memory_space<vmem>>, vector<1x16xf32>,
        %get3A_1408 = vector.shape_cast %get3A_1407 : vector<1x16xf32> to vector<16xf32>
        %get3A_1409 = arith.index_cast %mul3A_1404 : i32 to index
        %get3A_1410 = arith.constant 16 : index
        %get3A_1411 = tpu.vector_load %arg10[%get3A_1409, %get3A_1410] {strides = array<i32>} : memref<160x64xf32, #tpu.memory_space<vmem>>, vector<1x16xf32>,
        %get3A_1412 = vector.shape_cast %get3A_1411 : vector<1x16xf32> to vector<16xf32>
        %get3A_1413 = arith.index_cast %mul3A_1404 : i32 to index
        %get3A_1414 = arith.constant 32 : index
        %get3A_1415 = tpu.vector_load %arg10[%get3A_1413, %get3A_1414] {strides = array<i32>} : memref<160x64xf32, #tpu.memory_space<vmem>>, vector<1x16xf32>,
        %get3A_1416 = vector.shape_cast %get3A_1415 : vector<1x16xf32> to vector<16xf32>
        %get3A_1417 = arith.index_cast %mul3A_1404 : i32 to index
        %get3A_1418 = arith.constant 48 : index
        %get3A_1419 = tpu.vector_load %arg10[%get3A_1417, %get3A_1418] {strides = array<i32>} : memref<160x64xf32, #tpu.memory_space<vmem>>, vector<1x16xf32>,
        %get3A_1420 = vector.shape_cast %get3A_1419 : vector<1x16xf32> to vector<16xf32>
        %add3A_1421 = arith.constant 1 : i32
        %add3A_1422 = arith.addi %mul3A_1404, %add3A_1421 : i32
        %get3A_1423 = arith.index_cast %add3A_1422 : i32 to index
        %get3A_1424 = arith.constant 0 : index
        %get3A_1425 = tpu.vector_load %arg10[%get3A_1423, %get3A_1424] {strides = array<i32>} : memref<160x64xf32, #tpu.memory_space<vmem>>, vector<1x16xf32>,
        %get3A_1426 = vector.shape_cast %get3A_1425 : vector<1x16xf32> to vector<16xf32>
        %add3A_1427 = arith.addf %get3A_1408, %get3A_1426 : vector<16xf32>
        %add3A_1428 = arith.constant 1 : i32
        %add3A_1429 = arith.addi %mul3A_1404, %add3A_1428 : i32
        %get3A_1430 = arith.index_cast %add3A_1429 : i32 to index
        %get3A_1431 = arith.constant 16 : index
        %get3A_1432 = tpu.vector_load %arg10[%get3A_1430, %get3A_1431] {strides = array<i32>} : memref<160x64xf32, #tpu.memory_space<vmem>>, vector<1x16xf32>,
        %get3A_1433 = vector.shape_cast %get3A_1432 : vector<1x16xf32> to vector<16xf32>
        %add3A_1434 = arith.addf %get3A_1412, %get3A_1433 : vector<16xf32>
        %add3A_1435 = arith.constant 1 : i32
        %add3A_1436 = arith.addi %mul3A_1404, %add3A_1435 : i32
        %get3A_1437 = arith.index_cast %add3A_1436 : i32 to index
        %get3A_1438 = arith.constant 32 : index
        %get3A_1439 = tpu.vector_load %arg10[%get3A_1437, %get3A_1438] {strides = array<i32>} : memref<160x64xf32, #tpu.memory_space<vmem>>, vector<1x16xf32>,
        %get3A_1440 = vector.shape_cast %get3A_1439 : vector<1x16xf32> to vector<16xf32>
        %add3A_1441 = arith.addf %get3A_1416, %get3A_1440 : vector<16xf32>
        %add3A_1442 = arith.constant 1 : i32
        %add3A_1443 = arith.addi %mul3A_1404, %add3A_1442 : i32
        %get3A_1444 = arith.index_cast %add3A_1443 : i32 to index
        %get3A_1445 = arith.constant 48 : index
        %get3A_1446 = tpu.vector_load %arg10[%get3A_1444, %get3A_1445] {strides = array<i32>} : memref<160x64xf32, #tpu.memory_space<vmem>>, vector<1x16xf32>,
        %get3A_1447 = vector.shape_cast %get3A_1446 : vector<1x16xf32> to vector<16xf32>
        %add3A_1448 = arith.addf %get3A_1420, %get3A_1447 : vector<16xf32>
        %add3A_1449 = arith.constant 2 : i32
        %add3A_1450 = arith.addi %mul3A_1404, %add3A_1449 : i32
        %get3A_1451 = arith.index_cast %add3A_1450 : i32 to index
        %get3A_1452 = arith.constant 0 : index
        %get3A_1453 = tpu.vector_load %arg10[%get3A_1451, %get3A_1452] {strides = array<i32>} : memref<160x64xf32, #tpu.memory_space<vmem>>, vector<1x16xf32>,
        %get3A_1454 = vector.shape_cast %get3A_1453 : vector<1x16xf32> to vector<16xf32>
        %add3A_1455 = arith.addf %add3A_1427, %get3A_1454 : vector<16xf32>
        %add3A_1456 = arith.constant 2 : i32
        %add3A_1457 = arith.addi %mul3A_1404, %add3A_1456 : i32
        %get3A_1458 = arith.index_cast %add3A_1457 : i32 to index
        %get3A_1459 = arith.constant 16 : index
        %get3A_1460 = tpu.vector_load %arg10[%get3A_1458, %get3A_1459] {strides = array<i32>} : memref<160x64xf32, #tpu.memory_space<vmem>>, vector<1x16xf32>,
        %get3A_1461 = vector.shape_cast %get3A_1460 : vector<1x16xf32> to vector<16xf32>
        %add3A_1462 = arith.addf %add3A_1434, %get3A_1461 : vector<16xf32>
        %add3A_1463 = arith.constant 2 : i32
        %add3A_1464 = arith.addi %mul3A_1404, %add3A_1463 : i32
        %get3A_1465 = arith.index_cast %add3A_1464 : i32 to index
        %get3A_1466 = arith.constant 32 : index
        %get3A_1467 = tpu.vector_load %arg10[%get3A_1465, %get3A_1466] {strides = array<i32>} : memref<160x64xf32, #tpu.memory_space<vmem>>, vector<1x16xf32>,
        %get3A_1468 = vector.shape_cast %get3A_1467 : vector<1x16xf32> to vector<16xf32>
        %add3A_1469 = arith.addf %add3A_1441, %get3A_1468 : vector<16xf32>
        %add3A_1470 = arith.constant 2 : i32
        %add3A_1471 = arith.addi %mul3A_1404, %add3A_1470 : i32
        %get3A_1472 = arith.index_cast %add3A_1471 : i32 to index
        %get3A_1473 = arith.constant 48 : index
        %get3A_1474 = tpu.vector_load %arg10[%get3A_1472, %get3A_1473] {strides = array<i32>} : memref<160x64xf32, #tpu.memory_space<vmem>>, vector<1x16xf32>,
        %get3A_1475 = vector.shape_cast %get3A_1474 : vector<1x16xf32> to vector<16xf32>
        %add3A_1476 = arith.addf %add3A_1448, %get3A_1475 : vector<16xf32>
        %add3A_1477 = arith.constant 3 : i32
        %add3A_1478 = arith.addi %mul3A_1404, %add3A_1477 : i32
        %get3A_1479 = arith.index_cast %add3A_1478 : i32 to index
        %get3A_1480 = arith.constant 0 : index
        %get3A_1481 = tpu.vector_load %arg10[%get3A_1479, %get3A_1480] {strides = array<i32>} : memref<160x64xf32, #tpu.memory_space<vmem>>, vector<1x16xf32>,
        %get3A_1482 = vector.shape_cast %get3A_1481 : vector<1x16xf32> to vector<16xf32>
        %add3A_1483 = arith.addf %add3A_1455, %get3A_1482 : vector<16xf32>
        %add3A_1484 = arith.constant 3 : i32
        %add3A_1485 = arith.addi %mul3A_1404, %add3A_1484 : i32
        %get3A_1486 = arith.index_cast %add3A_1485 : i32 to index
        %get3A_1487 = arith.constant 16 : index
        %get3A_1488 = tpu.vector_load %arg10[%get3A_1486, %get3A_1487] {strides = array<i32>} : memref<160x64xf32, #tpu.memory_space<vmem>>, vector<1x16xf32>,
        %get3A_1489 = vector.shape_cast %get3A_1488 : vector<1x16xf32> to vector<16xf32>
        %add3A_1490 = arith.addf %add3A_1462, %get3A_1489 : vector<16xf32>
        %add3A_1491 = arith.constant 3 : i32
        %add3A_1492 = arith.addi %mul3A_1404, %add3A_1491 : i32
        %get3A_1493 = arith.index_cast %add3A_1492 : i32 to index
        %get3A_1494 = arith.constant 32 : index
        %get3A_1495 = tpu.vector_load %arg10[%get3A_1493, %get3A_1494] {strides = array<i32>} : memref<160x64xf32, #tpu.memory_space<vmem>>, vector<1x16xf32>,
        %get3A_1496 = vector.shape_cast %get3A_1495 : vector<1x16xf32> to vector<16xf32>
        %add3A_1497 = arith.addf %add3A_1469, %get3A_1496 : vector<16xf32>
        %add3A_1498 = arith.constant 3 : i32
        %add3A_1499 = arith.addi %mul3A_1404, %add3A_1498 : i32
        %get3A_1500 = arith.index_cast %add3A_1499 : i32 to index
        %get3A_1501 = arith.constant 48 : index
        %get3A_1502 = tpu.vector_load %arg10[%get3A_1500, %get3A_1501] {strides = array<i32>} : memref<160x64xf32, #tpu.memory_space<vmem>>, vector<1x16xf32>,
        %get3A_1503 = vector.shape_cast %get3A_1502 : vector<1x16xf32> to vector<16xf32>
        %add3A_1504 = arith.addf %add3A_1476, %get3A_1503 : vector<16xf32>
        %add3A_1505 = arith.constant 4 : i32
        %add3A_1506 = arith.addi %mul3A_1404, %add3A_1505 : i32
        %get3A_1507 = arith.index_cast %add3A_1506 : i32 to index
        %get3A_1508 = arith.constant 0 : index
        %get3A_1509 = tpu.vector_load %arg10[%get3A_1507, %get3A_1508] {strides = array<i32>} : memref<160x64xf32, #tpu.memory_space<vmem>>, vector<1x16xf32>,
        %get3A_1510 = vector.shape_cast %get3A_1509 : vector<1x16xf32> to vector<16xf32>
        %add3A_1511 = arith.addf %add3A_1483, %get3A_1510 : vector<16xf32>
        %add3A_1512 = arith.constant 4 : i32
        %add3A_1513 = arith.addi %mul3A_1404, %add3A_1512 : i32
        %get3A_1514 = arith.index_cast %add3A_1513 : i32 to index
        %get3A_1515 = arith.constant 16 : index
        %get3A_1516 = tpu.vector_load %arg10[%get3A_1514, %get3A_1515] {strides = array<i32>} : memref<160x64xf32, #tpu.memory_space<vmem>>, vector<1x16xf32>,
        %get3A_1517 = vector.shape_cast %get3A_1516 : vector<1x16xf32> to vector<16xf32>
        %add3A_1518 = arith.addf %add3A_1490, %get3A_1517 : vector<16xf32>
        %add3A_1519 = arith.constant 4 : i32
        %add3A_1520 = arith.addi %mul3A_1404, %add3A_1519 : i32
        %get3A_1521 = arith.index_cast %add3A_1520 : i32 to index
        %get3A_1522 = arith.constant 32 : index
        %get3A_1523 = tpu.vector_load %arg10[%get3A_1521, %get3A_1522] {strides = array<i32>} : memref<160x64xf32, #tpu.memory_space<vmem>>, vector<1x16xf32>,
        %get3A_1524 = vector.shape_cast %get3A_1523 : vector<1x16xf32> to vector<16xf32>
        %add3A_1525 = arith.addf %add3A_1497, %get3A_1524 : vector<16xf32>
        %add3A_1526 = arith.constant 4 : i32
        %add3A_1527 = arith.addi %mul3A_1404, %add3A_1526 : i32
        %get3A_1528 = arith.index_cast %add3A_1527 : i32 to index
        %get3A_1529 = arith.constant 48 : index
        %get3A_1530 = tpu.vector_load %arg10[%get3A_1528, %get3A_1529] {strides = array<i32>} : memref<160x64xf32, #tpu.memory_space<vmem>>, vector<1x16xf32>,
        %get3A_1531 = vector.shape_cast %get3A_1530 : vector<1x16xf32> to vector<16xf32>
        %add3A_1532 = arith.addf %add3A_1504, %get3A_1531 : vector<16xf32>
        %add3A_1533 = arith.constant 5 : i32
        %add3A_1534 = arith.addi %mul3A_1404, %add3A_1533 : i32
        %get3A_1535 = arith.index_cast %add3A_1534 : i32 to index
        %get3A_1536 = arith.constant 0 : index
        %get3A_1537 = tpu.vector_load %arg10[%get3A_1535, %get3A_1536] {strides = array<i32>} : memref<160x64xf32, #tpu.memory_space<vmem>>, vector<1x16xf32>,
        %get3A_1538 = vector.shape_cast %get3A_1537 : vector<1x16xf32> to vector<16xf32>
        %add3A_1539 = arith.addf %add3A_1511, %get3A_1538 : vector<16xf32>
        %add3A_1540 = arith.constant 5 : i32
        %add3A_1541 = arith.addi %mul3A_1404, %add3A_1540 : i32
        %get3A_1542 = arith.index_cast %add3A_1541 : i32 to index
        %get3A_1543 = arith.constant 16 : index
        %get3A_1544 = tpu.vector_load %arg10[%get3A_1542, %get3A_1543] {strides = array<i32>} : memref<160x64xf32, #tpu.memory_space<vmem>>, vector<1x16xf32>,
        %get3A_1545 = vector.shape_cast %get3A_1544 : vector<1x16xf32> to vector<16xf32>
        %add3A_1546 = arith.addf %add3A_1518, %get3A_1545 : vector<16xf32>
        %add3A_1547 = arith.constant 5 : i32
        %add3A_1548 = arith.addi %mul3A_1404, %add3A_1547 : i32
        %get3A_1549 = arith.index_cast %add3A_1548 : i32 to index
        %get3A_1550 = arith.constant 32 : index
        %get3A_1551 = tpu.vector_load %arg10[%get3A_1549, %get3A_1550] {strides = array<i32>} : memref<160x64xf32, #tpu.memory_space<vmem>>, vector<1x16xf32>,
        %get3A_1552 = vector.shape_cast %get3A_1551 : vector<1x16xf32> to vector<16xf32>
        %add3A_1553 = arith.addf %add3A_1525, %get3A_1552 : vector<16xf32>
        %add3A_1554 = arith.constant 5 : i32
        %add3A_1555 = arith.addi %mul3A_1404, %add3A_1554 : i32
        %get3A_1556 = arith.index_cast %add3A_1555 : i32 to index
        %get3A_1557 = arith.constant 48 : index
        %get3A_1558 = tpu.vector_load %arg10[%get3A_1556, %get3A_1557] {strides = array<i32>} : memref<160x64xf32, #tpu.memory_space<vmem>>, vector<1x16xf32>,
        %get3A_1559 = vector.shape_cast %get3A_1558 : vector<1x16xf32> to vector<16xf32>
        %add3A_1560 = arith.addf %add3A_1532, %get3A_1559 : vector<16xf32>
        %add3A_1561 = arith.constant 6 : i32
        %add3A_1562 = arith.addi %mul3A_1404, %add3A_1561 : i32
        %get3A_1563 = arith.index_cast %add3A_1562 : i32 to index
        %get3A_1564 = arith.constant 0 : index
        %get3A_1565 = tpu.vector_load %arg10[%get3A_1563, %get3A_1564] {strides = array<i32>} : memref<160x64xf32, #tpu.memory_space<vmem>>, vector<1x16xf32>,
        %get3A_1566 = vector.shape_cast %get3A_1565 : vector<1x16xf32> to vector<16xf32>
        %add3A_1567 = arith.addf %add3A_1539, %get3A_1566 : vector<16xf32>
        %add3A_1568 = arith.constant 6 : i32
        %add3A_1569 = arith.addi %mul3A_1404, %add3A_1568 : i32
        %get3A_1570 = arith.index_cast %add3A_1569 : i32 to index
        %get3A_1571 = arith.constant 16 : index
        %get3A_1572 = tpu.vector_load %arg10[%get3A_1570, %get3A_1571] {strides = array<i32>} : memref<160x64xf32, #tpu.memory_space<vmem>>, vector<1x16xf32>,
        %get3A_1573 = vector.shape_cast %get3A_1572 : vector<1x16xf32> to vector<16xf32>
        %add3A_1574 = arith.addf %add3A_1546, %get3A_1573 : vector<16xf32>
        %add3A_1575 = arith.constant 6 : i32
        %add3A_1576 = arith.addi %mul3A_1404, %add3A_1575 : i32
        %get3A_1577 = arith.index_cast %add3A_1576 : i32 to index
        %get3A_1578 = arith.constant 32 : index
        %get3A_1579 = tpu.vector_load %arg10[%get3A_1577, %get3A_1578] {strides = array<i32>} : memref<160x64xf32, #tpu.memory_space<vmem>>, vector<1x16xf32>,
        %get3A_1580 = vector.shape_cast %get3A_1579 : vector<1x16xf32> to vector<16xf32>
        %add3A_1581 = arith.addf %add3A_1553, %get3A_1580 : vector<16xf32>
        %add3A_1582 = arith.constant 6 : i32
        %add3A_1583 = arith.addi %mul3A_1404, %add3A_1582 : i32
        %get3A_1584 = arith.index_cast %add3A_1583 : i32 to index
        %get3A_1585 = arith.constant 48 : index
        %get3A_1586 = tpu.vector_load %arg10[%get3A_1584, %get3A_1585] {strides = array<i32>} : memref<160x64xf32, #tpu.memory_space<vmem>>, vector<1x16xf32>,
        %get3A_1587 = vector.shape_cast %get3A_1586 : vector<1x16xf32> to vector<16xf32>
        %add3A_1588 = arith.addf %add3A_1560, %get3A_1587 : vector<16xf32>
        %add3A_1589 = arith.constant 7 : i32
        %add3A_1590 = arith.addi %mul3A_1404, %add3A_1589 : i32
        %get3A_1591 = arith.index_cast %add3A_1590 : i32 to index
        %get3A_1592 = arith.constant 0 : index
        %get3A_1593 = tpu.vector_load %arg10[%get3A_1591, %get3A_1592] {strides = array<i32>} : memref<160x64xf32, #tpu.memory_space<vmem>>, vector<1x16xf32>,
        %get3A_1594 = vector.shape_cast %get3A_1593 : vector<1x16xf32> to vector<16xf32>
        %add3A_1595 = arith.addf %add3A_1567, %get3A_1594 : vector<16xf32>
        %add3A_1596 = arith.constant 7 : i32
        %add3A_1597 = arith.addi %mul3A_1404, %add3A_1596 : i32
        %get3A_1598 = arith.index_cast %add3A_1597 : i32 to index
        %get3A_1599 = arith.constant 16 : index
        %get3A_1600 = tpu.vector_load %arg10[%get3A_1598, %get3A_1599] {strides = array<i32>} : memref<160x64xf32, #tpu.memory_space<vmem>>, vector<1x16xf32>,
        %get3A_1601 = vector.shape_cast %get3A_1600 : vector<1x16xf32> to vector<16xf32>
        %add3A_1602 = arith.addf %add3A_1574, %get3A_1601 : vector<16xf32>
        %add3A_1603 = arith.constant 7 : i32
        %add3A_1604 = arith.addi %mul3A_1404, %add3A_1603 : i32
        %get3A_1605 = arith.index_cast %add3A_1604 : i32 to index
        %get3A_1606 = arith.constant 32 : index
        %get3A_1607 = tpu.vector_load %arg10[%get3A_1605, %get3A_1606] {strides = array<i32>} : memref<160x64xf32, #tpu.memory_space<vmem>>, vector<1x16xf32>,
        %get3A_1608 = vector.shape_cast %get3A_1607 : vector<1x16xf32> to vector<16xf32>
        %add3A_1609 = arith.addf %add3A_1581, %get3A_1608 : vector<16xf32>
        %add3A_1610 = arith.constant 7 : i32
        %add3A_1611 = arith.addi %mul3A_1404, %add3A_1610 : i32
        %get3A_1612 = arith.index_cast %add3A_1611 : i32 to index
        %get3A_1613 = arith.constant 48 : index
        %get3A_1614 = tpu.vector_load %arg10[%get3A_1612, %get3A_1613] {strides = array<i32>} : memref<160x64xf32, #tpu.memory_space<vmem>>, vector<1x16xf32>,
        %get3A_1615 = vector.shape_cast %get3A_1614 : vector<1x16xf32> to vector<16xf32>
        %add3A_1616 = arith.addf %add3A_1588, %get3A_1615 : vector<16xf32>
        %add3A_1617 = arith.constant 8 : i32
        %add3A_1618 = arith.addi %mul3A_1404, %add3A_1617 : i32
        %get3A_1619 = arith.index_cast %add3A_1618 : i32 to index
        %get3A_1620 = arith.constant 0 : index
        %get3A_1621 = tpu.vector_load %arg10[%get3A_1619, %get3A_1620] {strides = array<i32>} : memref<160x64xf32, #tpu.memory_space<vmem>>, vector<1x16xf32>,
        %get3A_1622 = vector.shape_cast %get3A_1621 : vector<1x16xf32> to vector<16xf32>
        %add3A_1623 = arith.addf %add3A_1595, %get3A_1622 : vector<16xf32>
        %add3A_1624 = arith.constant 8 : i32
        %add3A_1625 = arith.addi %mul3A_1404, %add3A_1624 : i32
        %get3A_1626 = arith.index_cast %add3A_1625 : i32 to index
        %get3A_1627 = arith.constant 16 : index
        %get3A_1628 = tpu.vector_load %arg10[%get3A_1626, %get3A_1627] {strides = array<i32>} : memref<160x64xf32, #tpu.memory_space<vmem>>, vector<1x16xf32>,
        %get3A_1629 = vector.shape_cast %get3A_1628 : vector<1x16xf32> to vector<16xf32>
        %add3A_1630 = arith.addf %add3A_1602, %get3A_1629 : vector<16xf32>
        %add3A_1631 = arith.constant 8 : i32
        %add3A_1632 = arith.addi %mul3A_1404, %add3A_1631 : i32
        %get3A_1633 = arith.index_cast %add3A_1632 : i32 to index
        %get3A_1634 = arith.constant 32 : index
        %get3A_1635 = tpu.vector_load %arg10[%get3A_1633, %get3A_1634] {strides = array<i32>} : memref<160x64xf32, #tpu.memory_space<vmem>>, vector<1x16xf32>,
        %get3A_1636 = vector.shape_cast %get3A_1635 : vector<1x16xf32> to vector<16xf32>
        %add3A_1637 = arith.addf %add3A_1609, %get3A_1636 : vector<16xf32>
        %add3A_1638 = arith.constant 8 : i32
        %add3A_1639 = arith.addi %mul3A_1404, %add3A_1638 : i32
        %get3A_1640 = arith.index_cast %add3A_1639 : i32 to index
        %get3A_1641 = arith.constant 48 : index
        %get3A_1642 = tpu.vector_load %arg10[%get3A_1640, %get3A_1641] {strides = array<i32>} : memref<160x64xf32, #tpu.memory_space<vmem>>, vector<1x16xf32>,
        %get3A_1643 = vector.shape_cast %get3A_1642 : vector<1x16xf32> to vector<16xf32>
        %add3A_1644 = arith.addf %add3A_1616, %get3A_1643 : vector<16xf32>
        %add3A_1645 = arith.constant 9 : i32
        %add3A_1646 = arith.addi %mul3A_1404, %add3A_1645 : i32
        %get3A_1647 = arith.index_cast %add3A_1646 : i32 to index
        %get3A_1648 = arith.constant 0 : index
        %get3A_1649 = tpu.vector_load %arg10[%get3A_1647, %get3A_1648] {strides = array<i32>} : memref<160x64xf32, #tpu.memory_space<vmem>>, vector<1x16xf32>,
        %get3A_1650 = vector.shape_cast %get3A_1649 : vector<1x16xf32> to vector<16xf32>
        %add3A_1651 = arith.addf %add3A_1623, %get3A_1650 : vector<16xf32>
        %add3A_1652 = arith.constant 9 : i32
        %add3A_1653 = arith.addi %mul3A_1404, %add3A_1652 : i32
        %get3A_1654 = arith.index_cast %add3A_1653 : i32 to index
        %get3A_1655 = arith.constant 16 : index
        %get3A_1656 = tpu.vector_load %arg10[%get3A_1654, %get3A_1655] {strides = array<i32>} : memref<160x64xf32, #tpu.memory_space<vmem>>, vector<1x16xf32>,
        %get3A_1657 = vector.shape_cast %get3A_1656 : vector<1x16xf32> to vector<16xf32>
        %add3A_1658 = arith.addf %add3A_1630, %get3A_1657 : vector<16xf32>
        %add3A_1659 = arith.constant 9 : i32
        %add3A_1660 = arith.addi %mul3A_1404, %add3A_1659 : i32
        %get3A_1661 = arith.index_cast %add3A_1660 : i32 to index
        %get3A_1662 = arith.constant 32 : index
        %get3A_1663 = tpu.vector_load %arg10[%get3A_1661, %get3A_1662] {strides = array<i32>} : memref<160x64xf32, #tpu.memory_space<vmem>>, vector<1x16xf32>,
        %get3A_1664 = vector.shape_cast %get3A_1663 : vector<1x16xf32> to vector<16xf32>
        %add3A_1665 = arith.addf %add3A_1637, %get3A_1664 : vector<16xf32>
        %add3A_1666 = arith.constant 9 : i32
        %add3A_1667 = arith.addi %mul3A_1404, %add3A_1666 : i32
        %get3A_1668 = arith.index_cast %add3A_1667 : i32 to index
        %get3A_1669 = arith.constant 48 : index
        %get3A_1670 = tpu.vector_load %arg10[%get3A_1668, %get3A_1669] {strides = array<i32>} : memref<160x64xf32, #tpu.memory_space<vmem>>, vector<1x16xf32>,
        %get3A_1671 = vector.shape_cast %get3A_1670 : vector<1x16xf32> to vector<16xf32>
        %add3A_1672 = arith.addf %add3A_1644, %get3A_1671 : vector<16xf32>
        %add3A_1673 = arith.constant 10 : i32
        %add3A_1674 = arith.addi %mul3A_1404, %add3A_1673 : i32
        %get3A_1675 = arith.index_cast %add3A_1674 : i32 to index
        %get3A_1676 = arith.constant 0 : index
        %get3A_1677 = tpu.vector_load %arg10[%get3A_1675, %get3A_1676] {strides = array<i32>} : memref<160x64xf32, #tpu.memory_space<vmem>>, vector<1x16xf32>,
        %get3A_1678 = vector.shape_cast %get3A_1677 : vector<1x16xf32> to vector<16xf32>
        %add3A_1679 = arith.addf %add3A_1651, %get3A_1678 : vector<16xf32>
        %add3A_1680 = arith.constant 10 : i32
        %add3A_1681 = arith.addi %mul3A_1404, %add3A_1680 : i32
        %get3A_1682 = arith.index_cast %add3A_1681 : i32 to index
        %get3A_1683 = arith.constant 16 : index
        %get3A_1684 = tpu.vector_load %arg10[%get3A_1682, %get3A_1683] {strides = array<i32>} : memref<160x64xf32, #tpu.memory_space<vmem>>, vector<1x16xf32>,
        %get3A_1685 = vector.shape_cast %get3A_1684 : vector<1x16xf32> to vector<16xf32>
        %add3A_1686 = arith.addf %add3A_1658, %get3A_1685 : vector<16xf32>
        %add3A_1687 = arith.constant 10 : i32
        %add3A_1688 = arith.addi %mul3A_1404, %add3A_1687 : i32
        %get3A_1689 = arith.index_cast %add3A_1688 : i32 to index
        %get3A_1690 = arith.constant 32 : index
        %get3A_1691 = tpu.vector_load %arg10[%get3A_1689, %get3A_1690] {strides = array<i32>} : memref<160x64xf32, #tpu.memory_space<vmem>>, vector<1x16xf32>,
        %get3A_1692 = vector.shape_cast %get3A_1691 : vector<1x16xf32> to vector<16xf32>
        %add3A_1693 = arith.addf %add3A_1665, %get3A_1692 : vector<16xf32>
        %add3A_1694 = arith.constant 10 : i32
        %add3A_1695 = arith.addi %mul3A_1404, %add3A_1694 : i32
        %get3A_1696 = arith.index_cast %add3A_1695 : i32 to index
        %get3A_1697 = arith.constant 48 : index
        %get3A_1698 = tpu.vector_load %arg10[%get3A_1696, %get3A_1697] {strides = array<i32>} : memref<160x64xf32, #tpu.memory_space<vmem>>, vector<1x16xf32>,
        %get3A_1699 = vector.shape_cast %get3A_1698 : vector<1x16xf32> to vector<16xf32>
        %add3A_1700 = arith.addf %add3A_1672, %get3A_1699 : vector<16xf32>
        %add3A_1701 = arith.constant 11 : i32
        %add3A_1702 = arith.addi %mul3A_1404, %add3A_1701 : i32
        %get3A_1703 = arith.index_cast %add3A_1702 : i32 to index
        %get3A_1704 = arith.constant 0 : index
        %get3A_1705 = tpu.vector_load %arg10[%get3A_1703, %get3A_1704] {strides = array<i32>} : memref<160x64xf32, #tpu.memory_space<vmem>>, vector<1x16xf32>,
        %get3A_1706 = vector.shape_cast %get3A_1705 : vector<1x16xf32> to vector<16xf32>
        %add3A_1707 = arith.addf %add3A_1679, %get3A_1706 : vector<16xf32>
        %add3A_1708 = arith.constant 11 : i32
        %add3A_1709 = arith.addi %mul3A_1404, %add3A_1708 : i32
        %get3A_1710 = arith.index_cast %add3A_1709 : i32 to index
        %get3A_1711 = arith.constant 16 : index
        %get3A_1712 = tpu.vector_load %arg10[%get3A_1710, %get3A_1711] {strides = array<i32>} : memref<160x64xf32, #tpu.memory_space<vmem>>, vector<1x16xf32>,
        %get3A_1713 = vector.shape_cast %get3A_1712 : vector<1x16xf32> to vector<16xf32>
        %add3A_1714 = arith.addf %add3A_1686, %get3A_1713 : vector<16xf32>
        %add3A_1715 = arith.constant 11 : i32
        %add3A_1716 = arith.addi %mul3A_1404, %add3A_1715 : i32
        %get3A_1717 = arith.index_cast %add3A_1716 : i32 to index
        %get3A_1718 = arith.constant 32 : index
        %get3A_1719 = tpu.vector_load %arg10[%get3A_1717, %get3A_1718] {strides = array<i32>} : memref<160x64xf32, #tpu.memory_space<vmem>>, vector<1x16xf32>,
        %get3A_1720 = vector.shape_cast %get3A_1719 : vector<1x16xf32> to vector<16xf32>
        %add3A_1721 = arith.addf %add3A_1693, %get3A_1720 : vector<16xf32>
        %add3A_1722 = arith.constant 11 : i32
        %add3A_1723 = arith.addi %mul3A_1404, %add3A_1722 : i32
        %get3A_1724 = arith.index_cast %add3A_1723 : i32 to index
        %get3A_1725 = arith.constant 48 : index
        %get3A_1726 = tpu.vector_load %arg10[%get3A_1724, %get3A_1725] {strides = array<i32>} : memref<160x64xf32, #tpu.memory_space<vmem>>, vector<1x16xf32>,
        %get3A_1727 = vector.shape_cast %get3A_1726 : vector<1x16xf32> to vector<16xf32>
        %add3A_1728 = arith.addf %add3A_1700, %get3A_1727 : vector<16xf32>
        %add3A_1729 = arith.constant 12 : i32
        %add3A_1730 = arith.addi %mul3A_1404, %add3A_1729 : i32
        %get3A_1731 = arith.index_cast %add3A_1730 : i32 to index
        %get3A_1732 = arith.constant 0 : index
        %get3A_1733 = tpu.vector_load %arg10[%get3A_1731, %get3A_1732] {strides = array<i32>} : memref<160x64xf32, #tpu.memory_space<vmem>>, vector<1x16xf32>,
        %get3A_1734 = vector.shape_cast %get3A_1733 : vector<1x16xf32> to vector<16xf32>
        %add3A_1735 = arith.addf %add3A_1707, %get3A_1734 : vector<16xf32>
        %add3A_1736 = arith.constant 12 : i32
        %add3A_1737 = arith.addi %mul3A_1404, %add3A_1736 : i32
        %get3A_1738 = arith.index_cast %add3A_1737 : i32 to index
        %get3A_1739 = arith.constant 16 : index
        %get3A_1740 = tpu.vector_load %arg10[%get3A_1738, %get3A_1739] {strides = array<i32>} : memref<160x64xf32, #tpu.memory_space<vmem>>, vector<1x16xf32>,
        %get3A_1741 = vector.shape_cast %get3A_1740 : vector<1x16xf32> to vector<16xf32>
        %add3A_1742 = arith.addf %add3A_1714, %get3A_1741 : vector<16xf32>
        %add3A_1743 = arith.constant 12 : i32
        %add3A_1744 = arith.addi %mul3A_1404, %add3A_1743 : i32
        %get3A_1745 = arith.index_cast %add3A_1744 : i32 to index
        %get3A_1746 = arith.constant 32 : index
        %get3A_1747 = tpu.vector_load %arg10[%get3A_1745, %get3A_1746] {strides = array<i32>} : memref<160x64xf32, #tpu.memory_space<vmem>>, vector<1x16xf32>,
        %get3A_1748 = vector.shape_cast %get3A_1747 : vector<1x16xf32> to vector<16xf32>
        %add3A_1749 = arith.addf %add3A_1721, %get3A_1748 : vector<16xf32>
        %add3A_1750 = arith.constant 12 : i32
        %add3A_1751 = arith.addi %mul3A_1404, %add3A_1750 : i32
        %get3A_1752 = arith.index_cast %add3A_1751 : i32 to index
        %get3A_1753 = arith.constant 48 : index
        %get3A_1754 = tpu.vector_load %arg10[%get3A_1752, %get3A_1753] {strides = array<i32>} : memref<160x64xf32, #tpu.memory_space<vmem>>, vector<1x16xf32>,
        %get3A_1755 = vector.shape_cast %get3A_1754 : vector<1x16xf32> to vector<16xf32>
        %add3A_1756 = arith.addf %add3A_1728, %get3A_1755 : vector<16xf32>
        %add3A_1757 = arith.constant 13 : i32
        %add3A_1758 = arith.addi %mul3A_1404, %add3A_1757 : i32
        %get3A_1759 = arith.index_cast %add3A_1758 : i32 to index
        %get3A_1760 = arith.constant 0 : index
        %get3A_1761 = tpu.vector_load %arg10[%get3A_1759, %get3A_1760] {strides = array<i32>} : memref<160x64xf32, #tpu.memory_space<vmem>>, vector<1x16xf32>,
        %get3A_1762 = vector.shape_cast %get3A_1761 : vector<1x16xf32> to vector<16xf32>
        %add3A_1763 = arith.addf %add3A_1735, %get3A_1762 : vector<16xf32>
        %add3A_1764 = arith.constant 13 : i32
        %add3A_1765 = arith.addi %mul3A_1404, %add3A_1764 : i32
        %get3A_1766 = arith.index_cast %add3A_1765 : i32 to index
        %get3A_1767 = arith.constant 16 : index
        %get3A_1768 = tpu.vector_load %arg10[%get3A_1766, %get3A_1767] {strides = array<i32>} : memref<160x64xf32, #tpu.memory_space<vmem>>, vector<1x16xf32>,
        %get3A_1769 = vector.shape_cast %get3A_1768 : vector<1x16xf32> to vector<16xf32>
        %add3A_1770 = arith.addf %add3A_1742, %get3A_1769 : vector<16xf32>
        %add3A_1771 = arith.constant 13 : i32
        %add3A_1772 = arith.addi %mul3A_1404, %add3A_1771 : i32
        %get3A_1773 = arith.index_cast %add3A_1772 : i32 to index
        %get3A_1774 = arith.constant 32 : index
        %get3A_1775 = tpu.vector_load %arg10[%get3A_1773, %get3A_1774] {strides = array<i32>} : memref<160x64xf32, #tpu.memory_space<vmem>>, vector<1x16xf32>,
        %get3A_1776 = vector.shape_cast %get3A_1775 : vector<1x16xf32> to vector<16xf32>
        %add3A_1777 = arith.addf %add3A_1749, %get3A_1776 : vector<16xf32>
        %add3A_1778 = arith.constant 13 : i32
        %add3A_1779 = arith.addi %mul3A_1404, %add3A_1778 : i32
        %get3A_1780 = arith.index_cast %add3A_1779 : i32 to index
        %get3A_1781 = arith.constant 48 : index
        %get3A_1782 = tpu.vector_load %arg10[%get3A_1780, %get3A_1781] {strides = array<i32>} : memref<160x64xf32, #tpu.memory_space<vmem>>, vector<1x16xf32>,
        %get3A_1783 = vector.shape_cast %get3A_1782 : vector<1x16xf32> to vector<16xf32>
        %add3A_1784 = arith.addf %add3A_1756, %get3A_1783 : vector<16xf32>
        %add3A_1785 = arith.constant 14 : i32
        %add3A_1786 = arith.addi %mul3A_1404, %add3A_1785 : i32
        %get3A_1787 = arith.index_cast %add3A_1786 : i32 to index
        %get3A_1788 = arith.constant 0 : index
        %get3A_1789 = tpu.vector_load %arg10[%get3A_1787, %get3A_1788] {strides = array<i32>} : memref<160x64xf32, #tpu.memory_space<vmem>>, vector<1x16xf32>,
        %get3A_1790 = vector.shape_cast %get3A_1789 : vector<1x16xf32> to vector<16xf32>
        %add3A_1791 = arith.addf %add3A_1763, %get3A_1790 : vector<16xf32>
        %add3A_1792 = arith.constant 14 : i32
        %add3A_1793 = arith.addi %mul3A_1404, %add3A_1792 : i32
        %get3A_1794 = arith.index_cast %add3A_1793 : i32 to index
        %get3A_1795 = arith.constant 16 : index
        %get3A_1796 = tpu.vector_load %arg10[%get3A_1794, %get3A_1795] {strides = array<i32>} : memref<160x64xf32, #tpu.memory_space<vmem>>, vector<1x16xf32>,
        %get3A_1797 = vector.shape_cast %get3A_1796 : vector<1x16xf32> to vector<16xf32>
        %add3A_1798 = arith.addf %add3A_1770, %get3A_1797 : vector<16xf32>
        %add3A_1799 = arith.constant 14 : i32
        %add3A_1800 = arith.addi %mul3A_1404, %add3A_1799 : i32
        %get3A_1801 = arith.index_cast %add3A_1800 : i32 to index
        %get3A_1802 = arith.constant 32 : index
        %get3A_1803 = tpu.vector_load %arg10[%get3A_1801, %get3A_1802] {strides = array<i32>} : memref<160x64xf32, #tpu.memory_space<vmem>>, vector<1x16xf32>,
        %get3A_1804 = vector.shape_cast %get3A_1803 : vector<1x16xf32> to vector<16xf32>
        %add3A_1805 = arith.addf %add3A_1777, %get3A_1804 : vector<16xf32>
        %add3A_1806 = arith.constant 14 : i32
        %add3A_1807 = arith.addi %mul3A_1404, %add3A_1806 : i32
        %get3A_1808 = arith.index_cast %add3A_1807 : i32 to index
        %get3A_1809 = arith.constant 48 : index
        %get3A_1810 = tpu.vector_load %arg10[%get3A_1808, %get3A_1809] {strides = array<i32>} : memref<160x64xf32, #tpu.memory_space<vmem>>, vector<1x16xf32>,
        %get3A_1811 = vector.shape_cast %get3A_1810 : vector<1x16xf32> to vector<16xf32>
        %add3A_1812 = arith.addf %add3A_1784, %get3A_1811 : vector<16xf32>
        %add3A_1813 = arith.constant 15 : i32
        %add3A_1814 = arith.addi %mul3A_1404, %add3A_1813 : i32
        %get3A_1815 = arith.index_cast %add3A_1814 : i32 to index
        %get3A_1816 = arith.constant 0 : index
        %get3A_1817 = tpu.vector_load %arg10[%get3A_1815, %get3A_1816] {strides = array<i32>} : memref<160x64xf32, #tpu.memory_space<vmem>>, vector<1x16xf32>,
        %get3A_1818 = vector.shape_cast %get3A_1817 : vector<1x16xf32> to vector<16xf32>
        %add3A_1819 = arith.addf %add3A_1791, %get3A_1818 : vector<16xf32>
        %add3A_1820 = arith.constant 15 : i32
        %add3A_1821 = arith.addi %mul3A_1404, %add3A_1820 : i32
        %get3A_1822 = arith.index_cast %add3A_1821 : i32 to index
        %get3A_1823 = arith.constant 16 : index
        %get3A_1824 = tpu.vector_load %arg10[%get3A_1822, %get3A_1823] {strides = array<i32>} : memref<160x64xf32, #tpu.memory_space<vmem>>, vector<1x16xf32>,
        %get3A_1825 = vector.shape_cast %get3A_1824 : vector<1x16xf32> to vector<16xf32>
        %add3A_1826 = arith.addf %add3A_1798, %get3A_1825 : vector<16xf32>
        %add3A_1827 = arith.constant 15 : i32
        %add3A_1828 = arith.addi %mul3A_1404, %add3A_1827 : i32
        %get3A_1829 = arith.index_cast %add3A_1828 : i32 to index
        %get3A_1830 = arith.constant 32 : index
        %get3A_1831 = tpu.vector_load %arg10[%get3A_1829, %get3A_1830] {strides = array<i32>} : memref<160x64xf32, #tpu.memory_space<vmem>>, vector<1x16xf32>,
        %get3A_1832 = vector.shape_cast %get3A_1831 : vector<1x16xf32> to vector<16xf32>
        %add3A_1833 = arith.addf %add3A_1805, %get3A_1832 : vector<16xf32>
        %add3A_1834 = arith.constant 15 : i32
        %add3A_1835 = arith.addi %mul3A_1404, %add3A_1834 : i32
        %get3A_1836 = arith.index_cast %add3A_1835 : i32 to index
        %get3A_1837 = arith.constant 48 : index
        %get3A_1838 = tpu.vector_load %arg10[%get3A_1836, %get3A_1837] {strides = array<i32>} : memref<160x64xf32, #tpu.memory_space<vmem>>, vector<1x16xf32>,
        %get3A_1839 = vector.shape_cast %get3A_1838 : vector<1x16xf32> to vector<16xf32>
        %add3A_1840 = arith.addf %add3A_1812, %get3A_1839 : vector<16xf32>
        %add3A_1841 = arith.constant 16 : i32
        %add3A_1842 = arith.addi %mul3A_1404, %add3A_1841 : i32
        %get3A_1843 = arith.index_cast %add3A_1842 : i32 to index
        %get3A_1844 = arith.constant 0 : index
        %get3A_1845 = tpu.vector_load %arg10[%get3A_1843, %get3A_1844] {strides = array<i32>} : memref<160x64xf32, #tpu.memory_space<vmem>>, vector<1x16xf32>,
        %get3A_1846 = vector.shape_cast %get3A_1845 : vector<1x16xf32> to vector<16xf32>
        %add3A_1847 = arith.addf %add3A_1819, %get3A_1846 : vector<16xf32>
        %add3A_1848 = arith.constant 16 : i32
        %add3A_1849 = arith.addi %mul3A_1404, %add3A_1848 : i32
        %get3A_1850 = arith.index_cast %add3A_1849 : i32 to index
        %get3A_1851 = arith.constant 16 : index
        %get3A_1852 = tpu.vector_load %arg10[%get3A_1850, %get3A_1851] {strides = array<i32>} : memref<160x64xf32, #tpu.memory_space<vmem>>, vector<1x16xf32>,
        %get3A_1853 = vector.shape_cast %get3A_1852 : vector<1x16xf32> to vector<16xf32>
        %add3A_1854 = arith.addf %add3A_1826, %get3A_1853 : vector<16xf32>
        %add3A_1855 = arith.constant 16 : i32
        %add3A_1856 = arith.addi %mul3A_1404, %add3A_1855 : i32
        %get3A_1857 = arith.index_cast %add3A_1856 : i32 to index
        %get3A_1858 = arith.constant 32 : index
        %get3A_1859 = tpu.vector_load %arg10[%get3A_1857, %get3A_1858] {strides = array<i32>} : memref<160x64xf32, #tpu.memory_space<vmem>>, vector<1x16xf32>,
        %get3A_1860 = vector.shape_cast %get3A_1859 : vector<1x16xf32> to vector<16xf32>
        %add3A_1861 = arith.addf %add3A_1833, %get3A_1860 : vector<16xf32>
        %add3A_1862 = arith.constant 16 : i32
        %add3A_1863 = arith.addi %mul3A_1404, %add3A_1862 : i32
        %get3A_1864 = arith.index_cast %add3A_1863 : i32 to index
        %get3A_1865 = arith.constant 48 : index
        %get3A_1866 = tpu.vector_load %arg10[%get3A_1864, %get3A_1865] {strides = array<i32>} : memref<160x64xf32, #tpu.memory_space<vmem>>, vector<1x16xf32>,
        %get3A_1867 = vector.shape_cast %get3A_1866 : vector<1x16xf32> to vector<16xf32>
        %add3A_1868 = arith.addf %add3A_1840, %get3A_1867 : vector<16xf32>
        %add3A_1869 = arith.constant 17 : i32
        %add3A_1870 = arith.addi %mul3A_1404, %add3A_1869 : i32
        %get3A_1871 = arith.index_cast %add3A_1870 : i32 to index
        %get3A_1872 = arith.constant 0 : index
        %get3A_1873 = tpu.vector_load %arg10[%get3A_1871, %get3A_1872] {strides = array<i32>} : memref<160x64xf32, #tpu.memory_space<vmem>>, vector<1x16xf32>,
        %get3A_1874 = vector.shape_cast %get3A_1873 : vector<1x16xf32> to vector<16xf32>
        %add3A_1875 = arith.addf %add3A_1847, %get3A_1874 : vector<16xf32>
        %add3A_1876 = arith.constant 17 : i32
        %add3A_1877 = arith.addi %mul3A_1404, %add3A_1876 : i32
        %get3A_1878 = arith.index_cast %add3A_1877 : i32 to index
        %get3A_1879 = arith.constant 16 : index
        %get3A_1880 = tpu.vector_load %arg10[%get3A_1878, %get3A_1879] {strides = array<i32>} : memref<160x64xf32, #tpu.memory_space<vmem>>, vector<1x16xf32>,
        %get3A_1881 = vector.shape_cast %get3A_1880 : vector<1x16xf32> to vector<16xf32>
        %add3A_1882 = arith.addf %add3A_1854, %get3A_1881 : vector<16xf32>
        %add3A_1883 = arith.constant 17 : i32
        %add3A_1884 = arith.addi %mul3A_1404, %add3A_1883 : i32
        %get3A_1885 = arith.index_cast %add3A_1884 : i32 to index
        %get3A_1886 = arith.constant 32 : index
        %get3A_1887 = tpu.vector_load %arg10[%get3A_1885, %get3A_1886] {strides = array<i32>} : memref<160x64xf32, #tpu.memory_space<vmem>>, vector<1x16xf32>,
        %get3A_1888 = vector.shape_cast %get3A_1887 : vector<1x16xf32> to vector<16xf32>
        %add3A_1889 = arith.addf %add3A_1861, %get3A_1888 : vector<16xf32>
        %add3A_1890 = arith.constant 17 : i32
        %add3A_1891 = arith.addi %mul3A_1404, %add3A_1890 : i32
        %get3A_1892 = arith.index_cast %add3A_1891 : i32 to index
        %get3A_1893 = arith.constant 48 : index
        %get3A_1894 = tpu.vector_load %arg10[%get3A_1892, %get3A_1893] {strides = array<i32>} : memref<160x64xf32, #tpu.memory_space<vmem>>, vector<1x16xf32>,
        %get3A_1895 = vector.shape_cast %get3A_1894 : vector<1x16xf32> to vector<16xf32>
        %add3A_1896 = arith.addf %add3A_1868, %get3A_1895 : vector<16xf32>
        %add3A_1897 = arith.constant 18 : i32
        %add3A_1898 = arith.addi %mul3A_1404, %add3A_1897 : i32
        %get3A_1899 = arith.index_cast %add3A_1898 : i32 to index
        %get3A_1900 = arith.constant 0 : index
        %get3A_1901 = tpu.vector_load %arg10[%get3A_1899, %get3A_1900] {strides = array<i32>} : memref<160x64xf32, #tpu.memory_space<vmem>>, vector<1x16xf32>,
        %get3A_1902 = vector.shape_cast %get3A_1901 : vector<1x16xf32> to vector<16xf32>
        %add3A_1903 = arith.addf %add3A_1875, %get3A_1902 : vector<16xf32>
        %add3A_1904 = arith.constant 18 : i32
        %add3A_1905 = arith.addi %mul3A_1404, %add3A_1904 : i32
        %get3A_1906 = arith.index_cast %add3A_1905 : i32 to index
        %get3A_1907 = arith.constant 16 : index
        %get3A_1908 = tpu.vector_load %arg10[%get3A_1906, %get3A_1907] {strides = array<i32>} : memref<160x64xf32, #tpu.memory_space<vmem>>, vector<1x16xf32>,
        %get3A_1909 = vector.shape_cast %get3A_1908 : vector<1x16xf32> to vector<16xf32>
        %add3A_1910 = arith.addf %add3A_1882, %get3A_1909 : vector<16xf32>
        %add3A_1911 = arith.constant 18 : i32
        %add3A_1912 = arith.addi %mul3A_1404, %add3A_1911 : i32
        %get3A_1913 = arith.index_cast %add3A_1912 : i32 to index
        %get3A_1914 = arith.constant 32 : index
        %get3A_1915 = tpu.vector_load %arg10[%get3A_1913, %get3A_1914] {strides = array<i32>} : memref<160x64xf32, #tpu.memory_space<vmem>>, vector<1x16xf32>,
        %get3A_1916 = vector.shape_cast %get3A_1915 : vector<1x16xf32> to vector<16xf32>
        %add3A_1917 = arith.addf %add3A_1889, %get3A_1916 : vector<16xf32>
        %add3A_1918 = arith.constant 18 : i32
        %add3A_1919 = arith.addi %mul3A_1404, %add3A_1918 : i32
        %get3A_1920 = arith.index_cast %add3A_1919 : i32 to index
        %get3A_1921 = arith.constant 48 : index
        %get3A_1922 = tpu.vector_load %arg10[%get3A_1920, %get3A_1921] {strides = array<i32>} : memref<160x64xf32, #tpu.memory_space<vmem>>, vector<1x16xf32>,
        %get3A_1923 = vector.shape_cast %get3A_1922 : vector<1x16xf32> to vector<16xf32>
        %add3A_1924 = arith.addf %add3A_1896, %get3A_1923 : vector<16xf32>
        %add3A_1925 = arith.constant 19 : i32
        %add3A_1926 = arith.addi %mul3A_1404, %add3A_1925 : i32
        %get3A_1927 = arith.index_cast %add3A_1926 : i32 to index
        %get3A_1928 = arith.constant 0 : index
        %get3A_1929 = tpu.vector_load %arg10[%get3A_1927, %get3A_1928] {strides = array<i32>} : memref<160x64xf32, #tpu.memory_space<vmem>>, vector<1x16xf32>,
        %get3A_1930 = vector.shape_cast %get3A_1929 : vector<1x16xf32> to vector<16xf32>
        %add3A_1931 = arith.addf %add3A_1903, %get3A_1930 : vector<16xf32>
        %add3A_1932 = arith.constant 19 : i32
        %add3A_1933 = arith.addi %mul3A_1404, %add3A_1932 : i32
        %get3A_1934 = arith.index_cast %add3A_1933 : i32 to index
        %get3A_1935 = arith.constant 16 : index
        %get3A_1936 = tpu.vector_load %arg10[%get3A_1934, %get3A_1935] {strides = array<i32>} : memref<160x64xf32, #tpu.memory_space<vmem>>, vector<1x16xf32>,
        %get3A_1937 = vector.shape_cast %get3A_1936 : vector<1x16xf32> to vector<16xf32>
        %add3A_1938 = arith.addf %add3A_1910, %get3A_1937 : vector<16xf32>
        %add3A_1939 = arith.constant 19 : i32
        %add3A_1940 = arith.addi %mul3A_1404, %add3A_1939 : i32
        %get3A_1941 = arith.index_cast %add3A_1940 : i32 to index
        %get3A_1942 = arith.constant 32 : index
        %get3A_1943 = tpu.vector_load %arg10[%get3A_1941, %get3A_1942] {strides = array<i32>} : memref<160x64xf32, #tpu.memory_space<vmem>>, vector<1x16xf32>,
        %get3A_1944 = vector.shape_cast %get3A_1943 : vector<1x16xf32> to vector<16xf32>
        %add3A_1945 = arith.addf %add3A_1917, %get3A_1944 : vector<16xf32>
        %add3A_1946 = arith.constant 19 : i32
        %add3A_1947 = arith.addi %mul3A_1404, %add3A_1946 : i32
        %get3A_1948 = arith.index_cast %add3A_1947 : i32 to index
        %get3A_1949 = arith.constant 48 : index
        %get3A_1950 = tpu.vector_load %arg10[%get3A_1948, %get3A_1949] {strides = array<i32>} : memref<160x64xf32, #tpu.memory_space<vmem>>, vector<1x16xf32>,
        %get3A_1951 = vector.shape_cast %get3A_1950 : vector<1x16xf32> to vector<16xf32>
        %add3A_1952 = arith.addf %add3A_1924, %get3A_1951 : vector<16xf32>
        %add3A_1953 = arith.constant 0 : i32
        %add3A_1954 = arith.addi %add3A_1953, %scan3A_1402 : i32
        %mul3A_1955 = arith.constant 26 : i32
        %mul3A_1956 = arith.muli %add3A_1954, %mul3A_1955 : i32
        %add3A_1957 = arith.addi %mul3A_638, %mul3A_1956 : i32
        %add3A_1958 = arith.addi %add3A_1957, %select_n3A_620 : i32
        %swap3A_1959 = arith.index_cast %add3A_1958 : i32 to index
        %swap3A_1960 = arith.constant 0 : index
        %swap3A_1961 = tpu.vector_load %arg14[%swap3A_1959, %swap3A_1960] {strides = array<i32>} : memref<832x64xf32, #tpu.memory_space<vmem>>, vector<1x16xf32>,
        %swap3A_1962 = vector.shape_cast %swap3A_1961 : vector<1x16xf32> to vector<16xf32>
        %swap3A_1963 = vector.shape_cast %add3A_1931 : vector<16xf32> to vector<1x16xf32>
        tpu.vector_store %arg14[%swap3A_1959, %swap3A_1960], %swap3A_1963 {strides = array<i32>} : memref<832x64xf32, #tpu.memory_space<vmem>>, vector<1x16xf32>,
        %swap3A_1964 = arith.index_cast %add3A_1958 : i32 to index
        %swap3A_1965 = arith.constant 16 : index
        %swap3A_1966 = tpu.vector_load %arg14[%swap3A_1964, %swap3A_1965] {strides = array<i32>} : memref<832x64xf32, #tpu.memory_space<vmem>>, vector<1x16xf32>,
        %swap3A_1967 = vector.shape_cast %swap3A_1966 : vector<1x16xf32> to vector<16xf32>
        %swap3A_1968 = vector.shape_cast %add3A_1938 : vector<16xf32> to vector<1x16xf32>
        tpu.vector_store %arg14[%swap3A_1964, %swap3A_1965], %swap3A_1968 {strides = array<i32>} : memref<832x64xf32, #tpu.memory_space<vmem>>, vector<1x16xf32>,
        %swap3A_1969 = arith.index_cast %add3A_1958 : i32 to index
        %swap3A_1970 = arith.constant 32 : index
        %swap3A_1971 = tpu.vector_load %arg14[%swap3A_1969, %swap3A_1970] {strides = array<i32>} : memref<832x64xf32, #tpu.memory_space<vmem>>, vector<1x16xf32>,
        %swap3A_1972 = vector.shape_cast %swap3A_1971 : vector<1x16xf32> to vector<16xf32>
        %swap3A_1973 = vector.shape_cast %add3A_1945 : vector<16xf32> to vector<1x16xf32>
        tpu.vector_store %arg14[%swap3A_1969, %swap3A_1970], %swap3A_1973 {strides = array<i32>} : memref<832x64xf32, #tpu.memory_space<vmem>>, vector<1x16xf32>,
        %swap3A_1974 = arith.index_cast %add3A_1958 : i32 to index
        %swap3A_1975 = arith.constant 48 : index
        %swap3A_1976 = tpu.vector_load %arg14[%swap3A_1974, %swap3A_1975] {strides = array<i32>} : memref<832x64xf32, #tpu.memory_space<vmem>>, vector<1x16xf32>,
        %swap3A_1977 = vector.shape_cast %swap3A_1976 : vector<1x16xf32> to vector<16xf32>
        %swap3A_1978 = vector.shape_cast %add3A_1952 : vector<16xf32> to vector<1x16xf32>
        tpu.vector_store %arg14[%swap3A_1974, %swap3A_1975], %swap3A_1978 {strides = array<i32>} : memref<832x64xf32, #tpu.memory_space<vmem>>, vector<1x16xf32>,
      }
      %scan3A_644 = arith.constant 8 : i32
      %eq3A_645 = arith.constant 51 : i32
      %eq3A_646 = arith.cmpi eq, %sub3A_449, %eq3A_645 : i32
      %eq3A_647 = arith.constant 0 : i32
      %eq3A_648 = arith.cmpi eq, %select_n3A_463, %eq3A_647 : i32
      %and3A_649 = arith.andi %eq3A_646, %eq3A_648 : i1
      %convert_element_type3A_650 = arith.extui %and3A_649 : i1 to i32
      %cond3A_651 = arith.constant 0 : i32
      %cond3A_652 = arith.cmpi ne, %convert_element_type3A_650, %cond3A_651 : i32
      scf.if %cond3A_652 {
        %mul3A_1402 = arith.constant 128 : i32
        %mul3A_1403 = arith.muli %add3A, %mul3A_1402 : i32
        %mul3A_1404 = arith.constant 16 : i32
        %mul3A_1405 = arith.muli %select_n3A, %mul3A_1404 : i32
        %add3A_1406 = arith.addi %mul3A_1403, %mul3A_1405 : i32
        %mul3A_1407 = arith.constant 26 : i32
        %mul3A_1408 = arith.muli %add3A_1406, %mul3A_1407 : i32
        %dma_start3A_1409 = arith.constant 0 : i32
        %dma_start3A_1410 = arith.constant 0 : i32
        %dma_start3A_1411 = tpu.memref_slice %arg14[%dma_start3A_1409, %dma_start3A_1410] : memref<832x64xf32, #tpu.memory_space<vmem>> -> memref<416x64xf32, #tpu.memory_space<vmem>>
        %dma_start3A_1412 = arith.constant 0 : i32
        %dma_start3A_1413 = tpu.memref_slice %arg4[%mul3A_1408, %dma_start3A_1412] : memref<106496x64xf32, #tpu.memory_space<hbm>> -> memref<416x64xf32, #tpu.memory_space<hbm>>
        %dma_start3A_1414 = arith.constant 0 : i32
        %dma_start3A_1415 = tpu.memref_slice %arg4[%mul3A_1408, %dma_start3A_1414] : memref<106496x64xf32, #tpu.memory_space<hbm>> -> memref<416x64xf32, #tpu.memory_space<hbm>>
        %dma_start3A_1416 = arith.constant 0 : i32
        %dma_start3A_1417 = arith.constant 0 : i32
        %dma_start3A_1418 = tpu.memref_slice %arg14[%dma_start3A_1416, %dma_start3A_1417] : memref<832x64xf32, #tpu.memory_space<vmem>> -> memref<416x64xf32, #tpu.memory_space<vmem>>
        tpu.enqueue_dma source(%dma_start3A_1418 : memref<416x64xf32, #tpu.memory_space<vmem>>) target(%dma_start3A_1415 : memref<416x64xf32, #tpu.memory_space<hbm>>) target_semaphore(%arg20 : memref<!tpu.dma_semaphore, #tpu.memory_space<semaphore_mem>>)
      } else {
      }
      %eq3A_653 = arith.constant 51 : i32
      %eq3A_654 = arith.cmpi eq, %sub3A_449, %eq3A_653 : i32
      %eq3A_655 = arith.constant 1 : i32
      %eq3A_656 = arith.cmpi eq, %select_n3A_463, %eq3A_655 : i32
      %and3A_657 = arith.andi %eq3A_654, %eq3A_656 : i1
      %convert_element_type3A_658 = arith.extui %and3A_657 : i1 to i32
      %cond3A_659 = arith.constant 0 : i32
      %cond3A_660 = arith.cmpi ne, %convert_element_type3A_658, %cond3A_659 : i32
      scf.if %cond3A_660 {
        %mul3A_1402 = arith.constant 128 : i32
        %mul3A_1403 = arith.muli %add3A, %mul3A_1402 : i32
        %mul3A_1404 = arith.constant 16 : i32
        %mul3A_1405 = arith.muli %select_n3A, %mul3A_1404 : i32
        %add3A_1406 = arith.addi %mul3A_1403, %mul3A_1405 : i32
        %mul3A_1407 = arith.constant 26 : i32
        %mul3A_1408 = arith.muli %add3A_1406, %mul3A_1407 : i32
        %dma_start3A_1409 = arith.constant 416 : i32
        %dma_start3A_1410 = arith.constant 0 : i32
        %dma_start3A_1411 = tpu.memref_slice %arg14[%dma_start3A_1409, %dma_start3A_1410] : memref<832x64xf32, #tpu.memory_space<vmem>> -> memref<416x64xf32, #tpu.memory_space<vmem>>
        %dma_start3A_1412 = arith.constant 0 : i32
        %dma_start3A_1413 = tpu.memref_slice %arg4[%mul3A_1408, %dma_start3A_1412] : memref<106496x64xf32, #tpu.memory_space<hbm>> -> memref<416x64xf32, #tpu.memory_space<hbm>>
        %dma_start3A_1414 = arith.constant 0 : i32
        %dma_start3A_1415 = tpu.memref_slice %arg4[%mul3A_1408, %dma_start3A_1414] : memref<106496x64xf32, #tpu.memory_space<hbm>> -> memref<416x64xf32, #tpu.memory_space<hbm>>
        %dma_start3A_1416 = arith.constant 416 : i32
        %dma_start3A_1417 = arith.constant 0 : i32
        %dma_start3A_1418 = tpu.memref_slice %arg14[%dma_start3A_1416, %dma_start3A_1417] : memref<832x64xf32, #tpu.memory_space<vmem>> -> memref<416x64xf32, #tpu.memory_space<vmem>>
        tpu.enqueue_dma source(%dma_start3A_1418 : memref<416x64xf32, #tpu.memory_space<vmem>>) target(%dma_start3A_1415 : memref<416x64xf32, #tpu.memory_space<hbm>>) target_semaphore(%arg21 : memref<!tpu.dma_semaphore, #tpu.memory_space<semaphore_mem>>)
      } else {
      }
      %mul3A_661 = arith.constant 4 : i32
      %mul3A_662 = arith.muli %mul3A_661, %add3A_426 : i32
      %add3A_663 = arith.constant 1 : i32
      %add3A_664 = arith.addi %mul3A_662, %add3A_663 : i32
      %jit3A_665 = arith.constant 52 : i32
      %div3A_666 = arith.divsi %add3A_664, %jit3A_665 : i32
      %sign3A_667 = arith.constant 0 : i32
      %sign3A_668 = arith.cmpi sgt, %add3A_664, %sign3A_667 : i32
      %sign3A_669 = arith.extui %sign3A_668 : i1 to i32
      %sign3A_670 = arith.constant 0 : i32
      %sign3A_671 = arith.cmpi slt, %add3A_664, %sign3A_670 : i32
      %sign3A_672 = arith.extui %sign3A_671 : i1 to i32
      %sign3A_673 = arith.subi %sign3A_669, %sign3A_672 : i32
      %sign3A_674 = arith.constant 0 : i32
      %sign3A_675 = arith.cmpi sgt, %jit3A_665, %sign3A_674 : i32
      %sign3A_676 = arith.extui %sign3A_675 : i1 to i32
      %sign3A_677 = arith.constant 0 : i32
      %sign3A_678 = arith.cmpi slt, %jit3A_665, %sign3A_677 : i32
      %sign3A_679 = arith.extui %sign3A_678 : i1 to i32
      %sign3A_680 = arith.subi %sign3A_676, %sign3A_679 : i32
      %ne3A_681 = arith.cmpi ne, %sign3A_673, %sign3A_680 : i32
      %rem3A_682 = arith.remsi %add3A_664, %jit3A_665 : i32
      %ne3A_683 = arith.constant 0 : i32
      %ne3A_684 = arith.cmpi ne, %rem3A_682, %ne3A_683 : i32
      %and3A_685 = arith.andi %ne3A_681, %ne3A_684 : i1
      %sub3A_686 = arith.constant 1 : i32
      %sub3A_687 = arith.subi %div3A_666, %sub3A_686 : i32
      %select_n3A_688 = arith.select %and3A_685, %sub3A_687, %div3A_666 : i32
      %mul3A_689 = arith.constant 52 : i32
      %mul3A_690 = arith.muli %select_n3A_688, %mul3A_689 : i32
      %sub3A_691 = arith.subi %add3A_664, %mul3A_690 : i32
      %jit3A_692 = arith.constant 2 : i32
      %eq3A_693 = arith.constant 0 : i32
      %eq3A_694 = arith.cmpi eq, %jit3A_692, %eq3A_693 : i32
      %jit3A_695 = arith.constant 1 : i32
      %select_n3A_696 = arith.select %eq3A_694, %jit3A_695, %jit3A_692 : i32
      %rem3A_697 = arith.remsi %select_n3A_688, %select_n3A_696 : i32
      %ne3A_698 = arith.constant 0 : i32
      %ne3A_699 = arith.cmpi ne, %rem3A_697, %ne3A_698 : i32
      %lt3A_700 = arith.constant 0 : i32
      %lt3A_701 = arith.cmpi slt, %rem3A_697, %lt3A_700 : i32
      %lt3A_702 = arith.constant 0 : i32
      %lt3A_703 = arith.cmpi slt, %select_n3A_696, %lt3A_702 : i32
      %ne3A_704 = arith.xori %lt3A_701, %lt3A_703 : i1
      %and3A_705 = arith.andi %ne3A_704, %ne3A_699 : i1
      %add3A_706 = arith.addi %rem3A_697, %select_n3A_696 : i32
      %select_n3A_707 = arith.select %and3A_705, %add3A_706, %rem3A_697 : i32
      %eq3A_708 = arith.constant 0 : i32
      %eq3A_709 = arith.cmpi eq, %sub3A_691, %eq3A_708 : i32
      %add3A_710 = arith.constant 1 : i32
      %add3A_711 = arith.addi %select_n3A_688, %add3A_710 : i32
      %lt3A_712 = arith.constant 8 : i32
      %lt3A_713 = arith.cmpi slt, %add3A_711, %lt3A_712 : i32
      %and3A_714 = arith.andi %eq3A_709, %lt3A_713 : i1
      %add3A_715 = arith.constant 1 : i32
      %add3A_716 = arith.addi %select_n3A_688, %add3A_715 : i32
      %jit3A_717 = arith.constant 2 : i32
      %eq3A_718 = arith.constant 0 : i32
      %eq3A_719 = arith.cmpi eq, %jit3A_717, %eq3A_718 : i32
      %jit3A_720 = arith.constant 1 : i32
      %select_n3A_721 = arith.select %eq3A_719, %jit3A_720, %jit3A_717 : i32
      %rem3A_722 = arith.remsi %add3A_716, %select_n3A_721 : i32
      %ne3A_723 = arith.constant 0 : i32
      %ne3A_724 = arith.cmpi ne, %rem3A_722, %ne3A_723 : i32
      %lt3A_725 = arith.constant 0 : i32
      %lt3A_726 = arith.cmpi slt, %rem3A_722, %lt3A_725 : i32
      %lt3A_727 = arith.constant 0 : i32
      %lt3A_728 = arith.cmpi slt, %select_n3A_721, %lt3A_727 : i32
      %ne3A_729 = arith.xori %lt3A_726, %lt3A_728 : i1
      %and3A_730 = arith.andi %ne3A_729, %ne3A_724 : i1
      %add3A_731 = arith.addi %rem3A_722, %select_n3A_721 : i32
      %select_n3A_732 = arith.select %and3A_730, %add3A_731, %rem3A_722 : i32
      %eq3A_733 = arith.constant 0 : i32
      %eq3A_734 = arith.cmpi eq, %select_n3A_732, %eq3A_733 : i32
      %and3A_735 = arith.andi %and3A_714, %eq3A_734 : i1
      %convert_element_type3A_736 = arith.extui %and3A_735 : i1 to i32
      %cond3A_737 = arith.constant 0 : i32
      %cond3A_738 = arith.cmpi ne, %convert_element_type3A_736, %cond3A_737 : i32
      scf.if %cond3A_738 {
        %add3A_1402 = arith.constant 1 : i32
        %add3A_1403 = arith.addi %select_n3A_688, %add3A_1402 : i32
        %mul3A_1404 = arith.constant 128 : i32
        %mul3A_1405 = arith.muli %add3A, %mul3A_1404 : i32
        %mul3A_1406 = arith.constant 16 : i32
        %mul3A_1407 = arith.muli %add3A_1403, %mul3A_1406 : i32
        %add3A_1408 = arith.addi %mul3A_1405, %mul3A_1407 : i32
        %mul3A_1409 = arith.constant 20 : i32
        %mul3A_1410 = arith.muli %add3A_1408, %mul3A_1409 : i32
        %multiple_of3A_1411 = tpu.assume_multiple %mul3A_1410, 8 : i32
        %dma_start3A_1412 = arith.constant 0 : i32
        %dma_start3A_1413 = arith.constant 0 : i32
        %dma_start3A_1414 = tpu.memref_slice %arg5[%dma_start3A_1412, %dma_start3A_1413] : memref<52x320xi32, #tpu.memory_space<vmem>> -> memref<26x320xi32, #tpu.memory_space<vmem>>
        %dma_start3A_1415 = arith.constant 0 : i32
        %dma_start3A_1416 = tpu.memref_slice %arg2[%dma_start3A_1415, %multiple_of3A_1411] : memref<26x81920xi32, #tpu.memory_space<hbm>> -> memref<26x320xi32, #tpu.memory_space<hbm>>
        %dma_start3A_1417 = arith.constant 0 : i32
        %dma_start3A_1418 = arith.constant 0 : i32
        %dma_start3A_1419 = tpu.memref_slice %arg5[%dma_start3A_1417, %dma_start3A_1418] : memref<52x320xi32, #tpu.memory_space<vmem>> -> memref<26x320xi32, #tpu.memory_space<vmem>>
        %dma_start3A_1420 = arith.constant 0 : i32
        %dma_start3A_1421 = tpu.memref_slice %arg2[%dma_start3A_1420, %multiple_of3A_1411] : memref<26x81920xi32, #tpu.memory_space<hbm>> -> memref<26x320xi32, #tpu.memory_space<hbm>>
        tpu.enqueue_dma source(%dma_start3A_1421 : memref<26x320xi32, #tpu.memory_space<hbm>>) target(%dma_start3A_1419 : memref<26x320xi32, #tpu.memory_space<vmem>>) target_semaphore(%arg15 : memref<!tpu.dma_semaphore, #tpu.memory_space<semaphore_mem>>)
      } else {
      }
      %eq3A_739 = arith.constant 0 : i32
      %eq3A_740 = arith.cmpi eq, %sub3A_691, %eq3A_739 : i32
      %add3A_741 = arith.constant 1 : i32
      %add3A_742 = arith.addi %select_n3A_688, %add3A_741 : i32
      %lt3A_743 = arith.constant 8 : i32
      %lt3A_744 = arith.cmpi slt, %add3A_742, %lt3A_743 : i32
      %and3A_745 = arith.andi %eq3A_740, %lt3A_744 : i1
      %add3A_746 = arith.constant 1 : i32
      %add3A_747 = arith.addi %select_n3A_688, %add3A_746 : i32
      %jit3A_748 = arith.constant 2 : i32
      %eq3A_749 = arith.constant 0 : i32
      %eq3A_750 = arith.cmpi eq, %jit3A_748, %eq3A_749 : i32
      %jit3A_751 = arith.constant 1 : i32
      %select_n3A_752 = arith.select %eq3A_750, %jit3A_751, %jit3A_748 : i32
      %rem3A_753 = arith.remsi %add3A_747, %select_n3A_752 : i32
      %ne3A_754 = arith.constant 0 : i32
      %ne3A_755 = arith.cmpi ne, %rem3A_753, %ne3A_754 : i32
      %lt3A_756 = arith.constant 0 : i32
      %lt3A_757 = arith.cmpi slt, %rem3A_753, %lt3A_756 : i32
      %lt3A_758 = arith.constant 0 : i32
      %lt3A_759 = arith.cmpi slt, %select_n3A_752, %lt3A_758 : i32
      %ne3A_760 = arith.xori %lt3A_757, %lt3A_759 : i1
      %and3A_761 = arith.andi %ne3A_760, %ne3A_755 : i1
      %add3A_762 = arith.addi %rem3A_753, %select_n3A_752 : i32
      %select_n3A_763 = arith.select %and3A_761, %add3A_762, %rem3A_753 : i32
      %eq3A_764 = arith.constant 1 : i32
      %eq3A_765 = arith.cmpi eq, %select_n3A_763, %eq3A_764 : i32
      %and3A_766 = arith.andi %and3A_745, %eq3A_765 : i1
      %convert_element_type3A_767 = arith.extui %and3A_766 : i1 to i32
      %cond3A_768 = arith.constant 0 : i32
      %cond3A_769 = arith.cmpi ne, %convert_element_type3A_767, %cond3A_768 : i32
      scf.if %cond3A_769 {
        %add3A_1402 = arith.constant 1 : i32
        %add3A_1403 = arith.addi %select_n3A_688, %add3A_1402 : i32
        %mul3A_1404 = arith.constant 128 : i32
        %mul3A_1405 = arith.muli %add3A, %mul3A_1404 : i32
        %mul3A_1406 = arith.constant 16 : i32
        %mul3A_1407 = arith.muli %add3A_1403, %mul3A_1406 : i32
        %add3A_1408 = arith.addi %mul3A_1405, %mul3A_1407 : i32
        %mul3A_1409 = arith.constant 20 : i32
        %mul3A_1410 = arith.muli %add3A_1408, %mul3A_1409 : i32
        %multiple_of3A_1411 = tpu.assume_multiple %mul3A_1410, 8 : i32
        %dma_start3A_1412 = arith.constant 26 : i32
        %dma_start3A_1413 = arith.constant 0 : i32
        %dma_start3A_1414 = tpu.memref_slice %arg5[%dma_start3A_1412, %dma_start3A_1413] : memref<52x320xi32, #tpu.memory_space<vmem>> -> memref<26x320xi32, #tpu.memory_space<vmem>>
        %dma_start3A_1415 = arith.constant 0 : i32
        %dma_start3A_1416 = tpu.memref_slice %arg2[%dma_start3A_1415, %multiple_of3A_1411] : memref<26x81920xi32, #tpu.memory_space<hbm>> -> memref<26x320xi32, #tpu.memory_space<hbm>>
        %dma_start3A_1417 = arith.constant 26 : i32
        %dma_start3A_1418 = arith.constant 0 : i32
        %dma_start3A_1419 = tpu.memref_slice %arg5[%dma_start3A_1417, %dma_start3A_1418] : memref<52x320xi32, #tpu.memory_space<vmem>> -> memref<26x320xi32, #tpu.memory_space<vmem>>
        %dma_start3A_1420 = arith.constant 0 : i32
        %dma_start3A_1421 = tpu.memref_slice %arg2[%dma_start3A_1420, %multiple_of3A_1411] : memref<26x81920xi32, #tpu.memory_space<hbm>> -> memref<26x320xi32, #tpu.memory_space<hbm>>
        tpu.enqueue_dma source(%dma_start3A_1421 : memref<26x320xi32, #tpu.memory_space<hbm>>) target(%dma_start3A_1419 : memref<26x320xi32, #tpu.memory_space<vmem>>) target_semaphore(%arg15 : memref<!tpu.dma_semaphore, #tpu.memory_space<semaphore_mem>>)
      } else {
      }
      %eq3A_770 = arith.constant 0 : i32
      %eq3A_771 = arith.cmpi eq, %sub3A_691, %eq3A_770 : i32
      %ge3A_772 = arith.constant 2 : i32
      %ge3A_773 = arith.cmpi sge, %select_n3A_688, %ge3A_772 : i32
      %and3A_774 = arith.andi %eq3A_771, %ge3A_773 : i1
      %eq3A_775 = arith.constant 0 : i32
      %eq3A_776 = arith.cmpi eq, %select_n3A_707, %eq3A_775 : i32
      %and3A_777 = arith.andi %and3A_774, %eq3A_776 : i1
      %convert_element_type3A_778 = arith.extui %and3A_777 : i1 to i32
      %cond3A_779 = arith.constant 0 : i32
      %cond3A_780 = arith.cmpi ne, %convert_element_type3A_778, %cond3A_779 : i32
      scf.if %cond3A_780 {
        %dma_wait3A_1402 = arith.constant 0 : i32
        %dma_wait3A_1403 = arith.constant 0 : i32
        %dma_wait3A_1404 = tpu.memref_slice %arg14[%dma_wait3A_1402, %dma_wait3A_1403] : memref<832x64xf32, #tpu.memory_space<vmem>> -> memref<416x64xf32, #tpu.memory_space<vmem>>
        %dma_wait3A_1405 = arith.constant 0 : i32
        %dma_wait3A_1406 = arith.constant 0 : i32
        %dma_wait3A_1407 = tpu.memref_slice %arg4[%dma_wait3A_1405, %dma_wait3A_1406] : memref<106496x64xf32, #tpu.memory_space<hbm>> -> memref<416x64xf32, #tpu.memory_space<hbm>>
        %dma_wait3A_1408 = arith.constant 0 : i32
        %dma_wait3A_1409 = arith.constant 0 : i32
        %dma_wait3A_1410 = tpu.memref_slice %arg4[%dma_wait3A_1408, %dma_wait3A_1409] : memref<106496x64xf32, #tpu.memory_space<hbm>> -> memref<416x64xf32, #tpu.memory_space<hbm>>
        %dma_wait3A_1411 = arith.constant 0 : i32
        %dma_wait3A_1412 = arith.constant 0 : i32
        %dma_wait3A_1413 = tpu.memref_slice %arg14[%dma_wait3A_1411, %dma_wait3A_1412] : memref<832x64xf32, #tpu.memory_space<vmem>> -> memref<416x64xf32, #tpu.memory_space<vmem>>
        tpu.wait_dma2 semaphore(%arg20 : memref<!tpu.dma_semaphore, #tpu.memory_space<semaphore_mem>>) src(%dma_wait3A_1413 : memref<416x64xf32, #tpu.memory_space<vmem>>) dst(%dma_wait3A_1410 : memref<416x64xf32, #tpu.memory_space<hbm>>)
      } else {
      }
      %eq3A_781 = arith.constant 0 : i32
      %eq3A_782 = arith.cmpi eq, %sub3A_691, %eq3A_781 : i32
      %ge3A_783 = arith.constant 2 : i32
      %ge3A_784 = arith.cmpi sge, %select_n3A_688, %ge3A_783 : i32
      %and3A_785 = arith.andi %eq3A_782, %ge3A_784 : i1
      %eq3A_786 = arith.constant 1 : i32
      %eq3A_787 = arith.cmpi eq, %select_n3A_707, %eq3A_786 : i32
      %and3A_788 = arith.andi %and3A_785, %eq3A_787 : i1
      %convert_element_type3A_789 = arith.extui %and3A_788 : i1 to i32
      %cond3A_790 = arith.constant 0 : i32
      %cond3A_791 = arith.cmpi ne, %convert_element_type3A_789, %cond3A_790 : i32
      scf.if %cond3A_791 {
        %dma_wait3A_1402 = arith.constant 0 : i32
        %dma_wait3A_1403 = arith.constant 0 : i32
        %dma_wait3A_1404 = tpu.memref_slice %arg14[%dma_wait3A_1402, %dma_wait3A_1403] : memref<832x64xf32, #tpu.memory_space<vmem>> -> memref<416x64xf32, #tpu.memory_space<vmem>>
        %dma_wait3A_1405 = arith.constant 0 : i32
        %dma_wait3A_1406 = arith.constant 0 : i32
        %dma_wait3A_1407 = tpu.memref_slice %arg4[%dma_wait3A_1405, %dma_wait3A_1406] : memref<106496x64xf32, #tpu.memory_space<hbm>> -> memref<416x64xf32, #tpu.memory_space<hbm>>
        %dma_wait3A_1408 = arith.constant 0 : i32
        %dma_wait3A_1409 = arith.constant 0 : i32
        %dma_wait3A_1410 = tpu.memref_slice %arg4[%dma_wait3A_1408, %dma_wait3A_1409] : memref<106496x64xf32, #tpu.memory_space<hbm>> -> memref<416x64xf32, #tpu.memory_space<hbm>>
        %dma_wait3A_1411 = arith.constant 0 : i32
        %dma_wait3A_1412 = arith.constant 0 : i32
        %dma_wait3A_1413 = tpu.memref_slice %arg14[%dma_wait3A_1411, %dma_wait3A_1412] : memref<832x64xf32, #tpu.memory_space<vmem>> -> memref<416x64xf32, #tpu.memory_space<vmem>>
        tpu.wait_dma2 semaphore(%arg21 : memref<!tpu.dma_semaphore, #tpu.memory_space<semaphore_mem>>) src(%dma_wait3A_1413 : memref<416x64xf32, #tpu.memory_space<vmem>>) dst(%dma_wait3A_1410 : memref<416x64xf32, #tpu.memory_space<hbm>>)
      } else {
      }
      %eq3A_792 = arith.constant 49 : i32
      %eq3A_793 = arith.cmpi eq, %sub3A_691, %eq3A_792 : i32
      %add3A_794 = arith.constant 1 : i32
      %add3A_795 = arith.addi %select_n3A_688, %add3A_794 : i32
      %lt3A_796 = arith.constant 8 : i32
      %lt3A_797 = arith.cmpi slt, %add3A_795, %lt3A_796 : i32
      %and3A_798 = arith.andi %eq3A_793, %lt3A_797 : i1
      %convert_element_type3A_799 = arith.extui %and3A_798 : i1 to i32
      %cond3A_800 = arith.constant 0 : i32
      %cond3A_801 = arith.cmpi ne, %convert_element_type3A_799, %cond3A_800 : i32
      scf.if %cond3A_801 {
        %dma_wait3A_1402 = arith.constant 0 : i32
        %dma_wait3A_1403 = arith.constant 0 : i32
        %dma_wait3A_1404 = tpu.memref_slice %arg5[%dma_wait3A_1402, %dma_wait3A_1403] : memref<52x320xi32, #tpu.memory_space<vmem>> -> memref<26x320xi32, #tpu.memory_space<vmem>>
        %dma_wait3A_1405 = arith.constant 0 : i32
        %dma_wait3A_1406 = arith.constant 0 : i32
        %dma_wait3A_1407 = tpu.memref_slice %arg2[%dma_wait3A_1405, %dma_wait3A_1406] : memref<26x81920xi32, #tpu.memory_space<hbm>> -> memref<26x320xi32, #tpu.memory_space<hbm>>
        %dma_wait3A_1408 = arith.constant 0 : i32
        %dma_wait3A_1409 = arith.constant 0 : i32
        %dma_wait3A_1410 = tpu.memref_slice %arg5[%dma_wait3A_1408, %dma_wait3A_1409] : memref<52x320xi32, #tpu.memory_space<vmem>> -> memref<26x320xi32, #tpu.memory_space<vmem>>
        %dma_wait3A_1411 = arith.constant 0 : i32
        %dma_wait3A_1412 = arith.constant 0 : i32
        %dma_wait3A_1413 = tpu.memref_slice %arg2[%dma_wait3A_1411, %dma_wait3A_1412] : memref<26x81920xi32, #tpu.memory_space<hbm>> -> memref<26x320xi32, #tpu.memory_space<hbm>>
        tpu.wait_dma2 semaphore(%arg15 : memref<!tpu.dma_semaphore, #tpu.memory_space<semaphore_mem>>) src(%dma_wait3A_1413 : memref<26x320xi32, #tpu.memory_space<hbm>>) dst(%dma_wait3A_1410 : memref<26x320xi32, #tpu.memory_space<vmem>>)
      } else {
      }
      %add3A_802 = arith.constant 4 : i32
      %add3A_803 = arith.addi %add3A_664, %add3A_802 : i32
      %sub3A_804 = arith.constant 1 : i32
      %sub3A_805 = arith.subi %add3A_803, %sub3A_804 : i32
      %lt3A_806 = arith.constant 416 : i32
      %lt3A_807 = arith.cmpi slt, %sub3A_805, %lt3A_806 : i32
      %convert_element_type3A_808 = arith.extui %lt3A_807 : i1 to i32
      %cond3A_809 = arith.constant 0 : i32
      %cond3A_810 = arith.cmpi ne, %convert_element_type3A_808, %cond3A_809 : i32
      scf.if %cond3A_810 {
        %add3A_1402 = arith.constant 4 : i32
        %add3A_1403 = arith.addi %add3A_664, %add3A_1402 : i32
        %sub3A_1404 = arith.constant 1 : i32
        %sub3A_1405 = arith.subi %add3A_1403, %sub3A_1404 : i32
        %jit3A_1406 = arith.constant 52 : i32
        %div3A_1407 = arith.divsi %sub3A_1405, %jit3A_1406 : i32
        %sign3A_1408 = arith.constant 0 : i32
        %sign3A_1409 = arith.cmpi sgt, %sub3A_1405, %sign3A_1408 : i32
        %sign3A_1410 = arith.extui %sign3A_1409 : i1 to i32
        %sign3A_1411 = arith.constant 0 : i32
        %sign3A_1412 = arith.cmpi slt, %sub3A_1405, %sign3A_1411 : i32
        %sign3A_1413 = arith.extui %sign3A_1412 : i1 to i32
        %sign3A_1414 = arith.subi %sign3A_1410, %sign3A_1413 : i32
        %sign3A_1415 = arith.constant 0 : i32
        %sign3A_1416 = arith.cmpi sgt, %jit3A_1406, %sign3A_1415 : i32
        %sign3A_1417 = arith.extui %sign3A_1416 : i1 to i32
        %sign3A_1418 = arith.constant 0 : i32
        %sign3A_1419 = arith.cmpi slt, %jit3A_1406, %sign3A_1418 : i32
        %sign3A_1420 = arith.extui %sign3A_1419 : i1 to i32
        %sign3A_1421 = arith.subi %sign3A_1417, %sign3A_1420 : i32
        %ne3A_1422 = arith.cmpi ne, %sign3A_1414, %sign3A_1421 : i32
        %rem3A_1423 = arith.remsi %sub3A_1405, %jit3A_1406 : i32
        %ne3A_1424 = arith.constant 0 : i32
        %ne3A_1425 = arith.cmpi ne, %rem3A_1423, %ne3A_1424 : i32
        %and3A_1426 = arith.andi %ne3A_1422, %ne3A_1425 : i1
        %sub3A_1427 = arith.constant 1 : i32
        %sub3A_1428 = arith.subi %div3A_1407, %sub3A_1427 : i32
        %select_n3A_1429 = arith.select %and3A_1426, %sub3A_1428, %div3A_1407 : i32
        %mul3A_1430 = arith.constant 52 : i32
        %mul3A_1431 = arith.muli %select_n3A_1429, %mul3A_1430 : i32
        %sub3A_1432 = arith.subi %sub3A_1405, %mul3A_1431 : i32
        %jit3A_1433 = arith.constant 2 : i32
        %div3A_1434 = arith.divsi %sub3A_1432, %jit3A_1433 : i32
        %sign3A_1435 = arith.constant 0 : i32
        %sign3A_1436 = arith.cmpi sgt, %sub3A_1432, %sign3A_1435 : i32
        %sign3A_1437 = arith.extui %sign3A_1436 : i1 to i32
        %sign3A_1438 = arith.constant 0 : i32
        %sign3A_1439 = arith.cmpi slt, %sub3A_1432, %sign3A_1438 : i32
        %sign3A_1440 = arith.extui %sign3A_1439 : i1 to i32
        %sign3A_1441 = arith.subi %sign3A_1437, %sign3A_1440 : i32
        %sign3A_1442 = arith.constant 0 : i32
        %sign3A_1443 = arith.cmpi sgt, %jit3A_1433, %sign3A_1442 : i32
        %sign3A_1444 = arith.extui %sign3A_1443 : i1 to i32
        %sign3A_1445 = arith.constant 0 : i32
        %sign3A_1446 = arith.cmpi slt, %jit3A_1433, %sign3A_1445 : i32
        %sign3A_1447 = arith.extui %sign3A_1446 : i1 to i32
        %sign3A_1448 = arith.subi %sign3A_1444, %sign3A_1447 : i32
        %ne3A_1449 = arith.cmpi ne, %sign3A_1441, %sign3A_1448 : i32
        %rem3A_1450 = arith.remsi %sub3A_1432, %jit3A_1433 : i32
        %ne3A_1451 = arith.constant 0 : i32
        %ne3A_1452 = arith.cmpi ne, %rem3A_1450, %ne3A_1451 : i32
        %and3A_1453 = arith.andi %ne3A_1449, %ne3A_1452 : i1
        %sub3A_1454 = arith.constant 1 : i32
        %sub3A_1455 = arith.subi %div3A_1434, %sub3A_1454 : i32
        %select_n3A_1456 = arith.select %and3A_1453, %sub3A_1455, %div3A_1434 : i32
        %jit3A_1457 = arith.constant 2 : i32
        %eq3A_1458 = arith.constant 0 : i32
        %eq3A_1459 = arith.cmpi eq, %jit3A_1457, %eq3A_1458 : i32
        %jit3A_1460 = arith.constant 1 : i32
        %select_n3A_1461 = arith.select %eq3A_1459, %jit3A_1460, %jit3A_1457 : i32
        %rem3A_1462 = arith.remsi %select_n3A_1429, %select_n3A_1461 : i32
        %ne3A_1463 = arith.constant 0 : i32
        %ne3A_1464 = arith.cmpi ne, %rem3A_1462, %ne3A_1463 : i32
        %lt3A_1465 = arith.constant 0 : i32
        %lt3A_1466 = arith.cmpi slt, %rem3A_1462, %lt3A_1465 : i32
        %lt3A_1467 = arith.constant 0 : i32
        %lt3A_1468 = arith.cmpi slt, %select_n3A_1461, %lt3A_1467 : i32
        %ne3A_1469 = arith.xori %lt3A_1466, %lt3A_1468 : i1
        %and3A_1470 = arith.andi %ne3A_1469, %ne3A_1464 : i1
        %add3A_1471 = arith.addi %rem3A_1462, %select_n3A_1461 : i32
        %select_n3A_1472 = arith.select %and3A_1470, %add3A_1471, %rem3A_1462 : i32
        %mul3A_1473 = arith.constant 26 : i32
        %mul3A_1474 = arith.muli %select_n3A_1472, %mul3A_1473 : i32
        %add3A_1475 = arith.addi %mul3A_1474, %select_n3A_1456 : i32
        %mul3A_1476 = arith.constant 100000 : i32
        %mul3A_1477 = arith.muli %select_n3A_1456, %mul3A_1476 : i32
        %get3A_1478 = arith.index_cast %add3A_1475 : i32 to index
        %get3A_1479 = arith.constant 0 : index
        %get3A_1480 = tpu.vector_load %arg5[%get3A_1478, %get3A_1479] {strides = array<i32>} : memref<52x320xi32, #tpu.memory_space<vmem>>, vector<1x16xi32>,
        %get3A_1481 = vector.shape_cast %get3A_1480 : vector<1x16xi32> to vector<16xi32>
        %add3A_1482 = vector.broadcast %mul3A_1477 : i32 to vector<16xi32>
        %add3A_1483 = arith.addi %get3A_1481, %add3A_1482 : vector<16xi32>
        %swap3A_1484 = arith.constant 0 : index
        %swap3A_1485 = tpu.vector_load %arg6[%swap3A_1484] {strides = array<i32>} : memref<160xi32, #tpu.memory_space<vmem>>, vector<16xi32>,
        %swap3A_1486 = vector.shape_cast %swap3A_1485 : vector<16xi32> to vector<16xi32>
        %swap3A_1487 = vector.shape_cast %add3A_1483 : vector<16xi32> to vector<16xi32>
        tpu.vector_store %arg6[%swap3A_1484], %swap3A_1487 {strides = array<i32>} : memref<160xi32, #tpu.memory_space<vmem>>, vector<16xi32>,
        %get3A_1488 = arith.index_cast %add3A_1475 : i32 to index
        %get3A_1489 = arith.constant 16 : index
        %get3A_1490 = tpu.vector_load %arg5[%get3A_1488, %get3A_1489] {strides = array<i32>} : memref<52x320xi32, #tpu.memory_space<vmem>>, vector<1x16xi32>,
        %get3A_1491 = vector.shape_cast %get3A_1490 : vector<1x16xi32> to vector<16xi32>
        %add3A_1492 = vector.broadcast %mul3A_1477 : i32 to vector<16xi32>
        %add3A_1493 = arith.addi %get3A_1491, %add3A_1492 : vector<16xi32>
        %swap3A_1494 = arith.constant 16 : index
        %swap3A_1495 = tpu.vector_load %arg6[%swap3A_1494] {strides = array<i32>} : memref<160xi32, #tpu.memory_space<vmem>>, vector<16xi32>,
        %swap3A_1496 = vector.shape_cast %swap3A_1495 : vector<16xi32> to vector<16xi32>
        %swap3A_1497 = vector.shape_cast %add3A_1493 : vector<16xi32> to vector<16xi32>
        tpu.vector_store %arg6[%swap3A_1494], %swap3A_1497 {strides = array<i32>} : memref<160xi32, #tpu.memory_space<vmem>>, vector<16xi32>,
        %get3A_1498 = arith.index_cast %add3A_1475 : i32 to index
        %get3A_1499 = arith.constant 32 : index
        %get3A_1500 = tpu.vector_load %arg5[%get3A_1498, %get3A_1499] {strides = array<i32>} : memref<52x320xi32, #tpu.memory_space<vmem>>, vector<1x16xi32>,
        %get3A_1501 = vector.shape_cast %get3A_1500 : vector<1x16xi32> to vector<16xi32>
        %add3A_1502 = vector.broadcast %mul3A_1477 : i32 to vector<16xi32>
        %add3A_1503 = arith.addi %get3A_1501, %add3A_1502 : vector<16xi32>
        %swap3A_1504 = arith.constant 32 : index
        %swap3A_1505 = tpu.vector_load %arg6[%swap3A_1504] {strides = array<i32>} : memref<160xi32, #tpu.memory_space<vmem>>, vector<16xi32>,
        %swap3A_1506 = vector.shape_cast %swap3A_1505 : vector<16xi32> to vector<16xi32>
        %swap3A_1507 = vector.shape_cast %add3A_1503 : vector<16xi32> to vector<16xi32>
        tpu.vector_store %arg6[%swap3A_1504], %swap3A_1507 {strides = array<i32>} : memref<160xi32, #tpu.memory_space<vmem>>, vector<16xi32>,
        %get3A_1508 = arith.index_cast %add3A_1475 : i32 to index
        %get3A_1509 = arith.constant 48 : index
        %get3A_1510 = tpu.vector_load %arg5[%get3A_1508, %get3A_1509] {strides = array<i32>} : memref<52x320xi32, #tpu.memory_space<vmem>>, vector<1x16xi32>,
        %get3A_1511 = vector.shape_cast %get3A_1510 : vector<1x16xi32> to vector<16xi32>
        %add3A_1512 = vector.broadcast %mul3A_1477 : i32 to vector<16xi32>
        %add3A_1513 = arith.addi %get3A_1511, %add3A_1512 : vector<16xi32>
        %swap3A_1514 = arith.constant 48 : index
        %swap3A_1515 = tpu.vector_load %arg6[%swap3A_1514] {strides = array<i32>} : memref<160xi32, #tpu.memory_space<vmem>>, vector<16xi32>,
        %swap3A_1516 = vector.shape_cast %swap3A_1515 : vector<16xi32> to vector<16xi32>
        %swap3A_1517 = vector.shape_cast %add3A_1513 : vector<16xi32> to vector<16xi32>
        tpu.vector_store %arg6[%swap3A_1514], %swap3A_1517 {strides = array<i32>} : memref<160xi32, #tpu.memory_space<vmem>>, vector<16xi32>,
        %get3A_1518 = arith.index_cast %add3A_1475 : i32 to index
        %get3A_1519 = arith.constant 64 : index
        %get3A_1520 = tpu.vector_load %arg5[%get3A_1518, %get3A_1519] {strides = array<i32>} : memref<52x320xi32, #tpu.memory_space<vmem>>, vector<1x16xi32>,
        %get3A_1521 = vector.shape_cast %get3A_1520 : vector<1x16xi32> to vector<16xi32>
        %add3A_1522 = vector.broadcast %mul3A_1477 : i32 to vector<16xi32>
        %add3A_1523 = arith.addi %get3A_1521, %add3A_1522 : vector<16xi32>
        %swap3A_1524 = arith.constant 64 : index
        %swap3A_1525 = tpu.vector_load %arg6[%swap3A_1524] {strides = array<i32>} : memref<160xi32, #tpu.memory_space<vmem>>, vector<16xi32>,
        %swap3A_1526 = vector.shape_cast %swap3A_1525 : vector<16xi32> to vector<16xi32>
        %swap3A_1527 = vector.shape_cast %add3A_1523 : vector<16xi32> to vector<16xi32>
        tpu.vector_store %arg6[%swap3A_1524], %swap3A_1527 {strides = array<i32>} : memref<160xi32, #tpu.memory_space<vmem>>, vector<16xi32>,
        %get3A_1528 = arith.index_cast %add3A_1475 : i32 to index
        %get3A_1529 = arith.constant 80 : index
        %get3A_1530 = tpu.vector_load %arg5[%get3A_1528, %get3A_1529] {strides = array<i32>} : memref<52x320xi32, #tpu.memory_space<vmem>>, vector<1x16xi32>,
        %get3A_1531 = vector.shape_cast %get3A_1530 : vector<1x16xi32> to vector<16xi32>
        %add3A_1532 = vector.broadcast %mul3A_1477 : i32 to vector<16xi32>
        %add3A_1533 = arith.addi %get3A_1531, %add3A_1532 : vector<16xi32>
        %swap3A_1534 = arith.constant 80 : index
        %swap3A_1535 = tpu.vector_load %arg6[%swap3A_1534] {strides = array<i32>} : memref<160xi32, #tpu.memory_space<vmem>>, vector<16xi32>,
        %swap3A_1536 = vector.shape_cast %swap3A_1535 : vector<16xi32> to vector<16xi32>
        %swap3A_1537 = vector.shape_cast %add3A_1533 : vector<16xi32> to vector<16xi32>
        tpu.vector_store %arg6[%swap3A_1534], %swap3A_1537 {strides = array<i32>} : memref<160xi32, #tpu.memory_space<vmem>>, vector<16xi32>,
        %get3A_1538 = arith.index_cast %add3A_1475 : i32 to index
        %get3A_1539 = arith.constant 96 : index
        %get3A_1540 = tpu.vector_load %arg5[%get3A_1538, %get3A_1539] {strides = array<i32>} : memref<52x320xi32, #tpu.memory_space<vmem>>, vector<1x16xi32>,
        %get3A_1541 = vector.shape_cast %get3A_1540 : vector<1x16xi32> to vector<16xi32>
        %add3A_1542 = vector.broadcast %mul3A_1477 : i32 to vector<16xi32>
        %add3A_1543 = arith.addi %get3A_1541, %add3A_1542 : vector<16xi32>
        %swap3A_1544 = arith.constant 96 : index
        %swap3A_1545 = tpu.vector_load %arg6[%swap3A_1544] {strides = array<i32>} : memref<160xi32, #tpu.memory_space<vmem>>, vector<16xi32>,
        %swap3A_1546 = vector.shape_cast %swap3A_1545 : vector<16xi32> to vector<16xi32>
        %swap3A_1547 = vector.shape_cast %add3A_1543 : vector<16xi32> to vector<16xi32>
        tpu.vector_store %arg6[%swap3A_1544], %swap3A_1547 {strides = array<i32>} : memref<160xi32, #tpu.memory_space<vmem>>, vector<16xi32>,
        %get3A_1548 = arith.index_cast %add3A_1475 : i32 to index
        %get3A_1549 = arith.constant 112 : index
        %get3A_1550 = tpu.vector_load %arg5[%get3A_1548, %get3A_1549] {strides = array<i32>} : memref<52x320xi32, #tpu.memory_space<vmem>>, vector<1x16xi32>,
        %get3A_1551 = vector.shape_cast %get3A_1550 : vector<1x16xi32> to vector<16xi32>
        %add3A_1552 = vector.broadcast %mul3A_1477 : i32 to vector<16xi32>
        %add3A_1553 = arith.addi %get3A_1551, %add3A_1552 : vector<16xi32>
        %swap3A_1554 = arith.constant 112 : index
        %swap3A_1555 = tpu.vector_load %arg6[%swap3A_1554] {strides = array<i32>} : memref<160xi32, #tpu.memory_space<vmem>>, vector<16xi32>,
        %swap3A_1556 = vector.shape_cast %swap3A_1555 : vector<16xi32> to vector<16xi32>
        %swap3A_1557 = vector.shape_cast %add3A_1553 : vector<16xi32> to vector<16xi32>
        tpu.vector_store %arg6[%swap3A_1554], %swap3A_1557 {strides = array<i32>} : memref<160xi32, #tpu.memory_space<vmem>>, vector<16xi32>,
        %get3A_1558 = arith.index_cast %add3A_1475 : i32 to index
        %get3A_1559 = arith.constant 128 : index
        %get3A_1560 = tpu.vector_load %arg5[%get3A_1558, %get3A_1559] {strides = array<i32>} : memref<52x320xi32, #tpu.memory_space<vmem>>, vector<1x16xi32>,
        %get3A_1561 = vector.shape_cast %get3A_1560 : vector<1x16xi32> to vector<16xi32>
        %add3A_1562 = vector.broadcast %mul3A_1477 : i32 to vector<16xi32>
        %add3A_1563 = arith.addi %get3A_1561, %add3A_1562 : vector<16xi32>
        %swap3A_1564 = arith.constant 128 : index
        %swap3A_1565 = tpu.vector_load %arg6[%swap3A_1564] {strides = array<i32>} : memref<160xi32, #tpu.memory_space<vmem>>, vector<16xi32>,
        %swap3A_1566 = vector.shape_cast %swap3A_1565 : vector<16xi32> to vector<16xi32>
        %swap3A_1567 = vector.shape_cast %add3A_1563 : vector<16xi32> to vector<16xi32>
        tpu.vector_store %arg6[%swap3A_1564], %swap3A_1567 {strides = array<i32>} : memref<160xi32, #tpu.memory_space<vmem>>, vector<16xi32>,
        %get3A_1568 = arith.index_cast %add3A_1475 : i32 to index
        %get3A_1569 = arith.constant 144 : index
        %get3A_1570 = tpu.vector_load %arg5[%get3A_1568, %get3A_1569] {strides = array<i32>} : memref<52x320xi32, #tpu.memory_space<vmem>>, vector<1x16xi32>,
        %get3A_1571 = vector.shape_cast %get3A_1570 : vector<1x16xi32> to vector<16xi32>
        %add3A_1572 = vector.broadcast %mul3A_1477 : i32 to vector<16xi32>
        %add3A_1573 = arith.addi %get3A_1571, %add3A_1572 : vector<16xi32>
        %swap3A_1574 = arith.constant 144 : index
        %swap3A_1575 = tpu.vector_load %arg6[%swap3A_1574] {strides = array<i32>} : memref<160xi32, #tpu.memory_space<vmem>>, vector<16xi32>,
        %swap3A_1576 = vector.shape_cast %swap3A_1575 : vector<16xi32> to vector<16xi32>
        %swap3A_1577 = vector.shape_cast %add3A_1573 : vector<16xi32> to vector<16xi32>
        tpu.vector_store %arg6[%swap3A_1574], %swap3A_1577 {strides = array<i32>} : memref<160xi32, #tpu.memory_space<vmem>>, vector<16xi32>,
        %dma_start3A_1578 = arith.constant 0 : i32
        %dma_start3A_1579 = arith.constant 0 : i32
        %dma_start3A_1580 = tpu.memref_slice %arg3[%dma_start3A_1578, %dma_start3A_1579] : memref<2600000x64xf32, #tpu.memory_space<hbm>> -> memref<2600000x64xf32, #tpu.memory_space<hbm>>
        tpu.enqueue_indirect_dma source(%dma_start3A_1580 : memref<2600000x64xf32, #tpu.memory_space<hbm>>) target(%arg10 : memref<160x64xf32, #tpu.memory_space<vmem>>) offsets(%arg6 : memref<160xi32, #tpu.memory_space<vmem>>) semaphore(%arg16 : memref<!tpu.dma_semaphore, #tpu.memory_space<semaphore_mem>>)
      } else {
      }
      %dma_wait3A_811 = arith.constant 0 : i32
      %dma_wait3A_812 = arith.constant 0 : i32
      %dma_wait3A_813 = tpu.memref_slice %arg3[%dma_wait3A_811, %dma_wait3A_812] : memref<2600000x64xf32, #tpu.memory_space<hbm>> -> memref<160x64xf32, #tpu.memory_space<hbm>>
      %dma_wait3A_814 = arith.constant 0 : i32
      %dma_wait3A_815 = arith.constant 0 : i32
      %dma_wait3A_816 = tpu.memref_slice %arg3[%dma_wait3A_814, %dma_wait3A_815] : memref<2600000x64xf32, #tpu.memory_space<hbm>> -> memref<160x64xf32, #tpu.memory_space<hbm>>
      tpu.wait_dma2 semaphore(%arg17 : memref<!tpu.dma_semaphore, #tpu.memory_space<semaphore_mem>>) src(%dma_wait3A_816 : memref<160x64xf32, #tpu.memory_space<hbm>>) dst(%arg11 : memref<160x64xf32, #tpu.memory_space<vmem>>)
      %jit3A_817 = arith.constant 52 : i32
      %div3A_818 = arith.divsi %add3A_664, %jit3A_817 : i32
      %sign3A_819 = arith.constant 0 : i32
      %sign3A_820 = arith.cmpi sgt, %add3A_664, %sign3A_819 : i32
      %sign3A_821 = arith.extui %sign3A_820 : i1 to i32
      %sign3A_822 = arith.constant 0 : i32
      %sign3A_823 = arith.cmpi slt, %add3A_664, %sign3A_822 : i32
      %sign3A_824 = arith.extui %sign3A_823 : i1 to i32
      %sign3A_825 = arith.subi %sign3A_821, %sign3A_824 : i32
      %sign3A_826 = arith.constant 0 : i32
      %sign3A_827 = arith.cmpi sgt, %jit3A_817, %sign3A_826 : i32
      %sign3A_828 = arith.extui %sign3A_827 : i1 to i32
      %sign3A_829 = arith.constant 0 : i32
      %sign3A_830 = arith.cmpi slt, %jit3A_817, %sign3A_829 : i32
      %sign3A_831 = arith.extui %sign3A_830 : i1 to i32
      %sign3A_832 = arith.subi %sign3A_828, %sign3A_831 : i32
      %ne3A_833 = arith.cmpi ne, %sign3A_825, %sign3A_832 : i32
      %rem3A_834 = arith.remsi %add3A_664, %jit3A_817 : i32
      %ne3A_835 = arith.constant 0 : i32
      %ne3A_836 = arith.cmpi ne, %rem3A_834, %ne3A_835 : i32
      %and3A_837 = arith.andi %ne3A_833, %ne3A_836 : i1
      %sub3A_838 = arith.constant 1 : i32
      %sub3A_839 = arith.subi %div3A_818, %sub3A_838 : i32
      %select_n3A_840 = arith.select %and3A_837, %sub3A_839, %div3A_818 : i32
      %mul3A_841 = arith.constant 52 : i32
      %mul3A_842 = arith.muli %select_n3A_840, %mul3A_841 : i32
      %sub3A_843 = arith.subi %add3A_664, %mul3A_842 : i32
      %jit3A_844 = arith.constant 2 : i32
      %div3A_845 = arith.divsi %sub3A_843, %jit3A_844 : i32
      %sign3A_846 = arith.constant 0 : i32
      %sign3A_847 = arith.cmpi sgt, %sub3A_843, %sign3A_846 : i32
      %sign3A_848 = arith.extui %sign3A_847 : i1 to i32
      %sign3A_849 = arith.constant 0 : i32
      %sign3A_850 = arith.cmpi slt, %sub3A_843, %sign3A_849 : i32
      %sign3A_851 = arith.extui %sign3A_850 : i1 to i32
      %sign3A_852 = arith.subi %sign3A_848, %sign3A_851 : i32
      %sign3A_853 = arith.constant 0 : i32
      %sign3A_854 = arith.cmpi sgt, %jit3A_844, %sign3A_853 : i32
      %sign3A_855 = arith.extui %sign3A_854 : i1 to i32
      %sign3A_856 = arith.constant 0 : i32
      %sign3A_857 = arith.cmpi slt, %jit3A_844, %sign3A_856 : i32
      %sign3A_858 = arith.extui %sign3A_857 : i1 to i32
      %sign3A_859 = arith.subi %sign3A_855, %sign3A_858 : i32
      %ne3A_860 = arith.cmpi ne, %sign3A_852, %sign3A_859 : i32
      %rem3A_861 = arith.remsi %sub3A_843, %jit3A_844 : i32
      %ne3A_862 = arith.constant 0 : i32
      %ne3A_863 = arith.cmpi ne, %rem3A_861, %ne3A_862 : i32
      %and3A_864 = arith.andi %ne3A_860, %ne3A_863 : i1
      %sub3A_865 = arith.constant 1 : i32
      %sub3A_866 = arith.subi %div3A_845, %sub3A_865 : i32
      %select_n3A_867 = arith.select %and3A_864, %sub3A_866, %div3A_845 : i32
      %jit3A_868 = arith.constant 2 : i32
      %eq3A_869 = arith.constant 0 : i32
      %eq3A_870 = arith.cmpi eq, %jit3A_868, %eq3A_869 : i32
      %jit3A_871 = arith.constant 1 : i32
      %select_n3A_872 = arith.select %eq3A_870, %jit3A_871, %jit3A_868 : i32
      %rem3A_873 = arith.remsi %select_n3A_840, %select_n3A_872 : i32
      %ne3A_874 = arith.constant 0 : i32
      %ne3A_875 = arith.cmpi ne, %rem3A_873, %ne3A_874 : i32
      %lt3A_876 = arith.constant 0 : i32
      %lt3A_877 = arith.cmpi slt, %rem3A_873, %lt3A_876 : i32
      %lt3A_878 = arith.constant 0 : i32
      %lt3A_879 = arith.cmpi slt, %select_n3A_872, %lt3A_878 : i32
      %ne3A_880 = arith.xori %lt3A_877, %lt3A_879 : i1
      %and3A_881 = arith.andi %ne3A_880, %ne3A_875 : i1
      %add3A_882 = arith.addi %rem3A_873, %select_n3A_872 : i32
      %select_n3A_883 = arith.select %and3A_881, %add3A_882, %rem3A_873 : i32
      %mul3A_884 = arith.constant 416 : i32
      %mul3A_885 = arith.muli %select_n3A_883, %mul3A_884 : i32
      %scan3A_886 = arith.constant 0 : i32
      %scan3A_887 = arith.constant 0 : i32
      %scan3A_888 = arith.constant 8 : i32
      %scan3A_889 = arith.addi %scan3A_887, %scan3A_888 : i32
      %scan3A_890 = arith.constant 1 : i32
      scf.for %scan3A_1402 = %scan3A_887 to %scan3A_889 step %scan3A_890  : i32 {
        %mul3A_1403 = arith.constant 20 : i32
        %mul3A_1404 = arith.muli %scan3A_1402, %mul3A_1403 : i32
        %get3A_1405 = arith.index_cast %mul3A_1404 : i32 to index
        %get3A_1406 = arith.constant 0 : index
        %get3A_1407 = tpu.vector_load %arg11[%get3A_1405, %get3A_1406] {strides = array<i32>} : memref<160x64xf32, #tpu.memory_space<vmem>>, vector<1x16xf32>,
        %get3A_1408 = vector.shape_cast %get3A_1407 : vector<1x16xf32> to vector<16xf32>
        %get3A_1409 = arith.index_cast %mul3A_1404 : i32 to index
        %get3A_1410 = arith.constant 16 : index
        %get3A_1411 = tpu.vector_load %arg11[%get3A_1409, %get3A_1410] {strides = array<i32>} : memref<160x64xf32, #tpu.memory_space<vmem>>, vector<1x16xf32>,
        %get3A_1412 = vector.shape_cast %get3A_1411 : vector<1x16xf32> to vector<16xf32>
        %get3A_1413 = arith.index_cast %mul3A_1404 : i32 to index
        %get3A_1414 = arith.constant 32 : index
        %get3A_1415 = tpu.vector_load %arg11[%get3A_1413, %get3A_1414] {strides = array<i32>} : memref<160x64xf32, #tpu.memory_space<vmem>>, vector<1x16xf32>,
        %get3A_1416 = vector.shape_cast %get3A_1415 : vector<1x16xf32> to vector<16xf32>
        %get3A_1417 = arith.index_cast %mul3A_1404 : i32 to index
        %get3A_1418 = arith.constant 48 : index
        %get3A_1419 = tpu.vector_load %arg11[%get3A_1417, %get3A_1418] {strides = array<i32>} : memref<160x64xf32, #tpu.memory_space<vmem>>, vector<1x16xf32>,
        %get3A_1420 = vector.shape_cast %get3A_1419 : vector<1x16xf32> to vector<16xf32>
        %add3A_1421 = arith.constant 1 : i32
        %add3A_1422 = arith.addi %mul3A_1404, %add3A_1421 : i32
        %get3A_1423 = arith.index_cast %add3A_1422 : i32 to index
        %get3A_1424 = arith.constant 0 : index
        %get3A_1425 = tpu.vector_load %arg11[%get3A_1423, %get3A_1424] {strides = array<i32>} : memref<160x64xf32, #tpu.memory_space<vmem>>, vector<1x16xf32>,
        %get3A_1426 = vector.shape_cast %get3A_1425 : vector<1x16xf32> to vector<16xf32>
        %add3A_1427 = arith.addf %get3A_1408, %get3A_1426 : vector<16xf32>
        %add3A_1428 = arith.constant 1 : i32
        %add3A_1429 = arith.addi %mul3A_1404, %add3A_1428 : i32
        %get3A_1430 = arith.index_cast %add3A_1429 : i32 to index
        %get3A_1431 = arith.constant 16 : index
        %get3A_1432 = tpu.vector_load %arg11[%get3A_1430, %get3A_1431] {strides = array<i32>} : memref<160x64xf32, #tpu.memory_space<vmem>>, vector<1x16xf32>,
        %get3A_1433 = vector.shape_cast %get3A_1432 : vector<1x16xf32> to vector<16xf32>
        %add3A_1434 = arith.addf %get3A_1412, %get3A_1433 : vector<16xf32>
        %add3A_1435 = arith.constant 1 : i32
        %add3A_1436 = arith.addi %mul3A_1404, %add3A_1435 : i32
        %get3A_1437 = arith.index_cast %add3A_1436 : i32 to index
        %get3A_1438 = arith.constant 32 : index
        %get3A_1439 = tpu.vector_load %arg11[%get3A_1437, %get3A_1438] {strides = array<i32>} : memref<160x64xf32, #tpu.memory_space<vmem>>, vector<1x16xf32>,
        %get3A_1440 = vector.shape_cast %get3A_1439 : vector<1x16xf32> to vector<16xf32>
        %add3A_1441 = arith.addf %get3A_1416, %get3A_1440 : vector<16xf32>
        %add3A_1442 = arith.constant 1 : i32
        %add3A_1443 = arith.addi %mul3A_1404, %add3A_1442 : i32
        %get3A_1444 = arith.index_cast %add3A_1443 : i32 to index
        %get3A_1445 = arith.constant 48 : index
        %get3A_1446 = tpu.vector_load %arg11[%get3A_1444, %get3A_1445] {strides = array<i32>} : memref<160x64xf32, #tpu.memory_space<vmem>>, vector<1x16xf32>,
        %get3A_1447 = vector.shape_cast %get3A_1446 : vector<1x16xf32> to vector<16xf32>
        %add3A_1448 = arith.addf %get3A_1420, %get3A_1447 : vector<16xf32>
        %add3A_1449 = arith.constant 2 : i32
        %add3A_1450 = arith.addi %mul3A_1404, %add3A_1449 : i32
        %get3A_1451 = arith.index_cast %add3A_1450 : i32 to index
        %get3A_1452 = arith.constant 0 : index
        %get3A_1453 = tpu.vector_load %arg11[%get3A_1451, %get3A_1452] {strides = array<i32>} : memref<160x64xf32, #tpu.memory_space<vmem>>, vector<1x16xf32>,
        %get3A_1454 = vector.shape_cast %get3A_1453 : vector<1x16xf32> to vector<16xf32>
        %add3A_1455 = arith.addf %add3A_1427, %get3A_1454 : vector<16xf32>
        %add3A_1456 = arith.constant 2 : i32
        %add3A_1457 = arith.addi %mul3A_1404, %add3A_1456 : i32
        %get3A_1458 = arith.index_cast %add3A_1457 : i32 to index
        %get3A_1459 = arith.constant 16 : index
        %get3A_1460 = tpu.vector_load %arg11[%get3A_1458, %get3A_1459] {strides = array<i32>} : memref<160x64xf32, #tpu.memory_space<vmem>>, vector<1x16xf32>,
        %get3A_1461 = vector.shape_cast %get3A_1460 : vector<1x16xf32> to vector<16xf32>
        %add3A_1462 = arith.addf %add3A_1434, %get3A_1461 : vector<16xf32>
        %add3A_1463 = arith.constant 2 : i32
        %add3A_1464 = arith.addi %mul3A_1404, %add3A_1463 : i32
        %get3A_1465 = arith.index_cast %add3A_1464 : i32 to index
        %get3A_1466 = arith.constant 32 : index
        %get3A_1467 = tpu.vector_load %arg11[%get3A_1465, %get3A_1466] {strides = array<i32>} : memref<160x64xf32, #tpu.memory_space<vmem>>, vector<1x16xf32>,
        %get3A_1468 = vector.shape_cast %get3A_1467 : vector<1x16xf32> to vector<16xf32>
        %add3A_1469 = arith.addf %add3A_1441, %get3A_1468 : vector<16xf32>
        %add3A_1470 = arith.constant 2 : i32
        %add3A_1471 = arith.addi %mul3A_1404, %add3A_1470 : i32
        %get3A_1472 = arith.index_cast %add3A_1471 : i32 to index
        %get3A_1473 = arith.constant 48 : index
        %get3A_1474 = tpu.vector_load %arg11[%get3A_1472, %get3A_1473] {strides = array<i32>} : memref<160x64xf32, #tpu.memory_space<vmem>>, vector<1x16xf32>,
        %get3A_1475 = vector.shape_cast %get3A_1474 : vector<1x16xf32> to vector<16xf32>
        %add3A_1476 = arith.addf %add3A_1448, %get3A_1475 : vector<16xf32>
        %add3A_1477 = arith.constant 3 : i32
        %add3A_1478 = arith.addi %mul3A_1404, %add3A_1477 : i32
        %get3A_1479 = arith.index_cast %add3A_1478 : i32 to index
        %get3A_1480 = arith.constant 0 : index
        %get3A_1481 = tpu.vector_load %arg11[%get3A_1479, %get3A_1480] {strides = array<i32>} : memref<160x64xf32, #tpu.memory_space<vmem>>, vector<1x16xf32>,
        %get3A_1482 = vector.shape_cast %get3A_1481 : vector<1x16xf32> to vector<16xf32>
        %add3A_1483 = arith.addf %add3A_1455, %get3A_1482 : vector<16xf32>
        %add3A_1484 = arith.constant 3 : i32
        %add3A_1485 = arith.addi %mul3A_1404, %add3A_1484 : i32
        %get3A_1486 = arith.index_cast %add3A_1485 : i32 to index
        %get3A_1487 = arith.constant 16 : index
        %get3A_1488 = tpu.vector_load %arg11[%get3A_1486, %get3A_1487] {strides = array<i32>} : memref<160x64xf32, #tpu.memory_space<vmem>>, vector<1x16xf32>,
        %get3A_1489 = vector.shape_cast %get3A_1488 : vector<1x16xf32> to vector<16xf32>
        %add3A_1490 = arith.addf %add3A_1462, %get3A_1489 : vector<16xf32>
        %add3A_1491 = arith.constant 3 : i32
        %add3A_1492 = arith.addi %mul3A_1404, %add3A_1491 : i32
        %get3A_1493 = arith.index_cast %add3A_1492 : i32 to index
        %get3A_1494 = arith.constant 32 : index
        %get3A_1495 = tpu.vector_load %arg11[%get3A_1493, %get3A_1494] {strides = array<i32>} : memref<160x64xf32, #tpu.memory_space<vmem>>, vector<1x16xf32>,
        %get3A_1496 = vector.shape_cast %get3A_1495 : vector<1x16xf32> to vector<16xf32>
        %add3A_1497 = arith.addf %add3A_1469, %get3A_1496 : vector<16xf32>
        %add3A_1498 = arith.constant 3 : i32
        %add3A_1499 = arith.addi %mul3A_1404, %add3A_1498 : i32
        %get3A_1500 = arith.index_cast %add3A_1499 : i32 to index
        %get3A_1501 = arith.constant 48 : index
        %get3A_1502 = tpu.vector_load %arg11[%get3A_1500, %get3A_1501] {strides = array<i32>} : memref<160x64xf32, #tpu.memory_space<vmem>>, vector<1x16xf32>,
        %get3A_1503 = vector.shape_cast %get3A_1502 : vector<1x16xf32> to vector<16xf32>
        %add3A_1504 = arith.addf %add3A_1476, %get3A_1503 : vector<16xf32>
        %add3A_1505 = arith.constant 4 : i32
        %add3A_1506 = arith.addi %mul3A_1404, %add3A_1505 : i32
        %get3A_1507 = arith.index_cast %add3A_1506 : i32 to index
        %get3A_1508 = arith.constant 0 : index
        %get3A_1509 = tpu.vector_load %arg11[%get3A_1507, %get3A_1508] {strides = array<i32>} : memref<160x64xf32, #tpu.memory_space<vmem>>, vector<1x16xf32>,
        %get3A_1510 = vector.shape_cast %get3A_1509 : vector<1x16xf32> to vector<16xf32>
        %add3A_1511 = arith.addf %add3A_1483, %get3A_1510 : vector<16xf32>
        %add3A_1512 = arith.constant 4 : i32
        %add3A_1513 = arith.addi %mul3A_1404, %add3A_1512 : i32
        %get3A_1514 = arith.index_cast %add3A_1513 : i32 to index
        %get3A_1515 = arith.constant 16 : index
        %get3A_1516 = tpu.vector_load %arg11[%get3A_1514, %get3A_1515] {strides = array<i32>} : memref<160x64xf32, #tpu.memory_space<vmem>>, vector<1x16xf32>,
        %get3A_1517 = vector.shape_cast %get3A_1516 : vector<1x16xf32> to vector<16xf32>
        %add3A_1518 = arith.addf %add3A_1490, %get3A_1517 : vector<16xf32>
        %add3A_1519 = arith.constant 4 : i32
        %add3A_1520 = arith.addi %mul3A_1404, %add3A_1519 : i32
        %get3A_1521 = arith.index_cast %add3A_1520 : i32 to index
        %get3A_1522 = arith.constant 32 : index
        %get3A_1523 = tpu.vector_load %arg11[%get3A_1521, %get3A_1522] {strides = array<i32>} : memref<160x64xf32, #tpu.memory_space<vmem>>, vector<1x16xf32>,
        %get3A_1524 = vector.shape_cast %get3A_1523 : vector<1x16xf32> to vector<16xf32>
        %add3A_1525 = arith.addf %add3A_1497, %get3A_1524 : vector<16xf32>
        %add3A_1526 = arith.constant 4 : i32
        %add3A_1527 = arith.addi %mul3A_1404, %add3A_1526 : i32
        %get3A_1528 = arith.index_cast %add3A_1527 : i32 to index
        %get3A_1529 = arith.constant 48 : index
        %get3A_1530 = tpu.vector_load %arg11[%get3A_1528, %get3A_1529] {strides = array<i32>} : memref<160x64xf32, #tpu.memory_space<vmem>>, vector<1x16xf32>,
        %get3A_1531 = vector.shape_cast %get3A_1530 : vector<1x16xf32> to vector<16xf32>
        %add3A_1532 = arith.addf %add3A_1504, %get3A_1531 : vector<16xf32>
        %add3A_1533 = arith.constant 5 : i32
        %add3A_1534 = arith.addi %mul3A_1404, %add3A_1533 : i32
        %get3A_1535 = arith.index_cast %add3A_1534 : i32 to index
        %get3A_1536 = arith.constant 0 : index
        %get3A_1537 = tpu.vector_load %arg11[%get3A_1535, %get3A_1536] {strides = array<i32>} : memref<160x64xf32, #tpu.memory_space<vmem>>, vector<1x16xf32>,
        %get3A_1538 = vector.shape_cast %get3A_1537 : vector<1x16xf32> to vector<16xf32>
        %add3A_1539 = arith.addf %add3A_1511, %get3A_1538 : vector<16xf32>
        %add3A_1540 = arith.constant 5 : i32
        %add3A_1541 = arith.addi %mul3A_1404, %add3A_1540 : i32
        %get3A_1542 = arith.index_cast %add3A_1541 : i32 to index
        %get3A_1543 = arith.constant 16 : index
        %get3A_1544 = tpu.vector_load %arg11[%get3A_1542, %get3A_1543] {strides = array<i32>} : memref<160x64xf32, #tpu.memory_space<vmem>>, vector<1x16xf32>,
        %get3A_1545 = vector.shape_cast %get3A_1544 : vector<1x16xf32> to vector<16xf32>
        %add3A_1546 = arith.addf %add3A_1518, %get3A_1545 : vector<16xf32>
        %add3A_1547 = arith.constant 5 : i32
        %add3A_1548 = arith.addi %mul3A_1404, %add3A_1547 : i32
        %get3A_1549 = arith.index_cast %add3A_1548 : i32 to index
        %get3A_1550 = arith.constant 32 : index
        %get3A_1551 = tpu.vector_load %arg11[%get3A_1549, %get3A_1550] {strides = array<i32>} : memref<160x64xf32, #tpu.memory_space<vmem>>, vector<1x16xf32>,
        %get3A_1552 = vector.shape_cast %get3A_1551 : vector<1x16xf32> to vector<16xf32>
        %add3A_1553 = arith.addf %add3A_1525, %get3A_1552 : vector<16xf32>
        %add3A_1554 = arith.constant 5 : i32
        %add3A_1555 = arith.addi %mul3A_1404, %add3A_1554 : i32
        %get3A_1556 = arith.index_cast %add3A_1555 : i32 to index
        %get3A_1557 = arith.constant 48 : index
        %get3A_1558 = tpu.vector_load %arg11[%get3A_1556, %get3A_1557] {strides = array<i32>} : memref<160x64xf32, #tpu.memory_space<vmem>>, vector<1x16xf32>,
        %get3A_1559 = vector.shape_cast %get3A_1558 : vector<1x16xf32> to vector<16xf32>
        %add3A_1560 = arith.addf %add3A_1532, %get3A_1559 : vector<16xf32>
        %add3A_1561 = arith.constant 6 : i32
        %add3A_1562 = arith.addi %mul3A_1404, %add3A_1561 : i32
        %get3A_1563 = arith.index_cast %add3A_1562 : i32 to index
        %get3A_1564 = arith.constant 0 : index
        %get3A_1565 = tpu.vector_load %arg11[%get3A_1563, %get3A_1564] {strides = array<i32>} : memref<160x64xf32, #tpu.memory_space<vmem>>, vector<1x16xf32>,
        %get3A_1566 = vector.shape_cast %get3A_1565 : vector<1x16xf32> to vector<16xf32>
        %add3A_1567 = arith.addf %add3A_1539, %get3A_1566 : vector<16xf32>
        %add3A_1568 = arith.constant 6 : i32
        %add3A_1569 = arith.addi %mul3A_1404, %add3A_1568 : i32
        %get3A_1570 = arith.index_cast %add3A_1569 : i32 to index
        %get3A_1571 = arith.constant 16 : index
        %get3A_1572 = tpu.vector_load %arg11[%get3A_1570, %get3A_1571] {strides = array<i32>} : memref<160x64xf32, #tpu.memory_space<vmem>>, vector<1x16xf32>,
        %get3A_1573 = vector.shape_cast %get3A_1572 : vector<1x16xf32> to vector<16xf32>
        %add3A_1574 = arith.addf %add3A_1546, %get3A_1573 : vector<16xf32>
        %add3A_1575 = arith.constant 6 : i32
        %add3A_1576 = arith.addi %mul3A_1404, %add3A_1575 : i32
        %get3A_1577 = arith.index_cast %add3A_1576 : i32 to index
        %get3A_1578 = arith.constant 32 : index
        %get3A_1579 = tpu.vector_load %arg11[%get3A_1577, %get3A_1578] {strides = array<i32>} : memref<160x64xf32, #tpu.memory_space<vmem>>, vector<1x16xf32>,
        %get3A_1580 = vector.shape_cast %get3A_1579 : vector<1x16xf32> to vector<16xf32>
        %add3A_1581 = arith.addf %add3A_1553, %get3A_1580 : vector<16xf32>
        %add3A_1582 = arith.constant 6 : i32
        %add3A_1583 = arith.addi %mul3A_1404, %add3A_1582 : i32
        %get3A_1584 = arith.index_cast %add3A_1583 : i32 to index
        %get3A_1585 = arith.constant 48 : index
        %get3A_1586 = tpu.vector_load %arg11[%get3A_1584, %get3A_1585] {strides = array<i32>} : memref<160x64xf32, #tpu.memory_space<vmem>>, vector<1x16xf32>,
        %get3A_1587 = vector.shape_cast %get3A_1586 : vector<1x16xf32> to vector<16xf32>
        %add3A_1588 = arith.addf %add3A_1560, %get3A_1587 : vector<16xf32>
        %add3A_1589 = arith.constant 7 : i32
        %add3A_1590 = arith.addi %mul3A_1404, %add3A_1589 : i32
        %get3A_1591 = arith.index_cast %add3A_1590 : i32 to index
        %get3A_1592 = arith.constant 0 : index
        %get3A_1593 = tpu.vector_load %arg11[%get3A_1591, %get3A_1592] {strides = array<i32>} : memref<160x64xf32, #tpu.memory_space<vmem>>, vector<1x16xf32>,
        %get3A_1594 = vector.shape_cast %get3A_1593 : vector<1x16xf32> to vector<16xf32>
        %add3A_1595 = arith.addf %add3A_1567, %get3A_1594 : vector<16xf32>
        %add3A_1596 = arith.constant 7 : i32
        %add3A_1597 = arith.addi %mul3A_1404, %add3A_1596 : i32
        %get3A_1598 = arith.index_cast %add3A_1597 : i32 to index
        %get3A_1599 = arith.constant 16 : index
        %get3A_1600 = tpu.vector_load %arg11[%get3A_1598, %get3A_1599] {strides = array<i32>} : memref<160x64xf32, #tpu.memory_space<vmem>>, vector<1x16xf32>,
        %get3A_1601 = vector.shape_cast %get3A_1600 : vector<1x16xf32> to vector<16xf32>
        %add3A_1602 = arith.addf %add3A_1574, %get3A_1601 : vector<16xf32>
        %add3A_1603 = arith.constant 7 : i32
        %add3A_1604 = arith.addi %mul3A_1404, %add3A_1603 : i32
        %get3A_1605 = arith.index_cast %add3A_1604 : i32 to index
        %get3A_1606 = arith.constant 32 : index
        %get3A_1607 = tpu.vector_load %arg11[%get3A_1605, %get3A_1606] {strides = array<i32>} : memref<160x64xf32, #tpu.memory_space<vmem>>, vector<1x16xf32>,
        %get3A_1608 = vector.shape_cast %get3A_1607 : vector<1x16xf32> to vector<16xf32>
        %add3A_1609 = arith.addf %add3A_1581, %get3A_1608 : vector<16xf32>
        %add3A_1610 = arith.constant 7 : i32
        %add3A_1611 = arith.addi %mul3A_1404, %add3A_1610 : i32
        %get3A_1612 = arith.index_cast %add3A_1611 : i32 to index
        %get3A_1613 = arith.constant 48 : index
        %get3A_1614 = tpu.vector_load %arg11[%get3A_1612, %get3A_1613] {strides = array<i32>} : memref<160x64xf32, #tpu.memory_space<vmem>>, vector<1x16xf32>,
        %get3A_1615 = vector.shape_cast %get3A_1614 : vector<1x16xf32> to vector<16xf32>
        %add3A_1616 = arith.addf %add3A_1588, %get3A_1615 : vector<16xf32>
        %add3A_1617 = arith.constant 8 : i32
        %add3A_1618 = arith.addi %mul3A_1404, %add3A_1617 : i32
        %get3A_1619 = arith.index_cast %add3A_1618 : i32 to index
        %get3A_1620 = arith.constant 0 : index
        %get3A_1621 = tpu.vector_load %arg11[%get3A_1619, %get3A_1620] {strides = array<i32>} : memref<160x64xf32, #tpu.memory_space<vmem>>, vector<1x16xf32>,
        %get3A_1622 = vector.shape_cast %get3A_1621 : vector<1x16xf32> to vector<16xf32>
        %add3A_1623 = arith.addf %add3A_1595, %get3A_1622 : vector<16xf32>
        %add3A_1624 = arith.constant 8 : i32
        %add3A_1625 = arith.addi %mul3A_1404, %add3A_1624 : i32
        %get3A_1626 = arith.index_cast %add3A_1625 : i32 to index
        %get3A_1627 = arith.constant 16 : index
        %get3A_1628 = tpu.vector_load %arg11[%get3A_1626, %get3A_1627] {strides = array<i32>} : memref<160x64xf32, #tpu.memory_space<vmem>>, vector<1x16xf32>,
        %get3A_1629 = vector.shape_cast %get3A_1628 : vector<1x16xf32> to vector<16xf32>
        %add3A_1630 = arith.addf %add3A_1602, %get3A_1629 : vector<16xf32>
        %add3A_1631 = arith.constant 8 : i32
        %add3A_1632 = arith.addi %mul3A_1404, %add3A_1631 : i32
        %get3A_1633 = arith.index_cast %add3A_1632 : i32 to index
        %get3A_1634 = arith.constant 32 : index
        %get3A_1635 = tpu.vector_load %arg11[%get3A_1633, %get3A_1634] {strides = array<i32>} : memref<160x64xf32, #tpu.memory_space<vmem>>, vector<1x16xf32>,
        %get3A_1636 = vector.shape_cast %get3A_1635 : vector<1x16xf32> to vector<16xf32>
        %add3A_1637 = arith.addf %add3A_1609, %get3A_1636 : vector<16xf32>
        %add3A_1638 = arith.constant 8 : i32
        %add3A_1639 = arith.addi %mul3A_1404, %add3A_1638 : i32
        %get3A_1640 = arith.index_cast %add3A_1639 : i32 to index
        %get3A_1641 = arith.constant 48 : index
        %get3A_1642 = tpu.vector_load %arg11[%get3A_1640, %get3A_1641] {strides = array<i32>} : memref<160x64xf32, #tpu.memory_space<vmem>>, vector<1x16xf32>,
        %get3A_1643 = vector.shape_cast %get3A_1642 : vector<1x16xf32> to vector<16xf32>
        %add3A_1644 = arith.addf %add3A_1616, %get3A_1643 : vector<16xf32>
        %add3A_1645 = arith.constant 9 : i32
        %add3A_1646 = arith.addi %mul3A_1404, %add3A_1645 : i32
        %get3A_1647 = arith.index_cast %add3A_1646 : i32 to index
        %get3A_1648 = arith.constant 0 : index
        %get3A_1649 = tpu.vector_load %arg11[%get3A_1647, %get3A_1648] {strides = array<i32>} : memref<160x64xf32, #tpu.memory_space<vmem>>, vector<1x16xf32>,
        %get3A_1650 = vector.shape_cast %get3A_1649 : vector<1x16xf32> to vector<16xf32>
        %add3A_1651 = arith.addf %add3A_1623, %get3A_1650 : vector<16xf32>
        %add3A_1652 = arith.constant 9 : i32
        %add3A_1653 = arith.addi %mul3A_1404, %add3A_1652 : i32
        %get3A_1654 = arith.index_cast %add3A_1653 : i32 to index
        %get3A_1655 = arith.constant 16 : index
        %get3A_1656 = tpu.vector_load %arg11[%get3A_1654, %get3A_1655] {strides = array<i32>} : memref<160x64xf32, #tpu.memory_space<vmem>>, vector<1x16xf32>,
        %get3A_1657 = vector.shape_cast %get3A_1656 : vector<1x16xf32> to vector<16xf32>
        %add3A_1658 = arith.addf %add3A_1630, %get3A_1657 : vector<16xf32>
        %add3A_1659 = arith.constant 9 : i32
        %add3A_1660 = arith.addi %mul3A_1404, %add3A_1659 : i32
        %get3A_1661 = arith.index_cast %add3A_1660 : i32 to index
        %get3A_1662 = arith.constant 32 : index
        %get3A_1663 = tpu.vector_load %arg11[%get3A_1661, %get3A_1662] {strides = array<i32>} : memref<160x64xf32, #tpu.memory_space<vmem>>, vector<1x16xf32>,
        %get3A_1664 = vector.shape_cast %get3A_1663 : vector<1x16xf32> to vector<16xf32>
        %add3A_1665 = arith.addf %add3A_1637, %get3A_1664 : vector<16xf32>
        %add3A_1666 = arith.constant 9 : i32
        %add3A_1667 = arith.addi %mul3A_1404, %add3A_1666 : i32
        %get3A_1668 = arith.index_cast %add3A_1667 : i32 to index
        %get3A_1669 = arith.constant 48 : index
        %get3A_1670 = tpu.vector_load %arg11[%get3A_1668, %get3A_1669] {strides = array<i32>} : memref<160x64xf32, #tpu.memory_space<vmem>>, vector<1x16xf32>,
        %get3A_1671 = vector.shape_cast %get3A_1670 : vector<1x16xf32> to vector<16xf32>
        %add3A_1672 = arith.addf %add3A_1644, %get3A_1671 : vector<16xf32>
        %add3A_1673 = arith.constant 10 : i32
        %add3A_1674 = arith.addi %mul3A_1404, %add3A_1673 : i32
        %get3A_1675 = arith.index_cast %add3A_1674 : i32 to index
        %get3A_1676 = arith.constant 0 : index
        %get3A_1677 = tpu.vector_load %arg11[%get3A_1675, %get3A_1676] {strides = array<i32>} : memref<160x64xf32, #tpu.memory_space<vmem>>, vector<1x16xf32>,
        %get3A_1678 = vector.shape_cast %get3A_1677 : vector<1x16xf32> to vector<16xf32>
        %add3A_1679 = arith.addf %add3A_1651, %get3A_1678 : vector<16xf32>
        %add3A_1680 = arith.constant 10 : i32
        %add3A_1681 = arith.addi %mul3A_1404, %add3A_1680 : i32
        %get3A_1682 = arith.index_cast %add3A_1681 : i32 to index
        %get3A_1683 = arith.constant 16 : index
        %get3A_1684 = tpu.vector_load %arg11[%get3A_1682, %get3A_1683] {strides = array<i32>} : memref<160x64xf32, #tpu.memory_space<vmem>>, vector<1x16xf32>,
        %get3A_1685 = vector.shape_cast %get3A_1684 : vector<1x16xf32> to vector<16xf32>
        %add3A_1686 = arith.addf %add3A_1658, %get3A_1685 : vector<16xf32>
        %add3A_1687 = arith.constant 10 : i32
        %add3A_1688 = arith.addi %mul3A_1404, %add3A_1687 : i32
        %get3A_1689 = arith.index_cast %add3A_1688 : i32 to index
        %get3A_1690 = arith.constant 32 : index
        %get3A_1691 = tpu.vector_load %arg11[%get3A_1689, %get3A_1690] {strides = array<i32>} : memref<160x64xf32, #tpu.memory_space<vmem>>, vector<1x16xf32>,
        %get3A_1692 = vector.shape_cast %get3A_1691 : vector<1x16xf32> to vector<16xf32>
        %add3A_1693 = arith.addf %add3A_1665, %get3A_1692 : vector<16xf32>
        %add3A_1694 = arith.constant 10 : i32
        %add3A_1695 = arith.addi %mul3A_1404, %add3A_1694 : i32
        %get3A_1696 = arith.index_cast %add3A_1695 : i32 to index
        %get3A_1697 = arith.constant 48 : index
        %get3A_1698 = tpu.vector_load %arg11[%get3A_1696, %get3A_1697] {strides = array<i32>} : memref<160x64xf32, #tpu.memory_space<vmem>>, vector<1x16xf32>,
        %get3A_1699 = vector.shape_cast %get3A_1698 : vector<1x16xf32> to vector<16xf32>
        %add3A_1700 = arith.addf %add3A_1672, %get3A_1699 : vector<16xf32>
        %add3A_1701 = arith.constant 11 : i32
        %add3A_1702 = arith.addi %mul3A_1404, %add3A_1701 : i32
        %get3A_1703 = arith.index_cast %add3A_1702 : i32 to index
        %get3A_1704 = arith.constant 0 : index
        %get3A_1705 = tpu.vector_load %arg11[%get3A_1703, %get3A_1704] {strides = array<i32>} : memref<160x64xf32, #tpu.memory_space<vmem>>, vector<1x16xf32>,
        %get3A_1706 = vector.shape_cast %get3A_1705 : vector<1x16xf32> to vector<16xf32>
        %add3A_1707 = arith.addf %add3A_1679, %get3A_1706 : vector<16xf32>
        %add3A_1708 = arith.constant 11 : i32
        %add3A_1709 = arith.addi %mul3A_1404, %add3A_1708 : i32
        %get3A_1710 = arith.index_cast %add3A_1709 : i32 to index
        %get3A_1711 = arith.constant 16 : index
        %get3A_1712 = tpu.vector_load %arg11[%get3A_1710, %get3A_1711] {strides = array<i32>} : memref<160x64xf32, #tpu.memory_space<vmem>>, vector<1x16xf32>,
        %get3A_1713 = vector.shape_cast %get3A_1712 : vector<1x16xf32> to vector<16xf32>
        %add3A_1714 = arith.addf %add3A_1686, %get3A_1713 : vector<16xf32>
        %add3A_1715 = arith.constant 11 : i32
        %add3A_1716 = arith.addi %mul3A_1404, %add3A_1715 : i32
        %get3A_1717 = arith.index_cast %add3A_1716 : i32 to index
        %get3A_1718 = arith.constant 32 : index
        %get3A_1719 = tpu.vector_load %arg11[%get3A_1717, %get3A_1718] {strides = array<i32>} : memref<160x64xf32, #tpu.memory_space<vmem>>, vector<1x16xf32>,
        %get3A_1720 = vector.shape_cast %get3A_1719 : vector<1x16xf32> to vector<16xf32>
        %add3A_1721 = arith.addf %add3A_1693, %get3A_1720 : vector<16xf32>
        %add3A_1722 = arith.constant 11 : i32
        %add3A_1723 = arith.addi %mul3A_1404, %add3A_1722 : i32
        %get3A_1724 = arith.index_cast %add3A_1723 : i32 to index
        %get3A_1725 = arith.constant 48 : index
        %get3A_1726 = tpu.vector_load %arg11[%get3A_1724, %get3A_1725] {strides = array<i32>} : memref<160x64xf32, #tpu.memory_space<vmem>>, vector<1x16xf32>,
        %get3A_1727 = vector.shape_cast %get3A_1726 : vector<1x16xf32> to vector<16xf32>
        %add3A_1728 = arith.addf %add3A_1700, %get3A_1727 : vector<16xf32>
        %add3A_1729 = arith.constant 12 : i32
        %add3A_1730 = arith.addi %mul3A_1404, %add3A_1729 : i32
        %get3A_1731 = arith.index_cast %add3A_1730 : i32 to index
        %get3A_1732 = arith.constant 0 : index
        %get3A_1733 = tpu.vector_load %arg11[%get3A_1731, %get3A_1732] {strides = array<i32>} : memref<160x64xf32, #tpu.memory_space<vmem>>, vector<1x16xf32>,
        %get3A_1734 = vector.shape_cast %get3A_1733 : vector<1x16xf32> to vector<16xf32>
        %add3A_1735 = arith.addf %add3A_1707, %get3A_1734 : vector<16xf32>
        %add3A_1736 = arith.constant 12 : i32
        %add3A_1737 = arith.addi %mul3A_1404, %add3A_1736 : i32
        %get3A_1738 = arith.index_cast %add3A_1737 : i32 to index
        %get3A_1739 = arith.constant 16 : index
        %get3A_1740 = tpu.vector_load %arg11[%get3A_1738, %get3A_1739] {strides = array<i32>} : memref<160x64xf32, #tpu.memory_space<vmem>>, vector<1x16xf32>,
        %get3A_1741 = vector.shape_cast %get3A_1740 : vector<1x16xf32> to vector<16xf32>
        %add3A_1742 = arith.addf %add3A_1714, %get3A_1741 : vector<16xf32>
        %add3A_1743 = arith.constant 12 : i32
        %add3A_1744 = arith.addi %mul3A_1404, %add3A_1743 : i32
        %get3A_1745 = arith.index_cast %add3A_1744 : i32 to index
        %get3A_1746 = arith.constant 32 : index
        %get3A_1747 = tpu.vector_load %arg11[%get3A_1745, %get3A_1746] {strides = array<i32>} : memref<160x64xf32, #tpu.memory_space<vmem>>, vector<1x16xf32>,
        %get3A_1748 = vector.shape_cast %get3A_1747 : vector<1x16xf32> to vector<16xf32>
        %add3A_1749 = arith.addf %add3A_1721, %get3A_1748 : vector<16xf32>
        %add3A_1750 = arith.constant 12 : i32
        %add3A_1751 = arith.addi %mul3A_1404, %add3A_1750 : i32
        %get3A_1752 = arith.index_cast %add3A_1751 : i32 to index
        %get3A_1753 = arith.constant 48 : index
        %get3A_1754 = tpu.vector_load %arg11[%get3A_1752, %get3A_1753] {strides = array<i32>} : memref<160x64xf32, #tpu.memory_space<vmem>>, vector<1x16xf32>,
        %get3A_1755 = vector.shape_cast %get3A_1754 : vector<1x16xf32> to vector<16xf32>
        %add3A_1756 = arith.addf %add3A_1728, %get3A_1755 : vector<16xf32>
        %add3A_1757 = arith.constant 13 : i32
        %add3A_1758 = arith.addi %mul3A_1404, %add3A_1757 : i32
        %get3A_1759 = arith.index_cast %add3A_1758 : i32 to index
        %get3A_1760 = arith.constant 0 : index
        %get3A_1761 = tpu.vector_load %arg11[%get3A_1759, %get3A_1760] {strides = array<i32>} : memref<160x64xf32, #tpu.memory_space<vmem>>, vector<1x16xf32>,
        %get3A_1762 = vector.shape_cast %get3A_1761 : vector<1x16xf32> to vector<16xf32>
        %add3A_1763 = arith.addf %add3A_1735, %get3A_1762 : vector<16xf32>
        %add3A_1764 = arith.constant 13 : i32
        %add3A_1765 = arith.addi %mul3A_1404, %add3A_1764 : i32
        %get3A_1766 = arith.index_cast %add3A_1765 : i32 to index
        %get3A_1767 = arith.constant 16 : index
        %get3A_1768 = tpu.vector_load %arg11[%get3A_1766, %get3A_1767] {strides = array<i32>} : memref<160x64xf32, #tpu.memory_space<vmem>>, vector<1x16xf32>,
        %get3A_1769 = vector.shape_cast %get3A_1768 : vector<1x16xf32> to vector<16xf32>
        %add3A_1770 = arith.addf %add3A_1742, %get3A_1769 : vector<16xf32>
        %add3A_1771 = arith.constant 13 : i32
        %add3A_1772 = arith.addi %mul3A_1404, %add3A_1771 : i32
        %get3A_1773 = arith.index_cast %add3A_1772 : i32 to index
        %get3A_1774 = arith.constant 32 : index
        %get3A_1775 = tpu.vector_load %arg11[%get3A_1773, %get3A_1774] {strides = array<i32>} : memref<160x64xf32, #tpu.memory_space<vmem>>, vector<1x16xf32>,
        %get3A_1776 = vector.shape_cast %get3A_1775 : vector<1x16xf32> to vector<16xf32>
        %add3A_1777 = arith.addf %add3A_1749, %get3A_1776 : vector<16xf32>
        %add3A_1778 = arith.constant 13 : i32
        %add3A_1779 = arith.addi %mul3A_1404, %add3A_1778 : i32
        %get3A_1780 = arith.index_cast %add3A_1779 : i32 to index
        %get3A_1781 = arith.constant 48 : index
        %get3A_1782 = tpu.vector_load %arg11[%get3A_1780, %get3A_1781] {strides = array<i32>} : memref<160x64xf32, #tpu.memory_space<vmem>>, vector<1x16xf32>,
        %get3A_1783 = vector.shape_cast %get3A_1782 : vector<1x16xf32> to vector<16xf32>
        %add3A_1784 = arith.addf %add3A_1756, %get3A_1783 : vector<16xf32>
        %add3A_1785 = arith.constant 14 : i32
        %add3A_1786 = arith.addi %mul3A_1404, %add3A_1785 : i32
        %get3A_1787 = arith.index_cast %add3A_1786 : i32 to index
        %get3A_1788 = arith.constant 0 : index
        %get3A_1789 = tpu.vector_load %arg11[%get3A_1787, %get3A_1788] {strides = array<i32>} : memref<160x64xf32, #tpu.memory_space<vmem>>, vector<1x16xf32>,
        %get3A_1790 = vector.shape_cast %get3A_1789 : vector<1x16xf32> to vector<16xf32>
        %add3A_1791 = arith.addf %add3A_1763, %get3A_1790 : vector<16xf32>
        %add3A_1792 = arith.constant 14 : i32
        %add3A_1793 = arith.addi %mul3A_1404, %add3A_1792 : i32
        %get3A_1794 = arith.index_cast %add3A_1793 : i32 to index
        %get3A_1795 = arith.constant 16 : index
        %get3A_1796 = tpu.vector_load %arg11[%get3A_1794, %get3A_1795] {strides = array<i32>} : memref<160x64xf32, #tpu.memory_space<vmem>>, vector<1x16xf32>,
        %get3A_1797 = vector.shape_cast %get3A_1796 : vector<1x16xf32> to vector<16xf32>
        %add3A_1798 = arith.addf %add3A_1770, %get3A_1797 : vector<16xf32>
        %add3A_1799 = arith.constant 14 : i32
        %add3A_1800 = arith.addi %mul3A_1404, %add3A_1799 : i32
        %get3A_1801 = arith.index_cast %add3A_1800 : i32 to index
        %get3A_1802 = arith.constant 32 : index
        %get3A_1803 = tpu.vector_load %arg11[%get3A_1801, %get3A_1802] {strides = array<i32>} : memref<160x64xf32, #tpu.memory_space<vmem>>, vector<1x16xf32>,
        %get3A_1804 = vector.shape_cast %get3A_1803 : vector<1x16xf32> to vector<16xf32>
        %add3A_1805 = arith.addf %add3A_1777, %get3A_1804 : vector<16xf32>
        %add3A_1806 = arith.constant 14 : i32
        %add3A_1807 = arith.addi %mul3A_1404, %add3A_1806 : i32
        %get3A_1808 = arith.index_cast %add3A_1807 : i32 to index
        %get3A_1809 = arith.constant 48 : index
        %get3A_1810 = tpu.vector_load %arg11[%get3A_1808, %get3A_1809] {strides = array<i32>} : memref<160x64xf32, #tpu.memory_space<vmem>>, vector<1x16xf32>,
        %get3A_1811 = vector.shape_cast %get3A_1810 : vector<1x16xf32> to vector<16xf32>
        %add3A_1812 = arith.addf %add3A_1784, %get3A_1811 : vector<16xf32>
        %add3A_1813 = arith.constant 15 : i32
        %add3A_1814 = arith.addi %mul3A_1404, %add3A_1813 : i32
        %get3A_1815 = arith.index_cast %add3A_1814 : i32 to index
        %get3A_1816 = arith.constant 0 : index
        %get3A_1817 = tpu.vector_load %arg11[%get3A_1815, %get3A_1816] {strides = array<i32>} : memref<160x64xf32, #tpu.memory_space<vmem>>, vector<1x16xf32>,
        %get3A_1818 = vector.shape_cast %get3A_1817 : vector<1x16xf32> to vector<16xf32>
        %add3A_1819 = arith.addf %add3A_1791, %get3A_1818 : vector<16xf32>
        %add3A_1820 = arith.constant 15 : i32
        %add3A_1821 = arith.addi %mul3A_1404, %add3A_1820 : i32
        %get3A_1822 = arith.index_cast %add3A_1821 : i32 to index
        %get3A_1823 = arith.constant 16 : index
        %get3A_1824 = tpu.vector_load %arg11[%get3A_1822, %get3A_1823] {strides = array<i32>} : memref<160x64xf32, #tpu.memory_space<vmem>>, vector<1x16xf32>,
        %get3A_1825 = vector.shape_cast %get3A_1824 : vector<1x16xf32> to vector<16xf32>
        %add3A_1826 = arith.addf %add3A_1798, %get3A_1825 : vector<16xf32>
        %add3A_1827 = arith.constant 15 : i32
        %add3A_1828 = arith.addi %mul3A_1404, %add3A_1827 : i32
        %get3A_1829 = arith.index_cast %add3A_1828 : i32 to index
        %get3A_1830 = arith.constant 32 : index
        %get3A_1831 = tpu.vector_load %arg11[%get3A_1829, %get3A_1830] {strides = array<i32>} : memref<160x64xf32, #tpu.memory_space<vmem>>, vector<1x16xf32>,
        %get3A_1832 = vector.shape_cast %get3A_1831 : vector<1x16xf32> to vector<16xf32>
        %add3A_1833 = arith.addf %add3A_1805, %get3A_1832 : vector<16xf32>
        %add3A_1834 = arith.constant 15 : i32
        %add3A_1835 = arith.addi %mul3A_1404, %add3A_1834 : i32
        %get3A_1836 = arith.index_cast %add3A_1835 : i32 to index
        %get3A_1837 = arith.constant 48 : index
        %get3A_1838 = tpu.vector_load %arg11[%get3A_1836, %get3A_1837] {strides = array<i32>} : memref<160x64xf32, #tpu.memory_space<vmem>>, vector<1x16xf32>,
        %get3A_1839 = vector.shape_cast %get3A_1838 : vector<1x16xf32> to vector<16xf32>
        %add3A_1840 = arith.addf %add3A_1812, %get3A_1839 : vector<16xf32>
        %add3A_1841 = arith.constant 16 : i32
        %add3A_1842 = arith.addi %mul3A_1404, %add3A_1841 : i32
        %get3A_1843 = arith.index_cast %add3A_1842 : i32 to index
        %get3A_1844 = arith.constant 0 : index
        %get3A_1845 = tpu.vector_load %arg11[%get3A_1843, %get3A_1844] {strides = array<i32>} : memref<160x64xf32, #tpu.memory_space<vmem>>, vector<1x16xf32>,
        %get3A_1846 = vector.shape_cast %get3A_1845 : vector<1x16xf32> to vector<16xf32>
        %add3A_1847 = arith.addf %add3A_1819, %get3A_1846 : vector<16xf32>
        %add3A_1848 = arith.constant 16 : i32
        %add3A_1849 = arith.addi %mul3A_1404, %add3A_1848 : i32
        %get3A_1850 = arith.index_cast %add3A_1849 : i32 to index
        %get3A_1851 = arith.constant 16 : index
        %get3A_1852 = tpu.vector_load %arg11[%get3A_1850, %get3A_1851] {strides = array<i32>} : memref<160x64xf32, #tpu.memory_space<vmem>>, vector<1x16xf32>,
        %get3A_1853 = vector.shape_cast %get3A_1852 : vector<1x16xf32> to vector<16xf32>
        %add3A_1854 = arith.addf %add3A_1826, %get3A_1853 : vector<16xf32>
        %add3A_1855 = arith.constant 16 : i32
        %add3A_1856 = arith.addi %mul3A_1404, %add3A_1855 : i32
        %get3A_1857 = arith.index_cast %add3A_1856 : i32 to index
        %get3A_1858 = arith.constant 32 : index
        %get3A_1859 = tpu.vector_load %arg11[%get3A_1857, %get3A_1858] {strides = array<i32>} : memref<160x64xf32, #tpu.memory_space<vmem>>, vector<1x16xf32>,
        %get3A_1860 = vector.shape_cast %get3A_1859 : vector<1x16xf32> to vector<16xf32>
        %add3A_1861 = arith.addf %add3A_1833, %get3A_1860 : vector<16xf32>
        %add3A_1862 = arith.constant 16 : i32
        %add3A_1863 = arith.addi %mul3A_1404, %add3A_1862 : i32
        %get3A_1864 = arith.index_cast %add3A_1863 : i32 to index
        %get3A_1865 = arith.constant 48 : index
        %get3A_1866 = tpu.vector_load %arg11[%get3A_1864, %get3A_1865] {strides = array<i32>} : memref<160x64xf32, #tpu.memory_space<vmem>>, vector<1x16xf32>,
        %get3A_1867 = vector.shape_cast %get3A_1866 : vector<1x16xf32> to vector<16xf32>
        %add3A_1868 = arith.addf %add3A_1840, %get3A_1867 : vector<16xf32>
        %add3A_1869 = arith.constant 17 : i32
        %add3A_1870 = arith.addi %mul3A_1404, %add3A_1869 : i32
        %get3A_1871 = arith.index_cast %add3A_1870 : i32 to index
        %get3A_1872 = arith.constant 0 : index
        %get3A_1873 = tpu.vector_load %arg11[%get3A_1871, %get3A_1872] {strides = array<i32>} : memref<160x64xf32, #tpu.memory_space<vmem>>, vector<1x16xf32>,
        %get3A_1874 = vector.shape_cast %get3A_1873 : vector<1x16xf32> to vector<16xf32>
        %add3A_1875 = arith.addf %add3A_1847, %get3A_1874 : vector<16xf32>
        %add3A_1876 = arith.constant 17 : i32
        %add3A_1877 = arith.addi %mul3A_1404, %add3A_1876 : i32
        %get3A_1878 = arith.index_cast %add3A_1877 : i32 to index
        %get3A_1879 = arith.constant 16 : index
        %get3A_1880 = tpu.vector_load %arg11[%get3A_1878, %get3A_1879] {strides = array<i32>} : memref<160x64xf32, #tpu.memory_space<vmem>>, vector<1x16xf32>,
        %get3A_1881 = vector.shape_cast %get3A_1880 : vector<1x16xf32> to vector<16xf32>
        %add3A_1882 = arith.addf %add3A_1854, %get3A_1881 : vector<16xf32>
        %add3A_1883 = arith.constant 17 : i32
        %add3A_1884 = arith.addi %mul3A_1404, %add3A_1883 : i32
        %get3A_1885 = arith.index_cast %add3A_1884 : i32 to index
        %get3A_1886 = arith.constant 32 : index
        %get3A_1887 = tpu.vector_load %arg11[%get3A_1885, %get3A_1886] {strides = array<i32>} : memref<160x64xf32, #tpu.memory_space<vmem>>, vector<1x16xf32>,
        %get3A_1888 = vector.shape_cast %get3A_1887 : vector<1x16xf32> to vector<16xf32>
        %add3A_1889 = arith.addf %add3A_1861, %get3A_1888 : vector<16xf32>
        %add3A_1890 = arith.constant 17 : i32
        %add3A_1891 = arith.addi %mul3A_1404, %add3A_1890 : i32
        %get3A_1892 = arith.index_cast %add3A_1891 : i32 to index
        %get3A_1893 = arith.constant 48 : index
        %get3A_1894 = tpu.vector_load %arg11[%get3A_1892, %get3A_1893] {strides = array<i32>} : memref<160x64xf32, #tpu.memory_space<vmem>>, vector<1x16xf32>,
        %get3A_1895 = vector.shape_cast %get3A_1894 : vector<1x16xf32> to vector<16xf32>
        %add3A_1896 = arith.addf %add3A_1868, %get3A_1895 : vector<16xf32>
        %add3A_1897 = arith.constant 18 : i32
        %add3A_1898 = arith.addi %mul3A_1404, %add3A_1897 : i32
        %get3A_1899 = arith.index_cast %add3A_1898 : i32 to index
        %get3A_1900 = arith.constant 0 : index
        %get3A_1901 = tpu.vector_load %arg11[%get3A_1899, %get3A_1900] {strides = array<i32>} : memref<160x64xf32, #tpu.memory_space<vmem>>, vector<1x16xf32>,
        %get3A_1902 = vector.shape_cast %get3A_1901 : vector<1x16xf32> to vector<16xf32>
        %add3A_1903 = arith.addf %add3A_1875, %get3A_1902 : vector<16xf32>
        %add3A_1904 = arith.constant 18 : i32
        %add3A_1905 = arith.addi %mul3A_1404, %add3A_1904 : i32
        %get3A_1906 = arith.index_cast %add3A_1905 : i32 to index
        %get3A_1907 = arith.constant 16 : index
        %get3A_1908 = tpu.vector_load %arg11[%get3A_1906, %get3A_1907] {strides = array<i32>} : memref<160x64xf32, #tpu.memory_space<vmem>>, vector<1x16xf32>,
        %get3A_1909 = vector.shape_cast %get3A_1908 : vector<1x16xf32> to vector<16xf32>
        %add3A_1910 = arith.addf %add3A_1882, %get3A_1909 : vector<16xf32>
        %add3A_1911 = arith.constant 18 : i32
        %add3A_1912 = arith.addi %mul3A_1404, %add3A_1911 : i32
        %get3A_1913 = arith.index_cast %add3A_1912 : i32 to index
        %get3A_1914 = arith.constant 32 : index
        %get3A_1915 = tpu.vector_load %arg11[%get3A_1913, %get3A_1914] {strides = array<i32>} : memref<160x64xf32, #tpu.memory_space<vmem>>, vector<1x16xf32>,
        %get3A_1916 = vector.shape_cast %get3A_1915 : vector<1x16xf32> to vector<16xf32>
        %add3A_1917 = arith.addf %add3A_1889, %get3A_1916 : vector<16xf32>
        %add3A_1918 = arith.constant 18 : i32
        %add3A_1919 = arith.addi %mul3A_1404, %add3A_1918 : i32
        %get3A_1920 = arith.index_cast %add3A_1919 : i32 to index
        %get3A_1921 = arith.constant 48 : index
        %get3A_1922 = tpu.vector_load %arg11[%get3A_1920, %get3A_1921] {strides = array<i32>} : memref<160x64xf32, #tpu.memory_space<vmem>>, vector<1x16xf32>,
        %get3A_1923 = vector.shape_cast %get3A_1922 : vector<1x16xf32> to vector<16xf32>
        %add3A_1924 = arith.addf %add3A_1896, %get3A_1923 : vector<16xf32>
        %add3A_1925 = arith.constant 19 : i32
        %add3A_1926 = arith.addi %mul3A_1404, %add3A_1925 : i32
        %get3A_1927 = arith.index_cast %add3A_1926 : i32 to index
        %get3A_1928 = arith.constant 0 : index
        %get3A_1929 = tpu.vector_load %arg11[%get3A_1927, %get3A_1928] {strides = array<i32>} : memref<160x64xf32, #tpu.memory_space<vmem>>, vector<1x16xf32>,
        %get3A_1930 = vector.shape_cast %get3A_1929 : vector<1x16xf32> to vector<16xf32>
        %add3A_1931 = arith.addf %add3A_1903, %get3A_1930 : vector<16xf32>
        %add3A_1932 = arith.constant 19 : i32
        %add3A_1933 = arith.addi %mul3A_1404, %add3A_1932 : i32
        %get3A_1934 = arith.index_cast %add3A_1933 : i32 to index
        %get3A_1935 = arith.constant 16 : index
        %get3A_1936 = tpu.vector_load %arg11[%get3A_1934, %get3A_1935] {strides = array<i32>} : memref<160x64xf32, #tpu.memory_space<vmem>>, vector<1x16xf32>,
        %get3A_1937 = vector.shape_cast %get3A_1936 : vector<1x16xf32> to vector<16xf32>
        %add3A_1938 = arith.addf %add3A_1910, %get3A_1937 : vector<16xf32>
        %add3A_1939 = arith.constant 19 : i32
        %add3A_1940 = arith.addi %mul3A_1404, %add3A_1939 : i32
        %get3A_1941 = arith.index_cast %add3A_1940 : i32 to index
        %get3A_1942 = arith.constant 32 : index
        %get3A_1943 = tpu.vector_load %arg11[%get3A_1941, %get3A_1942] {strides = array<i32>} : memref<160x64xf32, #tpu.memory_space<vmem>>, vector<1x16xf32>,
        %get3A_1944 = vector.shape_cast %get3A_1943 : vector<1x16xf32> to vector<16xf32>
        %add3A_1945 = arith.addf %add3A_1917, %get3A_1944 : vector<16xf32>
        %add3A_1946 = arith.constant 19 : i32
        %add3A_1947 = arith.addi %mul3A_1404, %add3A_1946 : i32
        %get3A_1948 = arith.index_cast %add3A_1947 : i32 to index
        %get3A_1949 = arith.constant 48 : index
        %get3A_1950 = tpu.vector_load %arg11[%get3A_1948, %get3A_1949] {strides = array<i32>} : memref<160x64xf32, #tpu.memory_space<vmem>>, vector<1x16xf32>,
        %get3A_1951 = vector.shape_cast %get3A_1950 : vector<1x16xf32> to vector<16xf32>
        %add3A_1952 = arith.addf %add3A_1924, %get3A_1951 : vector<16xf32>
        %add3A_1953 = arith.constant 8 : i32
        %add3A_1954 = arith.addi %add3A_1953, %scan3A_1402 : i32
        %mul3A_1955 = arith.constant 26 : i32
        %mul3A_1956 = arith.muli %add3A_1954, %mul3A_1955 : i32
        %add3A_1957 = arith.addi %mul3A_885, %mul3A_1956 : i32
        %add3A_1958 = arith.addi %add3A_1957, %select_n3A_867 : i32
        %swap3A_1959 = arith.index_cast %add3A_1958 : i32 to index
        %swap3A_1960 = arith.constant 0 : index
        %swap3A_1961 = tpu.vector_load %arg14[%swap3A_1959, %swap3A_1960] {strides = array<i32>} : memref<832x64xf32, #tpu.memory_space<vmem>>, vector<1x16xf32>,
        %swap3A_1962 = vector.shape_cast %swap3A_1961 : vector<1x16xf32> to vector<16xf32>
        %swap3A_1963 = vector.shape_cast %add3A_1931 : vector<16xf32> to vector<1x16xf32>
        tpu.vector_store %arg14[%swap3A_1959, %swap3A_1960], %swap3A_1963 {strides = array<i32>} : memref<832x64xf32, #tpu.memory_space<vmem>>, vector<1x16xf32>,
        %swap3A_1964 = arith.index_cast %add3A_1958 : i32 to index
        %swap3A_1965 = arith.constant 16 : index
        %swap3A_1966 = tpu.vector_load %arg14[%swap3A_1964, %swap3A_1965] {strides = array<i32>} : memref<832x64xf32, #tpu.memory_space<vmem>>, vector<1x16xf32>,
        %swap3A_1967 = vector.shape_cast %swap3A_1966 : vector<1x16xf32> to vector<16xf32>
        %swap3A_1968 = vector.shape_cast %add3A_1938 : vector<16xf32> to vector<1x16xf32>
        tpu.vector_store %arg14[%swap3A_1964, %swap3A_1965], %swap3A_1968 {strides = array<i32>} : memref<832x64xf32, #tpu.memory_space<vmem>>, vector<1x16xf32>,
        %swap3A_1969 = arith.index_cast %add3A_1958 : i32 to index
        %swap3A_1970 = arith.constant 32 : index
        %swap3A_1971 = tpu.vector_load %arg14[%swap3A_1969, %swap3A_1970] {strides = array<i32>} : memref<832x64xf32, #tpu.memory_space<vmem>>, vector<1x16xf32>,
        %swap3A_1972 = vector.shape_cast %swap3A_1971 : vector<1x16xf32> to vector<16xf32>
        %swap3A_1973 = vector.shape_cast %add3A_1945 : vector<16xf32> to vector<1x16xf32>
        tpu.vector_store %arg14[%swap3A_1969, %swap3A_1970], %swap3A_1973 {strides = array<i32>} : memref<832x64xf32, #tpu.memory_space<vmem>>, vector<1x16xf32>,
        %swap3A_1974 = arith.index_cast %add3A_1958 : i32 to index
        %swap3A_1975 = arith.constant 48 : index
        %swap3A_1976 = tpu.vector_load %arg14[%swap3A_1974, %swap3A_1975] {strides = array<i32>} : memref<832x64xf32, #tpu.memory_space<vmem>>, vector<1x16xf32>,
        %swap3A_1977 = vector.shape_cast %swap3A_1976 : vector<1x16xf32> to vector<16xf32>
        %swap3A_1978 = vector.shape_cast %add3A_1952 : vector<16xf32> to vector<1x16xf32>
        tpu.vector_store %arg14[%swap3A_1974, %swap3A_1975], %swap3A_1978 {strides = array<i32>} : memref<832x64xf32, #tpu.memory_space<vmem>>, vector<1x16xf32>,
      }
      %scan3A_891 = arith.constant 8 : i32
      %eq3A_892 = arith.constant 51 : i32
      %eq3A_893 = arith.cmpi eq, %sub3A_691, %eq3A_892 : i32
      %eq3A_894 = arith.constant 0 : i32
      %eq3A_895 = arith.cmpi eq, %select_n3A_707, %eq3A_894 : i32
      %and3A_896 = arith.andi %eq3A_893, %eq3A_895 : i1
      %convert_element_type3A_897 = arith.extui %and3A_896 : i1 to i32
      %cond3A_898 = arith.constant 0 : i32
      %cond3A_899 = arith.cmpi ne, %convert_element_type3A_897, %cond3A_898 : i32
      scf.if %cond3A_899 {
        %mul3A_1402 = arith.constant 128 : i32
        %mul3A_1403 = arith.muli %add3A, %mul3A_1402 : i32
        %mul3A_1404 = arith.constant 16 : i32
        %mul3A_1405 = arith.muli %select_n3A_688, %mul3A_1404 : i32
        %add3A_1406 = arith.addi %mul3A_1403, %mul3A_1405 : i32
        %mul3A_1407 = arith.constant 26 : i32
        %mul3A_1408 = arith.muli %add3A_1406, %mul3A_1407 : i32
        %dma_start3A_1409 = arith.constant 0 : i32
        %dma_start3A_1410 = arith.constant 0 : i32
        %dma_start3A_1411 = tpu.memref_slice %arg14[%dma_start3A_1409, %dma_start3A_1410] : memref<832x64xf32, #tpu.memory_space<vmem>> -> memref<416x64xf32, #tpu.memory_space<vmem>>
        %dma_start3A_1412 = arith.constant 0 : i32
        %dma_start3A_1413 = tpu.memref_slice %arg4[%mul3A_1408, %dma_start3A_1412] : memref<106496x64xf32, #tpu.memory_space<hbm>> -> memref<416x64xf32, #tpu.memory_space<hbm>>
        %dma_start3A_1414 = arith.constant 0 : i32
        %dma_start3A_1415 = tpu.memref_slice %arg4[%mul3A_1408, %dma_start3A_1414] : memref<106496x64xf32, #tpu.memory_space<hbm>> -> memref<416x64xf32, #tpu.memory_space<hbm>>
        %dma_start3A_1416 = arith.constant 0 : i32
        %dma_start3A_1417 = arith.constant 0 : i32
        %dma_start3A_1418 = tpu.memref_slice %arg14[%dma_start3A_1416, %dma_start3A_1417] : memref<832x64xf32, #tpu.memory_space<vmem>> -> memref<416x64xf32, #tpu.memory_space<vmem>>
        tpu.enqueue_dma source(%dma_start3A_1418 : memref<416x64xf32, #tpu.memory_space<vmem>>) target(%dma_start3A_1415 : memref<416x64xf32, #tpu.memory_space<hbm>>) target_semaphore(%arg20 : memref<!tpu.dma_semaphore, #tpu.memory_space<semaphore_mem>>)
      } else {
      }
      %eq3A_900 = arith.constant 51 : i32
      %eq3A_901 = arith.cmpi eq, %sub3A_691, %eq3A_900 : i32
      %eq3A_902 = arith.constant 1 : i32
      %eq3A_903 = arith.cmpi eq, %select_n3A_707, %eq3A_902 : i32
      %and3A_904 = arith.andi %eq3A_901, %eq3A_903 : i1
      %convert_element_type3A_905 = arith.extui %and3A_904 : i1 to i32
      %cond3A_906 = arith.constant 0 : i32
      %cond3A_907 = arith.cmpi ne, %convert_element_type3A_905, %cond3A_906 : i32
      scf.if %cond3A_907 {
        %mul3A_1402 = arith.constant 128 : i32
        %mul3A_1403 = arith.muli %add3A, %mul3A_1402 : i32
        %mul3A_1404 = arith.constant 16 : i32
        %mul3A_1405 = arith.muli %select_n3A_688, %mul3A_1404 : i32
        %add3A_1406 = arith.addi %mul3A_1403, %mul3A_1405 : i32
        %mul3A_1407 = arith.constant 26 : i32
        %mul3A_1408 = arith.muli %add3A_1406, %mul3A_1407 : i32
        %dma_start3A_1409 = arith.constant 416 : i32
        %dma_start3A_1410 = arith.constant 0 : i32
        %dma_start3A_1411 = tpu.memref_slice %arg14[%dma_start3A_1409, %dma_start3A_1410] : memref<832x64xf32, #tpu.memory_space<vmem>> -> memref<416x64xf32, #tpu.memory_space<vmem>>
        %dma_start3A_1412 = arith.constant 0 : i32
        %dma_start3A_1413 = tpu.memref_slice %arg4[%mul3A_1408, %dma_start3A_1412] : memref<106496x64xf32, #tpu.memory_space<hbm>> -> memref<416x64xf32, #tpu.memory_space<hbm>>
        %dma_start3A_1414 = arith.constant 0 : i32
        %dma_start3A_1415 = tpu.memref_slice %arg4[%mul3A_1408, %dma_start3A_1414] : memref<106496x64xf32, #tpu.memory_space<hbm>> -> memref<416x64xf32, #tpu.memory_space<hbm>>
        %dma_start3A_1416 = arith.constant 416 : i32
        %dma_start3A_1417 = arith.constant 0 : i32
        %dma_start3A_1418 = tpu.memref_slice %arg14[%dma_start3A_1416, %dma_start3A_1417] : memref<832x64xf32, #tpu.memory_space<vmem>> -> memref<416x64xf32, #tpu.memory_space<vmem>>
        tpu.enqueue_dma source(%dma_start3A_1418 : memref<416x64xf32, #tpu.memory_space<vmem>>) target(%dma_start3A_1415 : memref<416x64xf32, #tpu.memory_space<hbm>>) target_semaphore(%arg21 : memref<!tpu.dma_semaphore, #tpu.memory_space<semaphore_mem>>)
      } else {
      }
      %mul3A_908 = arith.constant 4 : i32
      %mul3A_909 = arith.muli %mul3A_908, %add3A_426 : i32
      %add3A_910 = arith.constant 2 : i32
      %add3A_911 = arith.addi %mul3A_909, %add3A_910 : i32
      %jit3A_912 = arith.constant 52 : i32
      %div3A_913 = arith.divsi %add3A_911, %jit3A_912 : i32
      %sign3A_914 = arith.constant 0 : i32
      %sign3A_915 = arith.cmpi sgt, %add3A_911, %sign3A_914 : i32
      %sign3A_916 = arith.extui %sign3A_915 : i1 to i32
      %sign3A_917 = arith.constant 0 : i32
      %sign3A_918 = arith.cmpi slt, %add3A_911, %sign3A_917 : i32
      %sign3A_919 = arith.extui %sign3A_918 : i1 to i32
      %sign3A_920 = arith.subi %sign3A_916, %sign3A_919 : i32
      %sign3A_921 = arith.constant 0 : i32
      %sign3A_922 = arith.cmpi sgt, %jit3A_912, %sign3A_921 : i32
      %sign3A_923 = arith.extui %sign3A_922 : i1 to i32
      %sign3A_924 = arith.constant 0 : i32
      %sign3A_925 = arith.cmpi slt, %jit3A_912, %sign3A_924 : i32
      %sign3A_926 = arith.extui %sign3A_925 : i1 to i32
      %sign3A_927 = arith.subi %sign3A_923, %sign3A_926 : i32
      %ne3A_928 = arith.cmpi ne, %sign3A_920, %sign3A_927 : i32
      %rem3A_929 = arith.remsi %add3A_911, %jit3A_912 : i32
      %ne3A_930 = arith.constant 0 : i32
      %ne3A_931 = arith.cmpi ne, %rem3A_929, %ne3A_930 : i32
      %and3A_932 = arith.andi %ne3A_928, %ne3A_931 : i1
      %sub3A_933 = arith.constant 1 : i32
      %sub3A_934 = arith.subi %div3A_913, %sub3A_933 : i32
      %select_n3A_935 = arith.select %and3A_932, %sub3A_934, %div3A_913 : i32
      %mul3A_936 = arith.constant 52 : i32
      %mul3A_937 = arith.muli %select_n3A_935, %mul3A_936 : i32
      %sub3A_938 = arith.subi %add3A_911, %mul3A_937 : i32
      %jit3A_939 = arith.constant 2 : i32
      %eq3A_940 = arith.constant 0 : i32
      %eq3A_941 = arith.cmpi eq, %jit3A_939, %eq3A_940 : i32
      %jit3A_942 = arith.constant 1 : i32
      %select_n3A_943 = arith.select %eq3A_941, %jit3A_942, %jit3A_939 : i32
      %rem3A_944 = arith.remsi %select_n3A_935, %select_n3A_943 : i32
      %ne3A_945 = arith.constant 0 : i32
      %ne3A_946 = arith.cmpi ne, %rem3A_944, %ne3A_945 : i32
      %lt3A_947 = arith.constant 0 : i32
      %lt3A_948 = arith.cmpi slt, %rem3A_944, %lt3A_947 : i32
      %lt3A_949 = arith.constant 0 : i32
      %lt3A_950 = arith.cmpi slt, %select_n3A_943, %lt3A_949 : i32
      %ne3A_951 = arith.xori %lt3A_948, %lt3A_950 : i1
      %and3A_952 = arith.andi %ne3A_951, %ne3A_946 : i1
      %add3A_953 = arith.addi %rem3A_944, %select_n3A_943 : i32
      %select_n3A_954 = arith.select %and3A_952, %add3A_953, %rem3A_944 : i32
      %eq3A_955 = arith.constant 0 : i32
      %eq3A_956 = arith.cmpi eq, %sub3A_938, %eq3A_955 : i32
      %add3A_957 = arith.constant 1 : i32
      %add3A_958 = arith.addi %select_n3A_935, %add3A_957 : i32
      %lt3A_959 = arith.constant 8 : i32
      %lt3A_960 = arith.cmpi slt, %add3A_958, %lt3A_959 : i32
      %and3A_961 = arith.andi %eq3A_956, %lt3A_960 : i1
      %add3A_962 = arith.constant 1 : i32
      %add3A_963 = arith.addi %select_n3A_935, %add3A_962 : i32
      %jit3A_964 = arith.constant 2 : i32
      %eq3A_965 = arith.constant 0 : i32
      %eq3A_966 = arith.cmpi eq, %jit3A_964, %eq3A_965 : i32
      %jit3A_967 = arith.constant 1 : i32
      %select_n3A_968 = arith.select %eq3A_966, %jit3A_967, %jit3A_964 : i32
      %rem3A_969 = arith.remsi %add3A_963, %select_n3A_968 : i32
      %ne3A_970 = arith.constant 0 : i32
      %ne3A_971 = arith.cmpi ne, %rem3A_969, %ne3A_970 : i32
      %lt3A_972 = arith.constant 0 : i32
      %lt3A_973 = arith.cmpi slt, %rem3A_969, %lt3A_972 : i32
      %lt3A_974 = arith.constant 0 : i32
      %lt3A_975 = arith.cmpi slt, %select_n3A_968, %lt3A_974 : i32
      %ne3A_976 = arith.xori %lt3A_973, %lt3A_975 : i1
      %and3A_977 = arith.andi %ne3A_976, %ne3A_971 : i1
      %add3A_978 = arith.addi %rem3A_969, %select_n3A_968 : i32
      %select_n3A_979 = arith.select %and3A_977, %add3A_978, %rem3A_969 : i32
      %eq3A_980 = arith.constant 0 : i32
      %eq3A_981 = arith.cmpi eq, %select_n3A_979, %eq3A_980 : i32
      %and3A_982 = arith.andi %and3A_961, %eq3A_981 : i1
      %convert_element_type3A_983 = arith.extui %and3A_982 : i1 to i32
      %cond3A_984 = arith.constant 0 : i32
      %cond3A_985 = arith.cmpi ne, %convert_element_type3A_983, %cond3A_984 : i32
      scf.if %cond3A_985 {
        %add3A_1402 = arith.constant 1 : i32
        %add3A_1403 = arith.addi %select_n3A_935, %add3A_1402 : i32
        %mul3A_1404 = arith.constant 128 : i32
        %mul3A_1405 = arith.muli %add3A, %mul3A_1404 : i32
        %mul3A_1406 = arith.constant 16 : i32
        %mul3A_1407 = arith.muli %add3A_1403, %mul3A_1406 : i32
        %add3A_1408 = arith.addi %mul3A_1405, %mul3A_1407 : i32
        %mul3A_1409 = arith.constant 20 : i32
        %mul3A_1410 = arith.muli %add3A_1408, %mul3A_1409 : i32
        %multiple_of3A_1411 = tpu.assume_multiple %mul3A_1410, 8 : i32
        %dma_start3A_1412 = arith.constant 0 : i32
        %dma_start3A_1413 = arith.constant 0 : i32
        %dma_start3A_1414 = tpu.memref_slice %arg5[%dma_start3A_1412, %dma_start3A_1413] : memref<52x320xi32, #tpu.memory_space<vmem>> -> memref<26x320xi32, #tpu.memory_space<vmem>>
        %dma_start3A_1415 = arith.constant 0 : i32
        %dma_start3A_1416 = tpu.memref_slice %arg2[%dma_start3A_1415, %multiple_of3A_1411] : memref<26x81920xi32, #tpu.memory_space<hbm>> -> memref<26x320xi32, #tpu.memory_space<hbm>>
        %dma_start3A_1417 = arith.constant 0 : i32
        %dma_start3A_1418 = arith.constant 0 : i32
        %dma_start3A_1419 = tpu.memref_slice %arg5[%dma_start3A_1417, %dma_start3A_1418] : memref<52x320xi32, #tpu.memory_space<vmem>> -> memref<26x320xi32, #tpu.memory_space<vmem>>
        %dma_start3A_1420 = arith.constant 0 : i32
        %dma_start3A_1421 = tpu.memref_slice %arg2[%dma_start3A_1420, %multiple_of3A_1411] : memref<26x81920xi32, #tpu.memory_space<hbm>> -> memref<26x320xi32, #tpu.memory_space<hbm>>
        tpu.enqueue_dma source(%dma_start3A_1421 : memref<26x320xi32, #tpu.memory_space<hbm>>) target(%dma_start3A_1419 : memref<26x320xi32, #tpu.memory_space<vmem>>) target_semaphore(%arg15 : memref<!tpu.dma_semaphore, #tpu.memory_space<semaphore_mem>>)
      } else {
      }
      %eq3A_986 = arith.constant 0 : i32
      %eq3A_987 = arith.cmpi eq, %sub3A_938, %eq3A_986 : i32
      %add3A_988 = arith.constant 1 : i32
      %add3A_989 = arith.addi %select_n3A_935, %add3A_988 : i32
      %lt3A_990 = arith.constant 8 : i32
      %lt3A_991 = arith.cmpi slt, %add3A_989, %lt3A_990 : i32
      %and3A_992 = arith.andi %eq3A_987, %lt3A_991 : i1
      %add3A_993 = arith.constant 1 : i32
      %add3A_994 = arith.addi %select_n3A_935, %add3A_993 : i32
      %jit3A_995 = arith.constant 2 : i32
      %eq3A_996 = arith.constant 0 : i32
      %eq3A_997 = arith.cmpi eq, %jit3A_995, %eq3A_996 : i32
      %jit3A_998 = arith.constant 1 : i32
      %select_n3A_999 = arith.select %eq3A_997, %jit3A_998, %jit3A_995 : i32
      %rem3A_1000 = arith.remsi %add3A_994, %select_n3A_999 : i32
      %ne3A_1001 = arith.constant 0 : i32
      %ne3A_1002 = arith.cmpi ne, %rem3A_1000, %ne3A_1001 : i32
      %lt3A_1003 = arith.constant 0 : i32
      %lt3A_1004 = arith.cmpi slt, %rem3A_1000, %lt3A_1003 : i32
      %lt3A_1005 = arith.constant 0 : i32
      %lt3A_1006 = arith.cmpi slt, %select_n3A_999, %lt3A_1005 : i32
      %ne3A_1007 = arith.xori %lt3A_1004, %lt3A_1006 : i1
      %and3A_1008 = arith.andi %ne3A_1007, %ne3A_1002 : i1
      %add3A_1009 = arith.addi %rem3A_1000, %select_n3A_999 : i32
      %select_n3A_1010 = arith.select %and3A_1008, %add3A_1009, %rem3A_1000 : i32
      %eq3A_1011 = arith.constant 1 : i32
      %eq3A_1012 = arith.cmpi eq, %select_n3A_1010, %eq3A_1011 : i32
      %and3A_1013 = arith.andi %and3A_992, %eq3A_1012 : i1
      %convert_element_type3A_1014 = arith.extui %and3A_1013 : i1 to i32
      %cond3A_1015 = arith.constant 0 : i32
      %cond3A_1016 = arith.cmpi ne, %convert_element_type3A_1014, %cond3A_1015 : i32
      scf.if %cond3A_1016 {
        %add3A_1402 = arith.constant 1 : i32
        %add3A_1403 = arith.addi %select_n3A_935, %add3A_1402 : i32
        %mul3A_1404 = arith.constant 128 : i32
        %mul3A_1405 = arith.muli %add3A, %mul3A_1404 : i32
        %mul3A_1406 = arith.constant 16 : i32
        %mul3A_1407 = arith.muli %add3A_1403, %mul3A_1406 : i32
        %add3A_1408 = arith.addi %mul3A_1405, %mul3A_1407 : i32
        %mul3A_1409 = arith.constant 20 : i32
        %mul3A_1410 = arith.muli %add3A_1408, %mul3A_1409 : i32
        %multiple_of3A_1411 = tpu.assume_multiple %mul3A_1410, 8 : i32
        %dma_start3A_1412 = arith.constant 26 : i32
        %dma_start3A_1413 = arith.constant 0 : i32
        %dma_start3A_1414 = tpu.memref_slice %arg5[%dma_start3A_1412, %dma_start3A_1413] : memref<52x320xi32, #tpu.memory_space<vmem>> -> memref<26x320xi32, #tpu.memory_space<vmem>>
        %dma_start3A_1415 = arith.constant 0 : i32
        %dma_start3A_1416 = tpu.memref_slice %arg2[%dma_start3A_1415, %multiple_of3A_1411] : memref<26x81920xi32, #tpu.memory_space<hbm>> -> memref<26x320xi32, #tpu.memory_space<hbm>>
        %dma_start3A_1417 = arith.constant 26 : i32
        %dma_start3A_1418 = arith.constant 0 : i32
        %dma_start3A_1419 = tpu.memref_slice %arg5[%dma_start3A_1417, %dma_start3A_1418] : memref<52x320xi32, #tpu.memory_space<vmem>> -> memref<26x320xi32, #tpu.memory_space<vmem>>
        %dma_start3A_1420 = arith.constant 0 : i32
        %dma_start3A_1421 = tpu.memref_slice %arg2[%dma_start3A_1420, %multiple_of3A_1411] : memref<26x81920xi32, #tpu.memory_space<hbm>> -> memref<26x320xi32, #tpu.memory_space<hbm>>
        tpu.enqueue_dma source(%dma_start3A_1421 : memref<26x320xi32, #tpu.memory_space<hbm>>) target(%dma_start3A_1419 : memref<26x320xi32, #tpu.memory_space<vmem>>) target_semaphore(%arg15 : memref<!tpu.dma_semaphore, #tpu.memory_space<semaphore_mem>>)
      } else {
      }
      %eq3A_1017 = arith.constant 0 : i32
      %eq3A_1018 = arith.cmpi eq, %sub3A_938, %eq3A_1017 : i32
      %ge3A_1019 = arith.constant 2 : i32
      %ge3A_1020 = arith.cmpi sge, %select_n3A_935, %ge3A_1019 : i32
      %and3A_1021 = arith.andi %eq3A_1018, %ge3A_1020 : i1
      %eq3A_1022 = arith.constant 0 : i32
      %eq3A_1023 = arith.cmpi eq, %select_n3A_954, %eq3A_1022 : i32
      %and3A_1024 = arith.andi %and3A_1021, %eq3A_1023 : i1
      %convert_element_type3A_1025 = arith.extui %and3A_1024 : i1 to i32
      %cond3A_1026 = arith.constant 0 : i32
      %cond3A_1027 = arith.cmpi ne, %convert_element_type3A_1025, %cond3A_1026 : i32
      scf.if %cond3A_1027 {
        %dma_wait3A_1402 = arith.constant 0 : i32
        %dma_wait3A_1403 = arith.constant 0 : i32
        %dma_wait3A_1404 = tpu.memref_slice %arg14[%dma_wait3A_1402, %dma_wait3A_1403] : memref<832x64xf32, #tpu.memory_space<vmem>> -> memref<416x64xf32, #tpu.memory_space<vmem>>
        %dma_wait3A_1405 = arith.constant 0 : i32
        %dma_wait3A_1406 = arith.constant 0 : i32
        %dma_wait3A_1407 = tpu.memref_slice %arg4[%dma_wait3A_1405, %dma_wait3A_1406] : memref<106496x64xf32, #tpu.memory_space<hbm>> -> memref<416x64xf32, #tpu.memory_space<hbm>>
        %dma_wait3A_1408 = arith.constant 0 : i32
        %dma_wait3A_1409 = arith.constant 0 : i32
        %dma_wait3A_1410 = tpu.memref_slice %arg4[%dma_wait3A_1408, %dma_wait3A_1409] : memref<106496x64xf32, #tpu.memory_space<hbm>> -> memref<416x64xf32, #tpu.memory_space<hbm>>
        %dma_wait3A_1411 = arith.constant 0 : i32
        %dma_wait3A_1412 = arith.constant 0 : i32
        %dma_wait3A_1413 = tpu.memref_slice %arg14[%dma_wait3A_1411, %dma_wait3A_1412] : memref<832x64xf32, #tpu.memory_space<vmem>> -> memref<416x64xf32, #tpu.memory_space<vmem>>
        tpu.wait_dma2 semaphore(%arg20 : memref<!tpu.dma_semaphore, #tpu.memory_space<semaphore_mem>>) src(%dma_wait3A_1413 : memref<416x64xf32, #tpu.memory_space<vmem>>) dst(%dma_wait3A_1410 : memref<416x64xf32, #tpu.memory_space<hbm>>)
      } else {
      }
      %eq3A_1028 = arith.constant 0 : i32
      %eq3A_1029 = arith.cmpi eq, %sub3A_938, %eq3A_1028 : i32
      %ge3A_1030 = arith.constant 2 : i32
      %ge3A_1031 = arith.cmpi sge, %select_n3A_935, %ge3A_1030 : i32
      %and3A_1032 = arith.andi %eq3A_1029, %ge3A_1031 : i1
      %eq3A_1033 = arith.constant 1 : i32
      %eq3A_1034 = arith.cmpi eq, %select_n3A_954, %eq3A_1033 : i32
      %and3A_1035 = arith.andi %and3A_1032, %eq3A_1034 : i1
      %convert_element_type3A_1036 = arith.extui %and3A_1035 : i1 to i32
      %cond3A_1037 = arith.constant 0 : i32
      %cond3A_1038 = arith.cmpi ne, %convert_element_type3A_1036, %cond3A_1037 : i32
      scf.if %cond3A_1038 {
        %dma_wait3A_1402 = arith.constant 0 : i32
        %dma_wait3A_1403 = arith.constant 0 : i32
        %dma_wait3A_1404 = tpu.memref_slice %arg14[%dma_wait3A_1402, %dma_wait3A_1403] : memref<832x64xf32, #tpu.memory_space<vmem>> -> memref<416x64xf32, #tpu.memory_space<vmem>>
        %dma_wait3A_1405 = arith.constant 0 : i32
        %dma_wait3A_1406 = arith.constant 0 : i32
        %dma_wait3A_1407 = tpu.memref_slice %arg4[%dma_wait3A_1405, %dma_wait3A_1406] : memref<106496x64xf32, #tpu.memory_space<hbm>> -> memref<416x64xf32, #tpu.memory_space<hbm>>
        %dma_wait3A_1408 = arith.constant 0 : i32
        %dma_wait3A_1409 = arith.constant 0 : i32
        %dma_wait3A_1410 = tpu.memref_slice %arg4[%dma_wait3A_1408, %dma_wait3A_1409] : memref<106496x64xf32, #tpu.memory_space<hbm>> -> memref<416x64xf32, #tpu.memory_space<hbm>>
        %dma_wait3A_1411 = arith.constant 0 : i32
        %dma_wait3A_1412 = arith.constant 0 : i32
        %dma_wait3A_1413 = tpu.memref_slice %arg14[%dma_wait3A_1411, %dma_wait3A_1412] : memref<832x64xf32, #tpu.memory_space<vmem>> -> memref<416x64xf32, #tpu.memory_space<vmem>>
        tpu.wait_dma2 semaphore(%arg21 : memref<!tpu.dma_semaphore, #tpu.memory_space<semaphore_mem>>) src(%dma_wait3A_1413 : memref<416x64xf32, #tpu.memory_space<vmem>>) dst(%dma_wait3A_1410 : memref<416x64xf32, #tpu.memory_space<hbm>>)
      } else {
      }
      %eq3A_1039 = arith.constant 49 : i32
      %eq3A_1040 = arith.cmpi eq, %sub3A_938, %eq3A_1039 : i32
      %add3A_1041 = arith.constant 1 : i32
      %add3A_1042 = arith.addi %select_n3A_935, %add3A_1041 : i32
      %lt3A_1043 = arith.constant 8 : i32
      %lt3A_1044 = arith.cmpi slt, %add3A_1042, %lt3A_1043 : i32
      %and3A_1045 = arith.andi %eq3A_1040, %lt3A_1044 : i1
      %convert_element_type3A_1046 = arith.extui %and3A_1045 : i1 to i32
      %cond3A_1047 = arith.constant 0 : i32
      %cond3A_1048 = arith.cmpi ne, %convert_element_type3A_1046, %cond3A_1047 : i32
      scf.if %cond3A_1048 {
        %dma_wait3A_1402 = arith.constant 0 : i32
        %dma_wait3A_1403 = arith.constant 0 : i32
        %dma_wait3A_1404 = tpu.memref_slice %arg5[%dma_wait3A_1402, %dma_wait3A_1403] : memref<52x320xi32, #tpu.memory_space<vmem>> -> memref<26x320xi32, #tpu.memory_space<vmem>>
        %dma_wait3A_1405 = arith.constant 0 : i32
        %dma_wait3A_1406 = arith.constant 0 : i32
        %dma_wait3A_1407 = tpu.memref_slice %arg2[%dma_wait3A_1405, %dma_wait3A_1406] : memref<26x81920xi32, #tpu.memory_space<hbm>> -> memref<26x320xi32, #tpu.memory_space<hbm>>
        %dma_wait3A_1408 = arith.constant 0 : i32
        %dma_wait3A_1409 = arith.constant 0 : i32
        %dma_wait3A_1410 = tpu.memref_slice %arg5[%dma_wait3A_1408, %dma_wait3A_1409] : memref<52x320xi32, #tpu.memory_space<vmem>> -> memref<26x320xi32, #tpu.memory_space<vmem>>
        %dma_wait3A_1411 = arith.constant 0 : i32
        %dma_wait3A_1412 = arith.constant 0 : i32
        %dma_wait3A_1413 = tpu.memref_slice %arg2[%dma_wait3A_1411, %dma_wait3A_1412] : memref<26x81920xi32, #tpu.memory_space<hbm>> -> memref<26x320xi32, #tpu.memory_space<hbm>>
        tpu.wait_dma2 semaphore(%arg15 : memref<!tpu.dma_semaphore, #tpu.memory_space<semaphore_mem>>) src(%dma_wait3A_1413 : memref<26x320xi32, #tpu.memory_space<hbm>>) dst(%dma_wait3A_1410 : memref<26x320xi32, #tpu.memory_space<vmem>>)
      } else {
      }
      %add3A_1049 = arith.constant 4 : i32
      %add3A_1050 = arith.addi %add3A_911, %add3A_1049 : i32
      %sub3A_1051 = arith.constant 1 : i32
      %sub3A_1052 = arith.subi %add3A_1050, %sub3A_1051 : i32
      %lt3A_1053 = arith.constant 416 : i32
      %lt3A_1054 = arith.cmpi slt, %sub3A_1052, %lt3A_1053 : i32
      %convert_element_type3A_1055 = arith.extui %lt3A_1054 : i1 to i32
      %cond3A_1056 = arith.constant 0 : i32
      %cond3A_1057 = arith.cmpi ne, %convert_element_type3A_1055, %cond3A_1056 : i32
      scf.if %cond3A_1057 {
        %add3A_1402 = arith.constant 4 : i32
        %add3A_1403 = arith.addi %add3A_911, %add3A_1402 : i32
        %sub3A_1404 = arith.constant 1 : i32
        %sub3A_1405 = arith.subi %add3A_1403, %sub3A_1404 : i32
        %jit3A_1406 = arith.constant 52 : i32
        %div3A_1407 = arith.divsi %sub3A_1405, %jit3A_1406 : i32
        %sign3A_1408 = arith.constant 0 : i32
        %sign3A_1409 = arith.cmpi sgt, %sub3A_1405, %sign3A_1408 : i32
        %sign3A_1410 = arith.extui %sign3A_1409 : i1 to i32
        %sign3A_1411 = arith.constant 0 : i32
        %sign3A_1412 = arith.cmpi slt, %sub3A_1405, %sign3A_1411 : i32
        %sign3A_1413 = arith.extui %sign3A_1412 : i1 to i32
        %sign3A_1414 = arith.subi %sign3A_1410, %sign3A_1413 : i32
        %sign3A_1415 = arith.constant 0 : i32
        %sign3A_1416 = arith.cmpi sgt, %jit3A_1406, %sign3A_1415 : i32
        %sign3A_1417 = arith.extui %sign3A_1416 : i1 to i32
        %sign3A_1418 = arith.constant 0 : i32
        %sign3A_1419 = arith.cmpi slt, %jit3A_1406, %sign3A_1418 : i32
        %sign3A_1420 = arith.extui %sign3A_1419 : i1 to i32
        %sign3A_1421 = arith.subi %sign3A_1417, %sign3A_1420 : i32
        %ne3A_1422 = arith.cmpi ne, %sign3A_1414, %sign3A_1421 : i32
        %rem3A_1423 = arith.remsi %sub3A_1405, %jit3A_1406 : i32
        %ne3A_1424 = arith.constant 0 : i32
        %ne3A_1425 = arith.cmpi ne, %rem3A_1423, %ne3A_1424 : i32
        %and3A_1426 = arith.andi %ne3A_1422, %ne3A_1425 : i1
        %sub3A_1427 = arith.constant 1 : i32
        %sub3A_1428 = arith.subi %div3A_1407, %sub3A_1427 : i32
        %select_n3A_1429 = arith.select %and3A_1426, %sub3A_1428, %div3A_1407 : i32
        %mul3A_1430 = arith.constant 52 : i32
        %mul3A_1431 = arith.muli %select_n3A_1429, %mul3A_1430 : i32
        %sub3A_1432 = arith.subi %sub3A_1405, %mul3A_1431 : i32
        %jit3A_1433 = arith.constant 2 : i32
        %div3A_1434 = arith.divsi %sub3A_1432, %jit3A_1433 : i32
        %sign3A_1435 = arith.constant 0 : i32
        %sign3A_1436 = arith.cmpi sgt, %sub3A_1432, %sign3A_1435 : i32
        %sign3A_1437 = arith.extui %sign3A_1436 : i1 to i32
        %sign3A_1438 = arith.constant 0 : i32
        %sign3A_1439 = arith.cmpi slt, %sub3A_1432, %sign3A_1438 : i32
        %sign3A_1440 = arith.extui %sign3A_1439 : i1 to i32
        %sign3A_1441 = arith.subi %sign3A_1437, %sign3A_1440 : i32
        %sign3A_1442 = arith.constant 0 : i32
        %sign3A_1443 = arith.cmpi sgt, %jit3A_1433, %sign3A_1442 : i32
        %sign3A_1444 = arith.extui %sign3A_1443 : i1 to i32
        %sign3A_1445 = arith.constant 0 : i32
        %sign3A_1446 = arith.cmpi slt, %jit3A_1433, %sign3A_1445 : i32
        %sign3A_1447 = arith.extui %sign3A_1446 : i1 to i32
        %sign3A_1448 = arith.subi %sign3A_1444, %sign3A_1447 : i32
        %ne3A_1449 = arith.cmpi ne, %sign3A_1441, %sign3A_1448 : i32
        %rem3A_1450 = arith.remsi %sub3A_1432, %jit3A_1433 : i32
        %ne3A_1451 = arith.constant 0 : i32
        %ne3A_1452 = arith.cmpi ne, %rem3A_1450, %ne3A_1451 : i32
        %and3A_1453 = arith.andi %ne3A_1449, %ne3A_1452 : i1
        %sub3A_1454 = arith.constant 1 : i32
        %sub3A_1455 = arith.subi %div3A_1434, %sub3A_1454 : i32
        %select_n3A_1456 = arith.select %and3A_1453, %sub3A_1455, %div3A_1434 : i32
        %jit3A_1457 = arith.constant 2 : i32
        %eq3A_1458 = arith.constant 0 : i32
        %eq3A_1459 = arith.cmpi eq, %jit3A_1457, %eq3A_1458 : i32
        %jit3A_1460 = arith.constant 1 : i32
        %select_n3A_1461 = arith.select %eq3A_1459, %jit3A_1460, %jit3A_1457 : i32
        %rem3A_1462 = arith.remsi %select_n3A_1429, %select_n3A_1461 : i32
        %ne3A_1463 = arith.constant 0 : i32
        %ne3A_1464 = arith.cmpi ne, %rem3A_1462, %ne3A_1463 : i32
        %lt3A_1465 = arith.constant 0 : i32
        %lt3A_1466 = arith.cmpi slt, %rem3A_1462, %lt3A_1465 : i32
        %lt3A_1467 = arith.constant 0 : i32
        %lt3A_1468 = arith.cmpi slt, %select_n3A_1461, %lt3A_1467 : i32
        %ne3A_1469 = arith.xori %lt3A_1466, %lt3A_1468 : i1
        %and3A_1470 = arith.andi %ne3A_1469, %ne3A_1464 : i1
        %add3A_1471 = arith.addi %rem3A_1462, %select_n3A_1461 : i32
        %select_n3A_1472 = arith.select %and3A_1470, %add3A_1471, %rem3A_1462 : i32
        %mul3A_1473 = arith.constant 26 : i32
        %mul3A_1474 = arith.muli %select_n3A_1472, %mul3A_1473 : i32
        %add3A_1475 = arith.addi %mul3A_1474, %select_n3A_1456 : i32
        %mul3A_1476 = arith.constant 100000 : i32
        %mul3A_1477 = arith.muli %select_n3A_1456, %mul3A_1476 : i32
        %get3A_1478 = arith.index_cast %add3A_1475 : i32 to index
        %get3A_1479 = arith.constant 160 : index
        %get3A_1480 = tpu.vector_load %arg5[%get3A_1478, %get3A_1479] {strides = array<i32>} : memref<52x320xi32, #tpu.memory_space<vmem>>, vector<1x16xi32>,
        %get3A_1481 = vector.shape_cast %get3A_1480 : vector<1x16xi32> to vector<16xi32>
        %add3A_1482 = vector.broadcast %mul3A_1477 : i32 to vector<16xi32>
        %add3A_1483 = arith.addi %get3A_1481, %add3A_1482 : vector<16xi32>
        %swap3A_1484 = arith.constant 0 : index
        %swap3A_1485 = tpu.vector_load %arg7[%swap3A_1484] {strides = array<i32>} : memref<160xi32, #tpu.memory_space<vmem>>, vector<16xi32>,
        %swap3A_1486 = vector.shape_cast %swap3A_1485 : vector<16xi32> to vector<16xi32>
        %swap3A_1487 = vector.shape_cast %add3A_1483 : vector<16xi32> to vector<16xi32>
        tpu.vector_store %arg7[%swap3A_1484], %swap3A_1487 {strides = array<i32>} : memref<160xi32, #tpu.memory_space<vmem>>, vector<16xi32>,
        %get3A_1488 = arith.index_cast %add3A_1475 : i32 to index
        %get3A_1489 = arith.constant 176 : index
        %get3A_1490 = tpu.vector_load %arg5[%get3A_1488, %get3A_1489] {strides = array<i32>} : memref<52x320xi32, #tpu.memory_space<vmem>>, vector<1x16xi32>,
        %get3A_1491 = vector.shape_cast %get3A_1490 : vector<1x16xi32> to vector<16xi32>
        %add3A_1492 = vector.broadcast %mul3A_1477 : i32 to vector<16xi32>
        %add3A_1493 = arith.addi %get3A_1491, %add3A_1492 : vector<16xi32>
        %swap3A_1494 = arith.constant 16 : index
        %swap3A_1495 = tpu.vector_load %arg7[%swap3A_1494] {strides = array<i32>} : memref<160xi32, #tpu.memory_space<vmem>>, vector<16xi32>,
        %swap3A_1496 = vector.shape_cast %swap3A_1495 : vector<16xi32> to vector<16xi32>
        %swap3A_1497 = vector.shape_cast %add3A_1493 : vector<16xi32> to vector<16xi32>
        tpu.vector_store %arg7[%swap3A_1494], %swap3A_1497 {strides = array<i32>} : memref<160xi32, #tpu.memory_space<vmem>>, vector<16xi32>,
        %get3A_1498 = arith.index_cast %add3A_1475 : i32 to index
        %get3A_1499 = arith.constant 192 : index
        %get3A_1500 = tpu.vector_load %arg5[%get3A_1498, %get3A_1499] {strides = array<i32>} : memref<52x320xi32, #tpu.memory_space<vmem>>, vector<1x16xi32>,
        %get3A_1501 = vector.shape_cast %get3A_1500 : vector<1x16xi32> to vector<16xi32>
        %add3A_1502 = vector.broadcast %mul3A_1477 : i32 to vector<16xi32>
        %add3A_1503 = arith.addi %get3A_1501, %add3A_1502 : vector<16xi32>
        %swap3A_1504 = arith.constant 32 : index
        %swap3A_1505 = tpu.vector_load %arg7[%swap3A_1504] {strides = array<i32>} : memref<160xi32, #tpu.memory_space<vmem>>, vector<16xi32>,
        %swap3A_1506 = vector.shape_cast %swap3A_1505 : vector<16xi32> to vector<16xi32>
        %swap3A_1507 = vector.shape_cast %add3A_1503 : vector<16xi32> to vector<16xi32>
        tpu.vector_store %arg7[%swap3A_1504], %swap3A_1507 {strides = array<i32>} : memref<160xi32, #tpu.memory_space<vmem>>, vector<16xi32>,
        %get3A_1508 = arith.index_cast %add3A_1475 : i32 to index
        %get3A_1509 = arith.constant 208 : index
        %get3A_1510 = tpu.vector_load %arg5[%get3A_1508, %get3A_1509] {strides = array<i32>} : memref<52x320xi32, #tpu.memory_space<vmem>>, vector<1x16xi32>,
        %get3A_1511 = vector.shape_cast %get3A_1510 : vector<1x16xi32> to vector<16xi32>
        %add3A_1512 = vector.broadcast %mul3A_1477 : i32 to vector<16xi32>
        %add3A_1513 = arith.addi %get3A_1511, %add3A_1512 : vector<16xi32>
        %swap3A_1514 = arith.constant 48 : index
        %swap3A_1515 = tpu.vector_load %arg7[%swap3A_1514] {strides = array<i32>} : memref<160xi32, #tpu.memory_space<vmem>>, vector<16xi32>,
        %swap3A_1516 = vector.shape_cast %swap3A_1515 : vector<16xi32> to vector<16xi32>
        %swap3A_1517 = vector.shape_cast %add3A_1513 : vector<16xi32> to vector<16xi32>
        tpu.vector_store %arg7[%swap3A_1514], %swap3A_1517 {strides = array<i32>} : memref<160xi32, #tpu.memory_space<vmem>>, vector<16xi32>,
        %get3A_1518 = arith.index_cast %add3A_1475 : i32 to index
        %get3A_1519 = arith.constant 224 : index
        %get3A_1520 = tpu.vector_load %arg5[%get3A_1518, %get3A_1519] {strides = array<i32>} : memref<52x320xi32, #tpu.memory_space<vmem>>, vector<1x16xi32>,
        %get3A_1521 = vector.shape_cast %get3A_1520 : vector<1x16xi32> to vector<16xi32>
        %add3A_1522 = vector.broadcast %mul3A_1477 : i32 to vector<16xi32>
        %add3A_1523 = arith.addi %get3A_1521, %add3A_1522 : vector<16xi32>
        %swap3A_1524 = arith.constant 64 : index
        %swap3A_1525 = tpu.vector_load %arg7[%swap3A_1524] {strides = array<i32>} : memref<160xi32, #tpu.memory_space<vmem>>, vector<16xi32>,
        %swap3A_1526 = vector.shape_cast %swap3A_1525 : vector<16xi32> to vector<16xi32>
        %swap3A_1527 = vector.shape_cast %add3A_1523 : vector<16xi32> to vector<16xi32>
        tpu.vector_store %arg7[%swap3A_1524], %swap3A_1527 {strides = array<i32>} : memref<160xi32, #tpu.memory_space<vmem>>, vector<16xi32>,
        %get3A_1528 = arith.index_cast %add3A_1475 : i32 to index
        %get3A_1529 = arith.constant 240 : index
        %get3A_1530 = tpu.vector_load %arg5[%get3A_1528, %get3A_1529] {strides = array<i32>} : memref<52x320xi32, #tpu.memory_space<vmem>>, vector<1x16xi32>,
        %get3A_1531 = vector.shape_cast %get3A_1530 : vector<1x16xi32> to vector<16xi32>
        %add3A_1532 = vector.broadcast %mul3A_1477 : i32 to vector<16xi32>
        %add3A_1533 = arith.addi %get3A_1531, %add3A_1532 : vector<16xi32>
        %swap3A_1534 = arith.constant 80 : index
        %swap3A_1535 = tpu.vector_load %arg7[%swap3A_1534] {strides = array<i32>} : memref<160xi32, #tpu.memory_space<vmem>>, vector<16xi32>,
        %swap3A_1536 = vector.shape_cast %swap3A_1535 : vector<16xi32> to vector<16xi32>
        %swap3A_1537 = vector.shape_cast %add3A_1533 : vector<16xi32> to vector<16xi32>
        tpu.vector_store %arg7[%swap3A_1534], %swap3A_1537 {strides = array<i32>} : memref<160xi32, #tpu.memory_space<vmem>>, vector<16xi32>,
        %get3A_1538 = arith.index_cast %add3A_1475 : i32 to index
        %get3A_1539 = arith.constant 256 : index
        %get3A_1540 = tpu.vector_load %arg5[%get3A_1538, %get3A_1539] {strides = array<i32>} : memref<52x320xi32, #tpu.memory_space<vmem>>, vector<1x16xi32>,
        %get3A_1541 = vector.shape_cast %get3A_1540 : vector<1x16xi32> to vector<16xi32>
        %add3A_1542 = vector.broadcast %mul3A_1477 : i32 to vector<16xi32>
        %add3A_1543 = arith.addi %get3A_1541, %add3A_1542 : vector<16xi32>
        %swap3A_1544 = arith.constant 96 : index
        %swap3A_1545 = tpu.vector_load %arg7[%swap3A_1544] {strides = array<i32>} : memref<160xi32, #tpu.memory_space<vmem>>, vector<16xi32>,
        %swap3A_1546 = vector.shape_cast %swap3A_1545 : vector<16xi32> to vector<16xi32>
        %swap3A_1547 = vector.shape_cast %add3A_1543 : vector<16xi32> to vector<16xi32>
        tpu.vector_store %arg7[%swap3A_1544], %swap3A_1547 {strides = array<i32>} : memref<160xi32, #tpu.memory_space<vmem>>, vector<16xi32>,
        %get3A_1548 = arith.index_cast %add3A_1475 : i32 to index
        %get3A_1549 = arith.constant 272 : index
        %get3A_1550 = tpu.vector_load %arg5[%get3A_1548, %get3A_1549] {strides = array<i32>} : memref<52x320xi32, #tpu.memory_space<vmem>>, vector<1x16xi32>,
        %get3A_1551 = vector.shape_cast %get3A_1550 : vector<1x16xi32> to vector<16xi32>
        %add3A_1552 = vector.broadcast %mul3A_1477 : i32 to vector<16xi32>
        %add3A_1553 = arith.addi %get3A_1551, %add3A_1552 : vector<16xi32>
        %swap3A_1554 = arith.constant 112 : index
        %swap3A_1555 = tpu.vector_load %arg7[%swap3A_1554] {strides = array<i32>} : memref<160xi32, #tpu.memory_space<vmem>>, vector<16xi32>,
        %swap3A_1556 = vector.shape_cast %swap3A_1555 : vector<16xi32> to vector<16xi32>
        %swap3A_1557 = vector.shape_cast %add3A_1553 : vector<16xi32> to vector<16xi32>
        tpu.vector_store %arg7[%swap3A_1554], %swap3A_1557 {strides = array<i32>} : memref<160xi32, #tpu.memory_space<vmem>>, vector<16xi32>,
        %get3A_1558 = arith.index_cast %add3A_1475 : i32 to index
        %get3A_1559 = arith.constant 288 : index
        %get3A_1560 = tpu.vector_load %arg5[%get3A_1558, %get3A_1559] {strides = array<i32>} : memref<52x320xi32, #tpu.memory_space<vmem>>, vector<1x16xi32>,
        %get3A_1561 = vector.shape_cast %get3A_1560 : vector<1x16xi32> to vector<16xi32>
        %add3A_1562 = vector.broadcast %mul3A_1477 : i32 to vector<16xi32>
        %add3A_1563 = arith.addi %get3A_1561, %add3A_1562 : vector<16xi32>
        %swap3A_1564 = arith.constant 128 : index
        %swap3A_1565 = tpu.vector_load %arg7[%swap3A_1564] {strides = array<i32>} : memref<160xi32, #tpu.memory_space<vmem>>, vector<16xi32>,
        %swap3A_1566 = vector.shape_cast %swap3A_1565 : vector<16xi32> to vector<16xi32>
        %swap3A_1567 = vector.shape_cast %add3A_1563 : vector<16xi32> to vector<16xi32>
        tpu.vector_store %arg7[%swap3A_1564], %swap3A_1567 {strides = array<i32>} : memref<160xi32, #tpu.memory_space<vmem>>, vector<16xi32>,
        %get3A_1568 = arith.index_cast %add3A_1475 : i32 to index
        %get3A_1569 = arith.constant 304 : index
        %get3A_1570 = tpu.vector_load %arg5[%get3A_1568, %get3A_1569] {strides = array<i32>} : memref<52x320xi32, #tpu.memory_space<vmem>>, vector<1x16xi32>,
        %get3A_1571 = vector.shape_cast %get3A_1570 : vector<1x16xi32> to vector<16xi32>
        %add3A_1572 = vector.broadcast %mul3A_1477 : i32 to vector<16xi32>
        %add3A_1573 = arith.addi %get3A_1571, %add3A_1572 : vector<16xi32>
        %swap3A_1574 = arith.constant 144 : index
        %swap3A_1575 = tpu.vector_load %arg7[%swap3A_1574] {strides = array<i32>} : memref<160xi32, #tpu.memory_space<vmem>>, vector<16xi32>,
        %swap3A_1576 = vector.shape_cast %swap3A_1575 : vector<16xi32> to vector<16xi32>
        %swap3A_1577 = vector.shape_cast %add3A_1573 : vector<16xi32> to vector<16xi32>
        tpu.vector_store %arg7[%swap3A_1574], %swap3A_1577 {strides = array<i32>} : memref<160xi32, #tpu.memory_space<vmem>>, vector<16xi32>,
        %dma_start3A_1578 = arith.constant 0 : i32
        %dma_start3A_1579 = arith.constant 0 : i32
        %dma_start3A_1580 = tpu.memref_slice %arg3[%dma_start3A_1578, %dma_start3A_1579] : memref<2600000x64xf32, #tpu.memory_space<hbm>> -> memref<2600000x64xf32, #tpu.memory_space<hbm>>
        tpu.enqueue_indirect_dma source(%dma_start3A_1580 : memref<2600000x64xf32, #tpu.memory_space<hbm>>) target(%arg11 : memref<160x64xf32, #tpu.memory_space<vmem>>) offsets(%arg7 : memref<160xi32, #tpu.memory_space<vmem>>) semaphore(%arg17 : memref<!tpu.dma_semaphore, #tpu.memory_space<semaphore_mem>>)
      } else {
      }
      %dma_wait3A_1058 = arith.constant 0 : i32
      %dma_wait3A_1059 = arith.constant 0 : i32
      %dma_wait3A_1060 = tpu.memref_slice %arg3[%dma_wait3A_1058, %dma_wait3A_1059] : memref<2600000x64xf32, #tpu.memory_space<hbm>> -> memref<160x64xf32, #tpu.memory_space<hbm>>
      %dma_wait3A_1061 = arith.constant 0 : i32
      %dma_wait3A_1062 = arith.constant 0 : i32
      %dma_wait3A_1063 = tpu.memref_slice %arg3[%dma_wait3A_1061, %dma_wait3A_1062] : memref<2600000x64xf32, #tpu.memory_space<hbm>> -> memref<160x64xf32, #tpu.memory_space<hbm>>
      tpu.wait_dma2 semaphore(%arg18 : memref<!tpu.dma_semaphore, #tpu.memory_space<semaphore_mem>>) src(%dma_wait3A_1063 : memref<160x64xf32, #tpu.memory_space<hbm>>) dst(%arg12 : memref<160x64xf32, #tpu.memory_space<vmem>>)
      %jit3A_1064 = arith.constant 52 : i32
      %div3A_1065 = arith.divsi %add3A_911, %jit3A_1064 : i32
      %sign3A_1066 = arith.constant 0 : i32
      %sign3A_1067 = arith.cmpi sgt, %add3A_911, %sign3A_1066 : i32
      %sign3A_1068 = arith.extui %sign3A_1067 : i1 to i32
      %sign3A_1069 = arith.constant 0 : i32
      %sign3A_1070 = arith.cmpi slt, %add3A_911, %sign3A_1069 : i32
      %sign3A_1071 = arith.extui %sign3A_1070 : i1 to i32
      %sign3A_1072 = arith.subi %sign3A_1068, %sign3A_1071 : i32
      %sign3A_1073 = arith.constant 0 : i32
      %sign3A_1074 = arith.cmpi sgt, %jit3A_1064, %sign3A_1073 : i32
      %sign3A_1075 = arith.extui %sign3A_1074 : i1 to i32
      %sign3A_1076 = arith.constant 0 : i32
      %sign3A_1077 = arith.cmpi slt, %jit3A_1064, %sign3A_1076 : i32
      %sign3A_1078 = arith.extui %sign3A_1077 : i1 to i32
      %sign3A_1079 = arith.subi %sign3A_1075, %sign3A_1078 : i32
      %ne3A_1080 = arith.cmpi ne, %sign3A_1072, %sign3A_1079 : i32
      %rem3A_1081 = arith.remsi %add3A_911, %jit3A_1064 : i32
      %ne3A_1082 = arith.constant 0 : i32
      %ne3A_1083 = arith.cmpi ne, %rem3A_1081, %ne3A_1082 : i32
      %and3A_1084 = arith.andi %ne3A_1080, %ne3A_1083 : i1
      %sub3A_1085 = arith.constant 1 : i32
      %sub3A_1086 = arith.subi %div3A_1065, %sub3A_1085 : i32
      %select_n3A_1087 = arith.select %and3A_1084, %sub3A_1086, %div3A_1065 : i32
      %mul3A_1088 = arith.constant 52 : i32
      %mul3A_1089 = arith.muli %select_n3A_1087, %mul3A_1088 : i32
      %sub3A_1090 = arith.subi %add3A_911, %mul3A_1089 : i32
      %jit3A_1091 = arith.constant 2 : i32
      %div3A_1092 = arith.divsi %sub3A_1090, %jit3A_1091 : i32
      %sign3A_1093 = arith.constant 0 : i32
      %sign3A_1094 = arith.cmpi sgt, %sub3A_1090, %sign3A_1093 : i32
      %sign3A_1095 = arith.extui %sign3A_1094 : i1 to i32
      %sign3A_1096 = arith.constant 0 : i32
      %sign3A_1097 = arith.cmpi slt, %sub3A_1090, %sign3A_1096 : i32
      %sign3A_1098 = arith.extui %sign3A_1097 : i1 to i32
      %sign3A_1099 = arith.subi %sign3A_1095, %sign3A_1098 : i32
      %sign3A_1100 = arith.constant 0 : i32
      %sign3A_1101 = arith.cmpi sgt, %jit3A_1091, %sign3A_1100 : i32
      %sign3A_1102 = arith.extui %sign3A_1101 : i1 to i32
      %sign3A_1103 = arith.constant 0 : i32
      %sign3A_1104 = arith.cmpi slt, %jit3A_1091, %sign3A_1103 : i32
      %sign3A_1105 = arith.extui %sign3A_1104 : i1 to i32
      %sign3A_1106 = arith.subi %sign3A_1102, %sign3A_1105 : i32
      %ne3A_1107 = arith.cmpi ne, %sign3A_1099, %sign3A_1106 : i32
      %rem3A_1108 = arith.remsi %sub3A_1090, %jit3A_1091 : i32
      %ne3A_1109 = arith.constant 0 : i32
      %ne3A_1110 = arith.cmpi ne, %rem3A_1108, %ne3A_1109 : i32
      %and3A_1111 = arith.andi %ne3A_1107, %ne3A_1110 : i1
      %sub3A_1112 = arith.constant 1 : i32
      %sub3A_1113 = arith.subi %div3A_1092, %sub3A_1112 : i32
      %select_n3A_1114 = arith.select %and3A_1111, %sub3A_1113, %div3A_1092 : i32
      %jit3A_1115 = arith.constant 2 : i32
      %eq3A_1116 = arith.constant 0 : i32
      %eq3A_1117 = arith.cmpi eq, %jit3A_1115, %eq3A_1116 : i32
      %jit3A_1118 = arith.constant 1 : i32
      %select_n3A_1119 = arith.select %eq3A_1117, %jit3A_1118, %jit3A_1115 : i32
      %rem3A_1120 = arith.remsi %select_n3A_1087, %select_n3A_1119 : i32
      %ne3A_1121 = arith.constant 0 : i32
      %ne3A_1122 = arith.cmpi ne, %rem3A_1120, %ne3A_1121 : i32
      %lt3A_1123 = arith.constant 0 : i32
      %lt3A_1124 = arith.cmpi slt, %rem3A_1120, %lt3A_1123 : i32
      %lt3A_1125 = arith.constant 0 : i32
      %lt3A_1126 = arith.cmpi slt, %select_n3A_1119, %lt3A_1125 : i32
      %ne3A_1127 = arith.xori %lt3A_1124, %lt3A_1126 : i1
      %and3A_1128 = arith.andi %ne3A_1127, %ne3A_1122 : i1
      %add3A_1129 = arith.addi %rem3A_1120, %select_n3A_1119 : i32
      %select_n3A_1130 = arith.select %and3A_1128, %add3A_1129, %rem3A_1120 : i32
      %mul3A_1131 = arith.constant 416 : i32
      %mul3A_1132 = arith.muli %select_n3A_1130, %mul3A_1131 : i32
      %scan3A_1133 = arith.constant 0 : i32
      %scan3A_1134 = arith.constant 0 : i32
      %scan3A_1135 = arith.constant 8 : i32
      %scan3A_1136 = arith.addi %scan3A_1134, %scan3A_1135 : i32
      %scan3A_1137 = arith.constant 1 : i32
      scf.for %scan3A_1402 = %scan3A_1134 to %scan3A_1136 step %scan3A_1137  : i32 {
        %mul3A_1403 = arith.constant 20 : i32
        %mul3A_1404 = arith.muli %scan3A_1402, %mul3A_1403 : i32
        %get3A_1405 = arith.index_cast %mul3A_1404 : i32 to index
        %get3A_1406 = arith.constant 0 : index
        %get3A_1407 = tpu.vector_load %arg12[%get3A_1405, %get3A_1406] {strides = array<i32>} : memref<160x64xf32, #tpu.memory_space<vmem>>, vector<1x16xf32>,
        %get3A_1408 = vector.shape_cast %get3A_1407 : vector<1x16xf32> to vector<16xf32>
        %get3A_1409 = arith.index_cast %mul3A_1404 : i32 to index
        %get3A_1410 = arith.constant 16 : index
        %get3A_1411 = tpu.vector_load %arg12[%get3A_1409, %get3A_1410] {strides = array<i32>} : memref<160x64xf32, #tpu.memory_space<vmem>>, vector<1x16xf32>,
        %get3A_1412 = vector.shape_cast %get3A_1411 : vector<1x16xf32> to vector<16xf32>
        %get3A_1413 = arith.index_cast %mul3A_1404 : i32 to index
        %get3A_1414 = arith.constant 32 : index
        %get3A_1415 = tpu.vector_load %arg12[%get3A_1413, %get3A_1414] {strides = array<i32>} : memref<160x64xf32, #tpu.memory_space<vmem>>, vector<1x16xf32>,
        %get3A_1416 = vector.shape_cast %get3A_1415 : vector<1x16xf32> to vector<16xf32>
        %get3A_1417 = arith.index_cast %mul3A_1404 : i32 to index
        %get3A_1418 = arith.constant 48 : index
        %get3A_1419 = tpu.vector_load %arg12[%get3A_1417, %get3A_1418] {strides = array<i32>} : memref<160x64xf32, #tpu.memory_space<vmem>>, vector<1x16xf32>,
        %get3A_1420 = vector.shape_cast %get3A_1419 : vector<1x16xf32> to vector<16xf32>
        %add3A_1421 = arith.constant 1 : i32
        %add3A_1422 = arith.addi %mul3A_1404, %add3A_1421 : i32
        %get3A_1423 = arith.index_cast %add3A_1422 : i32 to index
        %get3A_1424 = arith.constant 0 : index
        %get3A_1425 = tpu.vector_load %arg12[%get3A_1423, %get3A_1424] {strides = array<i32>} : memref<160x64xf32, #tpu.memory_space<vmem>>, vector<1x16xf32>,
        %get3A_1426 = vector.shape_cast %get3A_1425 : vector<1x16xf32> to vector<16xf32>
        %add3A_1427 = arith.addf %get3A_1408, %get3A_1426 : vector<16xf32>
        %add3A_1428 = arith.constant 1 : i32
        %add3A_1429 = arith.addi %mul3A_1404, %add3A_1428 : i32
        %get3A_1430 = arith.index_cast %add3A_1429 : i32 to index
        %get3A_1431 = arith.constant 16 : index
        %get3A_1432 = tpu.vector_load %arg12[%get3A_1430, %get3A_1431] {strides = array<i32>} : memref<160x64xf32, #tpu.memory_space<vmem>>, vector<1x16xf32>,
        %get3A_1433 = vector.shape_cast %get3A_1432 : vector<1x16xf32> to vector<16xf32>
        %add3A_1434 = arith.addf %get3A_1412, %get3A_1433 : vector<16xf32>
        %add3A_1435 = arith.constant 1 : i32
        %add3A_1436 = arith.addi %mul3A_1404, %add3A_1435 : i32
        %get3A_1437 = arith.index_cast %add3A_1436 : i32 to index
        %get3A_1438 = arith.constant 32 : index
        %get3A_1439 = tpu.vector_load %arg12[%get3A_1437, %get3A_1438] {strides = array<i32>} : memref<160x64xf32, #tpu.memory_space<vmem>>, vector<1x16xf32>,
        %get3A_1440 = vector.shape_cast %get3A_1439 : vector<1x16xf32> to vector<16xf32>
        %add3A_1441 = arith.addf %get3A_1416, %get3A_1440 : vector<16xf32>
        %add3A_1442 = arith.constant 1 : i32
        %add3A_1443 = arith.addi %mul3A_1404, %add3A_1442 : i32
        %get3A_1444 = arith.index_cast %add3A_1443 : i32 to index
        %get3A_1445 = arith.constant 48 : index
        %get3A_1446 = tpu.vector_load %arg12[%get3A_1444, %get3A_1445] {strides = array<i32>} : memref<160x64xf32, #tpu.memory_space<vmem>>, vector<1x16xf32>,
        %get3A_1447 = vector.shape_cast %get3A_1446 : vector<1x16xf32> to vector<16xf32>
        %add3A_1448 = arith.addf %get3A_1420, %get3A_1447 : vector<16xf32>
        %add3A_1449 = arith.constant 2 : i32
        %add3A_1450 = arith.addi %mul3A_1404, %add3A_1449 : i32
        %get3A_1451 = arith.index_cast %add3A_1450 : i32 to index
        %get3A_1452 = arith.constant 0 : index
        %get3A_1453 = tpu.vector_load %arg12[%get3A_1451, %get3A_1452] {strides = array<i32>} : memref<160x64xf32, #tpu.memory_space<vmem>>, vector<1x16xf32>,
        %get3A_1454 = vector.shape_cast %get3A_1453 : vector<1x16xf32> to vector<16xf32>
        %add3A_1455 = arith.addf %add3A_1427, %get3A_1454 : vector<16xf32>
        %add3A_1456 = arith.constant 2 : i32
        %add3A_1457 = arith.addi %mul3A_1404, %add3A_1456 : i32
        %get3A_1458 = arith.index_cast %add3A_1457 : i32 to index
        %get3A_1459 = arith.constant 16 : index
        %get3A_1460 = tpu.vector_load %arg12[%get3A_1458, %get3A_1459] {strides = array<i32>} : memref<160x64xf32, #tpu.memory_space<vmem>>, vector<1x16xf32>,
        %get3A_1461 = vector.shape_cast %get3A_1460 : vector<1x16xf32> to vector<16xf32>
        %add3A_1462 = arith.addf %add3A_1434, %get3A_1461 : vector<16xf32>
        %add3A_1463 = arith.constant 2 : i32
        %add3A_1464 = arith.addi %mul3A_1404, %add3A_1463 : i32
        %get3A_1465 = arith.index_cast %add3A_1464 : i32 to index
        %get3A_1466 = arith.constant 32 : index
        %get3A_1467 = tpu.vector_load %arg12[%get3A_1465, %get3A_1466] {strides = array<i32>} : memref<160x64xf32, #tpu.memory_space<vmem>>, vector<1x16xf32>,
        %get3A_1468 = vector.shape_cast %get3A_1467 : vector<1x16xf32> to vector<16xf32>
        %add3A_1469 = arith.addf %add3A_1441, %get3A_1468 : vector<16xf32>
        %add3A_1470 = arith.constant 2 : i32
        %add3A_1471 = arith.addi %mul3A_1404, %add3A_1470 : i32
        %get3A_1472 = arith.index_cast %add3A_1471 : i32 to index
        %get3A_1473 = arith.constant 48 : index
        %get3A_1474 = tpu.vector_load %arg12[%get3A_1472, %get3A_1473] {strides = array<i32>} : memref<160x64xf32, #tpu.memory_space<vmem>>, vector<1x16xf32>,
        %get3A_1475 = vector.shape_cast %get3A_1474 : vector<1x16xf32> to vector<16xf32>
        %add3A_1476 = arith.addf %add3A_1448, %get3A_1475 : vector<16xf32>
        %add3A_1477 = arith.constant 3 : i32
        %add3A_1478 = arith.addi %mul3A_1404, %add3A_1477 : i32
        %get3A_1479 = arith.index_cast %add3A_1478 : i32 to index
        %get3A_1480 = arith.constant 0 : index
        %get3A_1481 = tpu.vector_load %arg12[%get3A_1479, %get3A_1480] {strides = array<i32>} : memref<160x64xf32, #tpu.memory_space<vmem>>, vector<1x16xf32>,
        %get3A_1482 = vector.shape_cast %get3A_1481 : vector<1x16xf32> to vector<16xf32>
        %add3A_1483 = arith.addf %add3A_1455, %get3A_1482 : vector<16xf32>
        %add3A_1484 = arith.constant 3 : i32
        %add3A_1485 = arith.addi %mul3A_1404, %add3A_1484 : i32
        %get3A_1486 = arith.index_cast %add3A_1485 : i32 to index
        %get3A_1487 = arith.constant 16 : index
        %get3A_1488 = tpu.vector_load %arg12[%get3A_1486, %get3A_1487] {strides = array<i32>} : memref<160x64xf32, #tpu.memory_space<vmem>>, vector<1x16xf32>,
        %get3A_1489 = vector.shape_cast %get3A_1488 : vector<1x16xf32> to vector<16xf32>
        %add3A_1490 = arith.addf %add3A_1462, %get3A_1489 : vector<16xf32>
        %add3A_1491 = arith.constant 3 : i32
        %add3A_1492 = arith.addi %mul3A_1404, %add3A_1491 : i32
        %get3A_1493 = arith.index_cast %add3A_1492 : i32 to index
        %get3A_1494 = arith.constant 32 : index
        %get3A_1495 = tpu.vector_load %arg12[%get3A_1493, %get3A_1494] {strides = array<i32>} : memref<160x64xf32, #tpu.memory_space<vmem>>, vector<1x16xf32>,
        %get3A_1496 = vector.shape_cast %get3A_1495 : vector<1x16xf32> to vector<16xf32>
        %add3A_1497 = arith.addf %add3A_1469, %get3A_1496 : vector<16xf32>
        %add3A_1498 = arith.constant 3 : i32
        %add3A_1499 = arith.addi %mul3A_1404, %add3A_1498 : i32
        %get3A_1500 = arith.index_cast %add3A_1499 : i32 to index
        %get3A_1501 = arith.constant 48 : index
        %get3A_1502 = tpu.vector_load %arg12[%get3A_1500, %get3A_1501] {strides = array<i32>} : memref<160x64xf32, #tpu.memory_space<vmem>>, vector<1x16xf32>,
        %get3A_1503 = vector.shape_cast %get3A_1502 : vector<1x16xf32> to vector<16xf32>
        %add3A_1504 = arith.addf %add3A_1476, %get3A_1503 : vector<16xf32>
        %add3A_1505 = arith.constant 4 : i32
        %add3A_1506 = arith.addi %mul3A_1404, %add3A_1505 : i32
        %get3A_1507 = arith.index_cast %add3A_1506 : i32 to index
        %get3A_1508 = arith.constant 0 : index
        %get3A_1509 = tpu.vector_load %arg12[%get3A_1507, %get3A_1508] {strides = array<i32>} : memref<160x64xf32, #tpu.memory_space<vmem>>, vector<1x16xf32>,
        %get3A_1510 = vector.shape_cast %get3A_1509 : vector<1x16xf32> to vector<16xf32>
        %add3A_1511 = arith.addf %add3A_1483, %get3A_1510 : vector<16xf32>
        %add3A_1512 = arith.constant 4 : i32
        %add3A_1513 = arith.addi %mul3A_1404, %add3A_1512 : i32
        %get3A_1514 = arith.index_cast %add3A_1513 : i32 to index
        %get3A_1515 = arith.constant 16 : index
        %get3A_1516 = tpu.vector_load %arg12[%get3A_1514, %get3A_1515] {strides = array<i32>} : memref<160x64xf32, #tpu.memory_space<vmem>>, vector<1x16xf32>,
        %get3A_1517 = vector.shape_cast %get3A_1516 : vector<1x16xf32> to vector<16xf32>
        %add3A_1518 = arith.addf %add3A_1490, %get3A_1517 : vector<16xf32>
        %add3A_1519 = arith.constant 4 : i32
        %add3A_1520 = arith.addi %mul3A_1404, %add3A_1519 : i32
        %get3A_1521 = arith.index_cast %add3A_1520 : i32 to index
        %get3A_1522 = arith.constant 32 : index
        %get3A_1523 = tpu.vector_load %arg12[%get3A_1521, %get3A_1522] {strides = array<i32>} : memref<160x64xf32, #tpu.memory_space<vmem>>, vector<1x16xf32>,
        %get3A_1524 = vector.shape_cast %get3A_1523 : vector<1x16xf32> to vector<16xf32>
        %add3A_1525 = arith.addf %add3A_1497, %get3A_1524 : vector<16xf32>
        %add3A_1526 = arith.constant 4 : i32
        %add3A_1527 = arith.addi %mul3A_1404, %add3A_1526 : i32
        %get3A_1528 = arith.index_cast %add3A_1527 : i32 to index
        %get3A_1529 = arith.constant 48 : index
        %get3A_1530 = tpu.vector_load %arg12[%get3A_1528, %get3A_1529] {strides = array<i32>} : memref<160x64xf32, #tpu.memory_space<vmem>>, vector<1x16xf32>,
        %get3A_1531 = vector.shape_cast %get3A_1530 : vector<1x16xf32> to vector<16xf32>
        %add3A_1532 = arith.addf %add3A_1504, %get3A_1531 : vector<16xf32>
        %add3A_1533 = arith.constant 5 : i32
        %add3A_1534 = arith.addi %mul3A_1404, %add3A_1533 : i32
        %get3A_1535 = arith.index_cast %add3A_1534 : i32 to index
        %get3A_1536 = arith.constant 0 : index
        %get3A_1537 = tpu.vector_load %arg12[%get3A_1535, %get3A_1536] {strides = array<i32>} : memref<160x64xf32, #tpu.memory_space<vmem>>, vector<1x16xf32>,
        %get3A_1538 = vector.shape_cast %get3A_1537 : vector<1x16xf32> to vector<16xf32>
        %add3A_1539 = arith.addf %add3A_1511, %get3A_1538 : vector<16xf32>
        %add3A_1540 = arith.constant 5 : i32
        %add3A_1541 = arith.addi %mul3A_1404, %add3A_1540 : i32
        %get3A_1542 = arith.index_cast %add3A_1541 : i32 to index
        %get3A_1543 = arith.constant 16 : index
        %get3A_1544 = tpu.vector_load %arg12[%get3A_1542, %get3A_1543] {strides = array<i32>} : memref<160x64xf32, #tpu.memory_space<vmem>>, vector<1x16xf32>,
        %get3A_1545 = vector.shape_cast %get3A_1544 : vector<1x16xf32> to vector<16xf32>
        %add3A_1546 = arith.addf %add3A_1518, %get3A_1545 : vector<16xf32>
        %add3A_1547 = arith.constant 5 : i32
        %add3A_1548 = arith.addi %mul3A_1404, %add3A_1547 : i32
        %get3A_1549 = arith.index_cast %add3A_1548 : i32 to index
        %get3A_1550 = arith.constant 32 : index
        %get3A_1551 = tpu.vector_load %arg12[%get3A_1549, %get3A_1550] {strides = array<i32>} : memref<160x64xf32, #tpu.memory_space<vmem>>, vector<1x16xf32>,
        %get3A_1552 = vector.shape_cast %get3A_1551 : vector<1x16xf32> to vector<16xf32>
        %add3A_1553 = arith.addf %add3A_1525, %get3A_1552 : vector<16xf32>
        %add3A_1554 = arith.constant 5 : i32
        %add3A_1555 = arith.addi %mul3A_1404, %add3A_1554 : i32
        %get3A_1556 = arith.index_cast %add3A_1555 : i32 to index
        %get3A_1557 = arith.constant 48 : index
        %get3A_1558 = tpu.vector_load %arg12[%get3A_1556, %get3A_1557] {strides = array<i32>} : memref<160x64xf32, #tpu.memory_space<vmem>>, vector<1x16xf32>,
        %get3A_1559 = vector.shape_cast %get3A_1558 : vector<1x16xf32> to vector<16xf32>
        %add3A_1560 = arith.addf %add3A_1532, %get3A_1559 : vector<16xf32>
        %add3A_1561 = arith.constant 6 : i32
        %add3A_1562 = arith.addi %mul3A_1404, %add3A_1561 : i32
        %get3A_1563 = arith.index_cast %add3A_1562 : i32 to index
        %get3A_1564 = arith.constant 0 : index
        %get3A_1565 = tpu.vector_load %arg12[%get3A_1563, %get3A_1564] {strides = array<i32>} : memref<160x64xf32, #tpu.memory_space<vmem>>, vector<1x16xf32>,
        %get3A_1566 = vector.shape_cast %get3A_1565 : vector<1x16xf32> to vector<16xf32>
        %add3A_1567 = arith.addf %add3A_1539, %get3A_1566 : vector<16xf32>
        %add3A_1568 = arith.constant 6 : i32
        %add3A_1569 = arith.addi %mul3A_1404, %add3A_1568 : i32
        %get3A_1570 = arith.index_cast %add3A_1569 : i32 to index
        %get3A_1571 = arith.constant 16 : index
        %get3A_1572 = tpu.vector_load %arg12[%get3A_1570, %get3A_1571] {strides = array<i32>} : memref<160x64xf32, #tpu.memory_space<vmem>>, vector<1x16xf32>,
        %get3A_1573 = vector.shape_cast %get3A_1572 : vector<1x16xf32> to vector<16xf32>
        %add3A_1574 = arith.addf %add3A_1546, %get3A_1573 : vector<16xf32>
        %add3A_1575 = arith.constant 6 : i32
        %add3A_1576 = arith.addi %mul3A_1404, %add3A_1575 : i32
        %get3A_1577 = arith.index_cast %add3A_1576 : i32 to index
        %get3A_1578 = arith.constant 32 : index
        %get3A_1579 = tpu.vector_load %arg12[%get3A_1577, %get3A_1578] {strides = array<i32>} : memref<160x64xf32, #tpu.memory_space<vmem>>, vector<1x16xf32>,
        %get3A_1580 = vector.shape_cast %get3A_1579 : vector<1x16xf32> to vector<16xf32>
        %add3A_1581 = arith.addf %add3A_1553, %get3A_1580 : vector<16xf32>
        %add3A_1582 = arith.constant 6 : i32
        %add3A_1583 = arith.addi %mul3A_1404, %add3A_1582 : i32
        %get3A_1584 = arith.index_cast %add3A_1583 : i32 to index
        %get3A_1585 = arith.constant 48 : index
        %get3A_1586 = tpu.vector_load %arg12[%get3A_1584, %get3A_1585] {strides = array<i32>} : memref<160x64xf32, #tpu.memory_space<vmem>>, vector<1x16xf32>,
        %get3A_1587 = vector.shape_cast %get3A_1586 : vector<1x16xf32> to vector<16xf32>
        %add3A_1588 = arith.addf %add3A_1560, %get3A_1587 : vector<16xf32>
        %add3A_1589 = arith.constant 7 : i32
        %add3A_1590 = arith.addi %mul3A_1404, %add3A_1589 : i32
        %get3A_1591 = arith.index_cast %add3A_1590 : i32 to index
        %get3A_1592 = arith.constant 0 : index
        %get3A_1593 = tpu.vector_load %arg12[%get3A_1591, %get3A_1592] {strides = array<i32>} : memref<160x64xf32, #tpu.memory_space<vmem>>, vector<1x16xf32>,
        %get3A_1594 = vector.shape_cast %get3A_1593 : vector<1x16xf32> to vector<16xf32>
        %add3A_1595 = arith.addf %add3A_1567, %get3A_1594 : vector<16xf32>
        %add3A_1596 = arith.constant 7 : i32
        %add3A_1597 = arith.addi %mul3A_1404, %add3A_1596 : i32
        %get3A_1598 = arith.index_cast %add3A_1597 : i32 to index
        %get3A_1599 = arith.constant 16 : index
        %get3A_1600 = tpu.vector_load %arg12[%get3A_1598, %get3A_1599] {strides = array<i32>} : memref<160x64xf32, #tpu.memory_space<vmem>>, vector<1x16xf32>,
        %get3A_1601 = vector.shape_cast %get3A_1600 : vector<1x16xf32> to vector<16xf32>
        %add3A_1602 = arith.addf %add3A_1574, %get3A_1601 : vector<16xf32>
        %add3A_1603 = arith.constant 7 : i32
        %add3A_1604 = arith.addi %mul3A_1404, %add3A_1603 : i32
        %get3A_1605 = arith.index_cast %add3A_1604 : i32 to index
        %get3A_1606 = arith.constant 32 : index
        %get3A_1607 = tpu.vector_load %arg12[%get3A_1605, %get3A_1606] {strides = array<i32>} : memref<160x64xf32, #tpu.memory_space<vmem>>, vector<1x16xf32>,
        %get3A_1608 = vector.shape_cast %get3A_1607 : vector<1x16xf32> to vector<16xf32>
        %add3A_1609 = arith.addf %add3A_1581, %get3A_1608 : vector<16xf32>
        %add3A_1610 = arith.constant 7 : i32
        %add3A_1611 = arith.addi %mul3A_1404, %add3A_1610 : i32
        %get3A_1612 = arith.index_cast %add3A_1611 : i32 to index
        %get3A_1613 = arith.constant 48 : index
        %get3A_1614 = tpu.vector_load %arg12[%get3A_1612, %get3A_1613] {strides = array<i32>} : memref<160x64xf32, #tpu.memory_space<vmem>>, vector<1x16xf32>,
        %get3A_1615 = vector.shape_cast %get3A_1614 : vector<1x16xf32> to vector<16xf32>
        %add3A_1616 = arith.addf %add3A_1588, %get3A_1615 : vector<16xf32>
        %add3A_1617 = arith.constant 8 : i32
        %add3A_1618 = arith.addi %mul3A_1404, %add3A_1617 : i32
        %get3A_1619 = arith.index_cast %add3A_1618 : i32 to index
        %get3A_1620 = arith.constant 0 : index
        %get3A_1621 = tpu.vector_load %arg12[%get3A_1619, %get3A_1620] {strides = array<i32>} : memref<160x64xf32, #tpu.memory_space<vmem>>, vector<1x16xf32>,
        %get3A_1622 = vector.shape_cast %get3A_1621 : vector<1x16xf32> to vector<16xf32>
        %add3A_1623 = arith.addf %add3A_1595, %get3A_1622 : vector<16xf32>
        %add3A_1624 = arith.constant 8 : i32
        %add3A_1625 = arith.addi %mul3A_1404, %add3A_1624 : i32
        %get3A_1626 = arith.index_cast %add3A_1625 : i32 to index
        %get3A_1627 = arith.constant 16 : index
        %get3A_1628 = tpu.vector_load %arg12[%get3A_1626, %get3A_1627] {strides = array<i32>} : memref<160x64xf32, #tpu.memory_space<vmem>>, vector<1x16xf32>,
        %get3A_1629 = vector.shape_cast %get3A_1628 : vector<1x16xf32> to vector<16xf32>
        %add3A_1630 = arith.addf %add3A_1602, %get3A_1629 : vector<16xf32>
        %add3A_1631 = arith.constant 8 : i32
        %add3A_1632 = arith.addi %mul3A_1404, %add3A_1631 : i32
        %get3A_1633 = arith.index_cast %add3A_1632 : i32 to index
        %get3A_1634 = arith.constant 32 : index
        %get3A_1635 = tpu.vector_load %arg12[%get3A_1633, %get3A_1634] {strides = array<i32>} : memref<160x64xf32, #tpu.memory_space<vmem>>, vector<1x16xf32>,
        %get3A_1636 = vector.shape_cast %get3A_1635 : vector<1x16xf32> to vector<16xf32>
        %add3A_1637 = arith.addf %add3A_1609, %get3A_1636 : vector<16xf32>
        %add3A_1638 = arith.constant 8 : i32
        %add3A_1639 = arith.addi %mul3A_1404, %add3A_1638 : i32
        %get3A_1640 = arith.index_cast %add3A_1639 : i32 to index
        %get3A_1641 = arith.constant 48 : index
        %get3A_1642 = tpu.vector_load %arg12[%get3A_1640, %get3A_1641] {strides = array<i32>} : memref<160x64xf32, #tpu.memory_space<vmem>>, vector<1x16xf32>,
        %get3A_1643 = vector.shape_cast %get3A_1642 : vector<1x16xf32> to vector<16xf32>
        %add3A_1644 = arith.addf %add3A_1616, %get3A_1643 : vector<16xf32>
        %add3A_1645 = arith.constant 9 : i32
        %add3A_1646 = arith.addi %mul3A_1404, %add3A_1645 : i32
        %get3A_1647 = arith.index_cast %add3A_1646 : i32 to index
        %get3A_1648 = arith.constant 0 : index
        %get3A_1649 = tpu.vector_load %arg12[%get3A_1647, %get3A_1648] {strides = array<i32>} : memref<160x64xf32, #tpu.memory_space<vmem>>, vector<1x16xf32>,
        %get3A_1650 = vector.shape_cast %get3A_1649 : vector<1x16xf32> to vector<16xf32>
        %add3A_1651 = arith.addf %add3A_1623, %get3A_1650 : vector<16xf32>
        %add3A_1652 = arith.constant 9 : i32
        %add3A_1653 = arith.addi %mul3A_1404, %add3A_1652 : i32
        %get3A_1654 = arith.index_cast %add3A_1653 : i32 to index
        %get3A_1655 = arith.constant 16 : index
        %get3A_1656 = tpu.vector_load %arg12[%get3A_1654, %get3A_1655] {strides = array<i32>} : memref<160x64xf32, #tpu.memory_space<vmem>>, vector<1x16xf32>,
        %get3A_1657 = vector.shape_cast %get3A_1656 : vector<1x16xf32> to vector<16xf32>
        %add3A_1658 = arith.addf %add3A_1630, %get3A_1657 : vector<16xf32>
        %add3A_1659 = arith.constant 9 : i32
        %add3A_1660 = arith.addi %mul3A_1404, %add3A_1659 : i32
        %get3A_1661 = arith.index_cast %add3A_1660 : i32 to index
        %get3A_1662 = arith.constant 32 : index
        %get3A_1663 = tpu.vector_load %arg12[%get3A_1661, %get3A_1662] {strides = array<i32>} : memref<160x64xf32, #tpu.memory_space<vmem>>, vector<1x16xf32>,
        %get3A_1664 = vector.shape_cast %get3A_1663 : vector<1x16xf32> to vector<16xf32>
        %add3A_1665 = arith.addf %add3A_1637, %get3A_1664 : vector<16xf32>
        %add3A_1666 = arith.constant 9 : i32
        %add3A_1667 = arith.addi %mul3A_1404, %add3A_1666 : i32
        %get3A_1668 = arith.index_cast %add3A_1667 : i32 to index
        %get3A_1669 = arith.constant 48 : index
        %get3A_1670 = tpu.vector_load %arg12[%get3A_1668, %get3A_1669] {strides = array<i32>} : memref<160x64xf32, #tpu.memory_space<vmem>>, vector<1x16xf32>,
        %get3A_1671 = vector.shape_cast %get3A_1670 : vector<1x16xf32> to vector<16xf32>
        %add3A_1672 = arith.addf %add3A_1644, %get3A_1671 : vector<16xf32>
        %add3A_1673 = arith.constant 10 : i32
        %add3A_1674 = arith.addi %mul3A_1404, %add3A_1673 : i32
        %get3A_1675 = arith.index_cast %add3A_1674 : i32 to index
        %get3A_1676 = arith.constant 0 : index
        %get3A_1677 = tpu.vector_load %arg12[%get3A_1675, %get3A_1676] {strides = array<i32>} : memref<160x64xf32, #tpu.memory_space<vmem>>, vector<1x16xf32>,
        %get3A_1678 = vector.shape_cast %get3A_1677 : vector<1x16xf32> to vector<16xf32>
        %add3A_1679 = arith.addf %add3A_1651, %get3A_1678 : vector<16xf32>
        %add3A_1680 = arith.constant 10 : i32
        %add3A_1681 = arith.addi %mul3A_1404, %add3A_1680 : i32
        %get3A_1682 = arith.index_cast %add3A_1681 : i32 to index
        %get3A_1683 = arith.constant 16 : index
        %get3A_1684 = tpu.vector_load %arg12[%get3A_1682, %get3A_1683] {strides = array<i32>} : memref<160x64xf32, #tpu.memory_space<vmem>>, vector<1x16xf32>,
        %get3A_1685 = vector.shape_cast %get3A_1684 : vector<1x16xf32> to vector<16xf32>
        %add3A_1686 = arith.addf %add3A_1658, %get3A_1685 : vector<16xf32>
        %add3A_1687 = arith.constant 10 : i32
        %add3A_1688 = arith.addi %mul3A_1404, %add3A_1687 : i32
        %get3A_1689 = arith.index_cast %add3A_1688 : i32 to index
        %get3A_1690 = arith.constant 32 : index
        %get3A_1691 = tpu.vector_load %arg12[%get3A_1689, %get3A_1690] {strides = array<i32>} : memref<160x64xf32, #tpu.memory_space<vmem>>, vector<1x16xf32>,
        %get3A_1692 = vector.shape_cast %get3A_1691 : vector<1x16xf32> to vector<16xf32>
        %add3A_1693 = arith.addf %add3A_1665, %get3A_1692 : vector<16xf32>
        %add3A_1694 = arith.constant 10 : i32
        %add3A_1695 = arith.addi %mul3A_1404, %add3A_1694 : i32
        %get3A_1696 = arith.index_cast %add3A_1695 : i32 to index
        %get3A_1697 = arith.constant 48 : index
        %get3A_1698 = tpu.vector_load %arg12[%get3A_1696, %get3A_1697] {strides = array<i32>} : memref<160x64xf32, #tpu.memory_space<vmem>>, vector<1x16xf32>,
        %get3A_1699 = vector.shape_cast %get3A_1698 : vector<1x16xf32> to vector<16xf32>
        %add3A_1700 = arith.addf %add3A_1672, %get3A_1699 : vector<16xf32>
        %add3A_1701 = arith.constant 11 : i32
        %add3A_1702 = arith.addi %mul3A_1404, %add3A_1701 : i32
        %get3A_1703 = arith.index_cast %add3A_1702 : i32 to index
        %get3A_1704 = arith.constant 0 : index
        %get3A_1705 = tpu.vector_load %arg12[%get3A_1703, %get3A_1704] {strides = array<i32>} : memref<160x64xf32, #tpu.memory_space<vmem>>, vector<1x16xf32>,
        %get3A_1706 = vector.shape_cast %get3A_1705 : vector<1x16xf32> to vector<16xf32>
        %add3A_1707 = arith.addf %add3A_1679, %get3A_1706 : vector<16xf32>
        %add3A_1708 = arith.constant 11 : i32
        %add3A_1709 = arith.addi %mul3A_1404, %add3A_1708 : i32
        %get3A_1710 = arith.index_cast %add3A_1709 : i32 to index
        %get3A_1711 = arith.constant 16 : index
        %get3A_1712 = tpu.vector_load %arg12[%get3A_1710, %get3A_1711] {strides = array<i32>} : memref<160x64xf32, #tpu.memory_space<vmem>>, vector<1x16xf32>,
        %get3A_1713 = vector.shape_cast %get3A_1712 : vector<1x16xf32> to vector<16xf32>
        %add3A_1714 = arith.addf %add3A_1686, %get3A_1713 : vector<16xf32>
        %add3A_1715 = arith.constant 11 : i32
        %add3A_1716 = arith.addi %mul3A_1404, %add3A_1715 : i32
        %get3A_1717 = arith.index_cast %add3A_1716 : i32 to index
        %get3A_1718 = arith.constant 32 : index
        %get3A_1719 = tpu.vector_load %arg12[%get3A_1717, %get3A_1718] {strides = array<i32>} : memref<160x64xf32, #tpu.memory_space<vmem>>, vector<1x16xf32>,
        %get3A_1720 = vector.shape_cast %get3A_1719 : vector<1x16xf32> to vector<16xf32>
        %add3A_1721 = arith.addf %add3A_1693, %get3A_1720 : vector<16xf32>
        %add3A_1722 = arith.constant 11 : i32
        %add3A_1723 = arith.addi %mul3A_1404, %add3A_1722 : i32
        %get3A_1724 = arith.index_cast %add3A_1723 : i32 to index
        %get3A_1725 = arith.constant 48 : index
        %get3A_1726 = tpu.vector_load %arg12[%get3A_1724, %get3A_1725] {strides = array<i32>} : memref<160x64xf32, #tpu.memory_space<vmem>>, vector<1x16xf32>,
        %get3A_1727 = vector.shape_cast %get3A_1726 : vector<1x16xf32> to vector<16xf32>
        %add3A_1728 = arith.addf %add3A_1700, %get3A_1727 : vector<16xf32>
        %add3A_1729 = arith.constant 12 : i32
        %add3A_1730 = arith.addi %mul3A_1404, %add3A_1729 : i32
        %get3A_1731 = arith.index_cast %add3A_1730 : i32 to index
        %get3A_1732 = arith.constant 0 : index
        %get3A_1733 = tpu.vector_load %arg12[%get3A_1731, %get3A_1732] {strides = array<i32>} : memref<160x64xf32, #tpu.memory_space<vmem>>, vector<1x16xf32>,
        %get3A_1734 = vector.shape_cast %get3A_1733 : vector<1x16xf32> to vector<16xf32>
        %add3A_1735 = arith.addf %add3A_1707, %get3A_1734 : vector<16xf32>
        %add3A_1736 = arith.constant 12 : i32
        %add3A_1737 = arith.addi %mul3A_1404, %add3A_1736 : i32
        %get3A_1738 = arith.index_cast %add3A_1737 : i32 to index
        %get3A_1739 = arith.constant 16 : index
        %get3A_1740 = tpu.vector_load %arg12[%get3A_1738, %get3A_1739] {strides = array<i32>} : memref<160x64xf32, #tpu.memory_space<vmem>>, vector<1x16xf32>,
        %get3A_1741 = vector.shape_cast %get3A_1740 : vector<1x16xf32> to vector<16xf32>
        %add3A_1742 = arith.addf %add3A_1714, %get3A_1741 : vector<16xf32>
        %add3A_1743 = arith.constant 12 : i32
        %add3A_1744 = arith.addi %mul3A_1404, %add3A_1743 : i32
        %get3A_1745 = arith.index_cast %add3A_1744 : i32 to index
        %get3A_1746 = arith.constant 32 : index
        %get3A_1747 = tpu.vector_load %arg12[%get3A_1745, %get3A_1746] {strides = array<i32>} : memref<160x64xf32, #tpu.memory_space<vmem>>, vector<1x16xf32>,
        %get3A_1748 = vector.shape_cast %get3A_1747 : vector<1x16xf32> to vector<16xf32>
        %add3A_1749 = arith.addf %add3A_1721, %get3A_1748 : vector<16xf32>
        %add3A_1750 = arith.constant 12 : i32
        %add3A_1751 = arith.addi %mul3A_1404, %add3A_1750 : i32
        %get3A_1752 = arith.index_cast %add3A_1751 : i32 to index
        %get3A_1753 = arith.constant 48 : index
        %get3A_1754 = tpu.vector_load %arg12[%get3A_1752, %get3A_1753] {strides = array<i32>} : memref<160x64xf32, #tpu.memory_space<vmem>>, vector<1x16xf32>,
        %get3A_1755 = vector.shape_cast %get3A_1754 : vector<1x16xf32> to vector<16xf32>
        %add3A_1756 = arith.addf %add3A_1728, %get3A_1755 : vector<16xf32>
        %add3A_1757 = arith.constant 13 : i32
        %add3A_1758 = arith.addi %mul3A_1404, %add3A_1757 : i32
        %get3A_1759 = arith.index_cast %add3A_1758 : i32 to index
        %get3A_1760 = arith.constant 0 : index
        %get3A_1761 = tpu.vector_load %arg12[%get3A_1759, %get3A_1760] {strides = array<i32>} : memref<160x64xf32, #tpu.memory_space<vmem>>, vector<1x16xf32>,
        %get3A_1762 = vector.shape_cast %get3A_1761 : vector<1x16xf32> to vector<16xf32>
        %add3A_1763 = arith.addf %add3A_1735, %get3A_1762 : vector<16xf32>
        %add3A_1764 = arith.constant 13 : i32
        %add3A_1765 = arith.addi %mul3A_1404, %add3A_1764 : i32
        %get3A_1766 = arith.index_cast %add3A_1765 : i32 to index
        %get3A_1767 = arith.constant 16 : index
        %get3A_1768 = tpu.vector_load %arg12[%get3A_1766, %get3A_1767] {strides = array<i32>} : memref<160x64xf32, #tpu.memory_space<vmem>>, vector<1x16xf32>,
        %get3A_1769 = vector.shape_cast %get3A_1768 : vector<1x16xf32> to vector<16xf32>
        %add3A_1770 = arith.addf %add3A_1742, %get3A_1769 : vector<16xf32>
        %add3A_1771 = arith.constant 13 : i32
        %add3A_1772 = arith.addi %mul3A_1404, %add3A_1771 : i32
        %get3A_1773 = arith.index_cast %add3A_1772 : i32 to index
        %get3A_1774 = arith.constant 32 : index
        %get3A_1775 = tpu.vector_load %arg12[%get3A_1773, %get3A_1774] {strides = array<i32>} : memref<160x64xf32, #tpu.memory_space<vmem>>, vector<1x16xf32>,
        %get3A_1776 = vector.shape_cast %get3A_1775 : vector<1x16xf32> to vector<16xf32>
        %add3A_1777 = arith.addf %add3A_1749, %get3A_1776 : vector<16xf32>
        %add3A_1778 = arith.constant 13 : i32
        %add3A_1779 = arith.addi %mul3A_1404, %add3A_1778 : i32
        %get3A_1780 = arith.index_cast %add3A_1779 : i32 to index
        %get3A_1781 = arith.constant 48 : index
        %get3A_1782 = tpu.vector_load %arg12[%get3A_1780, %get3A_1781] {strides = array<i32>} : memref<160x64xf32, #tpu.memory_space<vmem>>, vector<1x16xf32>,
        %get3A_1783 = vector.shape_cast %get3A_1782 : vector<1x16xf32> to vector<16xf32>
        %add3A_1784 = arith.addf %add3A_1756, %get3A_1783 : vector<16xf32>
        %add3A_1785 = arith.constant 14 : i32
        %add3A_1786 = arith.addi %mul3A_1404, %add3A_1785 : i32
        %get3A_1787 = arith.index_cast %add3A_1786 : i32 to index
        %get3A_1788 = arith.constant 0 : index
        %get3A_1789 = tpu.vector_load %arg12[%get3A_1787, %get3A_1788] {strides = array<i32>} : memref<160x64xf32, #tpu.memory_space<vmem>>, vector<1x16xf32>,
        %get3A_1790 = vector.shape_cast %get3A_1789 : vector<1x16xf32> to vector<16xf32>
        %add3A_1791 = arith.addf %add3A_1763, %get3A_1790 : vector<16xf32>
        %add3A_1792 = arith.constant 14 : i32
        %add3A_1793 = arith.addi %mul3A_1404, %add3A_1792 : i32
        %get3A_1794 = arith.index_cast %add3A_1793 : i32 to index
        %get3A_1795 = arith.constant 16 : index
        %get3A_1796 = tpu.vector_load %arg12[%get3A_1794, %get3A_1795] {strides = array<i32>} : memref<160x64xf32, #tpu.memory_space<vmem>>, vector<1x16xf32>,
        %get3A_1797 = vector.shape_cast %get3A_1796 : vector<1x16xf32> to vector<16xf32>
        %add3A_1798 = arith.addf %add3A_1770, %get3A_1797 : vector<16xf32>
        %add3A_1799 = arith.constant 14 : i32
        %add3A_1800 = arith.addi %mul3A_1404, %add3A_1799 : i32
        %get3A_1801 = arith.index_cast %add3A_1800 : i32 to index
        %get3A_1802 = arith.constant 32 : index
        %get3A_1803 = tpu.vector_load %arg12[%get3A_1801, %get3A_1802] {strides = array<i32>} : memref<160x64xf32, #tpu.memory_space<vmem>>, vector<1x16xf32>,
        %get3A_1804 = vector.shape_cast %get3A_1803 : vector<1x16xf32> to vector<16xf32>
        %add3A_1805 = arith.addf %add3A_1777, %get3A_1804 : vector<16xf32>
        %add3A_1806 = arith.constant 14 : i32
        %add3A_1807 = arith.addi %mul3A_1404, %add3A_1806 : i32
        %get3A_1808 = arith.index_cast %add3A_1807 : i32 to index
        %get3A_1809 = arith.constant 48 : index
        %get3A_1810 = tpu.vector_load %arg12[%get3A_1808, %get3A_1809] {strides = array<i32>} : memref<160x64xf32, #tpu.memory_space<vmem>>, vector<1x16xf32>,
        %get3A_1811 = vector.shape_cast %get3A_1810 : vector<1x16xf32> to vector<16xf32>
        %add3A_1812 = arith.addf %add3A_1784, %get3A_1811 : vector<16xf32>
        %add3A_1813 = arith.constant 15 : i32
        %add3A_1814 = arith.addi %mul3A_1404, %add3A_1813 : i32
        %get3A_1815 = arith.index_cast %add3A_1814 : i32 to index
        %get3A_1816 = arith.constant 0 : index
        %get3A_1817 = tpu.vector_load %arg12[%get3A_1815, %get3A_1816] {strides = array<i32>} : memref<160x64xf32, #tpu.memory_space<vmem>>, vector<1x16xf32>,
        %get3A_1818 = vector.shape_cast %get3A_1817 : vector<1x16xf32> to vector<16xf32>
        %add3A_1819 = arith.addf %add3A_1791, %get3A_1818 : vector<16xf32>
        %add3A_1820 = arith.constant 15 : i32
        %add3A_1821 = arith.addi %mul3A_1404, %add3A_1820 : i32
        %get3A_1822 = arith.index_cast %add3A_1821 : i32 to index
        %get3A_1823 = arith.constant 16 : index
        %get3A_1824 = tpu.vector_load %arg12[%get3A_1822, %get3A_1823] {strides = array<i32>} : memref<160x64xf32, #tpu.memory_space<vmem>>, vector<1x16xf32>,
        %get3A_1825 = vector.shape_cast %get3A_1824 : vector<1x16xf32> to vector<16xf32>
        %add3A_1826 = arith.addf %add3A_1798, %get3A_1825 : vector<16xf32>
        %add3A_1827 = arith.constant 15 : i32
        %add3A_1828 = arith.addi %mul3A_1404, %add3A_1827 : i32
        %get3A_1829 = arith.index_cast %add3A_1828 : i32 to index
        %get3A_1830 = arith.constant 32 : index
        %get3A_1831 = tpu.vector_load %arg12[%get3A_1829, %get3A_1830] {strides = array<i32>} : memref<160x64xf32, #tpu.memory_space<vmem>>, vector<1x16xf32>,
        %get3A_1832 = vector.shape_cast %get3A_1831 : vector<1x16xf32> to vector<16xf32>
        %add3A_1833 = arith.addf %add3A_1805, %get3A_1832 : vector<16xf32>
        %add3A_1834 = arith.constant 15 : i32
        %add3A_1835 = arith.addi %mul3A_1404, %add3A_1834 : i32
        %get3A_1836 = arith.index_cast %add3A_1835 : i32 to index
        %get3A_1837 = arith.constant 48 : index
        %get3A_1838 = tpu.vector_load %arg12[%get3A_1836, %get3A_1837] {strides = array<i32>} : memref<160x64xf32, #tpu.memory_space<vmem>>, vector<1x16xf32>,
        %get3A_1839 = vector.shape_cast %get3A_1838 : vector<1x16xf32> to vector<16xf32>
        %add3A_1840 = arith.addf %add3A_1812, %get3A_1839 : vector<16xf32>
        %add3A_1841 = arith.constant 16 : i32
        %add3A_1842 = arith.addi %mul3A_1404, %add3A_1841 : i32
        %get3A_1843 = arith.index_cast %add3A_1842 : i32 to index
        %get3A_1844 = arith.constant 0 : index
        %get3A_1845 = tpu.vector_load %arg12[%get3A_1843, %get3A_1844] {strides = array<i32>} : memref<160x64xf32, #tpu.memory_space<vmem>>, vector<1x16xf32>,
        %get3A_1846 = vector.shape_cast %get3A_1845 : vector<1x16xf32> to vector<16xf32>
        %add3A_1847 = arith.addf %add3A_1819, %get3A_1846 : vector<16xf32>
        %add3A_1848 = arith.constant 16 : i32
        %add3A_1849 = arith.addi %mul3A_1404, %add3A_1848 : i32
        %get3A_1850 = arith.index_cast %add3A_1849 : i32 to index
        %get3A_1851 = arith.constant 16 : index
        %get3A_1852 = tpu.vector_load %arg12[%get3A_1850, %get3A_1851] {strides = array<i32>} : memref<160x64xf32, #tpu.memory_space<vmem>>, vector<1x16xf32>,
        %get3A_1853 = vector.shape_cast %get3A_1852 : vector<1x16xf32> to vector<16xf32>
        %add3A_1854 = arith.addf %add3A_1826, %get3A_1853 : vector<16xf32>
        %add3A_1855 = arith.constant 16 : i32
        %add3A_1856 = arith.addi %mul3A_1404, %add3A_1855 : i32
        %get3A_1857 = arith.index_cast %add3A_1856 : i32 to index
        %get3A_1858 = arith.constant 32 : index
        %get3A_1859 = tpu.vector_load %arg12[%get3A_1857, %get3A_1858] {strides = array<i32>} : memref<160x64xf32, #tpu.memory_space<vmem>>, vector<1x16xf32>,
        %get3A_1860 = vector.shape_cast %get3A_1859 : vector<1x16xf32> to vector<16xf32>
        %add3A_1861 = arith.addf %add3A_1833, %get3A_1860 : vector<16xf32>
        %add3A_1862 = arith.constant 16 : i32
        %add3A_1863 = arith.addi %mul3A_1404, %add3A_1862 : i32
        %get3A_1864 = arith.index_cast %add3A_1863 : i32 to index
        %get3A_1865 = arith.constant 48 : index
        %get3A_1866 = tpu.vector_load %arg12[%get3A_1864, %get3A_1865] {strides = array<i32>} : memref<160x64xf32, #tpu.memory_space<vmem>>, vector<1x16xf32>,
        %get3A_1867 = vector.shape_cast %get3A_1866 : vector<1x16xf32> to vector<16xf32>
        %add3A_1868 = arith.addf %add3A_1840, %get3A_1867 : vector<16xf32>
        %add3A_1869 = arith.constant 17 : i32
        %add3A_1870 = arith.addi %mul3A_1404, %add3A_1869 : i32
        %get3A_1871 = arith.index_cast %add3A_1870 : i32 to index
        %get3A_1872 = arith.constant 0 : index
        %get3A_1873 = tpu.vector_load %arg12[%get3A_1871, %get3A_1872] {strides = array<i32>} : memref<160x64xf32, #tpu.memory_space<vmem>>, vector<1x16xf32>,
        %get3A_1874 = vector.shape_cast %get3A_1873 : vector<1x16xf32> to vector<16xf32>
        %add3A_1875 = arith.addf %add3A_1847, %get3A_1874 : vector<16xf32>
        %add3A_1876 = arith.constant 17 : i32
        %add3A_1877 = arith.addi %mul3A_1404, %add3A_1876 : i32
        %get3A_1878 = arith.index_cast %add3A_1877 : i32 to index
        %get3A_1879 = arith.constant 16 : index
        %get3A_1880 = tpu.vector_load %arg12[%get3A_1878, %get3A_1879] {strides = array<i32>} : memref<160x64xf32, #tpu.memory_space<vmem>>, vector<1x16xf32>,
        %get3A_1881 = vector.shape_cast %get3A_1880 : vector<1x16xf32> to vector<16xf32>
        %add3A_1882 = arith.addf %add3A_1854, %get3A_1881 : vector<16xf32>
        %add3A_1883 = arith.constant 17 : i32
        %add3A_1884 = arith.addi %mul3A_1404, %add3A_1883 : i32
        %get3A_1885 = arith.index_cast %add3A_1884 : i32 to index
        %get3A_1886 = arith.constant 32 : index
        %get3A_1887 = tpu.vector_load %arg12[%get3A_1885, %get3A_1886] {strides = array<i32>} : memref<160x64xf32, #tpu.memory_space<vmem>>, vector<1x16xf32>,
        %get3A_1888 = vector.shape_cast %get3A_1887 : vector<1x16xf32> to vector<16xf32>
        %add3A_1889 = arith.addf %add3A_1861, %get3A_1888 : vector<16xf32>
        %add3A_1890 = arith.constant 17 : i32
        %add3A_1891 = arith.addi %mul3A_1404, %add3A_1890 : i32
        %get3A_1892 = arith.index_cast %add3A_1891 : i32 to index
        %get3A_1893 = arith.constant 48 : index
        %get3A_1894 = tpu.vector_load %arg12[%get3A_1892, %get3A_1893] {strides = array<i32>} : memref<160x64xf32, #tpu.memory_space<vmem>>, vector<1x16xf32>,
        %get3A_1895 = vector.shape_cast %get3A_1894 : vector<1x16xf32> to vector<16xf32>
        %add3A_1896 = arith.addf %add3A_1868, %get3A_1895 : vector<16xf32>
        %add3A_1897 = arith.constant 18 : i32
        %add3A_1898 = arith.addi %mul3A_1404, %add3A_1897 : i32
        %get3A_1899 = arith.index_cast %add3A_1898 : i32 to index
        %get3A_1900 = arith.constant 0 : index
        %get3A_1901 = tpu.vector_load %arg12[%get3A_1899, %get3A_1900] {strides = array<i32>} : memref<160x64xf32, #tpu.memory_space<vmem>>, vector<1x16xf32>,
        %get3A_1902 = vector.shape_cast %get3A_1901 : vector<1x16xf32> to vector<16xf32>
        %add3A_1903 = arith.addf %add3A_1875, %get3A_1902 : vector<16xf32>
        %add3A_1904 = arith.constant 18 : i32
        %add3A_1905 = arith.addi %mul3A_1404, %add3A_1904 : i32
        %get3A_1906 = arith.index_cast %add3A_1905 : i32 to index
        %get3A_1907 = arith.constant 16 : index
        %get3A_1908 = tpu.vector_load %arg12[%get3A_1906, %get3A_1907] {strides = array<i32>} : memref<160x64xf32, #tpu.memory_space<vmem>>, vector<1x16xf32>,
        %get3A_1909 = vector.shape_cast %get3A_1908 : vector<1x16xf32> to vector<16xf32>
        %add3A_1910 = arith.addf %add3A_1882, %get3A_1909 : vector<16xf32>
        %add3A_1911 = arith.constant 18 : i32
        %add3A_1912 = arith.addi %mul3A_1404, %add3A_1911 : i32
        %get3A_1913 = arith.index_cast %add3A_1912 : i32 to index
        %get3A_1914 = arith.constant 32 : index
        %get3A_1915 = tpu.vector_load %arg12[%get3A_1913, %get3A_1914] {strides = array<i32>} : memref<160x64xf32, #tpu.memory_space<vmem>>, vector<1x16xf32>,
        %get3A_1916 = vector.shape_cast %get3A_1915 : vector<1x16xf32> to vector<16xf32>
        %add3A_1917 = arith.addf %add3A_1889, %get3A_1916 : vector<16xf32>
        %add3A_1918 = arith.constant 18 : i32
        %add3A_1919 = arith.addi %mul3A_1404, %add3A_1918 : i32
        %get3A_1920 = arith.index_cast %add3A_1919 : i32 to index
        %get3A_1921 = arith.constant 48 : index
        %get3A_1922 = tpu.vector_load %arg12[%get3A_1920, %get3A_1921] {strides = array<i32>} : memref<160x64xf32, #tpu.memory_space<vmem>>, vector<1x16xf32>,
        %get3A_1923 = vector.shape_cast %get3A_1922 : vector<1x16xf32> to vector<16xf32>
        %add3A_1924 = arith.addf %add3A_1896, %get3A_1923 : vector<16xf32>
        %add3A_1925 = arith.constant 19 : i32
        %add3A_1926 = arith.addi %mul3A_1404, %add3A_1925 : i32
        %get3A_1927 = arith.index_cast %add3A_1926 : i32 to index
        %get3A_1928 = arith.constant 0 : index
        %get3A_1929 = tpu.vector_load %arg12[%get3A_1927, %get3A_1928] {strides = array<i32>} : memref<160x64xf32, #tpu.memory_space<vmem>>, vector<1x16xf32>,
        %get3A_1930 = vector.shape_cast %get3A_1929 : vector<1x16xf32> to vector<16xf32>
        %add3A_1931 = arith.addf %add3A_1903, %get3A_1930 : vector<16xf32>
        %add3A_1932 = arith.constant 19 : i32
        %add3A_1933 = arith.addi %mul3A_1404, %add3A_1932 : i32
        %get3A_1934 = arith.index_cast %add3A_1933 : i32 to index
        %get3A_1935 = arith.constant 16 : index
        %get3A_1936 = tpu.vector_load %arg12[%get3A_1934, %get3A_1935] {strides = array<i32>} : memref<160x64xf32, #tpu.memory_space<vmem>>, vector<1x16xf32>,
        %get3A_1937 = vector.shape_cast %get3A_1936 : vector<1x16xf32> to vector<16xf32>
        %add3A_1938 = arith.addf %add3A_1910, %get3A_1937 : vector<16xf32>
        %add3A_1939 = arith.constant 19 : i32
        %add3A_1940 = arith.addi %mul3A_1404, %add3A_1939 : i32
        %get3A_1941 = arith.index_cast %add3A_1940 : i32 to index
        %get3A_1942 = arith.constant 32 : index
        %get3A_1943 = tpu.vector_load %arg12[%get3A_1941, %get3A_1942] {strides = array<i32>} : memref<160x64xf32, #tpu.memory_space<vmem>>, vector<1x16xf32>,
        %get3A_1944 = vector.shape_cast %get3A_1943 : vector<1x16xf32> to vector<16xf32>
        %add3A_1945 = arith.addf %add3A_1917, %get3A_1944 : vector<16xf32>
        %add3A_1946 = arith.constant 19 : i32
        %add3A_1947 = arith.addi %mul3A_1404, %add3A_1946 : i32
        %get3A_1948 = arith.index_cast %add3A_1947 : i32 to index
        %get3A_1949 = arith.constant 48 : index
        %get3A_1950 = tpu.vector_load %arg12[%get3A_1948, %get3A_1949] {strides = array<i32>} : memref<160x64xf32, #tpu.memory_space<vmem>>, vector<1x16xf32>,
        %get3A_1951 = vector.shape_cast %get3A_1950 : vector<1x16xf32> to vector<16xf32>
        %add3A_1952 = arith.addf %add3A_1924, %get3A_1951 : vector<16xf32>
        %add3A_1953 = arith.constant 0 : i32
        %add3A_1954 = arith.addi %add3A_1953, %scan3A_1402 : i32
        %mul3A_1955 = arith.constant 26 : i32
        %mul3A_1956 = arith.muli %add3A_1954, %mul3A_1955 : i32
        %add3A_1957 = arith.addi %mul3A_1132, %mul3A_1956 : i32
        %add3A_1958 = arith.addi %add3A_1957, %select_n3A_1114 : i32
        %swap3A_1959 = arith.index_cast %add3A_1958 : i32 to index
        %swap3A_1960 = arith.constant 0 : index
        %swap3A_1961 = tpu.vector_load %arg14[%swap3A_1959, %swap3A_1960] {strides = array<i32>} : memref<832x64xf32, #tpu.memory_space<vmem>>, vector<1x16xf32>,
        %swap3A_1962 = vector.shape_cast %swap3A_1961 : vector<1x16xf32> to vector<16xf32>
        %swap3A_1963 = vector.shape_cast %add3A_1931 : vector<16xf32> to vector<1x16xf32>
        tpu.vector_store %arg14[%swap3A_1959, %swap3A_1960], %swap3A_1963 {strides = array<i32>} : memref<832x64xf32, #tpu.memory_space<vmem>>, vector<1x16xf32>,
        %swap3A_1964 = arith.index_cast %add3A_1958 : i32 to index
        %swap3A_1965 = arith.constant 16 : index
        %swap3A_1966 = tpu.vector_load %arg14[%swap3A_1964, %swap3A_1965] {strides = array<i32>} : memref<832x64xf32, #tpu.memory_space<vmem>>, vector<1x16xf32>,
        %swap3A_1967 = vector.shape_cast %swap3A_1966 : vector<1x16xf32> to vector<16xf32>
        %swap3A_1968 = vector.shape_cast %add3A_1938 : vector<16xf32> to vector<1x16xf32>
        tpu.vector_store %arg14[%swap3A_1964, %swap3A_1965], %swap3A_1968 {strides = array<i32>} : memref<832x64xf32, #tpu.memory_space<vmem>>, vector<1x16xf32>,
        %swap3A_1969 = arith.index_cast %add3A_1958 : i32 to index
        %swap3A_1970 = arith.constant 32 : index
        %swap3A_1971 = tpu.vector_load %arg14[%swap3A_1969, %swap3A_1970] {strides = array<i32>} : memref<832x64xf32, #tpu.memory_space<vmem>>, vector<1x16xf32>,
        %swap3A_1972 = vector.shape_cast %swap3A_1971 : vector<1x16xf32> to vector<16xf32>
        %swap3A_1973 = vector.shape_cast %add3A_1945 : vector<16xf32> to vector<1x16xf32>
        tpu.vector_store %arg14[%swap3A_1969, %swap3A_1970], %swap3A_1973 {strides = array<i32>} : memref<832x64xf32, #tpu.memory_space<vmem>>, vector<1x16xf32>,
        %swap3A_1974 = arith.index_cast %add3A_1958 : i32 to index
        %swap3A_1975 = arith.constant 48 : index
        %swap3A_1976 = tpu.vector_load %arg14[%swap3A_1974, %swap3A_1975] {strides = array<i32>} : memref<832x64xf32, #tpu.memory_space<vmem>>, vector<1x16xf32>,
        %swap3A_1977 = vector.shape_cast %swap3A_1976 : vector<1x16xf32> to vector<16xf32>
        %swap3A_1978 = vector.shape_cast %add3A_1952 : vector<16xf32> to vector<1x16xf32>
        tpu.vector_store %arg14[%swap3A_1974, %swap3A_1975], %swap3A_1978 {strides = array<i32>} : memref<832x64xf32, #tpu.memory_space<vmem>>, vector<1x16xf32>,
      }
      %scan3A_1138 = arith.constant 8 : i32
      %eq3A_1139 = arith.constant 51 : i32
      %eq3A_1140 = arith.cmpi eq, %sub3A_938, %eq3A_1139 : i32
      %eq3A_1141 = arith.constant 0 : i32
      %eq3A_1142 = arith.cmpi eq, %select_n3A_954, %eq3A_1141 : i32
      %and3A_1143 = arith.andi %eq3A_1140, %eq3A_1142 : i1
      %convert_element_type3A_1144 = arith.extui %and3A_1143 : i1 to i32
      %cond3A_1145 = arith.constant 0 : i32
      %cond3A_1146 = arith.cmpi ne, %convert_element_type3A_1144, %cond3A_1145 : i32
      scf.if %cond3A_1146 {
        %mul3A_1402 = arith.constant 128 : i32
        %mul3A_1403 = arith.muli %add3A, %mul3A_1402 : i32
        %mul3A_1404 = arith.constant 16 : i32
        %mul3A_1405 = arith.muli %select_n3A_935, %mul3A_1404 : i32
        %add3A_1406 = arith.addi %mul3A_1403, %mul3A_1405 : i32
        %mul3A_1407 = arith.constant 26 : i32
        %mul3A_1408 = arith.muli %add3A_1406, %mul3A_1407 : i32
        %dma_start3A_1409 = arith.constant 0 : i32
        %dma_start3A_1410 = arith.constant 0 : i32
        %dma_start3A_1411 = tpu.memref_slice %arg14[%dma_start3A_1409, %dma_start3A_1410] : memref<832x64xf32, #tpu.memory_space<vmem>> -> memref<416x64xf32, #tpu.memory_space<vmem>>
        %dma_start3A_1412 = arith.constant 0 : i32
        %dma_start3A_1413 = tpu.memref_slice %arg4[%mul3A_1408, %dma_start3A_1412] : memref<106496x64xf32, #tpu.memory_space<hbm>> -> memref<416x64xf32, #tpu.memory_space<hbm>>
        %dma_start3A_1414 = arith.constant 0 : i32
        %dma_start3A_1415 = tpu.memref_slice %arg4[%mul3A_1408, %dma_start3A_1414] : memref<106496x64xf32, #tpu.memory_space<hbm>> -> memref<416x64xf32, #tpu.memory_space<hbm>>
        %dma_start3A_1416 = arith.constant 0 : i32
        %dma_start3A_1417 = arith.constant 0 : i32
        %dma_start3A_1418 = tpu.memref_slice %arg14[%dma_start3A_1416, %dma_start3A_1417] : memref<832x64xf32, #tpu.memory_space<vmem>> -> memref<416x64xf32, #tpu.memory_space<vmem>>
        tpu.enqueue_dma source(%dma_start3A_1418 : memref<416x64xf32, #tpu.memory_space<vmem>>) target(%dma_start3A_1415 : memref<416x64xf32, #tpu.memory_space<hbm>>) target_semaphore(%arg20 : memref<!tpu.dma_semaphore, #tpu.memory_space<semaphore_mem>>)
      } else {
      }
      %eq3A_1147 = arith.constant 51 : i32
      %eq3A_1148 = arith.cmpi eq, %sub3A_938, %eq3A_1147 : i32
      %eq3A_1149 = arith.constant 1 : i32
      %eq3A_1150 = arith.cmpi eq, %select_n3A_954, %eq3A_1149 : i32
      %and3A_1151 = arith.andi %eq3A_1148, %eq3A_1150 : i1
      %convert_element_type3A_1152 = arith.extui %and3A_1151 : i1 to i32
      %cond3A_1153 = arith.constant 0 : i32
      %cond3A_1154 = arith.cmpi ne, %convert_element_type3A_1152, %cond3A_1153 : i32
      scf.if %cond3A_1154 {
        %mul3A_1402 = arith.constant 128 : i32
        %mul3A_1403 = arith.muli %add3A, %mul3A_1402 : i32
        %mul3A_1404 = arith.constant 16 : i32
        %mul3A_1405 = arith.muli %select_n3A_935, %mul3A_1404 : i32
        %add3A_1406 = arith.addi %mul3A_1403, %mul3A_1405 : i32
        %mul3A_1407 = arith.constant 26 : i32
        %mul3A_1408 = arith.muli %add3A_1406, %mul3A_1407 : i32
        %dma_start3A_1409 = arith.constant 416 : i32
        %dma_start3A_1410 = arith.constant 0 : i32
        %dma_start3A_1411 = tpu.memref_slice %arg14[%dma_start3A_1409, %dma_start3A_1410] : memref<832x64xf32, #tpu.memory_space<vmem>> -> memref<416x64xf32, #tpu.memory_space<vmem>>
        %dma_start3A_1412 = arith.constant 0 : i32
        %dma_start3A_1413 = tpu.memref_slice %arg4[%mul3A_1408, %dma_start3A_1412] : memref<106496x64xf32, #tpu.memory_space<hbm>> -> memref<416x64xf32, #tpu.memory_space<hbm>>
        %dma_start3A_1414 = arith.constant 0 : i32
        %dma_start3A_1415 = tpu.memref_slice %arg4[%mul3A_1408, %dma_start3A_1414] : memref<106496x64xf32, #tpu.memory_space<hbm>> -> memref<416x64xf32, #tpu.memory_space<hbm>>
        %dma_start3A_1416 = arith.constant 416 : i32
        %dma_start3A_1417 = arith.constant 0 : i32
        %dma_start3A_1418 = tpu.memref_slice %arg14[%dma_start3A_1416, %dma_start3A_1417] : memref<832x64xf32, #tpu.memory_space<vmem>> -> memref<416x64xf32, #tpu.memory_space<vmem>>
        tpu.enqueue_dma source(%dma_start3A_1418 : memref<416x64xf32, #tpu.memory_space<vmem>>) target(%dma_start3A_1415 : memref<416x64xf32, #tpu.memory_space<hbm>>) target_semaphore(%arg21 : memref<!tpu.dma_semaphore, #tpu.memory_space<semaphore_mem>>)
      } else {
      }
      %mul3A_1155 = arith.constant 4 : i32
      %mul3A_1156 = arith.muli %mul3A_1155, %add3A_426 : i32
      %add3A_1157 = arith.constant 3 : i32
      %add3A_1158 = arith.addi %mul3A_1156, %add3A_1157 : i32
      %jit3A_1159 = arith.constant 52 : i32
      %div3A_1160 = arith.divsi %add3A_1158, %jit3A_1159 : i32
      %sign3A_1161 = arith.constant 0 : i32
      %sign3A_1162 = arith.cmpi sgt, %add3A_1158, %sign3A_1161 : i32
      %sign3A_1163 = arith.extui %sign3A_1162 : i1 to i32
      %sign3A_1164 = arith.constant 0 : i32
      %sign3A_1165 = arith.cmpi slt, %add3A_1158, %sign3A_1164 : i32
      %sign3A_1166 = arith.extui %sign3A_1165 : i1 to i32
      %sign3A_1167 = arith.subi %sign3A_1163, %sign3A_1166 : i32
      %sign3A_1168 = arith.constant 0 : i32
      %sign3A_1169 = arith.cmpi sgt, %jit3A_1159, %sign3A_1168 : i32
      %sign3A_1170 = arith.extui %sign3A_1169 : i1 to i32
      %sign3A_1171 = arith.constant 0 : i32
      %sign3A_1172 = arith.cmpi slt, %jit3A_1159, %sign3A_1171 : i32
      %sign3A_1173 = arith.extui %sign3A_1172 : i1 to i32
      %sign3A_1174 = arith.subi %sign3A_1170, %sign3A_1173 : i32
      %ne3A_1175 = arith.cmpi ne, %sign3A_1167, %sign3A_1174 : i32
      %rem3A_1176 = arith.remsi %add3A_1158, %jit3A_1159 : i32
      %ne3A_1177 = arith.constant 0 : i32
      %ne3A_1178 = arith.cmpi ne, %rem3A_1176, %ne3A_1177 : i32
      %and3A_1179 = arith.andi %ne3A_1175, %ne3A_1178 : i1
      %sub3A_1180 = arith.constant 1 : i32
      %sub3A_1181 = arith.subi %div3A_1160, %sub3A_1180 : i32
      %select_n3A_1182 = arith.select %and3A_1179, %sub3A_1181, %div3A_1160 : i32
      %mul3A_1183 = arith.constant 52 : i32
      %mul3A_1184 = arith.muli %select_n3A_1182, %mul3A_1183 : i32
      %sub3A_1185 = arith.subi %add3A_1158, %mul3A_1184 : i32
      %jit3A_1186 = arith.constant 2 : i32
      %eq3A_1187 = arith.constant 0 : i32
      %eq3A_1188 = arith.cmpi eq, %jit3A_1186, %eq3A_1187 : i32
      %jit3A_1189 = arith.constant 1 : i32
      %select_n3A_1190 = arith.select %eq3A_1188, %jit3A_1189, %jit3A_1186 : i32
      %rem3A_1191 = arith.remsi %select_n3A_1182, %select_n3A_1190 : i32
      %ne3A_1192 = arith.constant 0 : i32
      %ne3A_1193 = arith.cmpi ne, %rem3A_1191, %ne3A_1192 : i32
      %lt3A_1194 = arith.constant 0 : i32
      %lt3A_1195 = arith.cmpi slt, %rem3A_1191, %lt3A_1194 : i32
      %lt3A_1196 = arith.constant 0 : i32
      %lt3A_1197 = arith.cmpi slt, %select_n3A_1190, %lt3A_1196 : i32
      %ne3A_1198 = arith.xori %lt3A_1195, %lt3A_1197 : i1
      %and3A_1199 = arith.andi %ne3A_1198, %ne3A_1193 : i1
      %add3A_1200 = arith.addi %rem3A_1191, %select_n3A_1190 : i32
      %select_n3A_1201 = arith.select %and3A_1199, %add3A_1200, %rem3A_1191 : i32
      %eq3A_1202 = arith.constant 0 : i32
      %eq3A_1203 = arith.cmpi eq, %sub3A_1185, %eq3A_1202 : i32
      %add3A_1204 = arith.constant 1 : i32
      %add3A_1205 = arith.addi %select_n3A_1182, %add3A_1204 : i32
      %lt3A_1206 = arith.constant 8 : i32
      %lt3A_1207 = arith.cmpi slt, %add3A_1205, %lt3A_1206 : i32
      %and3A_1208 = arith.andi %eq3A_1203, %lt3A_1207 : i1
      %add3A_1209 = arith.constant 1 : i32
      %add3A_1210 = arith.addi %select_n3A_1182, %add3A_1209 : i32
      %jit3A_1211 = arith.constant 2 : i32
      %eq3A_1212 = arith.constant 0 : i32
      %eq3A_1213 = arith.cmpi eq, %jit3A_1211, %eq3A_1212 : i32
      %jit3A_1214 = arith.constant 1 : i32
      %select_n3A_1215 = arith.select %eq3A_1213, %jit3A_1214, %jit3A_1211 : i32
      %rem3A_1216 = arith.remsi %add3A_1210, %select_n3A_1215 : i32
      %ne3A_1217 = arith.constant 0 : i32
      %ne3A_1218 = arith.cmpi ne, %rem3A_1216, %ne3A_1217 : i32
      %lt3A_1219 = arith.constant 0 : i32
      %lt3A_1220 = arith.cmpi slt, %rem3A_1216, %lt3A_1219 : i32
      %lt3A_1221 = arith.constant 0 : i32
      %lt3A_1222 = arith.cmpi slt, %select_n3A_1215, %lt3A_1221 : i32
      %ne3A_1223 = arith.xori %lt3A_1220, %lt3A_1222 : i1
      %and3A_1224 = arith.andi %ne3A_1223, %ne3A_1218 : i1
      %add3A_1225 = arith.addi %rem3A_1216, %select_n3A_1215 : i32
      %select_n3A_1226 = arith.select %and3A_1224, %add3A_1225, %rem3A_1216 : i32
      %eq3A_1227 = arith.constant 0 : i32
      %eq3A_1228 = arith.cmpi eq, %select_n3A_1226, %eq3A_1227 : i32
      %and3A_1229 = arith.andi %and3A_1208, %eq3A_1228 : i1
      %convert_element_type3A_1230 = arith.extui %and3A_1229 : i1 to i32
      %cond3A_1231 = arith.constant 0 : i32
      %cond3A_1232 = arith.cmpi ne, %convert_element_type3A_1230, %cond3A_1231 : i32
      scf.if %cond3A_1232 {
        %add3A_1402 = arith.constant 1 : i32
        %add3A_1403 = arith.addi %select_n3A_1182, %add3A_1402 : i32
        %mul3A_1404 = arith.constant 128 : i32
        %mul3A_1405 = arith.muli %add3A, %mul3A_1404 : i32
        %mul3A_1406 = arith.constant 16 : i32
        %mul3A_1407 = arith.muli %add3A_1403, %mul3A_1406 : i32
        %add3A_1408 = arith.addi %mul3A_1405, %mul3A_1407 : i32
        %mul3A_1409 = arith.constant 20 : i32
        %mul3A_1410 = arith.muli %add3A_1408, %mul3A_1409 : i32
        %multiple_of3A_1411 = tpu.assume_multiple %mul3A_1410, 8 : i32
        %dma_start3A_1412 = arith.constant 0 : i32
        %dma_start3A_1413 = arith.constant 0 : i32
        %dma_start3A_1414 = tpu.memref_slice %arg5[%dma_start3A_1412, %dma_start3A_1413] : memref<52x320xi32, #tpu.memory_space<vmem>> -> memref<26x320xi32, #tpu.memory_space<vmem>>
        %dma_start3A_1415 = arith.constant 0 : i32
        %dma_start3A_1416 = tpu.memref_slice %arg2[%dma_start3A_1415, %multiple_of3A_1411] : memref<26x81920xi32, #tpu.memory_space<hbm>> -> memref<26x320xi32, #tpu.memory_space<hbm>>
        %dma_start3A_1417 = arith.constant 0 : i32
        %dma_start3A_1418 = arith.constant 0 : i32
        %dma_start3A_1419 = tpu.memref_slice %arg5[%dma_start3A_1417, %dma_start3A_1418] : memref<52x320xi32, #tpu.memory_space<vmem>> -> memref<26x320xi32, #tpu.memory_space<vmem>>
        %dma_start3A_1420 = arith.constant 0 : i32
        %dma_start3A_1421 = tpu.memref_slice %arg2[%dma_start3A_1420, %multiple_of3A_1411] : memref<26x81920xi32, #tpu.memory_space<hbm>> -> memref<26x320xi32, #tpu.memory_space<hbm>>
        tpu.enqueue_dma source(%dma_start3A_1421 : memref<26x320xi32, #tpu.memory_space<hbm>>) target(%dma_start3A_1419 : memref<26x320xi32, #tpu.memory_space<vmem>>) target_semaphore(%arg15 : memref<!tpu.dma_semaphore, #tpu.memory_space<semaphore_mem>>)
      } else {
      }
      %eq3A_1233 = arith.constant 0 : i32
      %eq3A_1234 = arith.cmpi eq, %sub3A_1185, %eq3A_1233 : i32
      %add3A_1235 = arith.constant 1 : i32
      %add3A_1236 = arith.addi %select_n3A_1182, %add3A_1235 : i32
      %lt3A_1237 = arith.constant 8 : i32
      %lt3A_1238 = arith.cmpi slt, %add3A_1236, %lt3A_1237 : i32
      %and3A_1239 = arith.andi %eq3A_1234, %lt3A_1238 : i1
      %add3A_1240 = arith.constant 1 : i32
      %add3A_1241 = arith.addi %select_n3A_1182, %add3A_1240 : i32
      %jit3A_1242 = arith.constant 2 : i32
      %eq3A_1243 = arith.constant 0 : i32
      %eq3A_1244 = arith.cmpi eq, %jit3A_1242, %eq3A_1243 : i32
      %jit3A_1245 = arith.constant 1 : i32
      %select_n3A_1246 = arith.select %eq3A_1244, %jit3A_1245, %jit3A_1242 : i32
      %rem3A_1247 = arith.remsi %add3A_1241, %select_n3A_1246 : i32
      %ne3A_1248 = arith.constant 0 : i32
      %ne3A_1249 = arith.cmpi ne, %rem3A_1247, %ne3A_1248 : i32
      %lt3A_1250 = arith.constant 0 : i32
      %lt3A_1251 = arith.cmpi slt, %rem3A_1247, %lt3A_1250 : i32
      %lt3A_1252 = arith.constant 0 : i32
      %lt3A_1253 = arith.cmpi slt, %select_n3A_1246, %lt3A_1252 : i32
      %ne3A_1254 = arith.xori %lt3A_1251, %lt3A_1253 : i1
      %and3A_1255 = arith.andi %ne3A_1254, %ne3A_1249 : i1
      %add3A_1256 = arith.addi %rem3A_1247, %select_n3A_1246 : i32
      %select_n3A_1257 = arith.select %and3A_1255, %add3A_1256, %rem3A_1247 : i32
      %eq3A_1258 = arith.constant 1 : i32
      %eq3A_1259 = arith.cmpi eq, %select_n3A_1257, %eq3A_1258 : i32
      %and3A_1260 = arith.andi %and3A_1239, %eq3A_1259 : i1
      %convert_element_type3A_1261 = arith.extui %and3A_1260 : i1 to i32
      %cond3A_1262 = arith.constant 0 : i32
      %cond3A_1263 = arith.cmpi ne, %convert_element_type3A_1261, %cond3A_1262 : i32
      scf.if %cond3A_1263 {
        %add3A_1402 = arith.constant 1 : i32
        %add3A_1403 = arith.addi %select_n3A_1182, %add3A_1402 : i32
        %mul3A_1404 = arith.constant 128 : i32
        %mul3A_1405 = arith.muli %add3A, %mul3A_1404 : i32
        %mul3A_1406 = arith.constant 16 : i32
        %mul3A_1407 = arith.muli %add3A_1403, %mul3A_1406 : i32
        %add3A_1408 = arith.addi %mul3A_1405, %mul3A_1407 : i32
        %mul3A_1409 = arith.constant 20 : i32
        %mul3A_1410 = arith.muli %add3A_1408, %mul3A_1409 : i32
        %multiple_of3A_1411 = tpu.assume_multiple %mul3A_1410, 8 : i32
        %dma_start3A_1412 = arith.constant 26 : i32
        %dma_start3A_1413 = arith.constant 0 : i32
        %dma_start3A_1414 = tpu.memref_slice %arg5[%dma_start3A_1412, %dma_start3A_1413] : memref<52x320xi32, #tpu.memory_space<vmem>> -> memref<26x320xi32, #tpu.memory_space<vmem>>
        %dma_start3A_1415 = arith.constant 0 : i32
        %dma_start3A_1416 = tpu.memref_slice %arg2[%dma_start3A_1415, %multiple_of3A_1411] : memref<26x81920xi32, #tpu.memory_space<hbm>> -> memref<26x320xi32, #tpu.memory_space<hbm>>
        %dma_start3A_1417 = arith.constant 26 : i32
        %dma_start3A_1418 = arith.constant 0 : i32
        %dma_start3A_1419 = tpu.memref_slice %arg5[%dma_start3A_1417, %dma_start3A_1418] : memref<52x320xi32, #tpu.memory_space<vmem>> -> memref<26x320xi32, #tpu.memory_space<vmem>>
        %dma_start3A_1420 = arith.constant 0 : i32
        %dma_start3A_1421 = tpu.memref_slice %arg2[%dma_start3A_1420, %multiple_of3A_1411] : memref<26x81920xi32, #tpu.memory_space<hbm>> -> memref<26x320xi32, #tpu.memory_space<hbm>>
        tpu.enqueue_dma source(%dma_start3A_1421 : memref<26x320xi32, #tpu.memory_space<hbm>>) target(%dma_start3A_1419 : memref<26x320xi32, #tpu.memory_space<vmem>>) target_semaphore(%arg15 : memref<!tpu.dma_semaphore, #tpu.memory_space<semaphore_mem>>)
      } else {
      }
      %eq3A_1264 = arith.constant 0 : i32
      %eq3A_1265 = arith.cmpi eq, %sub3A_1185, %eq3A_1264 : i32
      %ge3A_1266 = arith.constant 2 : i32
      %ge3A_1267 = arith.cmpi sge, %select_n3A_1182, %ge3A_1266 : i32
      %and3A_1268 = arith.andi %eq3A_1265, %ge3A_1267 : i1
      %eq3A_1269 = arith.constant 0 : i32
      %eq3A_1270 = arith.cmpi eq, %select_n3A_1201, %eq3A_1269 : i32
      %and3A_1271 = arith.andi %and3A_1268, %eq3A_1270 : i1
      %convert_element_type3A_1272 = arith.extui %and3A_1271 : i1 to i32
      %cond3A_1273 = arith.constant 0 : i32
      %cond3A_1274 = arith.cmpi ne, %convert_element_type3A_1272, %cond3A_1273 : i32
      scf.if %cond3A_1274 {
        %dma_wait3A_1402 = arith.constant 0 : i32
        %dma_wait3A_1403 = arith.constant 0 : i32
        %dma_wait3A_1404 = tpu.memref_slice %arg14[%dma_wait3A_1402, %dma_wait3A_1403] : memref<832x64xf32, #tpu.memory_space<vmem>> -> memref<416x64xf32, #tpu.memory_space<vmem>>
        %dma_wait3A_1405 = arith.constant 0 : i32
        %dma_wait3A_1406 = arith.constant 0 : i32
        %dma_wait3A_1407 = tpu.memref_slice %arg4[%dma_wait3A_1405, %dma_wait3A_1406] : memref<106496x64xf32, #tpu.memory_space<hbm>> -> memref<416x64xf32, #tpu.memory_space<hbm>>
        %dma_wait3A_1408 = arith.constant 0 : i32
        %dma_wait3A_1409 = arith.constant 0 : i32
        %dma_wait3A_1410 = tpu.memref_slice %arg4[%dma_wait3A_1408, %dma_wait3A_1409] : memref<106496x64xf32, #tpu.memory_space<hbm>> -> memref<416x64xf32, #tpu.memory_space<hbm>>
        %dma_wait3A_1411 = arith.constant 0 : i32
        %dma_wait3A_1412 = arith.constant 0 : i32
        %dma_wait3A_1413 = tpu.memref_slice %arg14[%dma_wait3A_1411, %dma_wait3A_1412] : memref<832x64xf32, #tpu.memory_space<vmem>> -> memref<416x64xf32, #tpu.memory_space<vmem>>
        tpu.wait_dma2 semaphore(%arg20 : memref<!tpu.dma_semaphore, #tpu.memory_space<semaphore_mem>>) src(%dma_wait3A_1413 : memref<416x64xf32, #tpu.memory_space<vmem>>) dst(%dma_wait3A_1410 : memref<416x64xf32, #tpu.memory_space<hbm>>)
      } else {
      }
      %eq3A_1275 = arith.constant 0 : i32
      %eq3A_1276 = arith.cmpi eq, %sub3A_1185, %eq3A_1275 : i32
      %ge3A_1277 = arith.constant 2 : i32
      %ge3A_1278 = arith.cmpi sge, %select_n3A_1182, %ge3A_1277 : i32
      %and3A_1279 = arith.andi %eq3A_1276, %ge3A_1278 : i1
      %eq3A_1280 = arith.constant 1 : i32
      %eq3A_1281 = arith.cmpi eq, %select_n3A_1201, %eq3A_1280 : i32
      %and3A_1282 = arith.andi %and3A_1279, %eq3A_1281 : i1
      %convert_element_type3A_1283 = arith.extui %and3A_1282 : i1 to i32
      %cond3A_1284 = arith.constant 0 : i32
      %cond3A_1285 = arith.cmpi ne, %convert_element_type3A_1283, %cond3A_1284 : i32
      scf.if %cond3A_1285 {
        %dma_wait3A_1402 = arith.constant 0 : i32
        %dma_wait3A_1403 = arith.constant 0 : i32
        %dma_wait3A_1404 = tpu.memref_slice %arg14[%dma_wait3A_1402, %dma_wait3A_1403] : memref<832x64xf32, #tpu.memory_space<vmem>> -> memref<416x64xf32, #tpu.memory_space<vmem>>
        %dma_wait3A_1405 = arith.constant 0 : i32
        %dma_wait3A_1406 = arith.constant 0 : i32
        %dma_wait3A_1407 = tpu.memref_slice %arg4[%dma_wait3A_1405, %dma_wait3A_1406] : memref<106496x64xf32, #tpu.memory_space<hbm>> -> memref<416x64xf32, #tpu.memory_space<hbm>>
        %dma_wait3A_1408 = arith.constant 0 : i32
        %dma_wait3A_1409 = arith.constant 0 : i32
        %dma_wait3A_1410 = tpu.memref_slice %arg4[%dma_wait3A_1408, %dma_wait3A_1409] : memref<106496x64xf32, #tpu.memory_space<hbm>> -> memref<416x64xf32, #tpu.memory_space<hbm>>
        %dma_wait3A_1411 = arith.constant 0 : i32
        %dma_wait3A_1412 = arith.constant 0 : i32
        %dma_wait3A_1413 = tpu.memref_slice %arg14[%dma_wait3A_1411, %dma_wait3A_1412] : memref<832x64xf32, #tpu.memory_space<vmem>> -> memref<416x64xf32, #tpu.memory_space<vmem>>
        tpu.wait_dma2 semaphore(%arg21 : memref<!tpu.dma_semaphore, #tpu.memory_space<semaphore_mem>>) src(%dma_wait3A_1413 : memref<416x64xf32, #tpu.memory_space<vmem>>) dst(%dma_wait3A_1410 : memref<416x64xf32, #tpu.memory_space<hbm>>)
      } else {
      }
      %eq3A_1286 = arith.constant 49 : i32
      %eq3A_1287 = arith.cmpi eq, %sub3A_1185, %eq3A_1286 : i32
      %add3A_1288 = arith.constant 1 : i32
      %add3A_1289 = arith.addi %select_n3A_1182, %add3A_1288 : i32
      %lt3A_1290 = arith.constant 8 : i32
      %lt3A_1291 = arith.cmpi slt, %add3A_1289, %lt3A_1290 : i32
      %and3A_1292 = arith.andi %eq3A_1287, %lt3A_1291 : i1
      %convert_element_type3A_1293 = arith.extui %and3A_1292 : i1 to i32
      %cond3A_1294 = arith.constant 0 : i32
      %cond3A_1295 = arith.cmpi ne, %convert_element_type3A_1293, %cond3A_1294 : i32
      scf.if %cond3A_1295 {
        %dma_wait3A_1402 = arith.constant 0 : i32
        %dma_wait3A_1403 = arith.constant 0 : i32
        %dma_wait3A_1404 = tpu.memref_slice %arg5[%dma_wait3A_1402, %dma_wait3A_1403] : memref<52x320xi32, #tpu.memory_space<vmem>> -> memref<26x320xi32, #tpu.memory_space<vmem>>
        %dma_wait3A_1405 = arith.constant 0 : i32
        %dma_wait3A_1406 = arith.constant 0 : i32
        %dma_wait3A_1407 = tpu.memref_slice %arg2[%dma_wait3A_1405, %dma_wait3A_1406] : memref<26x81920xi32, #tpu.memory_space<hbm>> -> memref<26x320xi32, #tpu.memory_space<hbm>>
        %dma_wait3A_1408 = arith.constant 0 : i32
        %dma_wait3A_1409 = arith.constant 0 : i32
        %dma_wait3A_1410 = tpu.memref_slice %arg5[%dma_wait3A_1408, %dma_wait3A_1409] : memref<52x320xi32, #tpu.memory_space<vmem>> -> memref<26x320xi32, #tpu.memory_space<vmem>>
        %dma_wait3A_1411 = arith.constant 0 : i32
        %dma_wait3A_1412 = arith.constant 0 : i32
        %dma_wait3A_1413 = tpu.memref_slice %arg2[%dma_wait3A_1411, %dma_wait3A_1412] : memref<26x81920xi32, #tpu.memory_space<hbm>> -> memref<26x320xi32, #tpu.memory_space<hbm>>
        tpu.wait_dma2 semaphore(%arg15 : memref<!tpu.dma_semaphore, #tpu.memory_space<semaphore_mem>>) src(%dma_wait3A_1413 : memref<26x320xi32, #tpu.memory_space<hbm>>) dst(%dma_wait3A_1410 : memref<26x320xi32, #tpu.memory_space<vmem>>)
      } else {
      }
      %add3A_1296 = arith.constant 4 : i32
      %add3A_1297 = arith.addi %add3A_1158, %add3A_1296 : i32
      %sub3A_1298 = arith.constant 1 : i32
      %sub3A_1299 = arith.subi %add3A_1297, %sub3A_1298 : i32
      %lt3A_1300 = arith.constant 416 : i32
      %lt3A_1301 = arith.cmpi slt, %sub3A_1299, %lt3A_1300 : i32
      %convert_element_type3A_1302 = arith.extui %lt3A_1301 : i1 to i32
      %cond3A_1303 = arith.constant 0 : i32
      %cond3A_1304 = arith.cmpi ne, %convert_element_type3A_1302, %cond3A_1303 : i32
      scf.if %cond3A_1304 {
        %add3A_1402 = arith.constant 4 : i32
        %add3A_1403 = arith.addi %add3A_1158, %add3A_1402 : i32
        %sub3A_1404 = arith.constant 1 : i32
        %sub3A_1405 = arith.subi %add3A_1403, %sub3A_1404 : i32
        %jit3A_1406 = arith.constant 52 : i32
        %div3A_1407 = arith.divsi %sub3A_1405, %jit3A_1406 : i32
        %sign3A_1408 = arith.constant 0 : i32
        %sign3A_1409 = arith.cmpi sgt, %sub3A_1405, %sign3A_1408 : i32
        %sign3A_1410 = arith.extui %sign3A_1409 : i1 to i32
        %sign3A_1411 = arith.constant 0 : i32
        %sign3A_1412 = arith.cmpi slt, %sub3A_1405, %sign3A_1411 : i32
        %sign3A_1413 = arith.extui %sign3A_1412 : i1 to i32
        %sign3A_1414 = arith.subi %sign3A_1410, %sign3A_1413 : i32
        %sign3A_1415 = arith.constant 0 : i32
        %sign3A_1416 = arith.cmpi sgt, %jit3A_1406, %sign3A_1415 : i32
        %sign3A_1417 = arith.extui %sign3A_1416 : i1 to i32
        %sign3A_1418 = arith.constant 0 : i32
        %sign3A_1419 = arith.cmpi slt, %jit3A_1406, %sign3A_1418 : i32
        %sign3A_1420 = arith.extui %sign3A_1419 : i1 to i32
        %sign3A_1421 = arith.subi %sign3A_1417, %sign3A_1420 : i32
        %ne3A_1422 = arith.cmpi ne, %sign3A_1414, %sign3A_1421 : i32
        %rem3A_1423 = arith.remsi %sub3A_1405, %jit3A_1406 : i32
        %ne3A_1424 = arith.constant 0 : i32
        %ne3A_1425 = arith.cmpi ne, %rem3A_1423, %ne3A_1424 : i32
        %and3A_1426 = arith.andi %ne3A_1422, %ne3A_1425 : i1
        %sub3A_1427 = arith.constant 1 : i32
        %sub3A_1428 = arith.subi %div3A_1407, %sub3A_1427 : i32
        %select_n3A_1429 = arith.select %and3A_1426, %sub3A_1428, %div3A_1407 : i32
        %mul3A_1430 = arith.constant 52 : i32
        %mul3A_1431 = arith.muli %select_n3A_1429, %mul3A_1430 : i32
        %sub3A_1432 = arith.subi %sub3A_1405, %mul3A_1431 : i32
        %jit3A_1433 = arith.constant 2 : i32
        %div3A_1434 = arith.divsi %sub3A_1432, %jit3A_1433 : i32
        %sign3A_1435 = arith.constant 0 : i32
        %sign3A_1436 = arith.cmpi sgt, %sub3A_1432, %sign3A_1435 : i32
        %sign3A_1437 = arith.extui %sign3A_1436 : i1 to i32
        %sign3A_1438 = arith.constant 0 : i32
        %sign3A_1439 = arith.cmpi slt, %sub3A_1432, %sign3A_1438 : i32
        %sign3A_1440 = arith.extui %sign3A_1439 : i1 to i32
        %sign3A_1441 = arith.subi %sign3A_1437, %sign3A_1440 : i32
        %sign3A_1442 = arith.constant 0 : i32
        %sign3A_1443 = arith.cmpi sgt, %jit3A_1433, %sign3A_1442 : i32
        %sign3A_1444 = arith.extui %sign3A_1443 : i1 to i32
        %sign3A_1445 = arith.constant 0 : i32
        %sign3A_1446 = arith.cmpi slt, %jit3A_1433, %sign3A_1445 : i32
        %sign3A_1447 = arith.extui %sign3A_1446 : i1 to i32
        %sign3A_1448 = arith.subi %sign3A_1444, %sign3A_1447 : i32
        %ne3A_1449 = arith.cmpi ne, %sign3A_1441, %sign3A_1448 : i32
        %rem3A_1450 = arith.remsi %sub3A_1432, %jit3A_1433 : i32
        %ne3A_1451 = arith.constant 0 : i32
        %ne3A_1452 = arith.cmpi ne, %rem3A_1450, %ne3A_1451 : i32
        %and3A_1453 = arith.andi %ne3A_1449, %ne3A_1452 : i1
        %sub3A_1454 = arith.constant 1 : i32
        %sub3A_1455 = arith.subi %div3A_1434, %sub3A_1454 : i32
        %select_n3A_1456 = arith.select %and3A_1453, %sub3A_1455, %div3A_1434 : i32
        %jit3A_1457 = arith.constant 2 : i32
        %eq3A_1458 = arith.constant 0 : i32
        %eq3A_1459 = arith.cmpi eq, %jit3A_1457, %eq3A_1458 : i32
        %jit3A_1460 = arith.constant 1 : i32
        %select_n3A_1461 = arith.select %eq3A_1459, %jit3A_1460, %jit3A_1457 : i32
        %rem3A_1462 = arith.remsi %select_n3A_1429, %select_n3A_1461 : i32
        %ne3A_1463 = arith.constant 0 : i32
        %ne3A_1464 = arith.cmpi ne, %rem3A_1462, %ne3A_1463 : i32
        %lt3A_1465 = arith.constant 0 : i32
        %lt3A_1466 = arith.cmpi slt, %rem3A_1462, %lt3A_1465 : i32
        %lt3A_1467 = arith.constant 0 : i32
        %lt3A_1468 = arith.cmpi slt, %select_n3A_1461, %lt3A_1467 : i32
        %ne3A_1469 = arith.xori %lt3A_1466, %lt3A_1468 : i1
        %and3A_1470 = arith.andi %ne3A_1469, %ne3A_1464 : i1
        %add3A_1471 = arith.addi %rem3A_1462, %select_n3A_1461 : i32
        %select_n3A_1472 = arith.select %and3A_1470, %add3A_1471, %rem3A_1462 : i32
        %mul3A_1473 = arith.constant 26 : i32
        %mul3A_1474 = arith.muli %select_n3A_1472, %mul3A_1473 : i32
        %add3A_1475 = arith.addi %mul3A_1474, %select_n3A_1456 : i32
        %mul3A_1476 = arith.constant 100000 : i32
        %mul3A_1477 = arith.muli %select_n3A_1456, %mul3A_1476 : i32
        %get3A_1478 = arith.index_cast %add3A_1475 : i32 to index
        %get3A_1479 = arith.constant 0 : index
        %get3A_1480 = tpu.vector_load %arg5[%get3A_1478, %get3A_1479] {strides = array<i32>} : memref<52x320xi32, #tpu.memory_space<vmem>>, vector<1x16xi32>,
        %get3A_1481 = vector.shape_cast %get3A_1480 : vector<1x16xi32> to vector<16xi32>
        %add3A_1482 = vector.broadcast %mul3A_1477 : i32 to vector<16xi32>
        %add3A_1483 = arith.addi %get3A_1481, %add3A_1482 : vector<16xi32>
        %swap3A_1484 = arith.constant 0 : index
        %swap3A_1485 = tpu.vector_load %arg8[%swap3A_1484] {strides = array<i32>} : memref<160xi32, #tpu.memory_space<vmem>>, vector<16xi32>,
        %swap3A_1486 = vector.shape_cast %swap3A_1485 : vector<16xi32> to vector<16xi32>
        %swap3A_1487 = vector.shape_cast %add3A_1483 : vector<16xi32> to vector<16xi32>
        tpu.vector_store %arg8[%swap3A_1484], %swap3A_1487 {strides = array<i32>} : memref<160xi32, #tpu.memory_space<vmem>>, vector<16xi32>,
        %get3A_1488 = arith.index_cast %add3A_1475 : i32 to index
        %get3A_1489 = arith.constant 16 : index
        %get3A_1490 = tpu.vector_load %arg5[%get3A_1488, %get3A_1489] {strides = array<i32>} : memref<52x320xi32, #tpu.memory_space<vmem>>, vector<1x16xi32>,
        %get3A_1491 = vector.shape_cast %get3A_1490 : vector<1x16xi32> to vector<16xi32>
        %add3A_1492 = vector.broadcast %mul3A_1477 : i32 to vector<16xi32>
        %add3A_1493 = arith.addi %get3A_1491, %add3A_1492 : vector<16xi32>
        %swap3A_1494 = arith.constant 16 : index
        %swap3A_1495 = tpu.vector_load %arg8[%swap3A_1494] {strides = array<i32>} : memref<160xi32, #tpu.memory_space<vmem>>, vector<16xi32>,
        %swap3A_1496 = vector.shape_cast %swap3A_1495 : vector<16xi32> to vector<16xi32>
        %swap3A_1497 = vector.shape_cast %add3A_1493 : vector<16xi32> to vector<16xi32>
        tpu.vector_store %arg8[%swap3A_1494], %swap3A_1497 {strides = array<i32>} : memref<160xi32, #tpu.memory_space<vmem>>, vector<16xi32>,
        %get3A_1498 = arith.index_cast %add3A_1475 : i32 to index
        %get3A_1499 = arith.constant 32 : index
        %get3A_1500 = tpu.vector_load %arg5[%get3A_1498, %get3A_1499] {strides = array<i32>} : memref<52x320xi32, #tpu.memory_space<vmem>>, vector<1x16xi32>,
        %get3A_1501 = vector.shape_cast %get3A_1500 : vector<1x16xi32> to vector<16xi32>
        %add3A_1502 = vector.broadcast %mul3A_1477 : i32 to vector<16xi32>
        %add3A_1503 = arith.addi %get3A_1501, %add3A_1502 : vector<16xi32>
        %swap3A_1504 = arith.constant 32 : index
        %swap3A_1505 = tpu.vector_load %arg8[%swap3A_1504] {strides = array<i32>} : memref<160xi32, #tpu.memory_space<vmem>>, vector<16xi32>,
        %swap3A_1506 = vector.shape_cast %swap3A_1505 : vector<16xi32> to vector<16xi32>
        %swap3A_1507 = vector.shape_cast %add3A_1503 : vector<16xi32> to vector<16xi32>
        tpu.vector_store %arg8[%swap3A_1504], %swap3A_1507 {strides = array<i32>} : memref<160xi32, #tpu.memory_space<vmem>>, vector<16xi32>,
        %get3A_1508 = arith.index_cast %add3A_1475 : i32 to index
        %get3A_1509 = arith.constant 48 : index
        %get3A_1510 = tpu.vector_load %arg5[%get3A_1508, %get3A_1509] {strides = array<i32>} : memref<52x320xi32, #tpu.memory_space<vmem>>, vector<1x16xi32>,
        %get3A_1511 = vector.shape_cast %get3A_1510 : vector<1x16xi32> to vector<16xi32>
        %add3A_1512 = vector.broadcast %mul3A_1477 : i32 to vector<16xi32>
        %add3A_1513 = arith.addi %get3A_1511, %add3A_1512 : vector<16xi32>
        %swap3A_1514 = arith.constant 48 : index
        %swap3A_1515 = tpu.vector_load %arg8[%swap3A_1514] {strides = array<i32>} : memref<160xi32, #tpu.memory_space<vmem>>, vector<16xi32>,
        %swap3A_1516 = vector.shape_cast %swap3A_1515 : vector<16xi32> to vector<16xi32>
        %swap3A_1517 = vector.shape_cast %add3A_1513 : vector<16xi32> to vector<16xi32>
        tpu.vector_store %arg8[%swap3A_1514], %swap3A_1517 {strides = array<i32>} : memref<160xi32, #tpu.memory_space<vmem>>, vector<16xi32>,
        %get3A_1518 = arith.index_cast %add3A_1475 : i32 to index
        %get3A_1519 = arith.constant 64 : index
        %get3A_1520 = tpu.vector_load %arg5[%get3A_1518, %get3A_1519] {strides = array<i32>} : memref<52x320xi32, #tpu.memory_space<vmem>>, vector<1x16xi32>,
        %get3A_1521 = vector.shape_cast %get3A_1520 : vector<1x16xi32> to vector<16xi32>
        %add3A_1522 = vector.broadcast %mul3A_1477 : i32 to vector<16xi32>
        %add3A_1523 = arith.addi %get3A_1521, %add3A_1522 : vector<16xi32>
        %swap3A_1524 = arith.constant 64 : index
        %swap3A_1525 = tpu.vector_load %arg8[%swap3A_1524] {strides = array<i32>} : memref<160xi32, #tpu.memory_space<vmem>>, vector<16xi32>,
        %swap3A_1526 = vector.shape_cast %swap3A_1525 : vector<16xi32> to vector<16xi32>
        %swap3A_1527 = vector.shape_cast %add3A_1523 : vector<16xi32> to vector<16xi32>
        tpu.vector_store %arg8[%swap3A_1524], %swap3A_1527 {strides = array<i32>} : memref<160xi32, #tpu.memory_space<vmem>>, vector<16xi32>,
        %get3A_1528 = arith.index_cast %add3A_1475 : i32 to index
        %get3A_1529 = arith.constant 80 : index
        %get3A_1530 = tpu.vector_load %arg5[%get3A_1528, %get3A_1529] {strides = array<i32>} : memref<52x320xi32, #tpu.memory_space<vmem>>, vector<1x16xi32>,
        %get3A_1531 = vector.shape_cast %get3A_1530 : vector<1x16xi32> to vector<16xi32>
        %add3A_1532 = vector.broadcast %mul3A_1477 : i32 to vector<16xi32>
        %add3A_1533 = arith.addi %get3A_1531, %add3A_1532 : vector<16xi32>
        %swap3A_1534 = arith.constant 80 : index
        %swap3A_1535 = tpu.vector_load %arg8[%swap3A_1534] {strides = array<i32>} : memref<160xi32, #tpu.memory_space<vmem>>, vector<16xi32>,
        %swap3A_1536 = vector.shape_cast %swap3A_1535 : vector<16xi32> to vector<16xi32>
        %swap3A_1537 = vector.shape_cast %add3A_1533 : vector<16xi32> to vector<16xi32>
        tpu.vector_store %arg8[%swap3A_1534], %swap3A_1537 {strides = array<i32>} : memref<160xi32, #tpu.memory_space<vmem>>, vector<16xi32>,
        %get3A_1538 = arith.index_cast %add3A_1475 : i32 to index
        %get3A_1539 = arith.constant 96 : index
        %get3A_1540 = tpu.vector_load %arg5[%get3A_1538, %get3A_1539] {strides = array<i32>} : memref<52x320xi32, #tpu.memory_space<vmem>>, vector<1x16xi32>,
        %get3A_1541 = vector.shape_cast %get3A_1540 : vector<1x16xi32> to vector<16xi32>
        %add3A_1542 = vector.broadcast %mul3A_1477 : i32 to vector<16xi32>
        %add3A_1543 = arith.addi %get3A_1541, %add3A_1542 : vector<16xi32>
        %swap3A_1544 = arith.constant 96 : index
        %swap3A_1545 = tpu.vector_load %arg8[%swap3A_1544] {strides = array<i32>} : memref<160xi32, #tpu.memory_space<vmem>>, vector<16xi32>,
        %swap3A_1546 = vector.shape_cast %swap3A_1545 : vector<16xi32> to vector<16xi32>
        %swap3A_1547 = vector.shape_cast %add3A_1543 : vector<16xi32> to vector<16xi32>
        tpu.vector_store %arg8[%swap3A_1544], %swap3A_1547 {strides = array<i32>} : memref<160xi32, #tpu.memory_space<vmem>>, vector<16xi32>,
        %get3A_1548 = arith.index_cast %add3A_1475 : i32 to index
        %get3A_1549 = arith.constant 112 : index
        %get3A_1550 = tpu.vector_load %arg5[%get3A_1548, %get3A_1549] {strides = array<i32>} : memref<52x320xi32, #tpu.memory_space<vmem>>, vector<1x16xi32>,
        %get3A_1551 = vector.shape_cast %get3A_1550 : vector<1x16xi32> to vector<16xi32>
        %add3A_1552 = vector.broadcast %mul3A_1477 : i32 to vector<16xi32>
        %add3A_1553 = arith.addi %get3A_1551, %add3A_1552 : vector<16xi32>
        %swap3A_1554 = arith.constant 112 : index
        %swap3A_1555 = tpu.vector_load %arg8[%swap3A_1554] {strides = array<i32>} : memref<160xi32, #tpu.memory_space<vmem>>, vector<16xi32>,
        %swap3A_1556 = vector.shape_cast %swap3A_1555 : vector<16xi32> to vector<16xi32>
        %swap3A_1557 = vector.shape_cast %add3A_1553 : vector<16xi32> to vector<16xi32>
        tpu.vector_store %arg8[%swap3A_1554], %swap3A_1557 {strides = array<i32>} : memref<160xi32, #tpu.memory_space<vmem>>, vector<16xi32>,
        %get3A_1558 = arith.index_cast %add3A_1475 : i32 to index
        %get3A_1559 = arith.constant 128 : index
        %get3A_1560 = tpu.vector_load %arg5[%get3A_1558, %get3A_1559] {strides = array<i32>} : memref<52x320xi32, #tpu.memory_space<vmem>>, vector<1x16xi32>,
        %get3A_1561 = vector.shape_cast %get3A_1560 : vector<1x16xi32> to vector<16xi32>
        %add3A_1562 = vector.broadcast %mul3A_1477 : i32 to vector<16xi32>
        %add3A_1563 = arith.addi %get3A_1561, %add3A_1562 : vector<16xi32>
        %swap3A_1564 = arith.constant 128 : index
        %swap3A_1565 = tpu.vector_load %arg8[%swap3A_1564] {strides = array<i32>} : memref<160xi32, #tpu.memory_space<vmem>>, vector<16xi32>,
        %swap3A_1566 = vector.shape_cast %swap3A_1565 : vector<16xi32> to vector<16xi32>
        %swap3A_1567 = vector.shape_cast %add3A_1563 : vector<16xi32> to vector<16xi32>
        tpu.vector_store %arg8[%swap3A_1564], %swap3A_1567 {strides = array<i32>} : memref<160xi32, #tpu.memory_space<vmem>>, vector<16xi32>,
        %get3A_1568 = arith.index_cast %add3A_1475 : i32 to index
        %get3A_1569 = arith.constant 144 : index
        %get3A_1570 = tpu.vector_load %arg5[%get3A_1568, %get3A_1569] {strides = array<i32>} : memref<52x320xi32, #tpu.memory_space<vmem>>, vector<1x16xi32>,
        %get3A_1571 = vector.shape_cast %get3A_1570 : vector<1x16xi32> to vector<16xi32>
        %add3A_1572 = vector.broadcast %mul3A_1477 : i32 to vector<16xi32>
        %add3A_1573 = arith.addi %get3A_1571, %add3A_1572 : vector<16xi32>
        %swap3A_1574 = arith.constant 144 : index
        %swap3A_1575 = tpu.vector_load %arg8[%swap3A_1574] {strides = array<i32>} : memref<160xi32, #tpu.memory_space<vmem>>, vector<16xi32>,
        %swap3A_1576 = vector.shape_cast %swap3A_1575 : vector<16xi32> to vector<16xi32>
        %swap3A_1577 = vector.shape_cast %add3A_1573 : vector<16xi32> to vector<16xi32>
        tpu.vector_store %arg8[%swap3A_1574], %swap3A_1577 {strides = array<i32>} : memref<160xi32, #tpu.memory_space<vmem>>, vector<16xi32>,
        %dma_start3A_1578 = arith.constant 0 : i32
        %dma_start3A_1579 = arith.constant 0 : i32
        %dma_start3A_1580 = tpu.memref_slice %arg3[%dma_start3A_1578, %dma_start3A_1579] : memref<2600000x64xf32, #tpu.memory_space<hbm>> -> memref<2600000x64xf32, #tpu.memory_space<hbm>>
        tpu.enqueue_indirect_dma source(%dma_start3A_1580 : memref<2600000x64xf32, #tpu.memory_space<hbm>>) target(%arg12 : memref<160x64xf32, #tpu.memory_space<vmem>>) offsets(%arg8 : memref<160xi32, #tpu.memory_space<vmem>>) semaphore(%arg18 : memref<!tpu.dma_semaphore, #tpu.memory_space<semaphore_mem>>)
      } else {
      }
      %dma_wait3A_1305 = arith.constant 0 : i32
      %dma_wait3A_1306 = arith.constant 0 : i32
      %dma_wait3A_1307 = tpu.memref_slice %arg3[%dma_wait3A_1305, %dma_wait3A_1306] : memref<2600000x64xf32, #tpu.memory_space<hbm>> -> memref<160x64xf32, #tpu.memory_space<hbm>>
      %dma_wait3A_1308 = arith.constant 0 : i32
      %dma_wait3A_1309 = arith.constant 0 : i32
      %dma_wait3A_1310 = tpu.memref_slice %arg3[%dma_wait3A_1308, %dma_wait3A_1309] : memref<2600000x64xf32, #tpu.memory_space<hbm>> -> memref<160x64xf32, #tpu.memory_space<hbm>>
      tpu.wait_dma2 semaphore(%arg19 : memref<!tpu.dma_semaphore, #tpu.memory_space<semaphore_mem>>) src(%dma_wait3A_1310 : memref<160x64xf32, #tpu.memory_space<hbm>>) dst(%arg13 : memref<160x64xf32, #tpu.memory_space<vmem>>)
      %jit3A_1311 = arith.constant 52 : i32
      %div3A_1312 = arith.divsi %add3A_1158, %jit3A_1311 : i32
      %sign3A_1313 = arith.constant 0 : i32
      %sign3A_1314 = arith.cmpi sgt, %add3A_1158, %sign3A_1313 : i32
      %sign3A_1315 = arith.extui %sign3A_1314 : i1 to i32
      %sign3A_1316 = arith.constant 0 : i32
      %sign3A_1317 = arith.cmpi slt, %add3A_1158, %sign3A_1316 : i32
      %sign3A_1318 = arith.extui %sign3A_1317 : i1 to i32
      %sign3A_1319 = arith.subi %sign3A_1315, %sign3A_1318 : i32
      %sign3A_1320 = arith.constant 0 : i32
      %sign3A_1321 = arith.cmpi sgt, %jit3A_1311, %sign3A_1320 : i32
      %sign3A_1322 = arith.extui %sign3A_1321 : i1 to i32
      %sign3A_1323 = arith.constant 0 : i32
      %sign3A_1324 = arith.cmpi slt, %jit3A_1311, %sign3A_1323 : i32
      %sign3A_1325 = arith.extui %sign3A_1324 : i1 to i32
      %sign3A_1326 = arith.subi %sign3A_1322, %sign3A_1325 : i32
      %ne3A_1327 = arith.cmpi ne, %sign3A_1319, %sign3A_1326 : i32
      %rem3A_1328 = arith.remsi %add3A_1158, %jit3A_1311 : i32
      %ne3A_1329 = arith.constant 0 : i32
      %ne3A_1330 = arith.cmpi ne, %rem3A_1328, %ne3A_1329 : i32
      %and3A_1331 = arith.andi %ne3A_1327, %ne3A_1330 : i1
      %sub3A_1332 = arith.constant 1 : i32
      %sub3A_1333 = arith.subi %div3A_1312, %sub3A_1332 : i32
      %select_n3A_1334 = arith.select %and3A_1331, %sub3A_1333, %div3A_1312 : i32
      %mul3A_1335 = arith.constant 52 : i32
      %mul3A_1336 = arith.muli %select_n3A_1334, %mul3A_1335 : i32
      %sub3A_1337 = arith.subi %add3A_1158, %mul3A_1336 : i32
      %jit3A_1338 = arith.constant 2 : i32
      %div3A_1339 = arith.divsi %sub3A_1337, %jit3A_1338 : i32
      %sign3A_1340 = arith.constant 0 : i32
      %sign3A_1341 = arith.cmpi sgt, %sub3A_1337, %sign3A_1340 : i32
      %sign3A_1342 = arith.extui %sign3A_1341 : i1 to i32
      %sign3A_1343 = arith.constant 0 : i32
      %sign3A_1344 = arith.cmpi slt, %sub3A_1337, %sign3A_1343 : i32
      %sign3A_1345 = arith.extui %sign3A_1344 : i1 to i32
      %sign3A_1346 = arith.subi %sign3A_1342, %sign3A_1345 : i32
      %sign3A_1347 = arith.constant 0 : i32
      %sign3A_1348 = arith.cmpi sgt, %jit3A_1338, %sign3A_1347 : i32
      %sign3A_1349 = arith.extui %sign3A_1348 : i1 to i32
      %sign3A_1350 = arith.constant 0 : i32
      %sign3A_1351 = arith.cmpi slt, %jit3A_1338, %sign3A_1350 : i32
      %sign3A_1352 = arith.extui %sign3A_1351 : i1 to i32
      %sign3A_1353 = arith.subi %sign3A_1349, %sign3A_1352 : i32
      %ne3A_1354 = arith.cmpi ne, %sign3A_1346, %sign3A_1353 : i32
      %rem3A_1355 = arith.remsi %sub3A_1337, %jit3A_1338 : i32
      %ne3A_1356 = arith.constant 0 : i32
      %ne3A_1357 = arith.cmpi ne, %rem3A_1355, %ne3A_1356 : i32
      %and3A_1358 = arith.andi %ne3A_1354, %ne3A_1357 : i1
      %sub3A_1359 = arith.constant 1 : i32
      %sub3A_1360 = arith.subi %div3A_1339, %sub3A_1359 : i32
      %select_n3A_1361 = arith.select %and3A_1358, %sub3A_1360, %div3A_1339 : i32
      %jit3A_1362 = arith.constant 2 : i32
      %eq3A_1363 = arith.constant 0 : i32
      %eq3A_1364 = arith.cmpi eq, %jit3A_1362, %eq3A_1363 : i32
      %jit3A_1365 = arith.constant 1 : i32
      %select_n3A_1366 = arith.select %eq3A_1364, %jit3A_1365, %jit3A_1362 : i32
      %rem3A_1367 = arith.remsi %select_n3A_1334, %select_n3A_1366 : i32
      %ne3A_1368 = arith.constant 0 : i32
      %ne3A_1369 = arith.cmpi ne, %rem3A_1367, %ne3A_1368 : i32
      %lt3A_1370 = arith.constant 0 : i32
      %lt3A_1371 = arith.cmpi slt, %rem3A_1367, %lt3A_1370 : i32
      %lt3A_1372 = arith.constant 0 : i32
      %lt3A_1373 = arith.cmpi slt, %select_n3A_1366, %lt3A_1372 : i32
      %ne3A_1374 = arith.xori %lt3A_1371, %lt3A_1373 : i1
      %and3A_1375 = arith.andi %ne3A_1374, %ne3A_1369 : i1
      %add3A_1376 = arith.addi %rem3A_1367, %select_n3A_1366 : i32
      %select_n3A_1377 = arith.select %and3A_1375, %add3A_1376, %rem3A_1367 : i32
      %mul3A_1378 = arith.constant 416 : i32
      %mul3A_1379 = arith.muli %select_n3A_1377, %mul3A_1378 : i32
      %scan3A_1380 = arith.constant 0 : i32
      %scan3A_1381 = arith.constant 0 : i32
      %scan3A_1382 = arith.constant 8 : i32
      %scan3A_1383 = arith.addi %scan3A_1381, %scan3A_1382 : i32
      %scan3A_1384 = arith.constant 1 : i32
      scf.for %scan3A_1402 = %scan3A_1381 to %scan3A_1383 step %scan3A_1384  : i32 {
        %mul3A_1403 = arith.constant 20 : i32
        %mul3A_1404 = arith.muli %scan3A_1402, %mul3A_1403 : i32
        %get3A_1405 = arith.index_cast %mul3A_1404 : i32 to index
        %get3A_1406 = arith.constant 0 : index
        %get3A_1407 = tpu.vector_load %arg13[%get3A_1405, %get3A_1406] {strides = array<i32>} : memref<160x64xf32, #tpu.memory_space<vmem>>, vector<1x16xf32>,
        %get3A_1408 = vector.shape_cast %get3A_1407 : vector<1x16xf32> to vector<16xf32>
        %get3A_1409 = arith.index_cast %mul3A_1404 : i32 to index
        %get3A_1410 = arith.constant 16 : index
        %get3A_1411 = tpu.vector_load %arg13[%get3A_1409, %get3A_1410] {strides = array<i32>} : memref<160x64xf32, #tpu.memory_space<vmem>>, vector<1x16xf32>,
        %get3A_1412 = vector.shape_cast %get3A_1411 : vector<1x16xf32> to vector<16xf32>
        %get3A_1413 = arith.index_cast %mul3A_1404 : i32 to index
        %get3A_1414 = arith.constant 32 : index
        %get3A_1415 = tpu.vector_load %arg13[%get3A_1413, %get3A_1414] {strides = array<i32>} : memref<160x64xf32, #tpu.memory_space<vmem>>, vector<1x16xf32>,
        %get3A_1416 = vector.shape_cast %get3A_1415 : vector<1x16xf32> to vector<16xf32>
        %get3A_1417 = arith.index_cast %mul3A_1404 : i32 to index
        %get3A_1418 = arith.constant 48 : index
        %get3A_1419 = tpu.vector_load %arg13[%get3A_1417, %get3A_1418] {strides = array<i32>} : memref<160x64xf32, #tpu.memory_space<vmem>>, vector<1x16xf32>,
        %get3A_1420 = vector.shape_cast %get3A_1419 : vector<1x16xf32> to vector<16xf32>
        %add3A_1421 = arith.constant 1 : i32
        %add3A_1422 = arith.addi %mul3A_1404, %add3A_1421 : i32
        %get3A_1423 = arith.index_cast %add3A_1422 : i32 to index
        %get3A_1424 = arith.constant 0 : index
        %get3A_1425 = tpu.vector_load %arg13[%get3A_1423, %get3A_1424] {strides = array<i32>} : memref<160x64xf32, #tpu.memory_space<vmem>>, vector<1x16xf32>,
        %get3A_1426 = vector.shape_cast %get3A_1425 : vector<1x16xf32> to vector<16xf32>
        %add3A_1427 = arith.addf %get3A_1408, %get3A_1426 : vector<16xf32>
        %add3A_1428 = arith.constant 1 : i32
        %add3A_1429 = arith.addi %mul3A_1404, %add3A_1428 : i32
        %get3A_1430 = arith.index_cast %add3A_1429 : i32 to index
        %get3A_1431 = arith.constant 16 : index
        %get3A_1432 = tpu.vector_load %arg13[%get3A_1430, %get3A_1431] {strides = array<i32>} : memref<160x64xf32, #tpu.memory_space<vmem>>, vector<1x16xf32>,
        %get3A_1433 = vector.shape_cast %get3A_1432 : vector<1x16xf32> to vector<16xf32>
        %add3A_1434 = arith.addf %get3A_1412, %get3A_1433 : vector<16xf32>
        %add3A_1435 = arith.constant 1 : i32
        %add3A_1436 = arith.addi %mul3A_1404, %add3A_1435 : i32
        %get3A_1437 = arith.index_cast %add3A_1436 : i32 to index
        %get3A_1438 = arith.constant 32 : index
        %get3A_1439 = tpu.vector_load %arg13[%get3A_1437, %get3A_1438] {strides = array<i32>} : memref<160x64xf32, #tpu.memory_space<vmem>>, vector<1x16xf32>,
        %get3A_1440 = vector.shape_cast %get3A_1439 : vector<1x16xf32> to vector<16xf32>
        %add3A_1441 = arith.addf %get3A_1416, %get3A_1440 : vector<16xf32>
        %add3A_1442 = arith.constant 1 : i32
        %add3A_1443 = arith.addi %mul3A_1404, %add3A_1442 : i32
        %get3A_1444 = arith.index_cast %add3A_1443 : i32 to index
        %get3A_1445 = arith.constant 48 : index
        %get3A_1446 = tpu.vector_load %arg13[%get3A_1444, %get3A_1445] {strides = array<i32>} : memref<160x64xf32, #tpu.memory_space<vmem>>, vector<1x16xf32>,
        %get3A_1447 = vector.shape_cast %get3A_1446 : vector<1x16xf32> to vector<16xf32>
        %add3A_1448 = arith.addf %get3A_1420, %get3A_1447 : vector<16xf32>
        %add3A_1449 = arith.constant 2 : i32
        %add3A_1450 = arith.addi %mul3A_1404, %add3A_1449 : i32
        %get3A_1451 = arith.index_cast %add3A_1450 : i32 to index
        %get3A_1452 = arith.constant 0 : index
        %get3A_1453 = tpu.vector_load %arg13[%get3A_1451, %get3A_1452] {strides = array<i32>} : memref<160x64xf32, #tpu.memory_space<vmem>>, vector<1x16xf32>,
        %get3A_1454 = vector.shape_cast %get3A_1453 : vector<1x16xf32> to vector<16xf32>
        %add3A_1455 = arith.addf %add3A_1427, %get3A_1454 : vector<16xf32>
        %add3A_1456 = arith.constant 2 : i32
        %add3A_1457 = arith.addi %mul3A_1404, %add3A_1456 : i32
        %get3A_1458 = arith.index_cast %add3A_1457 : i32 to index
        %get3A_1459 = arith.constant 16 : index
        %get3A_1460 = tpu.vector_load %arg13[%get3A_1458, %get3A_1459] {strides = array<i32>} : memref<160x64xf32, #tpu.memory_space<vmem>>, vector<1x16xf32>,
        %get3A_1461 = vector.shape_cast %get3A_1460 : vector<1x16xf32> to vector<16xf32>
        %add3A_1462 = arith.addf %add3A_1434, %get3A_1461 : vector<16xf32>
        %add3A_1463 = arith.constant 2 : i32
        %add3A_1464 = arith.addi %mul3A_1404, %add3A_1463 : i32
        %get3A_1465 = arith.index_cast %add3A_1464 : i32 to index
        %get3A_1466 = arith.constant 32 : index
        %get3A_1467 = tpu.vector_load %arg13[%get3A_1465, %get3A_1466] {strides = array<i32>} : memref<160x64xf32, #tpu.memory_space<vmem>>, vector<1x16xf32>,
        %get3A_1468 = vector.shape_cast %get3A_1467 : vector<1x16xf32> to vector<16xf32>
        %add3A_1469 = arith.addf %add3A_1441, %get3A_1468 : vector<16xf32>
        %add3A_1470 = arith.constant 2 : i32
        %add3A_1471 = arith.addi %mul3A_1404, %add3A_1470 : i32
        %get3A_1472 = arith.index_cast %add3A_1471 : i32 to index
        %get3A_1473 = arith.constant 48 : index
        %get3A_1474 = tpu.vector_load %arg13[%get3A_1472, %get3A_1473] {strides = array<i32>} : memref<160x64xf32, #tpu.memory_space<vmem>>, vector<1x16xf32>,
        %get3A_1475 = vector.shape_cast %get3A_1474 : vector<1x16xf32> to vector<16xf32>
        %add3A_1476 = arith.addf %add3A_1448, %get3A_1475 : vector<16xf32>
        %add3A_1477 = arith.constant 3 : i32
        %add3A_1478 = arith.addi %mul3A_1404, %add3A_1477 : i32
        %get3A_1479 = arith.index_cast %add3A_1478 : i32 to index
        %get3A_1480 = arith.constant 0 : index
        %get3A_1481 = tpu.vector_load %arg13[%get3A_1479, %get3A_1480] {strides = array<i32>} : memref<160x64xf32, #tpu.memory_space<vmem>>, vector<1x16xf32>,
        %get3A_1482 = vector.shape_cast %get3A_1481 : vector<1x16xf32> to vector<16xf32>
        %add3A_1483 = arith.addf %add3A_1455, %get3A_1482 : vector<16xf32>
        %add3A_1484 = arith.constant 3 : i32
        %add3A_1485 = arith.addi %mul3A_1404, %add3A_1484 : i32
        %get3A_1486 = arith.index_cast %add3A_1485 : i32 to index
        %get3A_1487 = arith.constant 16 : index
        %get3A_1488 = tpu.vector_load %arg13[%get3A_1486, %get3A_1487] {strides = array<i32>} : memref<160x64xf32, #tpu.memory_space<vmem>>, vector<1x16xf32>,
        %get3A_1489 = vector.shape_cast %get3A_1488 : vector<1x16xf32> to vector<16xf32>
        %add3A_1490 = arith.addf %add3A_1462, %get3A_1489 : vector<16xf32>
        %add3A_1491 = arith.constant 3 : i32
        %add3A_1492 = arith.addi %mul3A_1404, %add3A_1491 : i32
        %get3A_1493 = arith.index_cast %add3A_1492 : i32 to index
        %get3A_1494 = arith.constant 32 : index
        %get3A_1495 = tpu.vector_load %arg13[%get3A_1493, %get3A_1494] {strides = array<i32>} : memref<160x64xf32, #tpu.memory_space<vmem>>, vector<1x16xf32>,
        %get3A_1496 = vector.shape_cast %get3A_1495 : vector<1x16xf32> to vector<16xf32>
        %add3A_1497 = arith.addf %add3A_1469, %get3A_1496 : vector<16xf32>
        %add3A_1498 = arith.constant 3 : i32
        %add3A_1499 = arith.addi %mul3A_1404, %add3A_1498 : i32
        %get3A_1500 = arith.index_cast %add3A_1499 : i32 to index
        %get3A_1501 = arith.constant 48 : index
        %get3A_1502 = tpu.vector_load %arg13[%get3A_1500, %get3A_1501] {strides = array<i32>} : memref<160x64xf32, #tpu.memory_space<vmem>>, vector<1x16xf32>,
        %get3A_1503 = vector.shape_cast %get3A_1502 : vector<1x16xf32> to vector<16xf32>
        %add3A_1504 = arith.addf %add3A_1476, %get3A_1503 : vector<16xf32>
        %add3A_1505 = arith.constant 4 : i32
        %add3A_1506 = arith.addi %mul3A_1404, %add3A_1505 : i32
        %get3A_1507 = arith.index_cast %add3A_1506 : i32 to index
        %get3A_1508 = arith.constant 0 : index
        %get3A_1509 = tpu.vector_load %arg13[%get3A_1507, %get3A_1508] {strides = array<i32>} : memref<160x64xf32, #tpu.memory_space<vmem>>, vector<1x16xf32>,
        %get3A_1510 = vector.shape_cast %get3A_1509 : vector<1x16xf32> to vector<16xf32>
        %add3A_1511 = arith.addf %add3A_1483, %get3A_1510 : vector<16xf32>
        %add3A_1512 = arith.constant 4 : i32
        %add3A_1513 = arith.addi %mul3A_1404, %add3A_1512 : i32
        %get3A_1514 = arith.index_cast %add3A_1513 : i32 to index
        %get3A_1515 = arith.constant 16 : index
        %get3A_1516 = tpu.vector_load %arg13[%get3A_1514, %get3A_1515] {strides = array<i32>} : memref<160x64xf32, #tpu.memory_space<vmem>>, vector<1x16xf32>,
        %get3A_1517 = vector.shape_cast %get3A_1516 : vector<1x16xf32> to vector<16xf32>
        %add3A_1518 = arith.addf %add3A_1490, %get3A_1517 : vector<16xf32>
        %add3A_1519 = arith.constant 4 : i32
        %add3A_1520 = arith.addi %mul3A_1404, %add3A_1519 : i32
        %get3A_1521 = arith.index_cast %add3A_1520 : i32 to index
        %get3A_1522 = arith.constant 32 : index
        %get3A_1523 = tpu.vector_load %arg13[%get3A_1521, %get3A_1522] {strides = array<i32>} : memref<160x64xf32, #tpu.memory_space<vmem>>, vector<1x16xf32>,
        %get3A_1524 = vector.shape_cast %get3A_1523 : vector<1x16xf32> to vector<16xf32>
        %add3A_1525 = arith.addf %add3A_1497, %get3A_1524 : vector<16xf32>
        %add3A_1526 = arith.constant 4 : i32
        %add3A_1527 = arith.addi %mul3A_1404, %add3A_1526 : i32
        %get3A_1528 = arith.index_cast %add3A_1527 : i32 to index
        %get3A_1529 = arith.constant 48 : index
        %get3A_1530 = tpu.vector_load %arg13[%get3A_1528, %get3A_1529] {strides = array<i32>} : memref<160x64xf32, #tpu.memory_space<vmem>>, vector<1x16xf32>,
        %get3A_1531 = vector.shape_cast %get3A_1530 : vector<1x16xf32> to vector<16xf32>
        %add3A_1532 = arith.addf %add3A_1504, %get3A_1531 : vector<16xf32>
        %add3A_1533 = arith.constant 5 : i32
        %add3A_1534 = arith.addi %mul3A_1404, %add3A_1533 : i32
        %get3A_1535 = arith.index_cast %add3A_1534 : i32 to index
        %get3A_1536 = arith.constant 0 : index
        %get3A_1537 = tpu.vector_load %arg13[%get3A_1535, %get3A_1536] {strides = array<i32>} : memref<160x64xf32, #tpu.memory_space<vmem>>, vector<1x16xf32>,
        %get3A_1538 = vector.shape_cast %get3A_1537 : vector<1x16xf32> to vector<16xf32>
        %add3A_1539 = arith.addf %add3A_1511, %get3A_1538 : vector<16xf32>
        %add3A_1540 = arith.constant 5 : i32
        %add3A_1541 = arith.addi %mul3A_1404, %add3A_1540 : i32
        %get3A_1542 = arith.index_cast %add3A_1541 : i32 to index
        %get3A_1543 = arith.constant 16 : index
        %get3A_1544 = tpu.vector_load %arg13[%get3A_1542, %get3A_1543] {strides = array<i32>} : memref<160x64xf32, #tpu.memory_space<vmem>>, vector<1x16xf32>,
        %get3A_1545 = vector.shape_cast %get3A_1544 : vector<1x16xf32> to vector<16xf32>
        %add3A_1546 = arith.addf %add3A_1518, %get3A_1545 : vector<16xf32>
        %add3A_1547 = arith.constant 5 : i32
        %add3A_1548 = arith.addi %mul3A_1404, %add3A_1547 : i32
        %get3A_1549 = arith.index_cast %add3A_1548 : i32 to index
        %get3A_1550 = arith.constant 32 : index
        %get3A_1551 = tpu.vector_load %arg13[%get3A_1549, %get3A_1550] {strides = array<i32>} : memref<160x64xf32, #tpu.memory_space<vmem>>, vector<1x16xf32>,
        %get3A_1552 = vector.shape_cast %get3A_1551 : vector<1x16xf32> to vector<16xf32>
        %add3A_1553 = arith.addf %add3A_1525, %get3A_1552 : vector<16xf32>
        %add3A_1554 = arith.constant 5 : i32
        %add3A_1555 = arith.addi %mul3A_1404, %add3A_1554 : i32
        %get3A_1556 = arith.index_cast %add3A_1555 : i32 to index
        %get3A_1557 = arith.constant 48 : index
        %get3A_1558 = tpu.vector_load %arg13[%get3A_1556, %get3A_1557] {strides = array<i32>} : memref<160x64xf32, #tpu.memory_space<vmem>>, vector<1x16xf32>,
        %get3A_1559 = vector.shape_cast %get3A_1558 : vector<1x16xf32> to vector<16xf32>
        %add3A_1560 = arith.addf %add3A_1532, %get3A_1559 : vector<16xf32>
        %add3A_1561 = arith.constant 6 : i32
        %add3A_1562 = arith.addi %mul3A_1404, %add3A_1561 : i32
        %get3A_1563 = arith.index_cast %add3A_1562 : i32 to index
        %get3A_1564 = arith.constant 0 : index
        %get3A_1565 = tpu.vector_load %arg13[%get3A_1563, %get3A_1564] {strides = array<i32>} : memref<160x64xf32, #tpu.memory_space<vmem>>, vector<1x16xf32>,
        %get3A_1566 = vector.shape_cast %get3A_1565 : vector<1x16xf32> to vector<16xf32>
        %add3A_1567 = arith.addf %add3A_1539, %get3A_1566 : vector<16xf32>
        %add3A_1568 = arith.constant 6 : i32
        %add3A_1569 = arith.addi %mul3A_1404, %add3A_1568 : i32
        %get3A_1570 = arith.index_cast %add3A_1569 : i32 to index
        %get3A_1571 = arith.constant 16 : index
        %get3A_1572 = tpu.vector_load %arg13[%get3A_1570, %get3A_1571] {strides = array<i32>} : memref<160x64xf32, #tpu.memory_space<vmem>>, vector<1x16xf32>,
        %get3A_1573 = vector.shape_cast %get3A_1572 : vector<1x16xf32> to vector<16xf32>
        %add3A_1574 = arith.addf %add3A_1546, %get3A_1573 : vector<16xf32>
        %add3A_1575 = arith.constant 6 : i32
        %add3A_1576 = arith.addi %mul3A_1404, %add3A_1575 : i32
        %get3A_1577 = arith.index_cast %add3A_1576 : i32 to index
        %get3A_1578 = arith.constant 32 : index
        %get3A_1579 = tpu.vector_load %arg13[%get3A_1577, %get3A_1578] {strides = array<i32>} : memref<160x64xf32, #tpu.memory_space<vmem>>, vector<1x16xf32>,
        %get3A_1580 = vector.shape_cast %get3A_1579 : vector<1x16xf32> to vector<16xf32>
        %add3A_1581 = arith.addf %add3A_1553, %get3A_1580 : vector<16xf32>
        %add3A_1582 = arith.constant 6 : i32
        %add3A_1583 = arith.addi %mul3A_1404, %add3A_1582 : i32
        %get3A_1584 = arith.index_cast %add3A_1583 : i32 to index
        %get3A_1585 = arith.constant 48 : index
        %get3A_1586 = tpu.vector_load %arg13[%get3A_1584, %get3A_1585] {strides = array<i32>} : memref<160x64xf32, #tpu.memory_space<vmem>>, vector<1x16xf32>,
        %get3A_1587 = vector.shape_cast %get3A_1586 : vector<1x16xf32> to vector<16xf32>
        %add3A_1588 = arith.addf %add3A_1560, %get3A_1587 : vector<16xf32>
        %add3A_1589 = arith.constant 7 : i32
        %add3A_1590 = arith.addi %mul3A_1404, %add3A_1589 : i32
        %get3A_1591 = arith.index_cast %add3A_1590 : i32 to index
        %get3A_1592 = arith.constant 0 : index
        %get3A_1593 = tpu.vector_load %arg13[%get3A_1591, %get3A_1592] {strides = array<i32>} : memref<160x64xf32, #tpu.memory_space<vmem>>, vector<1x16xf32>,
        %get3A_1594 = vector.shape_cast %get3A_1593 : vector<1x16xf32> to vector<16xf32>
        %add3A_1595 = arith.addf %add3A_1567, %get3A_1594 : vector<16xf32>
        %add3A_1596 = arith.constant 7 : i32
        %add3A_1597 = arith.addi %mul3A_1404, %add3A_1596 : i32
        %get3A_1598 = arith.index_cast %add3A_1597 : i32 to index
        %get3A_1599 = arith.constant 16 : index
        %get3A_1600 = tpu.vector_load %arg13[%get3A_1598, %get3A_1599] {strides = array<i32>} : memref<160x64xf32, #tpu.memory_space<vmem>>, vector<1x16xf32>,
        %get3A_1601 = vector.shape_cast %get3A_1600 : vector<1x16xf32> to vector<16xf32>
        %add3A_1602 = arith.addf %add3A_1574, %get3A_1601 : vector<16xf32>
        %add3A_1603 = arith.constant 7 : i32
        %add3A_1604 = arith.addi %mul3A_1404, %add3A_1603 : i32
        %get3A_1605 = arith.index_cast %add3A_1604 : i32 to index
        %get3A_1606 = arith.constant 32 : index
        %get3A_1607 = tpu.vector_load %arg13[%get3A_1605, %get3A_1606] {strides = array<i32>} : memref<160x64xf32, #tpu.memory_space<vmem>>, vector<1x16xf32>,
        %get3A_1608 = vector.shape_cast %get3A_1607 : vector<1x16xf32> to vector<16xf32>
        %add3A_1609 = arith.addf %add3A_1581, %get3A_1608 : vector<16xf32>
        %add3A_1610 = arith.constant 7 : i32
        %add3A_1611 = arith.addi %mul3A_1404, %add3A_1610 : i32
        %get3A_1612 = arith.index_cast %add3A_1611 : i32 to index
        %get3A_1613 = arith.constant 48 : index
        %get3A_1614 = tpu.vector_load %arg13[%get3A_1612, %get3A_1613] {strides = array<i32>} : memref<160x64xf32, #tpu.memory_space<vmem>>, vector<1x16xf32>,
        %get3A_1615 = vector.shape_cast %get3A_1614 : vector<1x16xf32> to vector<16xf32>
        %add3A_1616 = arith.addf %add3A_1588, %get3A_1615 : vector<16xf32>
        %add3A_1617 = arith.constant 8 : i32
        %add3A_1618 = arith.addi %mul3A_1404, %add3A_1617 : i32
        %get3A_1619 = arith.index_cast %add3A_1618 : i32 to index
        %get3A_1620 = arith.constant 0 : index
        %get3A_1621 = tpu.vector_load %arg13[%get3A_1619, %get3A_1620] {strides = array<i32>} : memref<160x64xf32, #tpu.memory_space<vmem>>, vector<1x16xf32>,
        %get3A_1622 = vector.shape_cast %get3A_1621 : vector<1x16xf32> to vector<16xf32>
        %add3A_1623 = arith.addf %add3A_1595, %get3A_1622 : vector<16xf32>
        %add3A_1624 = arith.constant 8 : i32
        %add3A_1625 = arith.addi %mul3A_1404, %add3A_1624 : i32
        %get3A_1626 = arith.index_cast %add3A_1625 : i32 to index
        %get3A_1627 = arith.constant 16 : index
        %get3A_1628 = tpu.vector_load %arg13[%get3A_1626, %get3A_1627] {strides = array<i32>} : memref<160x64xf32, #tpu.memory_space<vmem>>, vector<1x16xf32>,
        %get3A_1629 = vector.shape_cast %get3A_1628 : vector<1x16xf32> to vector<16xf32>
        %add3A_1630 = arith.addf %add3A_1602, %get3A_1629 : vector<16xf32>
        %add3A_1631 = arith.constant 8 : i32
        %add3A_1632 = arith.addi %mul3A_1404, %add3A_1631 : i32
        %get3A_1633 = arith.index_cast %add3A_1632 : i32 to index
        %get3A_1634 = arith.constant 32 : index
        %get3A_1635 = tpu.vector_load %arg13[%get3A_1633, %get3A_1634] {strides = array<i32>} : memref<160x64xf32, #tpu.memory_space<vmem>>, vector<1x16xf32>,
        %get3A_1636 = vector.shape_cast %get3A_1635 : vector<1x16xf32> to vector<16xf32>
        %add3A_1637 = arith.addf %add3A_1609, %get3A_1636 : vector<16xf32>
        %add3A_1638 = arith.constant 8 : i32
        %add3A_1639 = arith.addi %mul3A_1404, %add3A_1638 : i32
        %get3A_1640 = arith.index_cast %add3A_1639 : i32 to index
        %get3A_1641 = arith.constant 48 : index
        %get3A_1642 = tpu.vector_load %arg13[%get3A_1640, %get3A_1641] {strides = array<i32>} : memref<160x64xf32, #tpu.memory_space<vmem>>, vector<1x16xf32>,
        %get3A_1643 = vector.shape_cast %get3A_1642 : vector<1x16xf32> to vector<16xf32>
        %add3A_1644 = arith.addf %add3A_1616, %get3A_1643 : vector<16xf32>
        %add3A_1645 = arith.constant 9 : i32
        %add3A_1646 = arith.addi %mul3A_1404, %add3A_1645 : i32
        %get3A_1647 = arith.index_cast %add3A_1646 : i32 to index
        %get3A_1648 = arith.constant 0 : index
        %get3A_1649 = tpu.vector_load %arg13[%get3A_1647, %get3A_1648] {strides = array<i32>} : memref<160x64xf32, #tpu.memory_space<vmem>>, vector<1x16xf32>,
        %get3A_1650 = vector.shape_cast %get3A_1649 : vector<1x16xf32> to vector<16xf32>
        %add3A_1651 = arith.addf %add3A_1623, %get3A_1650 : vector<16xf32>
        %add3A_1652 = arith.constant 9 : i32
        %add3A_1653 = arith.addi %mul3A_1404, %add3A_1652 : i32
        %get3A_1654 = arith.index_cast %add3A_1653 : i32 to index
        %get3A_1655 = arith.constant 16 : index
        %get3A_1656 = tpu.vector_load %arg13[%get3A_1654, %get3A_1655] {strides = array<i32>} : memref<160x64xf32, #tpu.memory_space<vmem>>, vector<1x16xf32>,
        %get3A_1657 = vector.shape_cast %get3A_1656 : vector<1x16xf32> to vector<16xf32>
        %add3A_1658 = arith.addf %add3A_1630, %get3A_1657 : vector<16xf32>
        %add3A_1659 = arith.constant 9 : i32
        %add3A_1660 = arith.addi %mul3A_1404, %add3A_1659 : i32
        %get3A_1661 = arith.index_cast %add3A_1660 : i32 to index
        %get3A_1662 = arith.constant 32 : index
        %get3A_1663 = tpu.vector_load %arg13[%get3A_1661, %get3A_1662] {strides = array<i32>} : memref<160x64xf32, #tpu.memory_space<vmem>>, vector<1x16xf32>,
        %get3A_1664 = vector.shape_cast %get3A_1663 : vector<1x16xf32> to vector<16xf32>
        %add3A_1665 = arith.addf %add3A_1637, %get3A_1664 : vector<16xf32>
        %add3A_1666 = arith.constant 9 : i32
        %add3A_1667 = arith.addi %mul3A_1404, %add3A_1666 : i32
        %get3A_1668 = arith.index_cast %add3A_1667 : i32 to index
        %get3A_1669 = arith.constant 48 : index
        %get3A_1670 = tpu.vector_load %arg13[%get3A_1668, %get3A_1669] {strides = array<i32>} : memref<160x64xf32, #tpu.memory_space<vmem>>, vector<1x16xf32>,
        %get3A_1671 = vector.shape_cast %get3A_1670 : vector<1x16xf32> to vector<16xf32>
        %add3A_1672 = arith.addf %add3A_1644, %get3A_1671 : vector<16xf32>
        %add3A_1673 = arith.constant 10 : i32
        %add3A_1674 = arith.addi %mul3A_1404, %add3A_1673 : i32
        %get3A_1675 = arith.index_cast %add3A_1674 : i32 to index
        %get3A_1676 = arith.constant 0 : index
        %get3A_1677 = tpu.vector_load %arg13[%get3A_1675, %get3A_1676] {strides = array<i32>} : memref<160x64xf32, #tpu.memory_space<vmem>>, vector<1x16xf32>,
        %get3A_1678 = vector.shape_cast %get3A_1677 : vector<1x16xf32> to vector<16xf32>
        %add3A_1679 = arith.addf %add3A_1651, %get3A_1678 : vector<16xf32>
        %add3A_1680 = arith.constant 10 : i32
        %add3A_1681 = arith.addi %mul3A_1404, %add3A_1680 : i32
        %get3A_1682 = arith.index_cast %add3A_1681 : i32 to index
        %get3A_1683 = arith.constant 16 : index
        %get3A_1684 = tpu.vector_load %arg13[%get3A_1682, %get3A_1683] {strides = array<i32>} : memref<160x64xf32, #tpu.memory_space<vmem>>, vector<1x16xf32>,
        %get3A_1685 = vector.shape_cast %get3A_1684 : vector<1x16xf32> to vector<16xf32>
        %add3A_1686 = arith.addf %add3A_1658, %get3A_1685 : vector<16xf32>
        %add3A_1687 = arith.constant 10 : i32
        %add3A_1688 = arith.addi %mul3A_1404, %add3A_1687 : i32
        %get3A_1689 = arith.index_cast %add3A_1688 : i32 to index
        %get3A_1690 = arith.constant 32 : index
        %get3A_1691 = tpu.vector_load %arg13[%get3A_1689, %get3A_1690] {strides = array<i32>} : memref<160x64xf32, #tpu.memory_space<vmem>>, vector<1x16xf32>,
        %get3A_1692 = vector.shape_cast %get3A_1691 : vector<1x16xf32> to vector<16xf32>
        %add3A_1693 = arith.addf %add3A_1665, %get3A_1692 : vector<16xf32>
        %add3A_1694 = arith.constant 10 : i32
        %add3A_1695 = arith.addi %mul3A_1404, %add3A_1694 : i32
        %get3A_1696 = arith.index_cast %add3A_1695 : i32 to index
        %get3A_1697 = arith.constant 48 : index
        %get3A_1698 = tpu.vector_load %arg13[%get3A_1696, %get3A_1697] {strides = array<i32>} : memref<160x64xf32, #tpu.memory_space<vmem>>, vector<1x16xf32>,
        %get3A_1699 = vector.shape_cast %get3A_1698 : vector<1x16xf32> to vector<16xf32>
        %add3A_1700 = arith.addf %add3A_1672, %get3A_1699 : vector<16xf32>
        %add3A_1701 = arith.constant 11 : i32
        %add3A_1702 = arith.addi %mul3A_1404, %add3A_1701 : i32
        %get3A_1703 = arith.index_cast %add3A_1702 : i32 to index
        %get3A_1704 = arith.constant 0 : index
        %get3A_1705 = tpu.vector_load %arg13[%get3A_1703, %get3A_1704] {strides = array<i32>} : memref<160x64xf32, #tpu.memory_space<vmem>>, vector<1x16xf32>,
        %get3A_1706 = vector.shape_cast %get3A_1705 : vector<1x16xf32> to vector<16xf32>
        %add3A_1707 = arith.addf %add3A_1679, %get3A_1706 : vector<16xf32>
        %add3A_1708 = arith.constant 11 : i32
        %add3A_1709 = arith.addi %mul3A_1404, %add3A_1708 : i32
        %get3A_1710 = arith.index_cast %add3A_1709 : i32 to index
        %get3A_1711 = arith.constant 16 : index
        %get3A_1712 = tpu.vector_load %arg13[%get3A_1710, %get3A_1711] {strides = array<i32>} : memref<160x64xf32, #tpu.memory_space<vmem>>, vector<1x16xf32>,
        %get3A_1713 = vector.shape_cast %get3A_1712 : vector<1x16xf32> to vector<16xf32>
        %add3A_1714 = arith.addf %add3A_1686, %get3A_1713 : vector<16xf32>
        %add3A_1715 = arith.constant 11 : i32
        %add3A_1716 = arith.addi %mul3A_1404, %add3A_1715 : i32
        %get3A_1717 = arith.index_cast %add3A_1716 : i32 to index
        %get3A_1718 = arith.constant 32 : index
        %get3A_1719 = tpu.vector_load %arg13[%get3A_1717, %get3A_1718] {strides = array<i32>} : memref<160x64xf32, #tpu.memory_space<vmem>>, vector<1x16xf32>,
        %get3A_1720 = vector.shape_cast %get3A_1719 : vector<1x16xf32> to vector<16xf32>
        %add3A_1721 = arith.addf %add3A_1693, %get3A_1720 : vector<16xf32>
        %add3A_1722 = arith.constant 11 : i32
        %add3A_1723 = arith.addi %mul3A_1404, %add3A_1722 : i32
        %get3A_1724 = arith.index_cast %add3A_1723 : i32 to index
        %get3A_1725 = arith.constant 48 : index
        %get3A_1726 = tpu.vector_load %arg13[%get3A_1724, %get3A_1725] {strides = array<i32>} : memref<160x64xf32, #tpu.memory_space<vmem>>, vector<1x16xf32>,
        %get3A_1727 = vector.shape_cast %get3A_1726 : vector<1x16xf32> to vector<16xf32>
        %add3A_1728 = arith.addf %add3A_1700, %get3A_1727 : vector<16xf32>
        %add3A_1729 = arith.constant 12 : i32
        %add3A_1730 = arith.addi %mul3A_1404, %add3A_1729 : i32
        %get3A_1731 = arith.index_cast %add3A_1730 : i32 to index
        %get3A_1732 = arith.constant 0 : index
        %get3A_1733 = tpu.vector_load %arg13[%get3A_1731, %get3A_1732] {strides = array<i32>} : memref<160x64xf32, #tpu.memory_space<vmem>>, vector<1x16xf32>,
        %get3A_1734 = vector.shape_cast %get3A_1733 : vector<1x16xf32> to vector<16xf32>
        %add3A_1735 = arith.addf %add3A_1707, %get3A_1734 : vector<16xf32>
        %add3A_1736 = arith.constant 12 : i32
        %add3A_1737 = arith.addi %mul3A_1404, %add3A_1736 : i32
        %get3A_1738 = arith.index_cast %add3A_1737 : i32 to index
        %get3A_1739 = arith.constant 16 : index
        %get3A_1740 = tpu.vector_load %arg13[%get3A_1738, %get3A_1739] {strides = array<i32>} : memref<160x64xf32, #tpu.memory_space<vmem>>, vector<1x16xf32>,
        %get3A_1741 = vector.shape_cast %get3A_1740 : vector<1x16xf32> to vector<16xf32>
        %add3A_1742 = arith.addf %add3A_1714, %get3A_1741 : vector<16xf32>
        %add3A_1743 = arith.constant 12 : i32
        %add3A_1744 = arith.addi %mul3A_1404, %add3A_1743 : i32
        %get3A_1745 = arith.index_cast %add3A_1744 : i32 to index
        %get3A_1746 = arith.constant 32 : index
        %get3A_1747 = tpu.vector_load %arg13[%get3A_1745, %get3A_1746] {strides = array<i32>} : memref<160x64xf32, #tpu.memory_space<vmem>>, vector<1x16xf32>,
        %get3A_1748 = vector.shape_cast %get3A_1747 : vector<1x16xf32> to vector<16xf32>
        %add3A_1749 = arith.addf %add3A_1721, %get3A_1748 : vector<16xf32>
        %add3A_1750 = arith.constant 12 : i32
        %add3A_1751 = arith.addi %mul3A_1404, %add3A_1750 : i32
        %get3A_1752 = arith.index_cast %add3A_1751 : i32 to index
        %get3A_1753 = arith.constant 48 : index
        %get3A_1754 = tpu.vector_load %arg13[%get3A_1752, %get3A_1753] {strides = array<i32>} : memref<160x64xf32, #tpu.memory_space<vmem>>, vector<1x16xf32>,
        %get3A_1755 = vector.shape_cast %get3A_1754 : vector<1x16xf32> to vector<16xf32>
        %add3A_1756 = arith.addf %add3A_1728, %get3A_1755 : vector<16xf32>
        %add3A_1757 = arith.constant 13 : i32
        %add3A_1758 = arith.addi %mul3A_1404, %add3A_1757 : i32
        %get3A_1759 = arith.index_cast %add3A_1758 : i32 to index
        %get3A_1760 = arith.constant 0 : index
        %get3A_1761 = tpu.vector_load %arg13[%get3A_1759, %get3A_1760] {strides = array<i32>} : memref<160x64xf32, #tpu.memory_space<vmem>>, vector<1x16xf32>,
        %get3A_1762 = vector.shape_cast %get3A_1761 : vector<1x16xf32> to vector<16xf32>
        %add3A_1763 = arith.addf %add3A_1735, %get3A_1762 : vector<16xf32>
        %add3A_1764 = arith.constant 13 : i32
        %add3A_1765 = arith.addi %mul3A_1404, %add3A_1764 : i32
        %get3A_1766 = arith.index_cast %add3A_1765 : i32 to index
        %get3A_1767 = arith.constant 16 : index
        %get3A_1768 = tpu.vector_load %arg13[%get3A_1766, %get3A_1767] {strides = array<i32>} : memref<160x64xf32, #tpu.memory_space<vmem>>, vector<1x16xf32>,
        %get3A_1769 = vector.shape_cast %get3A_1768 : vector<1x16xf32> to vector<16xf32>
        %add3A_1770 = arith.addf %add3A_1742, %get3A_1769 : vector<16xf32>
        %add3A_1771 = arith.constant 13 : i32
        %add3A_1772 = arith.addi %mul3A_1404, %add3A_1771 : i32
        %get3A_1773 = arith.index_cast %add3A_1772 : i32 to index
        %get3A_1774 = arith.constant 32 : index
        %get3A_1775 = tpu.vector_load %arg13[%get3A_1773, %get3A_1774] {strides = array<i32>} : memref<160x64xf32, #tpu.memory_space<vmem>>, vector<1x16xf32>,
        %get3A_1776 = vector.shape_cast %get3A_1775 : vector<1x16xf32> to vector<16xf32>
        %add3A_1777 = arith.addf %add3A_1749, %get3A_1776 : vector<16xf32>
        %add3A_1778 = arith.constant 13 : i32
        %add3A_1779 = arith.addi %mul3A_1404, %add3A_1778 : i32
        %get3A_1780 = arith.index_cast %add3A_1779 : i32 to index
        %get3A_1781 = arith.constant 48 : index
        %get3A_1782 = tpu.vector_load %arg13[%get3A_1780, %get3A_1781] {strides = array<i32>} : memref<160x64xf32, #tpu.memory_space<vmem>>, vector<1x16xf32>,
        %get3A_1783 = vector.shape_cast %get3A_1782 : vector<1x16xf32> to vector<16xf32>
        %add3A_1784 = arith.addf %add3A_1756, %get3A_1783 : vector<16xf32>
        %add3A_1785 = arith.constant 14 : i32
        %add3A_1786 = arith.addi %mul3A_1404, %add3A_1785 : i32
        %get3A_1787 = arith.index_cast %add3A_1786 : i32 to index
        %get3A_1788 = arith.constant 0 : index
        %get3A_1789 = tpu.vector_load %arg13[%get3A_1787, %get3A_1788] {strides = array<i32>} : memref<160x64xf32, #tpu.memory_space<vmem>>, vector<1x16xf32>,
        %get3A_1790 = vector.shape_cast %get3A_1789 : vector<1x16xf32> to vector<16xf32>
        %add3A_1791 = arith.addf %add3A_1763, %get3A_1790 : vector<16xf32>
        %add3A_1792 = arith.constant 14 : i32
        %add3A_1793 = arith.addi %mul3A_1404, %add3A_1792 : i32
        %get3A_1794 = arith.index_cast %add3A_1793 : i32 to index
        %get3A_1795 = arith.constant 16 : index
        %get3A_1796 = tpu.vector_load %arg13[%get3A_1794, %get3A_1795] {strides = array<i32>} : memref<160x64xf32, #tpu.memory_space<vmem>>, vector<1x16xf32>,
        %get3A_1797 = vector.shape_cast %get3A_1796 : vector<1x16xf32> to vector<16xf32>
        %add3A_1798 = arith.addf %add3A_1770, %get3A_1797 : vector<16xf32>
        %add3A_1799 = arith.constant 14 : i32
        %add3A_1800 = arith.addi %mul3A_1404, %add3A_1799 : i32
        %get3A_1801 = arith.index_cast %add3A_1800 : i32 to index
        %get3A_1802 = arith.constant 32 : index
        %get3A_1803 = tpu.vector_load %arg13[%get3A_1801, %get3A_1802] {strides = array<i32>} : memref<160x64xf32, #tpu.memory_space<vmem>>, vector<1x16xf32>,
        %get3A_1804 = vector.shape_cast %get3A_1803 : vector<1x16xf32> to vector<16xf32>
        %add3A_1805 = arith.addf %add3A_1777, %get3A_1804 : vector<16xf32>
        %add3A_1806 = arith.constant 14 : i32
        %add3A_1807 = arith.addi %mul3A_1404, %add3A_1806 : i32
        %get3A_1808 = arith.index_cast %add3A_1807 : i32 to index
        %get3A_1809 = arith.constant 48 : index
        %get3A_1810 = tpu.vector_load %arg13[%get3A_1808, %get3A_1809] {strides = array<i32>} : memref<160x64xf32, #tpu.memory_space<vmem>>, vector<1x16xf32>,
        %get3A_1811 = vector.shape_cast %get3A_1810 : vector<1x16xf32> to vector<16xf32>
        %add3A_1812 = arith.addf %add3A_1784, %get3A_1811 : vector<16xf32>
        %add3A_1813 = arith.constant 15 : i32
        %add3A_1814 = arith.addi %mul3A_1404, %add3A_1813 : i32
        %get3A_1815 = arith.index_cast %add3A_1814 : i32 to index
        %get3A_1816 = arith.constant 0 : index
        %get3A_1817 = tpu.vector_load %arg13[%get3A_1815, %get3A_1816] {strides = array<i32>} : memref<160x64xf32, #tpu.memory_space<vmem>>, vector<1x16xf32>,
        %get3A_1818 = vector.shape_cast %get3A_1817 : vector<1x16xf32> to vector<16xf32>
        %add3A_1819 = arith.addf %add3A_1791, %get3A_1818 : vector<16xf32>
        %add3A_1820 = arith.constant 15 : i32
        %add3A_1821 = arith.addi %mul3A_1404, %add3A_1820 : i32
        %get3A_1822 = arith.index_cast %add3A_1821 : i32 to index
        %get3A_1823 = arith.constant 16 : index
        %get3A_1824 = tpu.vector_load %arg13[%get3A_1822, %get3A_1823] {strides = array<i32>} : memref<160x64xf32, #tpu.memory_space<vmem>>, vector<1x16xf32>,
        %get3A_1825 = vector.shape_cast %get3A_1824 : vector<1x16xf32> to vector<16xf32>
        %add3A_1826 = arith.addf %add3A_1798, %get3A_1825 : vector<16xf32>
        %add3A_1827 = arith.constant 15 : i32
        %add3A_1828 = arith.addi %mul3A_1404, %add3A_1827 : i32
        %get3A_1829 = arith.index_cast %add3A_1828 : i32 to index
        %get3A_1830 = arith.constant 32 : index
        %get3A_1831 = tpu.vector_load %arg13[%get3A_1829, %get3A_1830] {strides = array<i32>} : memref<160x64xf32, #tpu.memory_space<vmem>>, vector<1x16xf32>,
        %get3A_1832 = vector.shape_cast %get3A_1831 : vector<1x16xf32> to vector<16xf32>
        %add3A_1833 = arith.addf %add3A_1805, %get3A_1832 : vector<16xf32>
        %add3A_1834 = arith.constant 15 : i32
        %add3A_1835 = arith.addi %mul3A_1404, %add3A_1834 : i32
        %get3A_1836 = arith.index_cast %add3A_1835 : i32 to index
        %get3A_1837 = arith.constant 48 : index
        %get3A_1838 = tpu.vector_load %arg13[%get3A_1836, %get3A_1837] {strides = array<i32>} : memref<160x64xf32, #tpu.memory_space<vmem>>, vector<1x16xf32>,
        %get3A_1839 = vector.shape_cast %get3A_1838 : vector<1x16xf32> to vector<16xf32>
        %add3A_1840 = arith.addf %add3A_1812, %get3A_1839 : vector<16xf32>
        %add3A_1841 = arith.constant 16 : i32
        %add3A_1842 = arith.addi %mul3A_1404, %add3A_1841 : i32
        %get3A_1843 = arith.index_cast %add3A_1842 : i32 to index
        %get3A_1844 = arith.constant 0 : index
        %get3A_1845 = tpu.vector_load %arg13[%get3A_1843, %get3A_1844] {strides = array<i32>} : memref<160x64xf32, #tpu.memory_space<vmem>>, vector<1x16xf32>,
        %get3A_1846 = vector.shape_cast %get3A_1845 : vector<1x16xf32> to vector<16xf32>
        %add3A_1847 = arith.addf %add3A_1819, %get3A_1846 : vector<16xf32>
        %add3A_1848 = arith.constant 16 : i32
        %add3A_1849 = arith.addi %mul3A_1404, %add3A_1848 : i32
        %get3A_1850 = arith.index_cast %add3A_1849 : i32 to index
        %get3A_1851 = arith.constant 16 : index
        %get3A_1852 = tpu.vector_load %arg13[%get3A_1850, %get3A_1851] {strides = array<i32>} : memref<160x64xf32, #tpu.memory_space<vmem>>, vector<1x16xf32>,
        %get3A_1853 = vector.shape_cast %get3A_1852 : vector<1x16xf32> to vector<16xf32>
        %add3A_1854 = arith.addf %add3A_1826, %get3A_1853 : vector<16xf32>
        %add3A_1855 = arith.constant 16 : i32
        %add3A_1856 = arith.addi %mul3A_1404, %add3A_1855 : i32
        %get3A_1857 = arith.index_cast %add3A_1856 : i32 to index
        %get3A_1858 = arith.constant 32 : index
        %get3A_1859 = tpu.vector_load %arg13[%get3A_1857, %get3A_1858] {strides = array<i32>} : memref<160x64xf32, #tpu.memory_space<vmem>>, vector<1x16xf32>,
        %get3A_1860 = vector.shape_cast %get3A_1859 : vector<1x16xf32> to vector<16xf32>
        %add3A_1861 = arith.addf %add3A_1833, %get3A_1860 : vector<16xf32>
        %add3A_1862 = arith.constant 16 : i32
        %add3A_1863 = arith.addi %mul3A_1404, %add3A_1862 : i32
        %get3A_1864 = arith.index_cast %add3A_1863 : i32 to index
        %get3A_1865 = arith.constant 48 : index
        %get3A_1866 = tpu.vector_load %arg13[%get3A_1864, %get3A_1865] {strides = array<i32>} : memref<160x64xf32, #tpu.memory_space<vmem>>, vector<1x16xf32>,
        %get3A_1867 = vector.shape_cast %get3A_1866 : vector<1x16xf32> to vector<16xf32>
        %add3A_1868 = arith.addf %add3A_1840, %get3A_1867 : vector<16xf32>
        %add3A_1869 = arith.constant 17 : i32
        %add3A_1870 = arith.addi %mul3A_1404, %add3A_1869 : i32
        %get3A_1871 = arith.index_cast %add3A_1870 : i32 to index
        %get3A_1872 = arith.constant 0 : index
        %get3A_1873 = tpu.vector_load %arg13[%get3A_1871, %get3A_1872] {strides = array<i32>} : memref<160x64xf32, #tpu.memory_space<vmem>>, vector<1x16xf32>,
        %get3A_1874 = vector.shape_cast %get3A_1873 : vector<1x16xf32> to vector<16xf32>
        %add3A_1875 = arith.addf %add3A_1847, %get3A_1874 : vector<16xf32>
        %add3A_1876 = arith.constant 17 : i32
        %add3A_1877 = arith.addi %mul3A_1404, %add3A_1876 : i32
        %get3A_1878 = arith.index_cast %add3A_1877 : i32 to index
        %get3A_1879 = arith.constant 16 : index
        %get3A_1880 = tpu.vector_load %arg13[%get3A_1878, %get3A_1879] {strides = array<i32>} : memref<160x64xf32, #tpu.memory_space<vmem>>, vector<1x16xf32>,
        %get3A_1881 = vector.shape_cast %get3A_1880 : vector<1x16xf32> to vector<16xf32>
        %add3A_1882 = arith.addf %add3A_1854, %get3A_1881 : vector<16xf32>
        %add3A_1883 = arith.constant 17 : i32
        %add3A_1884 = arith.addi %mul3A_1404, %add3A_1883 : i32
        %get3A_1885 = arith.index_cast %add3A_1884 : i32 to index
        %get3A_1886 = arith.constant 32 : index
        %get3A_1887 = tpu.vector_load %arg13[%get3A_1885, %get3A_1886] {strides = array<i32>} : memref<160x64xf32, #tpu.memory_space<vmem>>, vector<1x16xf32>,
        %get3A_1888 = vector.shape_cast %get3A_1887 : vector<1x16xf32> to vector<16xf32>
        %add3A_1889 = arith.addf %add3A_1861, %get3A_1888 : vector<16xf32>
        %add3A_1890 = arith.constant 17 : i32
        %add3A_1891 = arith.addi %mul3A_1404, %add3A_1890 : i32
        %get3A_1892 = arith.index_cast %add3A_1891 : i32 to index
        %get3A_1893 = arith.constant 48 : index
        %get3A_1894 = tpu.vector_load %arg13[%get3A_1892, %get3A_1893] {strides = array<i32>} : memref<160x64xf32, #tpu.memory_space<vmem>>, vector<1x16xf32>,
        %get3A_1895 = vector.shape_cast %get3A_1894 : vector<1x16xf32> to vector<16xf32>
        %add3A_1896 = arith.addf %add3A_1868, %get3A_1895 : vector<16xf32>
        %add3A_1897 = arith.constant 18 : i32
        %add3A_1898 = arith.addi %mul3A_1404, %add3A_1897 : i32
        %get3A_1899 = arith.index_cast %add3A_1898 : i32 to index
        %get3A_1900 = arith.constant 0 : index
        %get3A_1901 = tpu.vector_load %arg13[%get3A_1899, %get3A_1900] {strides = array<i32>} : memref<160x64xf32, #tpu.memory_space<vmem>>, vector<1x16xf32>,
        %get3A_1902 = vector.shape_cast %get3A_1901 : vector<1x16xf32> to vector<16xf32>
        %add3A_1903 = arith.addf %add3A_1875, %get3A_1902 : vector<16xf32>
        %add3A_1904 = arith.constant 18 : i32
        %add3A_1905 = arith.addi %mul3A_1404, %add3A_1904 : i32
        %get3A_1906 = arith.index_cast %add3A_1905 : i32 to index
        %get3A_1907 = arith.constant 16 : index
        %get3A_1908 = tpu.vector_load %arg13[%get3A_1906, %get3A_1907] {strides = array<i32>} : memref<160x64xf32, #tpu.memory_space<vmem>>, vector<1x16xf32>,
        %get3A_1909 = vector.shape_cast %get3A_1908 : vector<1x16xf32> to vector<16xf32>
        %add3A_1910 = arith.addf %add3A_1882, %get3A_1909 : vector<16xf32>
        %add3A_1911 = arith.constant 18 : i32
        %add3A_1912 = arith.addi %mul3A_1404, %add3A_1911 : i32
        %get3A_1913 = arith.index_cast %add3A_1912 : i32 to index
        %get3A_1914 = arith.constant 32 : index
        %get3A_1915 = tpu.vector_load %arg13[%get3A_1913, %get3A_1914] {strides = array<i32>} : memref<160x64xf32, #tpu.memory_space<vmem>>, vector<1x16xf32>,
        %get3A_1916 = vector.shape_cast %get3A_1915 : vector<1x16xf32> to vector<16xf32>
        %add3A_1917 = arith.addf %add3A_1889, %get3A_1916 : vector<16xf32>
        %add3A_1918 = arith.constant 18 : i32
        %add3A_1919 = arith.addi %mul3A_1404, %add3A_1918 : i32
        %get3A_1920 = arith.index_cast %add3A_1919 : i32 to index
        %get3A_1921 = arith.constant 48 : index
        %get3A_1922 = tpu.vector_load %arg13[%get3A_1920, %get3A_1921] {strides = array<i32>} : memref<160x64xf32, #tpu.memory_space<vmem>>, vector<1x16xf32>,
        %get3A_1923 = vector.shape_cast %get3A_1922 : vector<1x16xf32> to vector<16xf32>
        %add3A_1924 = arith.addf %add3A_1896, %get3A_1923 : vector<16xf32>
        %add3A_1925 = arith.constant 19 : i32
        %add3A_1926 = arith.addi %mul3A_1404, %add3A_1925 : i32
        %get3A_1927 = arith.index_cast %add3A_1926 : i32 to index
        %get3A_1928 = arith.constant 0 : index
        %get3A_1929 = tpu.vector_load %arg13[%get3A_1927, %get3A_1928] {strides = array<i32>} : memref<160x64xf32, #tpu.memory_space<vmem>>, vector<1x16xf32>,
        %get3A_1930 = vector.shape_cast %get3A_1929 : vector<1x16xf32> to vector<16xf32>
        %add3A_1931 = arith.addf %add3A_1903, %get3A_1930 : vector<16xf32>
        %add3A_1932 = arith.constant 19 : i32
        %add3A_1933 = arith.addi %mul3A_1404, %add3A_1932 : i32
        %get3A_1934 = arith.index_cast %add3A_1933 : i32 to index
        %get3A_1935 = arith.constant 16 : index
        %get3A_1936 = tpu.vector_load %arg13[%get3A_1934, %get3A_1935] {strides = array<i32>} : memref<160x64xf32, #tpu.memory_space<vmem>>, vector<1x16xf32>,
        %get3A_1937 = vector.shape_cast %get3A_1936 : vector<1x16xf32> to vector<16xf32>
        %add3A_1938 = arith.addf %add3A_1910, %get3A_1937 : vector<16xf32>
        %add3A_1939 = arith.constant 19 : i32
        %add3A_1940 = arith.addi %mul3A_1404, %add3A_1939 : i32
        %get3A_1941 = arith.index_cast %add3A_1940 : i32 to index
        %get3A_1942 = arith.constant 32 : index
        %get3A_1943 = tpu.vector_load %arg13[%get3A_1941, %get3A_1942] {strides = array<i32>} : memref<160x64xf32, #tpu.memory_space<vmem>>, vector<1x16xf32>,
        %get3A_1944 = vector.shape_cast %get3A_1943 : vector<1x16xf32> to vector<16xf32>
        %add3A_1945 = arith.addf %add3A_1917, %get3A_1944 : vector<16xf32>
        %add3A_1946 = arith.constant 19 : i32
        %add3A_1947 = arith.addi %mul3A_1404, %add3A_1946 : i32
        %get3A_1948 = arith.index_cast %add3A_1947 : i32 to index
        %get3A_1949 = arith.constant 48 : index
        %get3A_1950 = tpu.vector_load %arg13[%get3A_1948, %get3A_1949] {strides = array<i32>} : memref<160x64xf32, #tpu.memory_space<vmem>>, vector<1x16xf32>,
        %get3A_1951 = vector.shape_cast %get3A_1950 : vector<1x16xf32> to vector<16xf32>
        %add3A_1952 = arith.addf %add3A_1924, %get3A_1951 : vector<16xf32>
        %add3A_1953 = arith.constant 8 : i32
        %add3A_1954 = arith.addi %add3A_1953, %scan3A_1402 : i32
        %mul3A_1955 = arith.constant 26 : i32
        %mul3A_1956 = arith.muli %add3A_1954, %mul3A_1955 : i32
        %add3A_1957 = arith.addi %mul3A_1379, %mul3A_1956 : i32
        %add3A_1958 = arith.addi %add3A_1957, %select_n3A_1361 : i32
        %swap3A_1959 = arith.index_cast %add3A_1958 : i32 to index
        %swap3A_1960 = arith.constant 0 : index
        %swap3A_1961 = tpu.vector_load %arg14[%swap3A_1959, %swap3A_1960] {strides = array<i32>} : memref<832x64xf32, #tpu.memory_space<vmem>>, vector<1x16xf32>,
        %swap3A_1962 = vector.shape_cast %swap3A_1961 : vector<1x16xf32> to vector<16xf32>
        %swap3A_1963 = vector.shape_cast %add3A_1931 : vector<16xf32> to vector<1x16xf32>
        tpu.vector_store %arg14[%swap3A_1959, %swap3A_1960], %swap3A_1963 {strides = array<i32>} : memref<832x64xf32, #tpu.memory_space<vmem>>, vector<1x16xf32>,
        %swap3A_1964 = arith.index_cast %add3A_1958 : i32 to index
        %swap3A_1965 = arith.constant 16 : index
        %swap3A_1966 = tpu.vector_load %arg14[%swap3A_1964, %swap3A_1965] {strides = array<i32>} : memref<832x64xf32, #tpu.memory_space<vmem>>, vector<1x16xf32>,
        %swap3A_1967 = vector.shape_cast %swap3A_1966 : vector<1x16xf32> to vector<16xf32>
        %swap3A_1968 = vector.shape_cast %add3A_1938 : vector<16xf32> to vector<1x16xf32>
        tpu.vector_store %arg14[%swap3A_1964, %swap3A_1965], %swap3A_1968 {strides = array<i32>} : memref<832x64xf32, #tpu.memory_space<vmem>>, vector<1x16xf32>,
        %swap3A_1969 = arith.index_cast %add3A_1958 : i32 to index
        %swap3A_1970 = arith.constant 32 : index
        %swap3A_1971 = tpu.vector_load %arg14[%swap3A_1969, %swap3A_1970] {strides = array<i32>} : memref<832x64xf32, #tpu.memory_space<vmem>>, vector<1x16xf32>,
        %swap3A_1972 = vector.shape_cast %swap3A_1971 : vector<1x16xf32> to vector<16xf32>
        %swap3A_1973 = vector.shape_cast %add3A_1945 : vector<16xf32> to vector<1x16xf32>
        tpu.vector_store %arg14[%swap3A_1969, %swap3A_1970], %swap3A_1973 {strides = array<i32>} : memref<832x64xf32, #tpu.memory_space<vmem>>, vector<1x16xf32>,
        %swap3A_1974 = arith.index_cast %add3A_1958 : i32 to index
        %swap3A_1975 = arith.constant 48 : index
        %swap3A_1976 = tpu.vector_load %arg14[%swap3A_1974, %swap3A_1975] {strides = array<i32>} : memref<832x64xf32, #tpu.memory_space<vmem>>, vector<1x16xf32>,
        %swap3A_1977 = vector.shape_cast %swap3A_1976 : vector<1x16xf32> to vector<16xf32>
        %swap3A_1978 = vector.shape_cast %add3A_1952 : vector<16xf32> to vector<1x16xf32>
        tpu.vector_store %arg14[%swap3A_1974, %swap3A_1975], %swap3A_1978 {strides = array<i32>} : memref<832x64xf32, #tpu.memory_space<vmem>>, vector<1x16xf32>,
      }
      %scan3A_1385 = arith.constant 8 : i32
      %eq3A_1386 = arith.constant 51 : i32
      %eq3A_1387 = arith.cmpi eq, %sub3A_1185, %eq3A_1386 : i32
      %eq3A_1388 = arith.constant 0 : i32
      %eq3A_1389 = arith.cmpi eq, %select_n3A_1201, %eq3A_1388 : i32
      %and3A_1390 = arith.andi %eq3A_1387, %eq3A_1389 : i1
      %convert_element_type3A_1391 = arith.extui %and3A_1390 : i1 to i32
      %cond3A_1392 = arith.constant 0 : i32
      %cond3A_1393 = arith.cmpi ne, %convert_element_type3A_1391, %cond3A_1392 : i32
      scf.if %cond3A_1393 {
        %mul3A_1402 = arith.constant 128 : i32
        %mul3A_1403 = arith.muli %add3A, %mul3A_1402 : i32
        %mul3A_1404 = arith.constant 16 : i32
        %mul3A_1405 = arith.muli %select_n3A_1182, %mul3A_1404 : i32
        %add3A_1406 = arith.addi %mul3A_1403, %mul3A_1405 : i32
        %mul3A_1407 = arith.constant 26 : i32
        %mul3A_1408 = arith.muli %add3A_1406, %mul3A_1407 : i32
        %dma_start3A_1409 = arith.constant 0 : i32
        %dma_start3A_1410 = arith.constant 0 : i32
        %dma_start3A_1411 = tpu.memref_slice %arg14[%dma_start3A_1409, %dma_start3A_1410] : memref<832x64xf32, #tpu.memory_space<vmem>> -> memref<416x64xf32, #tpu.memory_space<vmem>>
        %dma_start3A_1412 = arith.constant 0 : i32
        %dma_start3A_1413 = tpu.memref_slice %arg4[%mul3A_1408, %dma_start3A_1412] : memref<106496x64xf32, #tpu.memory_space<hbm>> -> memref<416x64xf32, #tpu.memory_space<hbm>>
        %dma_start3A_1414 = arith.constant 0 : i32
        %dma_start3A_1415 = tpu.memref_slice %arg4[%mul3A_1408, %dma_start3A_1414] : memref<106496x64xf32, #tpu.memory_space<hbm>> -> memref<416x64xf32, #tpu.memory_space<hbm>>
        %dma_start3A_1416 = arith.constant 0 : i32
        %dma_start3A_1417 = arith.constant 0 : i32
        %dma_start3A_1418 = tpu.memref_slice %arg14[%dma_start3A_1416, %dma_start3A_1417] : memref<832x64xf32, #tpu.memory_space<vmem>> -> memref<416x64xf32, #tpu.memory_space<vmem>>
        tpu.enqueue_dma source(%dma_start3A_1418 : memref<416x64xf32, #tpu.memory_space<vmem>>) target(%dma_start3A_1415 : memref<416x64xf32, #tpu.memory_space<hbm>>) target_semaphore(%arg20 : memref<!tpu.dma_semaphore, #tpu.memory_space<semaphore_mem>>)
      } else {
      }
      %eq3A_1394 = arith.constant 51 : i32
      %eq3A_1395 = arith.cmpi eq, %sub3A_1185, %eq3A_1394 : i32
      %eq3A_1396 = arith.constant 1 : i32
      %eq3A_1397 = arith.cmpi eq, %select_n3A_1201, %eq3A_1396 : i32
      %and3A_1398 = arith.andi %eq3A_1395, %eq3A_1397 : i1
      %convert_element_type3A_1399 = arith.extui %and3A_1398 : i1 to i32
      %cond3A_1400 = arith.constant 0 : i32
      %cond3A_1401 = arith.cmpi ne, %convert_element_type3A_1399, %cond3A_1400 : i32
      scf.if %cond3A_1401 {
        %mul3A_1402 = arith.constant 128 : i32
        %mul3A_1403 = arith.muli %add3A, %mul3A_1402 : i32
        %mul3A_1404 = arith.constant 16 : i32
        %mul3A_1405 = arith.muli %select_n3A_1182, %mul3A_1404 : i32
        %add3A_1406 = arith.addi %mul3A_1403, %mul3A_1405 : i32
        %mul3A_1407 = arith.constant 26 : i32
        %mul3A_1408 = arith.muli %add3A_1406, %mul3A_1407 : i32
        %dma_start3A_1409 = arith.constant 416 : i32
        %dma_start3A_1410 = arith.constant 0 : i32
        %dma_start3A_1411 = tpu.memref_slice %arg14[%dma_start3A_1409, %dma_start3A_1410] : memref<832x64xf32, #tpu.memory_space<vmem>> -> memref<416x64xf32, #tpu.memory_space<vmem>>
        %dma_start3A_1412 = arith.constant 0 : i32
        %dma_start3A_1413 = tpu.memref_slice %arg4[%mul3A_1408, %dma_start3A_1412] : memref<106496x64xf32, #tpu.memory_space<hbm>> -> memref<416x64xf32, #tpu.memory_space<hbm>>
        %dma_start3A_1414 = arith.constant 0 : i32
        %dma_start3A_1415 = tpu.memref_slice %arg4[%mul3A_1408, %dma_start3A_1414] : memref<106496x64xf32, #tpu.memory_space<hbm>> -> memref<416x64xf32, #tpu.memory_space<hbm>>
        %dma_start3A_1416 = arith.constant 416 : i32
        %dma_start3A_1417 = arith.constant 0 : i32
        %dma_start3A_1418 = tpu.memref_slice %arg14[%dma_start3A_1416, %dma_start3A_1417] : memref<832x64xf32, #tpu.memory_space<vmem>> -> memref<416x64xf32, #tpu.memory_space<vmem>>
        tpu.enqueue_dma source(%dma_start3A_1418 : memref<416x64xf32, #tpu.memory_space<vmem>>) target(%dma_start3A_1415 : memref<416x64xf32, #tpu.memory_space<hbm>>) target_semaphore(%arg21 : memref<!tpu.dma_semaphore, #tpu.memory_space<semaphore_mem>>)
      } else {
      }
    }
    %scan3A_397 = arith.constant 104 : i32
    %dma_wait3A_398 = arith.constant 0 : i32
    %dma_wait3A_399 = arith.constant 0 : i32
    %dma_wait3A_400 = tpu.memref_slice %arg14[%dma_wait3A_398, %dma_wait3A_399] : memref<832x64xf32, #tpu.memory_space<vmem>> -> memref<416x64xf32, #tpu.memory_space<vmem>>
    %dma_wait3A_401 = arith.constant 0 : i32
    %dma_wait3A_402 = arith.constant 0 : i32
    %dma_wait3A_403 = tpu.memref_slice %arg4[%dma_wait3A_401, %dma_wait3A_402] : memref<106496x64xf32, #tpu.memory_space<hbm>> -> memref<416x64xf32, #tpu.memory_space<hbm>>
    %dma_wait3A_404 = arith.constant 0 : i32
    %dma_wait3A_405 = arith.constant 0 : i32
    %dma_wait3A_406 = tpu.memref_slice %arg4[%dma_wait3A_404, %dma_wait3A_405] : memref<106496x64xf32, #tpu.memory_space<hbm>> -> memref<416x64xf32, #tpu.memory_space<hbm>>
    %dma_wait3A_407 = arith.constant 0 : i32
    %dma_wait3A_408 = arith.constant 0 : i32
    %dma_wait3A_409 = tpu.memref_slice %arg14[%dma_wait3A_407, %dma_wait3A_408] : memref<832x64xf32, #tpu.memory_space<vmem>> -> memref<416x64xf32, #tpu.memory_space<vmem>>
    tpu.wait_dma2 semaphore(%arg20 : memref<!tpu.dma_semaphore, #tpu.memory_space<semaphore_mem>>) src(%dma_wait3A_409 : memref<416x64xf32, #tpu.memory_space<vmem>>) dst(%dma_wait3A_406 : memref<416x64xf32, #tpu.memory_space<hbm>>)
    %dma_wait3A_410 = arith.constant 0 : i32
    %dma_wait3A_411 = arith.constant 0 : i32
    %dma_wait3A_412 = tpu.memref_slice %arg14[%dma_wait3A_410, %dma_wait3A_411] : memref<832x64xf32, #tpu.memory_space<vmem>> -> memref<416x64xf32, #tpu.memory_space<vmem>>
    %dma_wait3A_413 = arith.constant 0 : i32
    %dma_wait3A_414 = arith.constant 0 : i32
    %dma_wait3A_415 = tpu.memref_slice %arg4[%dma_wait3A_413, %dma_wait3A_414] : memref<106496x64xf32, #tpu.memory_space<hbm>> -> memref<416x64xf32, #tpu.memory_space<hbm>>
    %dma_wait3A_416 = arith.constant 0 : i32
    %dma_wait3A_417 = arith.constant 0 : i32
    %dma_wait3A_418 = tpu.memref_slice %arg4[%dma_wait3A_416, %dma_wait3A_417] : memref<106496x64xf32, #tpu.memory_space<hbm>> -> memref<416x64xf32, #tpu.memory_space<hbm>>
    %dma_wait3A_419 = arith.constant 0 : i32
    %dma_wait3A_420 = arith.constant 0 : i32
    %dma_wait3A_421 = tpu.memref_slice %arg14[%dma_wait3A_419, %dma_wait3A_420] : memref<832x64xf32, #tpu.memory_space<vmem>> -> memref<416x64xf32, #tpu.memory_space<vmem>>
    tpu.wait_dma2 semaphore(%arg21 : memref<!tpu.dma_semaphore, #tpu.memory_space<semaphore_mem>>) src(%dma_wait3A_421 : memref<416x64xf32, #tpu.memory_space<vmem>>) dst(%dma_wait3A_418 : memref<416x64xf32, #tpu.memory_space<hbm>>)
    return
  }
}

</mosaic_0001>

<sc_bundles>
// kernel: kernel.3.cloned.1.call-start
scs
__scs_entry_jumppad:
0x0: {  	(pc) =	sbr.rel $0x88, $3  }
0x1: {  	(tag) =	ssettag $0x0;
	lr =	simm.s32 $0x1  }
0x2: {  	[smem:$0x3F9F] =	sst lr;
	_ =	strace $0xD0000000  }
0x3: {  	_ = 	snop  }
0x4: {  	_ = 	snop  }
0x5: {  	_ = 	snop  }
0x6: {  	_ = 	snop  }
0x7: {  	_ = 	snop  }
__scs_overlays_trampoline_lowered:
0x8: {  	[smem:$0x3FAE] =	sst s0  }
0x9: {  	[smem:$0x3FAF] =	sst s1  }
0xa: {  	[smem:$0x3FB0] =	sst s2  }
0xb: {  	[smem:$0x3FB1] =	sst s3  }
0xc: {  	[smem:$0x3FB2] =	sst s4  }
0xd: {  	[smem:$0x3FB3] =	sst s5  }
0xe: {  	[smem:$0x3FB4] =	sst s6  }
0xf: {  	[smem:$0x3FB5] =	sst s7  }
0x10: {  	[smem:$0x3FB6] =	sst s8  }
0x11: {  	[smem:$0x3FB7] =	sst s9;
	s0 =	simm.s32 @!p0 $0x0  }
0x12: {  	s1 =	sld [smem:$0x3F9D];
	s0 =	simm.s32 @p0 $0x1  }
0x13: {  	[smem:$0x3FB8] =	sst s0;
	s0 =	simm.s32 @!p1 $0x0  }
0x14: {  	s2 =	sld [smem:$0x3F9C];
	s0 =	simm.s32 @p1 $0x1  }
0x15: {  	[smem:$0x3FB9] =	sst s0;
	s0 =	simm.s32 @!p2 $0x0  }
0x16: {  	s3 =	sld [smem:$0x3FDB];
	s0 =	simm.s32 @p2 $0x1  }
0x17: {  	s4 =	simm.s32 $0x1BF5;
	[smem:$0x3FBB] =	sst s0  }
0x18: {  	s0 =	sld [smem:$0x3F9E];
	_ =	swait.ge [sflag:s4], $0x0  }
0x19: {  	s7 =	sld [smem:$0x3F9F]  }
0x1a: {  	s8 =	sadd.s32 $0xFFFFE003, lr  }
0x1b: {  	s9 =	sadd.s32 $0xFFFFFEF7, lr;
	s5 =	simm.s32 $0xFFFFFFFF;
	p2 =	slt.u32 s8, $0xFFFFF086  }
0x1c: {  	p1 =	slt.u32 s9, $0xF7A;
	s5 =	simm.s32 @!p2 $0x0  }
0x1d: {  	s5 =	simm.s32 @p1 $0x1;
	p0 =	seq.s32 s7, s2  }
0x1e: {  	s7 =	smul.u32 @!p0 $0xF7A, s2;
	p2 =	seq.s32 @!p0 s5, $0x0  }
0x1f: {  	s9 =	smul.u32 $0xF7A, s1;
	s8 =	simm.s32 @!p0 $0x1BF5;
	p2 =	por !p2, p0  }
0x20: {  	[sflag:s8] =	ssyncset.s32 @!p0 $0xFFFFF086;
	s6 =	sadd.s32 @!p0 s3, s7;
	s7 =	simm.s32 @!p0 $0x108  }
0x21: {  	s3 =	sadd.s32 s3, s9;
	s6 =	sadd.s32 @!p0 $0x88, s6;
	s7 =	simm.s32 @p2 $0x1082  }
0x22: {  	[simem:s7], [sflag:s8] =	dma.local @!p0 [hbm:s6], $0xF7A  }
0x23: {  	s9 =	sor.u32 $0xD0000000, s2;
	s6 =	simm.s32 $0x108;
	_ =	swait.ge @!p0 [sflag:s8], $0x0  }
0x24: {  	s3 =	sadd.s32 $0x88, s3;
	s6 =	simm.s32 @!p1 $0x1082;
	[sflag:s4] =	ssyncset.s32 $0xFFFFF086  }
0x25: {  	[simem:s6], [sflag:s4] =	dma.local [hbm:s3], $0xF7A  }
0x26: {  	[smem:$0x3F9F] =	sst s1;
	(tag) =	ssettag s2;
	_ =	strace s9  }
0x27: {  	s1 =	sld [smem:$0x3FAF]  }
0x28: {  	s2 =	sld [smem:$0x3FB0]  }
0x29: {  	s4 =	sld [smem:$0x3FB2]  }
0x2a: {  	p0 =	seq.s32 s5, $0x0;
	s5 =	sld [smem:$0x3FB3]  }
0x2b: {  	s6 =	sld [smem:$0x3FB4]  }
0x2c: {  	s7 =	sld [smem:$0x3FB5]  }
0x2d: {  	s3 =	simm.s32 $0x108;
	s8 =	sld [smem:$0x3FB6]  }
0x2e: {  	s3 =	simm.s32 @!p0 $0x1082;
	s9 =	sld [smem:$0x3FB7]  }
0x2f: {  	lr =	sadd.s32 s0, s3;
	s0 =	sld [smem:$0x3FAE]  }
0x30: {  	s3 =	sld [smem:$0x3FB1]  }
0x31: {  	[smem:$0x3FBA] =	sst s10  }
0x32: {  	s10 =	sld [smem:$0x3FB8];
	_ =	sdelay $0x3  }
0x33: {  	p0 =	seq.s32 s10, $0x1;
	s10 =	sld [smem:$0x3FBA];
	_ =	sdelay $0x3  }
0x34: {  	[smem:$0x3FBA] =	sst s10  }
0x35: {  	s10 =	sld [smem:$0x3FB9];
	_ =	sdelay $0x3  }
0x36: {  	p1 =	seq.s32 s10, $0x1;
	s10 =	sld [smem:$0x3FBA];
	_ =	sdelay $0x3  }
0x37: {  	[smem:$0x3FBA] =	sst s10  }
0x38: {  	s10 =	sld [smem:$0x3FBB]  }
0x39: {  	_ = 	snop;
	(pc) =	sbr.ind lr, $3  }
0x3a: {  	_ = 	snop  }
0x3b: {  	_ = 	snop  }
0x3c: {  	p2 =	seq.s32 s10, $0x1;
	s10 =	sld [smem:$0x3FBA]  }
0x3d: {  	_ =	shalt  }
0x3e: {  	_ =	shalt  }
0x3f: {  	_ =	shalt  }
0x40: {  	_ =	shalt  }
0x41: {  	_ =	shalt  }
0x42: {  	_ =	shalt  }
0x43: {  	_ =	shalt  }
0x44: {  	_ =	shalt  }
0x45: {  	_ =	shalt  }
0x46: {  	_ =	shalt  }
0x47: {  	_ =	shalt  }
0x48: {  	_ =	shalt  }
0x49: {  	_ =	shalt  }
0x4a: {  	_ =	shalt  }
0x4b: {  	_ =	shalt  }
0x4c: {  	_ =	shalt  }
0x4d: {  	_ =	shalt  }
0x4e: {  	_ =	shalt  }
0x4f: {  	_ =	shalt  }
0x50: {  	_ =	shalt  }
0x51: {  	_ =	shalt  }
0x52: {  	_ =	shalt  }
0x53: {  	_ =	shalt  }
0x54: {  	_ =	shalt  }
0x55: {  	_ =	shalt  }
0x56: {  	_ =	shalt  }
0x57: {  	_ =	shalt  }
0x58: {  	_ =	shalt  }
0x59: {  	_ =	shalt  }
0x5a: {  	_ =	shalt  }
0x5b: {  	_ =	shalt  }
0x5c: {  	_ =	shalt  }
0x5d: {  	_ =	shalt  }
0x5e: {  	_ =	shalt  }
0x5f: {  	_ =	shalt  }
0x60: {  	_ =	shalt  }
0x61: {  	_ =	shalt  }
0x62: {  	_ =	shalt  }
0x63: {  	_ =	shalt  }
0x64: {  	_ =	shalt  }
0x65: {  	_ =	shalt  }
0x66: {  	_ =	shalt  }
0x67: {  	_ =	shalt  }
0x68: {  	_ =	shalt  }
0x69: {  	_ =	shalt  }
0x6a: {  	_ =	shalt  }
0x6b: {  	_ =	shalt  }
0x6c: {  	_ =	shalt  }
0x6d: {  	_ =	shalt  }
0x6e: {  	_ =	shalt  }
0x6f: {  	_ =	shalt  }
0x70: {  	_ =	shalt  }
0x71: {  	_ =	shalt  }
0x72: {  	_ =	shalt  }
0x73: {  	_ =	shalt  }
0x74: {  	_ =	shalt  }
0x75: {  	_ =	shalt  }
0x76: {  	_ =	shalt  }
0x77: {  	_ =	shalt  }
0x78: {  	_ =	shalt  }
0x79: {  	_ =	shalt  }
0x7a: {  	_ =	shalt  }
0x7b: {  	_ =	shalt  }
0x7c: {  	_ =	shalt  }
0x7d: {  	_ =	shalt  }
0x7e: {  	_ =	shalt  }
0x7f: {  	_ =	shalt  }
0x80: {  	_ =	shalt  }
0x81: {  	_ =	shalt  }
0x82: {  	_ =	shalt  }
0x83: {  	_ =	shalt  }
0x84: {  	_ =	shalt  }
0x85: {  	_ =	shalt  }
0x86: {  	_ =	shalt  }
0x87: {  	_ =	shalt  }
.Lfunc_end0:
.L_simem_size_0:
called_computation_lowered:
.L_overlay_start_0:
0x88: {  	s2 =	sld [smem:$0x3FD9]  }
0x89: {  	s3 =	sld [smem:$0x3FFE];
	_ =	sdelay $0x1  }
0x8a: {  	s1 =	srdreg.scid  }
0x8b: {  	s0 =	sand.u32 $0x1, s1  }
0x8c: {  	s17 =	sshll.u32 s0, $0xA;
	s2 =	sadd.s32 s3, s2  }
0x8d: {  	s2 =	sadd.s32 s2, s17  }
0x8e: {  	[smem:$0x3FC6] =	sst s2  }
0x8f: {  	_ = 	snop  }
0x90: {  	s2 =	sld [smem:$0x3FC8]  }
0x91: {  	s18 =	sld [smem:$0x3FD0];
	(tm) =	ssettm $0x1  }
0x92: {  	s4 =	sld [smem:$0x3FFB];
	_ =	sdelay $0x3  }
0x93: {  	_ =	strace s4  }
0x94: {  	s4 =	sld [smem:$0x3FFC];
	_ =	sdelay $0x3  }
0x95: {  	_ =	strace s4  }
0x96: {  	s4 =	sld [smem:$0x3FFD];
	_ =	sdelay $0x3  }
0x97: {  	_ =	strace s4  }
0x98: {  	_ =	strace $0x8FFFFFFF  }
0x99: {  	s19 =	sld [smem:$0x3FDB];
	_ =	sdelay $0x1  }
0x9a: {  	s5 =	simm.s32 $_scs_section_size  }
0x9b: {  	s6 =	simm.s32 $_size__tile_overlayer_lowered;
	s7 =	simm.s32 $_tile_overlayer_lowered  }
0x9c: {  	s22 =	simm.s32 $0x1BFF;
	s21 =	sshll.u32 s7, $0x1;
	s4 =	sadd.s32 s5, s19  }
0x9d: {  	s8 =	simm.s32 $0x0;
	s20 =	sshll.u32 s6, $0x1;
	s6 =	sadd.s32 s21, s4  }
0x9e: {  	[timem:s8], [sflag:s22] =	dma.local [hbm:s6], s20  }
0x9f: {  	_ =	swait.ge [sflag:s22], s20  }
0xa0: {  	s5 =	ssub.s32 $0x0, s20;
	[sflag:s22] =	ssyncset.done $0x0  }
0xa1: {  	[sflag:s22] =	ssyncadd.s32 s5;
	_ =	sdelay $0x1  }
0xa2: {  	s23 =	simm.s32 $0x1B8B  }
0xa3: {  	_ =	swait.ge [sflag:s23], $0x1  }
0xa4: {  	[sflag:s23] =	ssyncset.done $0x0  }
0xa5: {  	s25 =	simm.s32 $0x1B8E;
	s24 =	sld [smem:$0x3FFE];
	[sflag:s23] =	ssyncadd.s32 $0xFFFFFFFF  }
0xa6: {  	s26 =	simm.s32 $execute0_lowered;
	[smem:$0x3FD2] =	sst s25  }
0xa7: {  	s6 =	sshll.u32 s26, $0x1;
	_ =	strace $0x80000046;
	[dreg:$0x1] =	wrdreg $0xFFFFFFFF  }
0xa8: {  	s28 =	simm.s32 $_size_execute0_lowered;
	s4 =	sadd.s32 s4, s6;
	[dreg:$0x0] =	wrdreg $0x0  }
0xa9: {  	s6 =	sshll.u32 s28, $0x1;
	[dreg:$0x2] =	wrdreg s4  }
0xaa: {  	[dreg:$0x3] =	wrdreg s6  }
0xab: {  	[dreg:$0x4] =	wrdreg $0xC0  }
0xac: {  	_ =	task [dreg:s8], $0x5FFFF  }
0xad: {  	[dreg:$0x1] =	wrdreg $0xFFFFFFFF  }
0xae: {  	[dreg:$0x0] =	wrdreg $0x60  }
0xaf: {  	[dreg:$0x2] =	wrdreg s2  }
0xb0: {  	[dreg:$0x3] =	wrdreg s24  }
0xb1: {  	[dreg:$0x4] =	wrdreg s18  }
0xb2: {  	[dreg:$0x5] =	wrdreg $0x9  }
0xb3: {  	_ =	task.clear_ibuf [dreg:s8], $0x6FFFF;
	_ =	strace $0x90000046  }
0xb4: {  	s29 =	simm.s32 $0x9;
	_ =	strace $0x80000048  }
0xb5: {  	_ =	swait.ge [sflag:s29], $0x1  }
0xb6: {  	[sflag:s29] =	ssyncadd.s32 $0xFFFFFFFF  }
0xb7: {  	_ =	strace $0x90000048  }
0xb8: {  	_ =	sfence  }
0xb9: {  	s30 =	sld [smem:$0x0];
	_ =	sdelay $0x2  }
0xba: {  	s31 =	sshll.u32 s1, $0xD;
	s1 =	sshrl.u32 s1, $0x2  }
0xbb: {  	s3 =	sand.u32 $0x4000, s31;
	s1 =	sadd.s32 s1, s30  }
0xbc: {  	s0 =	sor.u32 s3, s0;
	s1 =	sshll.u32 s1, $0x11  }
0xbd: {  	s0 =	sor.u32 s1, s0  }
0xbe: {  	s0 =	sadd.s32 $0x8F2B, s0  }
0xbf: {  	[sflag:s0] =	ssyncadd.remote.s32 $0x1  }
0xc0: {  	_ =	sfence.sel $0xFFFF  }
0xc1: {  	[dreg:$0x0] =	wrdreg $0xFFFFFFFF;
	(pc) =	sbr.abs _section_cstart, $3  }
0xc2: {  	[dreg:$0x1] =	wrdreg $0xFFFFFFFF  }
0xc3: {  	_ =	task.clear_ibuf [dreg:s8], $0x2FFFF;
	_ =	strace $0x9FFFFFFF  }
0xc4: {  	(tm) =	ssettm $0x7FFFFFFF  }
0xc5: {  	_ =	shalt  }
tec
execute0_lowered:
.L_overlay_start_1:
0x0: {  	(tag) =	ssettag $0x1  }
0x1: {  	s1 =	rddreg [dreg:$0x0]  }
0x2: {  	s0 =	rddreg [dreg:$0x1]  }
0x3: {  	s2 =	rddreg [dreg:$0x2];
	s3 =	srdreg.scid  }
0x4: {  	s4 =	stileid.u32;
	s5 =	simm.s32 $0x0;
	s11 =	simm.s32 $0x1  }
0x5: {  	s12 =	simm.s32 $0xA0;
	s13 =	simm.s32 $0x4100;
	s14 =	simm.s32 $0x4380  }
0x6: {  	s19 =	simm.s32 $0x42E0;
	s20 =	simm.s32 $0xBB80;
	s21 =	simm.s32 $0x2  }
0x7: {  	s22 =	simm.s32 $0x3;
	s3 =	sand.u32 $0x1, s3;
	s4 =	sshll.u32 s4, $0x1  }
0x8: {  	s23 =	simm.s32 $0x4;
	s24 =	simm.s32 $0x5;
	s29 =	sor.u32 s3, s4  }
0x9: {  	s25 =	simm.s32 $0x6;
	s26 =	simm.s32 $0x7;
	s6 =	smul.u32 $0x140, s29  }
.Ltmp0:
0xa: {  	s28 =	simm.s32 $0x0;
	s3 =	ssub.s32 $0x2, s3;
	(pc) =	sbr.rel .LBB2_1-.Ltmp0, $4  }
0xb: {  	[smem:$0x7FF] =	sst s5;
	s4 =	sadd.s32 $0x27AC800, s0;
	s30 =	sshrl.u32 s3, $0x1  }
0xc: {  	s7 =	smul.u32 $0x6800, s29;
	s0 =	ssub.s32 s3, s30;
	s31 =	sadd.s32 s1, s6  }
0xd: {  	_ =	strace $0x80000047;
	s0 =	smax.u32 s0, $0x1;
	[dreg:$0x4] =	wrdreg s31  }
0xe: {  	s6 =	smul.u32 $0xA00, s29;
	s7 =	sadd.s32 s2, s7;
	[dreg:$0x5] =	wrdreg s0  }
.LBB2_15:
0xf: {  	_ =	swait.ge [sflag:s25], $0x6800  }
0x10: {  	[sflag:s25] =	ssyncset.done $0x0  }
0x11: {  	[sflag:s25] =	ssyncadd.s32 $0xFFFF9800  }
0x12: {  	_ =	swait.ge [sflag:s26], $0x6800  }
0x13: {  	s28 =	sadd.s32 $0x1, s28;
	s0 =	rddreg [dreg:$0x5]  }
0x14: {  	p0 =	sne.s32 s28, s0  }
.Ltmp1:
0x15: {  	_ = 	snop;
	(pc) =	sbr.rel @!p0 .LBB2_16-.Ltmp1, $3  }
0x16: {  	_ =	sdelay $0x1  }
0x17: {  	[sflag:s26] =	ssyncset.done $0x0  }
0x18: {  	[sflag:s26] =	ssyncadd.s32 $0xFFFF9800  }
.LBB2_1:
0x19: {  	s0 =	simm.s32 $0x0  }
0x1a: {  	s2 =	rddreg [dreg:$0x4];
	s3 =	simm.s32 $0x140;
	s5 =	simm.s32 $0x14000  }
0x1b: {  	[tilespmem:s0], [sflag:$0x1] =	stream.strided.gather [hbm4b:s2+s3], $0x2080, s5, s3, $0x38;
	[tilespmem:$0x1B380] =	vst v63  }
0x1c: {  	_ =	swait.ge [sflag:s11], $0x2080  }
0x1d: {  	[sflag:s11] =	ssyncset.done $0x0  }
0x1e: {  	[sflag:s11] =	ssyncadd.s32 $0xFFFFDF80  }
0x1f: {  	v0 =	vld [tilespmem:$0x0]  }
0x20: {  	v1 =	vld [tilespmem:$0x10]  }
0x21: {  	v2 =	vld [tilespmem:$0x20]  }
0x22: {  	v3 =	vld [tilespmem:$0x30]  }
0x23: {  	v4 =	vld [tilespmem:$0x40]  }
0x24: {  	v31 =	vld [tilespmem:$0x50];
	[tilespmem:$0x4100] =	vst v0  }
0x25: {  	v32 =	vld [tilespmem:$0x60];
	[tilespmem:$0x4110] =	vst v1  }
0x26: {  	v33 =	vld [tilespmem:$0x70];
	[tilespmem:$0x4120] =	vst v2  }
0x27: {  	v34 =	vld [tilespmem:$0x80];
	[tilespmem:$0x4130] =	vst v3  }
0x28: {  	v35 =	vld [tilespmem:$0x90];
	[tilespmem:$0x4140] =	vst v4  }
0x29: {  	[tilespmem:$0x4150] =	vst v31  }
0x2a: {  	[tilespmem:$0x4160] =	vst v32  }
0x2b: {  	[tilespmem:$0x4170] =	vst v33  }
0x2c: {  	[tilespmem:$0x4180] =	vst v34  }
0x2d: {  	[tilespmem:$0x4190] =	vst v35  }
0x2e: {  	[tilespmem:s14], [sflag:$0x2] =	stream.indirect.gather [hbm4b:s4+s12], $0x40, s13, s12, $0xb8;
	[tilespmem:$0x1B380] =	vst v63  }
0x2f: {  	v36 =	vld [tilespmem:$0xA0]  }
0x30: {  	v37 =	vld [tilespmem:$0xB0]  }
0x31: {  	v38 =	vld [tilespmem:$0xC0]  }
0x32: {  	v39 =	vld [tilespmem:$0xD0]  }
0x33: {  	v40 =	vld [tilespmem:$0xE0]  }
0x34: {  	v41 =	vld [tilespmem:$0xF0];
	[tilespmem:$0x41A0] =	vst v36  }
0x35: {  	v42 =	vld [tilespmem:$0x100];
	[tilespmem:$0x41B0] =	vst v37  }
0x36: {  	v43 =	vld [tilespmem:$0x110];
	[tilespmem:$0x41C0] =	vst v38  }
0x37: {  	v44 =	vld [tilespmem:$0x120];
	[tilespmem:$0x41D0] =	vst v39  }
0x38: {  	v45 =	vld [tilespmem:$0x130];
	[tilespmem:$0x41E0] =	vst v40  }
0x39: {  	[tilespmem:$0x41F0] =	vst v41  }
0x3a: {  	[tilespmem:$0x4200] =	vst v42  }
0x3b: {  	[tilespmem:$0x4210] =	vst v43  }
0x3c: {  	[tilespmem:$0x4220] =	vst v44  }
0x3d: {  	s15 =	simm.s32 $0x41A0;
	s16 =	simm.s32 $0x6B80;
	[tilespmem:$0x4230] =	vst v45  }
0x3e: {  	[tilespmem:s16], [sflag:$0x3] =	stream.indirect.gather [hbm4b:s4+s12], $0x40, s15, s12, $0xb8;
	[tilespmem:$0x1B380] =	vst v63  }
0x3f: {  	v46 =	vld [tilespmem:$0x140]  }
0x40: {  	v47 =	vld [tilespmem:$0x150]  }
0x41: {  	v48 =	vld [tilespmem:$0x160]  }
0x42: {  	v49 =	vld [tilespmem:$0x170]  }
0x43: {  	v50 =	vld [tilespmem:$0x180]  }
0x44: {  	v5 =	vld [tilespmem:$0x190];
	v0 =	vadd.s32 $0x186A0, v46  }
0x45: {  	v52 =	vld [tilespmem:$0x1A0];
	v51 =	vadd.s32 $0x186A0, v47;
	[tilespmem:$0x4240] =	vst v0  }
0x46: {  	v54 =	vld [tilespmem:$0x1B0];
	v53 =	vadd.s32 $0x186A0, v48;
	[tilespmem:$0x4250] =	vst v51  }
0x47: {  	v56 =	vld [tilespmem:$0x1C0];
	v55 =	vadd.s32 $0x186A0, v49;
	[tilespmem:$0x4260] =	vst v53  }
0x48: {  	v58 =	vld [tilespmem:$0x1D0];
	v57 =	vadd.s32 $0x186A0, v50;
	[tilespmem:$0x4270] =	vst v55  }
0x49: {  	v59 =	vadd.s32 $0x186A0, v5;
	[tilespmem:$0x4280] =	vst v57  }
0x4a: {  	v60 =	vadd.s32 $0x186A0, v52;
	[tilespmem:$0x4290] =	vst v59  }
0x4b: {  	v61 =	vadd.s32 $0x186A0, v54;
	[tilespmem:$0x42A0] =	vst v60  }
0x4c: {  	v62 =	vadd.s32 $0x186A0, v56;
	[tilespmem:$0x42B0] =	vst v61  }
0x4d: {  	s17 =	simm.s32 $0x4240;
	s18 =	simm.s32 $0x9380;
	v63 =	vadd.s32 $0x186A0, v58;
	[tilespmem:$0x42C0] =	vst v62  }
0x4e: {  	s29 =	simm.s32 $0x2;
	s30 =	simm.s32 $0x0;
	s31 =	simm.s32 $0x0;
	[tilespmem:$0x42D0] =	vst v63  }
0x4f: {  	[tilespmem:s18], [sflag:$0x4] =	stream.indirect.gather [hbm4b:s4+s12], $0x40, s17, s12, $0xb8;
	[tilespmem:$0x1B380] =	vst v63  }
.LBB2_2:
0x50: {  	s0 =	smul.u32 $0x4F, s31;
	_ =	sdelay $0x1  }
0x51: {  	s2 =	sshrl.u32 s0, $0xA  }
0x52: {  	s0 =	sand.u32 $0x3F, s2  }
0x53: {  	s3 =	smul.u32 $0xFFFFFFCC, s0  }
0x54: {  	s10 =	sshll.u32 s31, $0x2  }
0x55: {  	s17 =	sadd.s32 s10, s3  }
0x56: {  	p0 =	slt.u32 s31, $0x5B;
	s3 =	sadd.s32 $0x1, s0;
	p1 =	seq.s32 s17, $0x0  }
0x57: {  	s2 =	sand.u32 $0x1, s2;
	s9 =	sand.u32 $0x1, s3;
	p0 =	por !p0, !p1  }
0x58: {  	p4 =	seq.s32 s9, $0x1;
	p2 =	por !p0, !p0;
	p0 =	seq.s32 s2, $0x1  }
0x59: {  	p5 =	sgt.u32 s31, $0x19;
	p3 =	por !p0, !p2;
	p2 =	por !p2, !p4  }
0x5a: {  	p1 =	por !p5, !p1;
	s5 =	smul.u32 @!p3 $0x140, s3;
	p2 =	por !p2, !p2  }
0x5b: {  	p6 =	por !p1, !p1;
	p1 =	sne.s32 s2, $0x0;
	s3 =	smul.u32 @p2 $0x140, s3  }
0x5c: {  	s2 =	sadd.s32 $0x3, s17;
	s9 =	simm.s32 @!p3 $0x140;
	s5 =	sadd.s32 @!p3 s6, s5  }
0x5d: {  	s15 =	simm.s32 @!p3 $0x14000;
	s5 =	sshrl.u32 @!p3 s5, $0x3;
	s3 =	sadd.s32 @p2 s6, s3  }
0x5e: {  	s16 =	simm.s32 @!p3 $0x0;
	s5 =	sadd.s32 @!p3 s1, s5;
	s3 =	sshrl.u32 @p2 s3, $0x3  }
0x5f: {  	[tilespmem:s16], [sflag:$0x1] =	stream.strided.gather @!p3 [hbm4b:s5+s9], $0x2080, s15, s9, $0x38;
	[tilespmem:$0x1B380] =	vst v63  }
0x60: {  	s18 =	sand.u32 $0x8000, s2;
	s3 =	sadd.s32 @p2 s1, s3  }
0x61: {  	s5 =	simm.s32 @p2 $0x140;
	s9 =	simm.s32 @p2 $0x14000;
	s15 =	simm.s32 @p2 $0x2080  }
0x62: {  	[tilespmem:s15], [sflag:$0x1] =	stream.strided.gather @p2 [hbm4b:s3+s5], $0x2080, s9, s5, $0x38;
	[tilespmem:$0x1B380] =	vst v63  }
0x63: {  	s8 =	sshra.s32 s2, $0x1F;
	s3 =	sshrl.u32 s18, $0xF  }
0x64: {  	p3 =	por !p6, !p0;
	p2 =	por !p6, p1;
	s3 =	sadd.s32 s3, s2  }
0x65: {  	p3 =	por !p3, !p3;
	s5 =	simm.s32 @!p2 $0x6;
	s3 =	sshll.u32 s3, $0x10  }
0x66: {  	s15 =	simm.s32 $0x1A;
	_ =	swait.ge @!p2 [sflag:s5], $0x6800;
	s3 =	sshra.s32 s3, $0x11  }
0x67: {  	s15 =	simm.s32 @!p0 $0x0;
	[sflag:s5] =	ssyncset.done @!p2 $0x0;
	s9 =	sadd.s32 s3, s8  }
0x68: {  	[sflag:s5] =	ssyncadd.s32 @!p2 $0xFFFF9800;
	s3 =	simm.s32 @p3 $0x7;
	s15 =	sadd.s32 s15, s9  }
0x69: {  	_ =	swait.ge @p3 [sflag:s3], $0x6800;
	s5 =	smul.u32 $0x500, s15  }
0x6a: {  	[sflag:s3] =	ssyncset.done @p3 $0x0  }
0x6b: {  	[sflag:s3] =	ssyncadd.s32 @p3 $0xFFFF9800;
	s16 =	sshra.s32 s5, $0x2  }
0x6c: {  	v0 =	vld [tilespmem:s16+$0xA0];
	_ =	sdelay $0x2  }
0x6d: {  	s18 =	smul.u32 $0x186A0, s9;
	_ =	sdelay $0x1  }
0x6e: {  	v0 =	vadd.s32 s18, v0  }
0x6f: {  	[tilespmem:$0x42E0] =	vst v0  }
0x70: {  	v0 =	vld [tilespmem:s16+$0xB0];
	_ =	sdelay $0x4  }
0x71: {  	v0 =	vadd.s32 s18, v0  }
0x72: {  	[tilespmem:$0x42F0] =	vst v0  }
0x73: {  	v0 =	vld [tilespmem:s16+$0xC0];
	_ =	sdelay $0x4  }
0x74: {  	v0 =	vadd.s32 s18, v0  }
0x75: {  	[tilespmem:$0x4300] =	vst v0  }
0x76: {  	v0 =	vld [tilespmem:s16+$0xD0];
	_ =	sdelay $0x4  }
0x77: {  	v0 =	vadd.s32 s18, v0  }
0x78: {  	[tilespmem:$0x4310] =	vst v0  }
0x79: {  	v0 =	vld [tilespmem:s16+$0xE0];
	_ =	sdelay $0x4  }
0x7a: {  	v0 =	vadd.s32 s18, v0  }
0x7b: {  	[tilespmem:$0x4320] =	vst v0  }
0x7c: {  	v0 =	vld [tilespmem:s16+$0xF0];
	_ =	sdelay $0x4  }
0x7d: {  	v0 =	vadd.s32 s18, v0  }
0x7e: {  	[tilespmem:$0x4330] =	vst v0  }
0x7f: {  	v0 =	vld [tilespmem:s16+$0x100];
	_ =	sdelay $0x4  }
0x80: {  	v0 =	vadd.s32 s18, v0  }
0x81: {  	[tilespmem:$0x4340] =	vst v0  }
0x82: {  	v0 =	vld [tilespmem:s16+$0x110];
	_ =	sdelay $0x4  }
0x83: {  	v0 =	vadd.s32 s18, v0  }
0x84: {  	[tilespmem:$0x4350] =	vst v0  }
0x85: {  	v0 =	vld [tilespmem:s16+$0x120];
	_ =	sdelay $0x4  }
0x86: {  	v0 =	vadd.s32 s18, v0  }
0x87: {  	[tilespmem:$0x4360] =	vst v0  }
0x88: {  	v0 =	vld [tilespmem:s16+$0x130];
	_ =	sdelay $0x4  }
0x89: {  	v0 =	vadd.s32 s18, v0  }
0x8a: {  	[tilespmem:$0x4370] =	vst v0  }
0x8b: {  	[tilespmem:s20], [sflag:$0x5] =	stream.indirect.gather [hbm4b:s4+s12], $0x40, s19, s12, $0xb8;
	[tilespmem:$0x1B380] =	vst v63  }
0x8c: {  	_ =	swait.ge [sflag:s21], $0x2800  }
0x8d: {  	[sflag:s21] =	ssyncset.done $0x0  }
0x8e: {  	s18 =	simm.s32 $0x4600;
	[sflag:s21] =	ssyncadd.s32 $0xFFFFD800  }
0x8f: {  	v8 =	vld [tilespmem:s18+$0xFFFFFD80]  }
0x90: {  	v9 =	vld [tilespmem:s18+$0xFFFFFD90]  }
0x91: {  	v10 =	vld [tilespmem:s18+$0xFFFFFDD0]  }
0x92: {  	v1 =	vld [tilespmem:s18+$0x250]  }
0x93: {  	v2 =	vld [tilespmem:s18+$0x240]  }
0x94: {  	v3 =	vld [tilespmem:s18+$0x200]  }
0x95: {  	v0 =	vld [tilespmem:s18+$0x1C0]  }
0x96: {  	v6 =	vld [tilespmem:s18+$0x180]  }
0x97: {  	v4 =	vld [tilespmem:s18+$0x210]  }
0x98: {  	v11 =	vld [tilespmem:s18+$0x140]  }
0x99: {  	v5 =	vld [tilespmem:s18+$0x1D0]  }
0x9a: {  	v12 =	vld [tilespmem:s18+$0x100]  }
0x9b: {  	v7 =	vld [tilespmem:s18+$0x190]  }
0x9c: {  	v13 =	vld [tilespmem:s18+$0xC0]  }
0x9d: {  	v14 =	vld [tilespmem:s18+$0x150]  }
0x9e: {  	v15 =	vld [tilespmem:s18+$0x80]  }
0x9f: {  	v16 =	vld [tilespmem:s18+$0x110]  }
0xa0: {  	v17 =	vld [tilespmem:s18+$0xD0]  }
0xa1: {  	v18 =	vld [tilespmem:s18+$0x50]  }
0xa2: {  	v19 =	vld [tilespmem:s18+$0x40]  }
0xa3: {  	v20 =	vld [tilespmem:s18+$0x10]  }
0xa4: {  	v21 =	vld [tilespmem:s18+$0x0]  }
0xa5: {  	v22 =	vld [tilespmem:s18+$0x90]  }
0xa6: {  	v23 =	vld [tilespmem:s18+$0xFFFFFFD0]  }
0xa7: {  	v24 =	vld [tilespmem:s18+$0xFFFFFFC0]  }
0xa8: {  	v25 =	vld [tilespmem:s18+$0xFFFFFF90]  }
0xa9: {  	v26 =	vld [tilespmem:s18+$0xFFFFFF80]  }
0xaa: {  	v27 =	vld [tilespmem:s18+$0xFFFFFF50]  }
0xab: {  	v28 =	vld [tilespmem:s18+$0xFFFFFF40]  }
0xac: {  	v29 =	vld [tilespmem:s18+$0xFFFFFF10]  }
0xad: {  	v30 =	vld [tilespmem:s18+$0xFFFFFF00]  }
0xae: {  	v31 =	vld [tilespmem:s18+$0xFFFFFED0]  }
0xaf: {  	v32 =	vld [tilespmem:s18+$0xFFFFFEC0]  }
0xb0: {  	v33 =	vld [tilespmem:s18+$0xFFFFFE90]  }
0xb1: {  	v34 =	vld [tilespmem:s18+$0xFFFFFE80]  }
0xb2: {  	v35 =	vld [tilespmem:s18+$0xFFFFFE50]  }
0xb3: {  	v36 =	vld [tilespmem:s18+$0xFFFFFE40]  }
0xb4: {  	v37 =	vld [tilespmem:s18+$0xFFFFFE10]  }
0xb5: {  	v38 =	vld [tilespmem:s18+$0xFFFFFDF0]  }
0xb6: {  	v39 =	vld [tilespmem:s18+$0xFFFFFE00]  }
0xb7: {  	v40 =	vld [tilespmem:s18+$0xFFFFFDC0]  }
0xb8: {  	v41 =	vld [tilespmem:s18+$0xFFFFFDE0]  }
0xb9: {  	v42 =	vld [tilespmem:s18+$0xFFFFFDA0]  }
0xba: {  	v43 =	vld [tilespmem:s18+$0xFFFFFDB0]  }
0xbb: {  	v44 =	vld [tilespmem:s18+$0xFFFFFE20]  }
0xbc: {  	v45 =	vld [tilespmem:s18+$0xFFFFFE30];
	v8 =	vadd.f32 v40, v8  }
0xbd: {  	v46 =	vld [tilespmem:s18+$0xFFFFFE60];
	v9 =	vadd.f32 v10, v9  }
0xbe: {  	v47 =	vld [tilespmem:s18+$0xFFFFFE70];
	v41 =	vadd.f32 v41, v42;
	v8 =	vadd.f32 v39, v8  }
0xbf: {  	v49 =	vld [tilespmem:s18+$0xFFFFFEA0];
	v48 =	vadd.f32 v38, v43;
	v9 =	vadd.f32 v37, v9  }
0xc0: {  	v50 =	vld [tilespmem:s18+$0xFFFFFEB0];
	v41 =	vadd.f32 v44, v41;
	v8 =	vadd.f32 v36, v8  }
0xc1: {  	v52 =	vld [tilespmem:s18+$0xFFFFFEE0];
	v51 =	vadd.f32 v45, v48;
	v9 =	vadd.f32 v35, v9  }
0xc2: {  	v53 =	vld [tilespmem:s18+$0xFFFFFEF0];
	v10 =	vadd.f32 v46, v41;
	v8 =	vadd.f32 v34, v8  }
0xc3: {  	v55 =	vld [tilespmem:s18+$0xFFFFFF20];
	v54 =	vadd.f32 v47, v51;
	v9 =	vadd.f32 v33, v9  }
0xc4: {  	v56 =	vld [tilespmem:s18+$0xFFFFFF30];
	v10 =	vadd.f32 v49, v10;
	v8 =	vadd.f32 v32, v8  }
0xc5: {  	v58 =	vld [tilespmem:s18+$0xFFFFFF60];
	v57 =	vadd.f32 v50, v54;
	v9 =	vadd.f32 v31, v9  }
0xc6: {  	v59 =	vld [tilespmem:s18+$0xFFFFFF70];
	v10 =	vadd.f32 v52, v10;
	v8 =	vadd.f32 v30, v8  }
0xc7: {  	v61 =	vld [tilespmem:s18+$0xFFFFFFA0];
	v60 =	vadd.f32 v53, v57;
	v9 =	vadd.f32 v29, v9  }
0xc8: {  	v62 =	vld [tilespmem:s18+$0xFFFFFFB0];
	v10 =	vadd.f32 v55, v10;
	v8 =	vadd.f32 v28, v8  }
0xc9: {  	v32 =	vld [tilespmem:s18+$0xFFFFFFE0];
	v63 =	vadd.f32 v56, v60;
	v9 =	vadd.f32 v27, v9  }
0xca: {  	v33 =	vld [tilespmem:s18+$0xFFFFFFF0];
	v10 =	vadd.f32 v58, v10;
	v8 =	vadd.f32 v26, v8  }
0xcb: {  	v35 =	vld [tilespmem:s18+$0x20];
	v34 =	vadd.f32 v59, v63;
	v9 =	vadd.f32 v25, v9  }
0xcc: {  	v36 =	vld [tilespmem:s18+$0x30];
	v10 =	vadd.f32 v61, v10;
	v8 =	vadd.f32 v24, v8  }
0xcd: {  	v38 =	vld [tilespmem:s18+$0x60];
	v37 =	vadd.f32 v62, v34;
	v9 =	vadd.f32 v23, v9  }
0xce: {  	v39 =	vld [tilespmem:s18+$0x70];
	v10 =	vadd.f32 v32, v10;
	v8 =	vadd.f32 v21, v8  }
0xcf: {  	v41 =	vld [tilespmem:s18+$0xA0];
	v40 =	vadd.f32 v33, v37;
	v9 =	vadd.f32 v20, v9  }
0xd0: {  	v42 =	vld [tilespmem:s18+$0xB0];
	v10 =	vadd.f32 v35, v10;
	v8 =	vadd.f32 v19, v8  }
0xd1: {  	v44 =	vld [tilespmem:s18+$0xE0];
	v43 =	vadd.f32 v36, v40;
	v9 =	vadd.f32 v18, v9  }
0xd2: {  	s8 =	smulhi.u32 $0x4EC4EC4F, s31;
	v45 =	vld [tilespmem:s18+$0xF0];
	v10 =	vadd.f32 v38, v10;
	v8 =	vadd.f32 v15, v8  }
0xd3: {  	v46 =	vld [tilespmem:s18+$0x120];
	v18 =	vadd.f32 v39, v43;
	v9 =	vadd.f32 v22, v9  }
0xd4: {  	s3 =	sshrl.u32 s8, $0x2;
	v47 =	vld [tilespmem:s18+$0x130];
	v10 =	vadd.f32 v41, v10;
	v8 =	vadd.f32 v13, v8  }
0xd5: {  	s15 =	smul.u32 $0x34, s3;
	v49 =	vld [tilespmem:s18+$0x160];
	v48 =	vadd.f32 v42, v18;
	v9 =	vadd.f32 v17, v9  }
0xd6: {  	v50 =	vld [tilespmem:s18+$0x170];
	v10 =	vadd.f32 v44, v10;
	v8 =	vadd.f32 v12, v8  }
0xd7: {  	s5 =	ssub.s32 s30, s15;
	s16 =	sand.u32 $0x1, s3;
	v51 =	vld [tilespmem:s18+$0x1A0];
	v15 =	vadd.f32 v45, v48;
	v9 =	vadd.f32 v16, v9  }
0xd8: {  	s5 =	sshll.u32 s5, $0x7;
	s15 =	smul.u32 $0x1A000, s16;
	v52 =	vld [tilespmem:s18+$0x1B0];
	v10 =	vadd.f32 v46, v10;
	v8 =	vadd.f32 v11, v8  }
0xd9: {  	s5 =	sand.u32 $0xFFFFFF00, s5;
	v53 =	vld [tilespmem:s18+$0x1E0];
	v13 =	vadd.f32 v47, v15;
	v9 =	vadd.f32 v14, v9  }
0xda: {  	s5 =	sadd.s32 s5, s15;
	v54 =	vld [tilespmem:s18+$0x1F0];
	v10 =	vadd.f32 v49, v10;
	v6 =	vadd.f32 v6, v8  }
0xdb: {  	s5 =	sshra.s32 s5, $0x2;
	v56 =	vld [tilespmem:s18+$0x220];
	v55 =	vadd.f32 v50, v13;
	v7 =	vadd.f32 v7, v9  }
0xdc: {  	s5 =	sadd.s32 $0xE3A0, s5;
	v57 =	vld [tilespmem:s18+$0x230];
	v10 =	vadd.f32 v51, v10;
	v6 =	vadd.f32 v0, v6  }
0xdd: {  	v59 =	vld [tilespmem:s18+$0x260];
	v58 =	vadd.f32 v52, v55;
	v0 =	vmov s5;
	v5 =	vadd.f32 v5, v7  }
0xde: {  	v10 =	vadd.f32 v53, v10;
	v3 =	vadd.f32 v3, v6  }
0xdf: {  	v60 =	vld [tilespmem:s18+$0x270];
	v61 =	vadd.f32 v54, v58;
	v4 =	vadd.f32 v4, v5  }
0xe0: {  	v62 =	vadd.f32 v56, v10;
	v2 =	vadd.f32 v2, v3  }
0xe1: {  	s3 =	smul.u32 $0x1FFFFCC, s3;
	s5 =	simm.s32 $0x0;
	v1 =	vadd.f32 v1, v4  }
0xe2: {  	v3 =	vadd.f32 v57, v61;
	v63 =	vadd.f32 v59, v62;
	[tilespmem:v0+s5+$0xFFFFFFE0 ss:$0x1] =	vst.idx.msk $0xffff, v2  }
0xe3: {  	s3 =	sadd.s32 s3, s29;
	[tilespmem:v0+s5+$0xFFFFFFF0 ss:$0x1] =	vst.idx.msk $0xffff, v1  }
0xe4: {  	s16 =	sshrl.u32 s3, $0x1;
	s3 =	simm.s32 $0x1A00;
	v1 =	vadd.f32 v60, v3;
	[tilespmem:v0+s5+$0x0 ss:$0x1] =	vst.idx.msk $0xffff, v63  }
.LBB2_3:
0xe5: {  	p2 =	sne.s32 s3, $0xB600  }
0xe6: {  	[tilespmem:v0+s5+$0x10 ss:$0x1] =	vst.idx.msk $0xffff, v1;
	s18 =	sadd.s32 $0x500, s18;
	s5 =	smov.u32 s3;
	s3 =	sadd.s32 $0x1A00, s3  }
0xe7: {  	v17 =	vld [tilespmem:s18+$0xFFFFFD80]  }
0xe8: {  	v5 =	vld [tilespmem:s18+$0xFFFFFD90]  }
0xe9: {  	v6 =	vld [tilespmem:s18+$0xFFFFFDD0]  }
0xea: {  	v1 =	vld [tilespmem:s18+$0x250]  }
0xeb: {  	v2 =	vld [tilespmem:s18+$0x240]  }
0xec: {  	v3 =	vld [tilespmem:s18+$0x200]  }
0xed: {  	v4 =	vld [tilespmem:s18+$0x1C0]  }
0xee: {  	v18 =	vadd.f32 v6, v5;
	v5 =	vld [tilespmem:s18+$0x180]  }
0xef: {  	v6 =	vld [tilespmem:s18+$0x210]  }
0xf0: {  	v7 =	vld [tilespmem:s18+$0x140]  }
0xf1: {  	v8 =	vld [tilespmem:s18+$0x1D0]  }
0xf2: {  	v9 =	vld [tilespmem:s18+$0x100]  }
0xf3: {  	v10 =	vld [tilespmem:s18+$0x190]  }
0xf4: {  	v11 =	vld [tilespmem:s18+$0xC0]  }
0xf5: {  	v12 =	vld [tilespmem:s18+$0x150]  }
0xf6: {  	v13 =	vld [tilespmem:s18+$0x80]  }
0xf7: {  	v14 =	vld [tilespmem:s18+$0x110]  }
0xf8: {  	v15 =	vld [tilespmem:s18+$0xD0]  }
0xf9: {  	v19 =	vld [tilespmem:s18+$0x50]  }
0xfa: {  	v16 =	vld [tilespmem:s18+$0x40]  }
0xfb: {  	v20 =	vld [tilespmem:s18+$0x10]  }
0xfc: {  	v21 =	vld [tilespmem:s18+$0x0]  }
0xfd: {  	v22 =	vld [tilespmem:s18+$0x90]  }
0xfe: {  	v23 =	vld [tilespmem:s18+$0xFFFFFFD0]  }
0xff: {  	v24 =	vld [tilespmem:s18+$0xFFFFFFC0]  }
0x100: {  	v25 =	vld [tilespmem:s18+$0xFFFFFF90]  }
0x101: {  	v26 =	vld [tilespmem:s18+$0xFFFFFF80]  }
0x102: {  	v27 =	vld [tilespmem:s18+$0xFFFFFF50]  }
0x103: {  	v28 =	vld [tilespmem:s18+$0xFFFFFF40]  }
0x104: {  	v29 =	vld [tilespmem:s18+$0xFFFFFF10]  }
0x105: {  	v30 =	vld [tilespmem:s18+$0xFFFFFF00]  }
0x106: {  	v31 =	vld [tilespmem:s18+$0xFFFFFED0]  }
0x107: {  	v32 =	vld [tilespmem:s18+$0xFFFFFEC0]  }
0x108: {  	v33 =	vld [tilespmem:s18+$0xFFFFFE90]  }
0x109: {  	v34 =	vld [tilespmem:s18+$0xFFFFFE80]  }
0x10a: {  	v35 =	vld [tilespmem:s18+$0xFFFFFE50]  }
0x10b: {  	v36 =	vld [tilespmem:s18+$0xFFFFFE40]  }
0x10c: {  	v37 =	vld [tilespmem:s18+$0xFFFFFE10]  }
0x10d: {  	v38 =	vld [tilespmem:s18+$0xFFFFFDF0]  }
0x10e: {  	v39 =	vld [tilespmem:s18+$0xFFFFFE00]  }
0x10f: {  	v40 =	vld [tilespmem:s18+$0xFFFFFDC0]  }
0x110: {  	v41 =	vld [tilespmem:s18+$0xFFFFFDE0]  }
0x111: {  	v42 =	vld [tilespmem:s18+$0xFFFFFDA0];
	v18 =	vadd.f32 v37, v18  }
0x112: {  	v37 =	vld [tilespmem:s18+$0xFFFFFDB0]  }
0x113: {  	v43 =	vld [tilespmem:s18+$0xFFFFFE20];
	v18 =	vadd.f32 v35, v18  }
0x114: {  	v17 =	vadd.f32 v40, v17;
	v35 =	vld [tilespmem:s18+$0xFFFFFE30]  }
0x115: {  	v40 =	vld [tilespmem:s18+$0xFFFFFE60];
	v18 =	vadd.f32 v33, v18  }
0x116: {  	v33 =	vadd.f32 v41, v42;
	v17 =	vadd.f32 v39, v17;
	v39 =	vld [tilespmem:s18+$0xFFFFFE70]  }
0x117: {  	v37 =	vadd.f32 v38, v37;
	v38 =	vld [tilespmem:s18+$0xFFFFFEA0];
	v18 =	vadd.f32 v31, v18  }
0x118: {  	v31 =	vadd.f32 v43, v33;
	v17 =	vadd.f32 v36, v17;
	v33 =	vld [tilespmem:s18+$0xFFFFFEB0]  }
0x119: {  	v35 =	vadd.f32 v35, v37;
	v36 =	vld [tilespmem:s18+$0xFFFFFEE0];
	v18 =	vadd.f32 v29, v18  }
0x11a: {  	v29 =	vadd.f32 v40, v31;
	v17 =	vadd.f32 v34, v17;
	v31 =	vld [tilespmem:s18+$0xFFFFFEF0]  }
0x11b: {  	v34 =	vadd.f32 v39, v35;
	v35 =	vld [tilespmem:s18+$0xFFFFFF20];
	v18 =	vadd.f32 v27, v18  }
0x11c: {  	v27 =	vadd.f32 v38, v29;
	v17 =	vadd.f32 v32, v17;
	v29 =	vld [tilespmem:s18+$0xFFFFFF30]  }
0x11d: {  	v32 =	vadd.f32 v33, v34;
	v33 =	vld [tilespmem:s18+$0xFFFFFF60];
	v18 =	vadd.f32 v25, v18  }
0x11e: {  	v25 =	vadd.f32 v36, v27;
	v17 =	vadd.f32 v30, v17;
	v27 =	vld [tilespmem:s18+$0xFFFFFF70]  }
0x11f: {  	v30 =	vadd.f32 v31, v32;
	v31 =	vld [tilespmem:s18+$0xFFFFFFA0];
	v18 =	vadd.f32 v23, v18  }
0x120: {  	v23 =	vadd.f32 v35, v25;
	v17 =	vadd.f32 v28, v17;
	v25 =	vld [tilespmem:s18+$0xFFFFFFB0]  }
0x121: {  	v28 =	vadd.f32 v29, v30;
	v29 =	vld [tilespmem:s18+$0xFFFFFFE0];
	v18 =	vadd.f32 v20, v18  }
0x122: {  	v20 =	vadd.f32 v33, v23;
	v17 =	vadd.f32 v26, v17;
	v23 =	vld [tilespmem:s18+$0xFFFFFFF0]  }
0x123: {  	v26 =	vadd.f32 v27, v28;
	v27 =	vld [tilespmem:s18+$0x20];
	v18 =	vadd.f32 v19, v18  }
0x124: {  	v19 =	vadd.f32 v31, v20;
	v17 =	vadd.f32 v24, v17;
	v20 =	vld [tilespmem:s18+$0x30]  }
0x125: {  	v24 =	vadd.f32 v25, v26;
	v25 =	vld [tilespmem:s18+$0x60];
	v18 =	vadd.f32 v22, v18  }
0x126: {  	v19 =	vadd.f32 v29, v19;
	v17 =	vadd.f32 v21, v17;
	v21 =	vld [tilespmem:s18+$0x70]  }
0x127: {  	v22 =	vadd.f32 v23, v24;
	v23 =	vld [tilespmem:s18+$0xA0];
	v15 =	vadd.f32 v15, v18  }
0x128: {  	v18 =	vadd.f32 v27, v19;
	v16 =	vadd.f32 v16, v17;
	v17 =	vld [tilespmem:s18+$0xB0]  }
0x129: {  	v19 =	vadd.f32 v20, v22;
	v20 =	vld [tilespmem:s18+$0xE0];
	v14 =	vadd.f32 v14, v15  }
0x12a: {  	v15 =	vadd.f32 v25, v18;
	v13 =	vadd.f32 v13, v16;
	v16 =	vld [tilespmem:s18+$0xF0]  }
0x12b: {  	v18 =	vadd.f32 v21, v19;
	v19 =	vld [tilespmem:s18+$0x120];
	v12 =	vadd.f32 v12, v14  }
0x12c: {  	v14 =	vadd.f32 v23, v15;
	v11 =	vadd.f32 v11, v13;
	v13 =	vld [tilespmem:s18+$0x130]  }
0x12d: {  	v15 =	vadd.f32 v17, v18;
	v17 =	vld [tilespmem:s18+$0x160];
	v10 =	vadd.f32 v10, v12  }
0x12e: {  	v12 =	vadd.f32 v20, v14;
	v9 =	vadd.f32 v9, v11;
	v11 =	vld [tilespmem:s18+$0x170]  }
0x12f: {  	v14 =	vadd.f32 v16, v15;
	v15 =	vld [tilespmem:s18+$0x1A0];
	v8 =	vadd.f32 v8, v10  }
0x130: {  	v10 =	vadd.f32 v19, v12;
	v7 =	vadd.f32 v7, v9;
	v9 =	vld [tilespmem:s18+$0x1B0]  }
0x131: {  	v12 =	vadd.f32 v13, v14;
	v13 =	vld [tilespmem:s18+$0x1E0];
	v6 =	vadd.f32 v6, v8  }
0x132: {  	v8 =	vadd.f32 v17, v10;
	v5 =	vadd.f32 v5, v7;
	v7 =	vld [tilespmem:s18+$0x1F0]  }
0x133: {  	v10 =	vadd.f32 v11, v12;
	v11 =	vld [tilespmem:s18+$0x220]  }
0x134: {  	v8 =	vadd.f32 v15, v8;
	v4 =	vadd.f32 v4, v5;
	v5 =	vld [tilespmem:s18+$0x230]  }
0x135: {  	v9 =	vadd.f32 v9, v10;
	v10 =	vld [tilespmem:s18+$0x260]  }
0x136: {  	v8 =	vadd.f32 v13, v8;
	v3 =	vadd.f32 v3, v4;
	v4 =	vld [tilespmem:s18+$0x270]  }
0x137: {  	v7 =	vadd.f32 v7, v9  }
.Ltmp2:
0x138: {  	v8 =	vadd.f32 v11, v8;
	v2 =	vadd.f32 v2, v3;
	(pc) =	sbr.rel @p2 .LBB2_3-.Ltmp2, $4  }
0x139: {  	s5 =	sshra.s32 s5, $0x2;
	v3 =	vadd.f32 v5, v7;
	v5 =	vadd.f32 v1, v6  }
0x13a: {  	v6 =	vadd.f32 v10, v8;
	[tilespmem:v0+s5+$0xFFFFFFE0 ss:$0x1] =	vst.idx.msk $0xffff, v2  }
0x13b: {  	v1 =	vadd.f32 v4, v3;
	[tilespmem:v0+s5+$0xFFFFFFF0 ss:$0x1] =	vst.idx.msk $0xffff, v5  }
0x13c: {  	[tilespmem:v0+s5+$0x0 ss:$0x1] =	vst.idx.msk $0xffff, v6  }
0x13d: {  	p2 =	sgt.u32 s31, $0x5A;
	s3 =	sadd.s32 $0x1, s17  }
0x13e: {  	p3 =	sne.s32 @!p2 s3, $0x31  }
0x13f: {  	p2 =	por p2, p3  }
.Ltmp3:
0x140: {  	_ = 	snop;
	(pc) =	sbr.rel @p2 .LBB2_6-.Ltmp3, $2  }
0x141: {  	_ =	sdelay $0x2  }
0x142: {  	[tilespmem:v0+s5+$0x10 ss:$0x1] =	vst.idx.msk $0xffff, v1  }
0x143: {  	_ =	swait.ge [sflag:s11], $0x2080  }
0x144: {  	[sflag:s11] =	ssyncset.done $0x0  }
0x145: {  	[sflag:s11] =	ssyncadd.s32 $0xFFFFDF80  }
.LBB2_7:
0x146: {  	s5 =	sadd.s32 $0x4, s10  }
0x147: {  	s17 =	smulhi.u32 $0x4EC4EC4F, s5;
	_ =	sdelay $0x1  }
0x148: {  	s17 =	sshrl.u32 s17, $0x4  }
0x149: {  	s18 =	smul.u32 $0xFFFFFFCC, s17  }
0x14a: {  	s17 =	sand.u32 $0x1, s17  }
0x14b: {  	p2 =	seq.s32 s17, $0x1;
	s17 =	simm.s32 $0x1A;
	s5 =	sadd.s32 s5, s18  }
0x14c: {  	s17 =	simm.s32 @!p2 $0x0;
	s5 =	sshra.s32 s5, $0x1  }
0x14d: {  	s17 =	sadd.s32 s17, s5  }
0x14e: {  	s17 =	smul.u32 $0x500, s17;
	_ =	sdelay $0x1  }
0x14f: {  	s17 =	sshra.s32 s17, $0x2  }
0x150: {  	v0 =	vld [tilespmem:s17+$0x0];
	_ =	sdelay $0x2  }
0x151: {  	s5 =	smul.u32 $0x186A0, s5;
	_ =	sdelay $0x1  }
0x152: {  	v0 =	vadd.s32 s5, v0  }
0x153: {  	[tilespmem:$0x4100] =	vst v0  }
0x154: {  	v0 =	vld [tilespmem:s17+$0x10];
	_ =	sdelay $0x4  }
0x155: {  	v0 =	vadd.s32 s5, v0  }
0x156: {  	[tilespmem:$0x4110] =	vst v0  }
0x157: {  	v0 =	vld [tilespmem:s17+$0x20];
	_ =	sdelay $0x4  }
0x158: {  	v0 =	vadd.s32 s5, v0  }
0x159: {  	[tilespmem:$0x4120] =	vst v0  }
0x15a: {  	v0 =	vld [tilespmem:s17+$0x30];
	_ =	sdelay $0x4  }
0x15b: {  	v0 =	vadd.s32 s5, v0  }
0x15c: {  	[tilespmem:$0x4130] =	vst v0  }
0x15d: {  	v0 =	vld [tilespmem:s17+$0x40];
	_ =	sdelay $0x4  }
0x15e: {  	v0 =	vadd.s32 s5, v0  }
0x15f: {  	[tilespmem:$0x4140] =	vst v0  }
0x160: {  	v0 =	vld [tilespmem:s17+$0x50];
	_ =	sdelay $0x4  }
0x161: {  	v0 =	vadd.s32 s5, v0  }
0x162: {  	[tilespmem:$0x4150] =	vst v0  }
0x163: {  	v0 =	vld [tilespmem:s17+$0x60];
	_ =	sdelay $0x4  }
0x164: {  	v0 =	vadd.s32 s5, v0  }
0x165: {  	[tilespmem:$0x4160] =	vst v0  }
0x166: {  	v0 =	vld [tilespmem:s17+$0x70];
	_ =	sdelay $0x4  }
0x167: {  	v0 =	vadd.s32 s5, v0  }
0x168: {  	[tilespmem:$0x4170] =	vst v0  }
0x169: {  	v0 =	vld [tilespmem:s17+$0x80];
	_ =	sdelay $0x4  }
0x16a: {  	v0 =	vadd.s32 s5, v0  }
0x16b: {  	[tilespmem:$0x4180] =	vst v0  }
0x16c: {  	v0 =	vld [tilespmem:s17+$0x90];
	_ =	sdelay $0x4  }
0x16d: {  	v0 =	vadd.s32 s5, v0  }
0x16e: {  	p2 =	por $0x0, $0x0;
	[tilespmem:$0x4190] =	vst v0  }
0x16f: {  	[tilespmem:s14], [sflag:$0x2] =	stream.indirect.gather [hbm4b:s4+s12], $0x40, s13, s12, $0xb8;
	[tilespmem:$0x1B380] =	vst v63  }
.LBB2_8:
0x170: {  	_ =	swait.ge [sflag:s22], $0x2800  }
0x171: {  	[sflag:s22] =	ssyncset.done $0x0  }
0x172: {  	s18 =	simm.s32 $0x6E00;
	[sflag:s22] =	ssyncadd.s32 $0xFFFFD800  }
0x173: {  	v8 =	vld [tilespmem:s18+$0xFFFFFD80]  }
0x174: {  	v9 =	vld [tilespmem:s18+$0xFFFFFD90]  }
0x175: {  	v10 =	vld [tilespmem:s18+$0xFFFFFDD0]  }
0x176: {  	v1 =	vld [tilespmem:s18+$0x250]  }
0x177: {  	v2 =	vld [tilespmem:s18+$0x240]  }
0x178: {  	v3 =	vld [tilespmem:s18+$0x200]  }
0x179: {  	v0 =	vld [tilespmem:s18+$0x1C0]  }
0x17a: {  	v6 =	vld [tilespmem:s18+$0x180]  }
0x17b: {  	v4 =	vld [tilespmem:s18+$0x210]  }
0x17c: {  	v11 =	vld [tilespmem:s18+$0x140]  }
0x17d: {  	v5 =	vld [tilespmem:s18+$0x1D0]  }
0x17e: {  	v12 =	vld [tilespmem:s18+$0x100]  }
0x17f: {  	v7 =	vld [tilespmem:s18+$0x190]  }
0x180: {  	v13 =	vld [tilespmem:s18+$0xC0]  }
0x181: {  	v14 =	vld [tilespmem:s18+$0x150]  }
0x182: {  	v15 =	vld [tilespmem:s18+$0x80]  }
0x183: {  	v16 =	vld [tilespmem:s18+$0x110]  }
0x184: {  	v17 =	vld [tilespmem:s18+$0xD0]  }
0x185: {  	v18 =	vld [tilespmem:s18+$0x50]  }
0x186: {  	v19 =	vld [tilespmem:s18+$0x40]  }
0x187: {  	v20 =	vld [tilespmem:s18+$0x10]  }
0x188: {  	v21 =	vld [tilespmem:s18+$0x0]  }
0x189: {  	v22 =	vld [tilespmem:s18+$0x90]  }
0x18a: {  	v23 =	vld [tilespmem:s18+$0xFFFFFFD0]  }
0x18b: {  	v24 =	vld [tilespmem:s18+$0xFFFFFFC0]  }
0x18c: {  	v25 =	vld [tilespmem:s18+$0xFFFFFF90]  }
0x18d: {  	v26 =	vld [tilespmem:s18+$0xFFFFFF80]  }
0x18e: {  	v27 =	vld [tilespmem:s18+$0xFFFFFF50]  }
0x18f: {  	v28 =	vld [tilespmem:s18+$0xFFFFFF40]  }
0x190: {  	v29 =	vld [tilespmem:s18+$0xFFFFFF10]  }
0x191: {  	v30 =	vld [tilespmem:s18+$0xFFFFFF00]  }
0x192: {  	v31 =	vld [tilespmem:s18+$0xFFFFFED0]  }
0x193: {  	v32 =	vld [tilespmem:s18+$0xFFFFFEC0]  }
0x194: {  	v33 =	vld [tilespmem:s18+$0xFFFFFE90]  }
0x195: {  	v34 =	vld [tilespmem:s18+$0xFFFFFE80]  }
0x196: {  	v35 =	vld [tilespmem:s18+$0xFFFFFE50]  }
0x197: {  	v36 =	vld [tilespmem:s18+$0xFFFFFE40]  }
0x198: {  	v37 =	vld [tilespmem:s18+$0xFFFFFE10]  }
0x199: {  	v38 =	vld [tilespmem:s18+$0xFFFFFDF0]  }
0x19a: {  	v39 =	vld [tilespmem:s18+$0xFFFFFE00]  }
0x19b: {  	v40 =	vld [tilespmem:s18+$0xFFFFFDC0]  }
0x19c: {  	v41 =	vld [tilespmem:s18+$0xFFFFFDE0]  }
0x19d: {  	v42 =	vld [tilespmem:s18+$0xFFFFFDA0]  }
0x19e: {  	v43 =	vld [tilespmem:s18+$0xFFFFFDB0]  }
0x19f: {  	v44 =	vld [tilespmem:s18+$0xFFFFFE20]  }
0x1a0: {  	v45 =	vld [tilespmem:s18+$0xFFFFFE30];
	v8 =	vadd.f32 v40, v8  }
0x1a1: {  	v46 =	vld [tilespmem:s18+$0xFFFFFE60];
	v9 =	vadd.f32 v10, v9  }
0x1a2: {  	v47 =	vld [tilespmem:s18+$0xFFFFFE70];
	v41 =	vadd.f32 v41, v42;
	v8 =	vadd.f32 v39, v8  }
0x1a3: {  	v49 =	vld [tilespmem:s18+$0xFFFFFEA0];
	v48 =	vadd.f32 v38, v43;
	v9 =	vadd.f32 v37, v9  }
0x1a4: {  	v50 =	vld [tilespmem:s18+$0xFFFFFEB0];
	v41 =	vadd.f32 v44, v41;
	v8 =	vadd.f32 v36, v8  }
0x1a5: {  	v52 =	vld [tilespmem:s18+$0xFFFFFEE0];
	v51 =	vadd.f32 v45, v48;
	v9 =	vadd.f32 v35, v9  }
0x1a6: {  	v53 =	vld [tilespmem:s18+$0xFFFFFEF0];
	v10 =	vadd.f32 v46, v41;
	v8 =	vadd.f32 v34, v8  }
0x1a7: {  	v55 =	vld [tilespmem:s18+$0xFFFFFF20];
	v54 =	vadd.f32 v47, v51;
	v9 =	vadd.f32 v33, v9  }
0x1a8: {  	v56 =	vld [tilespmem:s18+$0xFFFFFF30];
	v10 =	vadd.f32 v49, v10;
	v8 =	vadd.f32 v32, v8  }
0x1a9: {  	v58 =	vld [tilespmem:s18+$0xFFFFFF60];
	v57 =	vadd.f32 v50, v54;
	v9 =	vadd.f32 v31, v9  }
0x1aa: {  	v59 =	vld [tilespmem:s18+$0xFFFFFF70];
	v10 =	vadd.f32 v52, v10;
	v8 =	vadd.f32 v30, v8  }
0x1ab: {  	v61 =	vld [tilespmem:s18+$0xFFFFFFA0];
	v60 =	vadd.f32 v53, v57;
	v9 =	vadd.f32 v29, v9  }
0x1ac: {  	v62 =	vld [tilespmem:s18+$0xFFFFFFB0];
	v10 =	vadd.f32 v55, v10;
	v8 =	vadd.f32 v28, v8  }
0x1ad: {  	v32 =	vld [tilespmem:s18+$0xFFFFFFE0];
	v63 =	vadd.f32 v56, v60;
	v9 =	vadd.f32 v27, v9  }
0x1ae: {  	v33 =	vld [tilespmem:s18+$0xFFFFFFF0];
	v10 =	vadd.f32 v58, v10;
	v8 =	vadd.f32 v26, v8  }
0x1af: {  	v35 =	vld [tilespmem:s18+$0x20];
	v34 =	vadd.f32 v59, v63;
	v9 =	vadd.f32 v25, v9  }
0x1b0: {  	v36 =	vld [tilespmem:s18+$0x30];
	v10 =	vadd.f32 v61, v10;
	v8 =	vadd.f32 v24, v8  }
0x1b1: {  	v38 =	vld [tilespmem:s18+$0x60];
	v37 =	vadd.f32 v62, v34;
	v9 =	vadd.f32 v23, v9  }
0x1b2: {  	v39 =	vld [tilespmem:s18+$0x70];
	v10 =	vadd.f32 v32, v10;
	v8 =	vadd.f32 v21, v8  }
0x1b3: {  	v41 =	vld [tilespmem:s18+$0xA0];
	v40 =	vadd.f32 v33, v37;
	v9 =	vadd.f32 v20, v9  }
0x1b4: {  	v42 =	vld [tilespmem:s18+$0xB0];
	v10 =	vadd.f32 v35, v10;
	v8 =	vadd.f32 v19, v8  }
0x1b5: {  	v44 =	vld [tilespmem:s18+$0xE0];
	v43 =	vadd.f32 v36, v40;
	v9 =	vadd.f32 v18, v9  }
0x1b6: {  	v45 =	vld [tilespmem:s18+$0xF0];
	v10 =	vadd.f32 v38, v10;
	v8 =	vadd.f32 v15, v8  }
0x1b7: {  	v46 =	vld [tilespmem:s18+$0x120];
	v18 =	vadd.f32 v39, v43;
	v9 =	vadd.f32 v22, v9  }
0x1b8: {  	v47 =	vld [tilespmem:s18+$0x130];
	v10 =	vadd.f32 v41, v10;
	v8 =	vadd.f32 v13, v8  }
0x1b9: {  	v49 =	vld [tilespmem:s18+$0x160];
	v48 =	vadd.f32 v42, v18;
	v9 =	vadd.f32 v17, v9  }
0x1ba: {  	s5 =	sshrl.u32 s3, $0x1F;
	s17 =	simm.s32 $0x1A0;
	v50 =	vld [tilespmem:s18+$0x170];
	v10 =	vadd.f32 v44, v10;
	v8 =	vadd.f32 v12, v8  }
0x1bb: {  	s8 =	sshra.s32 s3, $0x1F;
	s5 =	sadd.s32 s5, s3;
	s17 =	simm.s32 @!p0 $0x0;
	v51 =	vld [tilespmem:s18+$0x1A0];
	v15 =	vadd.f32 v45, v48;
	v9 =	vadd.f32 v16, v9  }
0x1bc: {  	s5 =	sshrl.u32 s5, $0x1;
	s3 =	sadd.s32 s8, s17;
	v52 =	vld [tilespmem:s18+$0x1B0];
	v10 =	vadd.f32 v46, v10;
	v8 =	vadd.f32 v11, v8  }
0x1bd: {  	s3 =	sadd.s32 s5, s3;
	v53 =	vld [tilespmem:s18+$0x1E0];
	v13 =	vadd.f32 v47, v15;
	v9 =	vadd.f32 v14, v9  }
0x1be: {  	s3 =	sshll.u32 s3, $0x8;
	v54 =	vld [tilespmem:s18+$0x1F0];
	v10 =	vadd.f32 v49, v10;
	v6 =	vadd.f32 v6, v8  }
0x1bf: {  	s3 =	sshra.s32 s3, $0x2;
	v56 =	vld [tilespmem:s18+$0x220];
	v55 =	vadd.f32 v50, v13;
	v7 =	vadd.f32 v7, v9  }
0x1c0: {  	s3 =	sadd.s32 $0x117B0, s3;
	v57 =	vld [tilespmem:s18+$0x230];
	v10 =	vadd.f32 v51, v10;
	v6 =	vadd.f32 v0, v6  }
0x1c1: {  	v59 =	vld [tilespmem:s18+$0x260];
	v58 =	vadd.f32 v52, v55;
	v0 =	vmov s3;
	v5 =	vadd.f32 v5, v7  }
0x1c2: {  	v10 =	vadd.f32 v53, v10;
	v3 =	vadd.f32 v3, v6  }
0x1c3: {  	v60 =	vld [tilespmem:s18+$0x270];
	v61 =	vadd.f32 v54, v58;
	v4 =	vadd.f32 v4, v5  }
0x1c4: {  	v62 =	vadd.f32 v56, v10;
	v2 =	vadd.f32 v2, v3  }
0x1c5: {  	s5 =	simm.s32 $0x0;
	v1 =	vadd.f32 v1, v4  }
0x1c6: {  	v3 =	vadd.f32 v57, v61;
	v63 =	vadd.f32 v59, v62;
	[tilespmem:v0+s5+$0xFFFFFFD0 ss:$0x1] =	vst.idx.msk $0xffff, v2  }
0x1c7: {  	[tilespmem:v0+s5+$0xFFFFFFE0 ss:$0x1] =	vst.idx.msk $0xffff, v1  }
0x1c8: {  	s3 =	simm.s32 $0x1A00;
	v1 =	vadd.f32 v60, v3;
	[tilespmem:v0+s5+$0xFFFFFFF0 ss:$0x1] =	vst.idx.msk $0xffff, v63  }
.LBB2_9:
0x1c9: {  	p3 =	sne.s32 s3, $0xB600  }
0x1ca: {  	[tilespmem:v0+s5+$0x0 ss:$0x1] =	vst.idx.msk $0xffff, v1;
	s18 =	sadd.s32 $0x500, s18;
	s5 =	smov.u32 s3;
	s3 =	sadd.s32 $0x1A00, s3  }
0x1cb: {  	v17 =	vld [tilespmem:s18+$0xFFFFFD80]  }
0x1cc: {  	v5 =	vld [tilespmem:s18+$0xFFFFFD90]  }
0x1cd: {  	v6 =	vld [tilespmem:s18+$0xFFFFFDD0]  }
0x1ce: {  	v1 =	vld [tilespmem:s18+$0x250]  }
0x1cf: {  	v2 =	vld [tilespmem:s18+$0x240]  }
0x1d0: {  	v3 =	vld [tilespmem:s18+$0x200]  }
0x1d1: {  	v4 =	vld [tilespmem:s18+$0x1C0]  }
0x1d2: {  	v18 =	vadd.f32 v6, v5;
	v5 =	vld [tilespmem:s18+$0x180]  }
0x1d3: {  	v6 =	vld [tilespmem:s18+$0x210]  }
0x1d4: {  	v7 =	vld [tilespmem:s18+$0x140]  }
0x1d5: {  	v8 =	vld [tilespmem:s18+$0x1D0]  }
0x1d6: {  	v9 =	vld [tilespmem:s18+$0x100]  }
0x1d7: {  	v10 =	vld [tilespmem:s18+$0x190]  }
0x1d8: {  	v11 =	vld [tilespmem:s18+$0xC0]  }
0x1d9: {  	v12 =	vld [tilespmem:s18+$0x150]  }
0x1da: {  	v13 =	vld [tilespmem:s18+$0x80]  }
0x1db: {  	v14 =	vld [tilespmem:s18+$0x110]  }
0x1dc: {  	v15 =	vld [tilespmem:s18+$0xD0]  }
0x1dd: {  	v19 =	vld [tilespmem:s18+$0x50]  }
0x1de: {  	v16 =	vld [tilespmem:s18+$0x40]  }
0x1df: {  	v20 =	vld [tilespmem:s18+$0x10]  }
0x1e0: {  	v21 =	vld [tilespmem:s18+$0x0]  }
0x1e1: {  	v22 =	vld [tilespmem:s18+$0x90]  }
0x1e2: {  	v23 =	vld [tilespmem:s18+$0xFFFFFFD0]  }
0x1e3: {  	v24 =	vld [tilespmem:s18+$0xFFFFFFC0]  }
0x1e4: {  	v25 =	vld [tilespmem:s18+$0xFFFFFF90]  }
0x1e5: {  	v26 =	vld [tilespmem:s18+$0xFFFFFF80]  }
0x1e6: {  	v27 =	vld [tilespmem:s18+$0xFFFFFF50]  }
0x1e7: {  	v28 =	vld [tilespmem:s18+$0xFFFFFF40]  }
0x1e8: {  	v29 =	vld [tilespmem:s18+$0xFFFFFF10]  }
0x1e9: {  	v30 =	vld [tilespmem:s18+$0xFFFFFF00]  }
0x1ea: {  	v31 =	vld [tilespmem:s18+$0xFFFFFED0]  }
0x1eb: {  	v32 =	vld [tilespmem:s18+$0xFFFFFEC0]  }
0x1ec: {  	v33 =	vld [tilespmem:s18+$0xFFFFFE90]  }
0x1ed: {  	v34 =	vld [tilespmem:s18+$0xFFFFFE80]  }
0x1ee: {  	v35 =	vld [tilespmem:s18+$0xFFFFFE50]  }
0x1ef: {  	v36 =	vld [tilespmem:s18+$0xFFFFFE40]  }
0x1f0: {  	v37 =	vld [tilespmem:s18+$0xFFFFFE10]  }
0x1f1: {  	v38 =	vld [tilespmem:s18+$0xFFFFFDF0]  }
0x1f2: {  	v39 =	vld [tilespmem:s18+$0xFFFFFE00]  }
0x1f3: {  	v40 =	vld [tilespmem:s18+$0xFFFFFDC0]  }
0x1f4: {  	v41 =	vld [tilespmem:s18+$0xFFFFFDE0]  }
0x1f5: {  	v42 =	vld [tilespmem:s18+$0xFFFFFDA0];
	v18 =	vadd.f32 v37, v18  }
0x1f6: {  	v37 =	vld [tilespmem:s18+$0xFFFFFDB0]  }
0x1f7: {  	v43 =	vld [tilespmem:s18+$0xFFFFFE20];
	v18 =	vadd.f32 v35, v18  }
0x1f8: {  	v17 =	vadd.f32 v40, v17;
	v35 =	vld [tilespmem:s18+$0xFFFFFE30]  }
0x1f9: {  	v40 =	vld [tilespmem:s18+$0xFFFFFE60];
	v18 =	vadd.f32 v33, v18  }
0x1fa: {  	v33 =	vadd.f32 v41, v42;
	v17 =	vadd.f32 v39, v17;
	v39 =	vld [tilespmem:s18+$0xFFFFFE70]  }
0x1fb: {  	v37 =	vadd.f32 v38, v37;
	v38 =	vld [tilespmem:s18+$0xFFFFFEA0];
	v18 =	vadd.f32 v31, v18  }
0x1fc: {  	v31 =	vadd.f32 v43, v33;
	v17 =	vadd.f32 v36, v17;
	v33 =	vld [tilespmem:s18+$0xFFFFFEB0]  }
0x1fd: {  	v35 =	vadd.f32 v35, v37;
	v36 =	vld [tilespmem:s18+$0xFFFFFEE0];
	v18 =	vadd.f32 v29, v18  }
0x1fe: {  	v29 =	vadd.f32 v40, v31;
	v17 =	vadd.f32 v34, v17;
	v31 =	vld [tilespmem:s18+$0xFFFFFEF0]  }
0x1ff: {  	v34 =	vadd.f32 v39, v35;
	v35 =	vld [tilespmem:s18+$0xFFFFFF20];
	v18 =	vadd.f32 v27, v18  }
0x200: {  	v27 =	vadd.f32 v38, v29;
	v17 =	vadd.f32 v32, v17;
	v29 =	vld [tilespmem:s18+$0xFFFFFF30]  }
0x201: {  	v32 =	vadd.f32 v33, v34;
	v33 =	vld [tilespmem:s18+$0xFFFFFF60];
	v18 =	vadd.f32 v25, v18  }
0x202: {  	v25 =	vadd.f32 v36, v27;
	v17 =	vadd.f32 v30, v17;
	v27 =	vld [tilespmem:s18+$0xFFFFFF70]  }
0x203: {  	v30 =	vadd.f32 v31, v32;
	v31 =	vld [tilespmem:s18+$0xFFFFFFA0];
	v18 =	vadd.f32 v23, v18  }
0x204: {  	v23 =	vadd.f32 v35, v25;
	v17 =	vadd.f32 v28, v17;
	v25 =	vld [tilespmem:s18+$0xFFFFFFB0]  }
0x205: {  	v28 =	vadd.f32 v29, v30;
	v29 =	vld [tilespmem:s18+$0xFFFFFFE0];
	v18 =	vadd.f32 v20, v18  }
0x206: {  	v20 =	vadd.f32 v33, v23;
	v17 =	vadd.f32 v26, v17;
	v23 =	vld [tilespmem:s18+$0xFFFFFFF0]  }
0x207: {  	v26 =	vadd.f32 v27, v28;
	v27 =	vld [tilespmem:s18+$0x20];
	v18 =	vadd.f32 v19, v18  }
0x208: {  	v19 =	vadd.f32 v31, v20;
	v17 =	vadd.f32 v24, v17;
	v20 =	vld [tilespmem:s18+$0x30]  }
0x209: {  	v24 =	vadd.f32 v25, v26;
	v25 =	vld [tilespmem:s18+$0x60];
	v18 =	vadd.f32 v22, v18  }
0x20a: {  	v19 =	vadd.f32 v29, v19;
	v17 =	vadd.f32 v21, v17;
	v21 =	vld [tilespmem:s18+$0x70]  }
0x20b: {  	v22 =	vadd.f32 v23, v24;
	v23 =	vld [tilespmem:s18+$0xA0];
	v15 =	vadd.f32 v15, v18  }
0x20c: {  	v18 =	vadd.f32 v27, v19;
	v16 =	vadd.f32 v16, v17;
	v17 =	vld [tilespmem:s18+$0xB0]  }
0x20d: {  	v19 =	vadd.f32 v20, v22;
	v20 =	vld [tilespmem:s18+$0xE0];
	v14 =	vadd.f32 v14, v15  }
0x20e: {  	v15 =	vadd.f32 v25, v18;
	v13 =	vadd.f32 v13, v16;
	v16 =	vld [tilespmem:s18+$0xF0]  }
0x20f: {  	v18 =	vadd.f32 v21, v19;
	v19 =	vld [tilespmem:s18+$0x120];
	v12 =	vadd.f32 v12, v14  }
0x210: {  	v14 =	vadd.f32 v23, v15;
	v11 =	vadd.f32 v11, v13;
	v13 =	vld [tilespmem:s18+$0x130]  }
0x211: {  	v15 =	vadd.f32 v17, v18;
	v17 =	vld [tilespmem:s18+$0x160];
	v10 =	vadd.f32 v10, v12  }
0x212: {  	v12 =	vadd.f32 v20, v14;
	v9 =	vadd.f32 v9, v11;
	v11 =	vld [tilespmem:s18+$0x170]  }
0x213: {  	v14 =	vadd.f32 v16, v15;
	v15 =	vld [tilespmem:s18+$0x1A0];
	v8 =	vadd.f32 v8, v10  }
0x214: {  	v10 =	vadd.f32 v19, v12;
	v7 =	vadd.f32 v7, v9;
	v9 =	vld [tilespmem:s18+$0x1B0]  }
0x215: {  	v12 =	vadd.f32 v13, v14;
	v13 =	vld [tilespmem:s18+$0x1E0];
	v6 =	vadd.f32 v6, v8  }
0x216: {  	v8 =	vadd.f32 v17, v10;
	v5 =	vadd.f32 v5, v7;
	v7 =	vld [tilespmem:s18+$0x1F0]  }
0x217: {  	v10 =	vadd.f32 v11, v12;
	v11 =	vld [tilespmem:s18+$0x220]  }
0x218: {  	v8 =	vadd.f32 v15, v8;
	v4 =	vadd.f32 v4, v5;
	v5 =	vld [tilespmem:s18+$0x230]  }
0x219: {  	v9 =	vadd.f32 v9, v10;
	v10 =	vld [tilespmem:s18+$0x260]  }
0x21a: {  	v8 =	vadd.f32 v13, v8;
	v3 =	vadd.f32 v3, v4;
	v4 =	vld [tilespmem:s18+$0x270]  }
0x21b: {  	v7 =	vadd.f32 v7, v9  }
.Ltmp4:
0x21c: {  	v8 =	vadd.f32 v11, v8;
	v2 =	vadd.f32 v2, v3;
	(pc) =	sbr.rel @p3 .LBB2_9-.Ltmp4, $4  }
0x21d: {  	s5 =	sshra.s32 s5, $0x2;
	v3 =	vadd.f32 v5, v7;
	v5 =	vadd.f32 v1, v6  }
0x21e: {  	v6 =	vadd.f32 v10, v8;
	[tilespmem:v0+s5+$0xFFFFFFD0 ss:$0x1] =	vst.idx.msk $0xffff, v2  }
0x21f: {  	v1 =	vadd.f32 v4, v3;
	[tilespmem:v0+s5+$0xFFFFFFE0 ss:$0x1] =	vst.idx.msk $0xffff, v5  }
0x220: {  	[tilespmem:v0+s5+$0xFFFFFFF0 ss:$0x1] =	vst.idx.msk $0xffff, v6  }
0x221: {  	s3 =	sadd.s32 @!p2 $0x5, s10  }
0x222: {  	s18 =	smulhi.u32 @!p2 $0x4EC4EC4F, s3;
	_ =	sdelay $0x1  }
0x223: {  	s18 =	sshrl.u32 @!p2 s18, $0x4  }
0x224: {  	s8 =	smul.u32 @!p2 $0xFFFFFFCC, s18;
	_ =	sdelay $0x1  }
0x225: {  	s3 =	sadd.s32 @!p2 s3, s8  }
0x226: {  	s18 =	sand.u32 @!p2 $0x1, s18;
	s8 =	sshrl.u32 @!p2 s3, $0x1F  }
0x227: {  	p3 =	seq.s32 @!p2 s18, $0x1;
	s18 =	simm.s32 @!p2 $0x1A;
	s8 =	sadd.s32 @!p2 s8, s3  }
0x228: {  	p3 =	por !p3, p2;
	s3 =	sshra.s32 @!p2 s3, $0x1F;
	s8 =	sshra.s32 @!p2 s8, $0x1  }
0x229: {  	s18 =	simm.s32 @p3 $0x0;
	s3 =	sadd.s32 @!p2 s3, s8  }
0x22a: {  	s8 =	sadd.s32 @!p2 s18, s3  }
0x22b: {  	s8 =	smul.u32 @!p2 $0x500, s8;
	_ =	sdelay $0x1  }
0x22c: {  	[tilespmem:v0+s5+$0x0 ss:$0x1] =	vst.idx.msk $0xffff, v1;
	s5 =	sshra.s32 @!p2 s8, $0x2  }
0x22d: {  	v0 =	vld @!p2 [tilespmem:s5+$0xA0];
	_ =	sdelay $0x2  }
0x22e: {  	s3 =	smul.u32 @!p2 $0x186A0, s3;
	_ =	sdelay $0x1  }
0x22f: {  	v0 =	vadd.s32 @!p2 s3, v0  }
0x230: {  	[tilespmem:$0x41A0] =	vst @!p2 v0  }
0x231: {  	v0 =	vld @!p2 [tilespmem:s5+$0xB0];
	_ =	sdelay $0x4  }
0x232: {  	v0 =	vadd.s32 @!p2 s3, v0  }
0x233: {  	[tilespmem:$0x41B0] =	vst @!p2 v0  }
0x234: {  	v0 =	vld @!p2 [tilespmem:s5+$0xC0];
	_ =	sdelay $0x4  }
0x235: {  	v0 =	vadd.s32 @!p2 s3, v0  }
0x236: {  	[tilespmem:$0x41C0] =	vst @!p2 v0  }
0x237: {  	v0 =	vld @!p2 [tilespmem:s5+$0xD0];
	_ =	sdelay $0x4  }
0x238: {  	v0 =	vadd.s32 @!p2 s3, v0  }
0x239: {  	[tilespmem:$0x41D0] =	vst @!p2 v0  }
0x23a: {  	v0 =	vld @!p2 [tilespmem:s5+$0xE0];
	_ =	sdelay $0x4  }
0x23b: {  	v0 =	vadd.s32 @!p2 s3, v0  }
0x23c: {  	[tilespmem:$0x41E0] =	vst @!p2 v0  }
0x23d: {  	v0 =	vld @!p2 [tilespmem:s5+$0xF0];
	_ =	sdelay $0x4  }
0x23e: {  	v0 =	vadd.s32 @!p2 s3, v0  }
0x23f: {  	[tilespmem:$0x41F0] =	vst @!p2 v0  }
0x240: {  	v0 =	vld @!p2 [tilespmem:s5+$0x100];
	_ =	sdelay $0x4  }
0x241: {  	v0 =	vadd.s32 @!p2 s3, v0  }
0x242: {  	[tilespmem:$0x4200] =	vst @!p2 v0  }
0x243: {  	v0 =	vld @!p2 [tilespmem:s5+$0x110];
	_ =	sdelay $0x4  }
0x244: {  	v0 =	vadd.s32 @!p2 s3, v0  }
0x245: {  	[tilespmem:$0x4210] =	vst @!p2 v0  }
0x246: {  	v0 =	vld @!p2 [tilespmem:s5+$0x120];
	_ =	sdelay $0x4  }
0x247: {  	v0 =	vadd.s32 @!p2 s3, v0  }
0x248: {  	[tilespmem:$0x4220] =	vst @!p2 v0  }
0x249: {  	v0 =	vld @!p2 [tilespmem:s5+$0x130];
	_ =	sdelay $0x4  }
0x24a: {  	v0 =	vadd.s32 @!p2 s3, v0  }
0x24b: {  	s8 =	simm.s32 @!p2 $0x6B80;
	s5 =	simm.s32 @!p2 $0x41A0;
	s3 =	simm.s32 @!p2 $0xA0;
	[tilespmem:$0x4230] =	vst @!p2 v0  }
0x24c: {  	[tilespmem:s8], [sflag:$0x3] =	stream.indirect.gather @!p2 [hbm4b:s4+s3], $0x40, s5, s3, $0xb8;
	[tilespmem:$0x1B380] =	vst v63  }
0x24d: {  	_ =	swait.ge [sflag:s23], $0x2800  }
0x24e: {  	[sflag:s23] =	ssyncset.done $0x0  }
0x24f: {  	s18 =	simm.s32 $0x9600;
	[sflag:s23] =	ssyncadd.s32 $0xFFFFD800  }
0x250: {  	v7 =	vld [tilespmem:s18+$0xFFFFFD80]  }
0x251: {  	v8 =	vld [tilespmem:s18+$0xFFFFFD90]  }
0x252: {  	v9 =	vld [tilespmem:s18+$0xFFFFFDD0]  }
0x253: {  	v1 =	vld [tilespmem:s18+$0x250]  }
0x254: {  	v2 =	vld [tilespmem:s18+$0x240]  }
0x255: {  	v3 =	vld [tilespmem:s18+$0x200]  }
0x256: {  	v0 =	vld [tilespmem:s18+$0x1C0]  }
0x257: {  	v6 =	vld [tilespmem:s18+$0x180]  }
0x258: {  	v4 =	vld [tilespmem:s18+$0x210]  }
0x259: {  	v10 =	vld [tilespmem:s18+$0x140]  }
0x25a: {  	v5 =	vld [tilespmem:s18+$0x1D0]  }
0x25b: {  	v11 =	vld [tilespmem:s18+$0x100]  }
0x25c: {  	v12 =	vld [tilespmem:s18+$0x190]  }
0x25d: {  	v13 =	vld [tilespmem:s18+$0xC0]  }
0x25e: {  	v14 =	vld [tilespmem:s18+$0x150]  }
0x25f: {  	v15 =	vld [tilespmem:s18+$0x80]  }
0x260: {  	v16 =	vld [tilespmem:s18+$0x110]  }
0x261: {  	v17 =	vld [tilespmem:s18+$0xD0]  }
0x262: {  	v18 =	vld [tilespmem:s18+$0x50]  }
0x263: {  	v19 =	vld [tilespmem:s18+$0x40]  }
0x264: {  	v20 =	vld [tilespmem:s18+$0x10]  }
0x265: {  	v21 =	vld [tilespmem:s18+$0x0]  }
0x266: {  	v22 =	vld [tilespmem:s18+$0x90]  }
0x267: {  	v23 =	vld [tilespmem:s18+$0xFFFFFFD0]  }
0x268: {  	v24 =	vld [tilespmem:s18+$0xFFFFFFC0]  }
0x269: {  	v25 =	vld [tilespmem:s18+$0xFFFFFF90]  }
0x26a: {  	v26 =	vld [tilespmem:s18+$0xFFFFFF80]  }
0x26b: {  	v27 =	vld [tilespmem:s18+$0xFFFFFF50]  }
0x26c: {  	v28 =	vld [tilespmem:s18+$0xFFFFFF40]  }
0x26d: {  	v29 =	vld [tilespmem:s18+$0xFFFFFF10]  }
0x26e: {  	v30 =	vld [tilespmem:s18+$0xFFFFFF00]  }
0x26f: {  	v31 =	vld [tilespmem:s18+$0xFFFFFED0]  }
0x270: {  	v32 =	vld [tilespmem:s18+$0xFFFFFEC0]  }
0x271: {  	v33 =	vld [tilespmem:s18+$0xFFFFFE90]  }
0x272: {  	v34 =	vld [tilespmem:s18+$0xFFFFFE80]  }
0x273: {  	v35 =	vld [tilespmem:s18+$0xFFFFFE50]  }
0x274: {  	v36 =	vld [tilespmem:s18+$0xFFFFFE40]  }
0x275: {  	v37 =	vld [tilespmem:s18+$0xFFFFFE10]  }
0x276: {  	v38 =	vld [tilespmem:s18+$0xFFFFFDF0]  }
0x277: {  	v39 =	vld [tilespmem:s18+$0xFFFFFE00]  }
0x278: {  	v40 =	vld [tilespmem:s18+$0xFFFFFDC0]  }
0x279: {  	v41 =	vld [tilespmem:s18+$0xFFFFFDE0]  }
0x27a: {  	v42 =	vld [tilespmem:s18+$0xFFFFFDA0]  }
0x27b: {  	v43 =	vld [tilespmem:s18+$0xFFFFFDB0]  }
0x27c: {  	v44 =	vld [tilespmem:s18+$0xFFFFFE20]  }
0x27d: {  	v45 =	vld [tilespmem:s18+$0xFFFFFE30];
	v7 =	vadd.f32 v40, v7  }
0x27e: {  	v46 =	vld [tilespmem:s18+$0xFFFFFE60];
	v8 =	vadd.f32 v9, v8  }
0x27f: {  	v47 =	vld [tilespmem:s18+$0xFFFFFE70];
	v41 =	vadd.f32 v41, v42;
	v7 =	vadd.f32 v39, v7  }
0x280: {  	v49 =	vld [tilespmem:s18+$0xFFFFFEA0];
	v48 =	vadd.f32 v38, v43;
	v8 =	vadd.f32 v37, v8  }
0x281: {  	v50 =	vld [tilespmem:s18+$0xFFFFFEB0];
	v41 =	vadd.f32 v44, v41;
	v7 =	vadd.f32 v36, v7  }
0x282: {  	v52 =	vld [tilespmem:s18+$0xFFFFFEE0];
	v51 =	vadd.f32 v45, v48;
	v8 =	vadd.f32 v35, v8  }
0x283: {  	v53 =	vld [tilespmem:s18+$0xFFFFFEF0];
	v9 =	vadd.f32 v46, v41;
	v7 =	vadd.f32 v34, v7  }
0x284: {  	v55 =	vld [tilespmem:s18+$0xFFFFFF20];
	v54 =	vadd.f32 v47, v51;
	v8 =	vadd.f32 v33, v8  }
0x285: {  	v56 =	vld [tilespmem:s18+$0xFFFFFF30];
	v9 =	vadd.f32 v49, v9;
	v7 =	vadd.f32 v32, v7  }
0x286: {  	v58 =	vld [tilespmem:s18+$0xFFFFFF60];
	v57 =	vadd.f32 v50, v54;
	v8 =	vadd.f32 v31, v8  }
0x287: {  	v59 =	vld [tilespmem:s18+$0xFFFFFF70];
	v9 =	vadd.f32 v52, v9;
	v7 =	vadd.f32 v30, v7  }
0x288: {  	v61 =	vld [tilespmem:s18+$0xFFFFFFA0];
	v60 =	vadd.f32 v53, v57;
	v8 =	vadd.f32 v29, v8  }
0x289: {  	v62 =	vld [tilespmem:s18+$0xFFFFFFB0];
	v9 =	vadd.f32 v55, v9;
	v7 =	vadd.f32 v28, v7  }
0x28a: {  	v32 =	vld [tilespmem:s18+$0xFFFFFFE0];
	v63 =	vadd.f32 v56, v60;
	v8 =	vadd.f32 v27, v8  }
0x28b: {  	v34 =	vld [tilespmem:s18+$0xFFFFFFF0];
	v9 =	vadd.f32 v58, v9;
	v7 =	vadd.f32 v26, v7  }
0x28c: {  	v36 =	vld [tilespmem:s18+$0x20];
	v35 =	vadd.f32 v59, v63;
	v8 =	vadd.f32 v25, v8  }
0x28d: {  	v37 =	vld [tilespmem:s18+$0x30];
	v9 =	vadd.f32 v61, v9;
	v7 =	vadd.f32 v24, v7  }
0x28e: {  	v39 =	vld [tilespmem:s18+$0x60];
	v38 =	vadd.f32 v62, v35;
	v8 =	vadd.f32 v23, v8  }
0x28f: {  	v40 =	vld [tilespmem:s18+$0x70];
	v9 =	vadd.f32 v32, v9;
	v7 =	vadd.f32 v21, v7  }
0x290: {  	v42 =	vld [tilespmem:s18+$0xA0];
	v41 =	vadd.f32 v34, v38;
	v8 =	vadd.f32 v20, v8  }
0x291: {  	v43 =	vld [tilespmem:s18+$0xB0];
	v9 =	vadd.f32 v36, v9;
	v7 =	vadd.f32 v19, v7  }
0x292: {  	v45 =	vld [tilespmem:s18+$0xE0];
	v44 =	vadd.f32 v37, v41;
	v8 =	vadd.f32 v18, v8  }
0x293: {  	v46 =	vld [tilespmem:s18+$0xF0];
	v9 =	vadd.f32 v39, v9;
	v7 =	vadd.f32 v15, v7  }
0x294: {  	v47 =	vld [tilespmem:s18+$0x120];
	v18 =	vadd.f32 v40, v44;
	v8 =	vadd.f32 v22, v8  }
0x295: {  	v48 =	vld [tilespmem:s18+$0x130];
	v9 =	vadd.f32 v42, v9;
	v7 =	vadd.f32 v13, v7  }
0x296: {  	v50 =	vld [tilespmem:s18+$0x160];
	v49 =	vadd.f32 v43, v18;
	v8 =	vadd.f32 v17, v8  }
0x297: {  	v51 =	vld [tilespmem:s18+$0x170];
	v9 =	vadd.f32 v45, v9;
	v7 =	vadd.f32 v11, v7  }
0x298: {  	v52 =	vld [tilespmem:s18+$0x1A0];
	v15 =	vadd.f32 v46, v49;
	v8 =	vadd.f32 v16, v8  }
0x299: {  	v53 =	vld [tilespmem:s18+$0x1B0];
	v9 =	vadd.f32 v47, v9;
	v7 =	vadd.f32 v10, v7  }
0x29a: {  	s17 =	sadd.s32 s16, s17;
	v54 =	vld [tilespmem:s18+$0x1E0];
	v13 =	vadd.f32 v48, v15;
	v8 =	vadd.f32 v14, v8  }
0x29b: {  	s3 =	sshll.u32 s17, $0x8;
	v55 =	vld [tilespmem:s18+$0x1F0];
	v9 =	vadd.f32 v50, v9;
	v6 =	vadd.f32 v6, v7  }
0x29c: {  	s3 =	sshra.s32 s3, $0x2;
	v56 =	vld [tilespmem:s18+$0x220];
	v11 =	vadd.f32 v51, v13;
	v8 =	vadd.f32 v12, v8  }
0x29d: {  	s3 =	sadd.s32 $0xE3A0, s3;
	v57 =	vld [tilespmem:s18+$0x230];
	v9 =	vadd.f32 v52, v9;
	v6 =	vadd.f32 v0, v6  }
0x29e: {  	v59 =	vld [tilespmem:s18+$0x260];
	v58 =	vadd.f32 v53, v11;
	v0 =	vmov s3;
	v5 =	vadd.f32 v5, v8  }
0x29f: {  	v9 =	vadd.f32 v54, v9;
	v3 =	vadd.f32 v3, v6  }
0x2a0: {  	v60 =	vld [tilespmem:s18+$0x270];
	v61 =	vadd.f32 v55, v58;
	v4 =	vadd.f32 v4, v5  }
0x2a1: {  	v62 =	vadd.f32 v56, v9;
	v2 =	vadd.f32 v2, v3  }
0x2a2: {  	s5 =	simm.s32 $0x0;
	v1 =	vadd.f32 v1, v4  }
0x2a3: {  	v3 =	vadd.f32 v57, v61;
	v63 =	vadd.f32 v59, v62;
	[tilespmem:v0+s5+$0xFFFFFFE0 ss:$0x1] =	vst.idx.msk $0xffff, v2  }
0x2a4: {  	[tilespmem:v0+s5+$0xFFFFFFF0 ss:$0x1] =	vst.idx.msk $0xffff, v1  }
0x2a5: {  	s3 =	simm.s32 $0x1A00;
	v1 =	vadd.f32 v60, v3;
	[tilespmem:v0+s5+$0x0 ss:$0x1] =	vst.idx.msk $0xffff, v63  }
.LBB2_11:
0x2a6: {  	p3 =	sne.s32 s3, $0xB600  }
0x2a7: {  	[tilespmem:v0+s5+$0x10 ss:$0x1] =	vst.idx.msk $0xffff, v1;
	s18 =	sadd.s32 $0x500, s18;
	s5 =	smov.u32 s3;
	s3 =	sadd.s32 $0x1A00, s3  }
0x2a8: {  	v17 =	vld [tilespmem:s18+$0xFFFFFD80]  }
0x2a9: {  	v5 =	vld [tilespmem:s18+$0xFFFFFD90]  }
0x2aa: {  	v6 =	vld [tilespmem:s18+$0xFFFFFDD0]  }
0x2ab: {  	v1 =	vld [tilespmem:s18+$0x250]  }
0x2ac: {  	v2 =	vld [tilespmem:s18+$0x240]  }
0x2ad: {  	v3 =	vld [tilespmem:s18+$0x200]  }
0x2ae: {  	v4 =	vld [tilespmem:s18+$0x1C0]  }
0x2af: {  	v18 =	vadd.f32 v6, v5;
	v5 =	vld [tilespmem:s18+$0x180]  }
0x2b0: {  	v6 =	vld [tilespmem:s18+$0x210]  }
0x2b1: {  	v7 =	vld [tilespmem:s18+$0x140]  }
0x2b2: {  	v8 =	vld [tilespmem:s18+$0x1D0]  }
0x2b3: {  	v9 =	vld [tilespmem:s18+$0x100]  }
0x2b4: {  	v10 =	vld [tilespmem:s18+$0x190]  }
0x2b5: {  	v11 =	vld [tilespmem:s18+$0xC0]  }
0x2b6: {  	v12 =	vld [tilespmem:s18+$0x150]  }
0x2b7: {  	v13 =	vld [tilespmem:s18+$0x80]  }
0x2b8: {  	v14 =	vld [tilespmem:s18+$0x110]  }
0x2b9: {  	v15 =	vld [tilespmem:s18+$0xD0]  }
0x2ba: {  	v19 =	vld [tilespmem:s18+$0x50]  }
0x2bb: {  	v16 =	vld [tilespmem:s18+$0x40]  }
0x2bc: {  	v20 =	vld [tilespmem:s18+$0x10]  }
0x2bd: {  	v21 =	vld [tilespmem:s18+$0x0]  }
0x2be: {  	v22 =	vld [tilespmem:s18+$0x90]  }
0x2bf: {  	v23 =	vld [tilespmem:s18+$0xFFFFFFD0]  }
0x2c0: {  	v24 =	vld [tilespmem:s18+$0xFFFFFFC0]  }
0x2c1: {  	v25 =	vld [tilespmem:s18+$0xFFFFFF90]  }
0x2c2: {  	v26 =	vld [tilespmem:s18+$0xFFFFFF80]  }
0x2c3: {  	v27 =	vld [tilespmem:s18+$0xFFFFFF50]  }
0x2c4: {  	v28 =	vld [tilespmem:s18+$0xFFFFFF40]  }
0x2c5: {  	v29 =	vld [tilespmem:s18+$0xFFFFFF10]  }
0x2c6: {  	v30 =	vld [tilespmem:s18+$0xFFFFFF00]  }
0x2c7: {  	v31 =	vld [tilespmem:s18+$0xFFFFFED0]  }
0x2c8: {  	v32 =	vld [tilespmem:s18+$0xFFFFFEC0]  }
0x2c9: {  	v33 =	vld [tilespmem:s18+$0xFFFFFE90]  }
0x2ca: {  	v34 =	vld [tilespmem:s18+$0xFFFFFE80]  }
0x2cb: {  	v35 =	vld [tilespmem:s18+$0xFFFFFE50]  }
0x2cc: {  	v36 =	vld [tilespmem:s18+$0xFFFFFE40]  }
0x2cd: {  	v37 =	vld [tilespmem:s18+$0xFFFFFE10]  }
0x2ce: {  	v38 =	vld [tilespmem:s18+$0xFFFFFDF0]  }
0x2cf: {  	v39 =	vld [tilespmem:s18+$0xFFFFFE00]  }
0x2d0: {  	v40 =	vld [tilespmem:s18+$0xFFFFFDC0]  }
0x2d1: {  	v41 =	vld [tilespmem:s18+$0xFFFFFDE0]  }
0x2d2: {  	v42 =	vld [tilespmem:s18+$0xFFFFFDA0];
	v18 =	vadd.f32 v37, v18  }
0x2d3: {  	v37 =	vld [tilespmem:s18+$0xFFFFFDB0]  }
0x2d4: {  	v43 =	vld [tilespmem:s18+$0xFFFFFE20];
	v18 =	vadd.f32 v35, v18  }
0x2d5: {  	v17 =	vadd.f32 v40, v17;
	v35 =	vld [tilespmem:s18+$0xFFFFFE30]  }
0x2d6: {  	v40 =	vld [tilespmem:s18+$0xFFFFFE60];
	v18 =	vadd.f32 v33, v18  }
0x2d7: {  	v33 =	vadd.f32 v41, v42;
	v17 =	vadd.f32 v39, v17;
	v39 =	vld [tilespmem:s18+$0xFFFFFE70]  }
0x2d8: {  	v37 =	vadd.f32 v38, v37;
	v38 =	vld [tilespmem:s18+$0xFFFFFEA0];
	v18 =	vadd.f32 v31, v18  }
0x2d9: {  	v31 =	vadd.f32 v43, v33;
	v17 =	vadd.f32 v36, v17;
	v33 =	vld [tilespmem:s18+$0xFFFFFEB0]  }
0x2da: {  	v35 =	vadd.f32 v35, v37;
	v36 =	vld [tilespmem:s18+$0xFFFFFEE0];
	v18 =	vadd.f32 v29, v18  }
0x2db: {  	v29 =	vadd.f32 v40, v31;
	v17 =	vadd.f32 v34, v17;
	v31 =	vld [tilespmem:s18+$0xFFFFFEF0]  }
0x2dc: {  	v34 =	vadd.f32 v39, v35;
	v35 =	vld [tilespmem:s18+$0xFFFFFF20];
	v18 =	vadd.f32 v27, v18  }
0x2dd: {  	v27 =	vadd.f32 v38, v29;
	v17 =	vadd.f32 v32, v17;
	v29 =	vld [tilespmem:s18+$0xFFFFFF30]  }
0x2de: {  	v32 =	vadd.f32 v33, v34;
	v33 =	vld [tilespmem:s18+$0xFFFFFF60];
	v18 =	vadd.f32 v25, v18  }
0x2df: {  	v25 =	vadd.f32 v36, v27;
	v17 =	vadd.f32 v30, v17;
	v27 =	vld [tilespmem:s18+$0xFFFFFF70]  }
0x2e0: {  	v30 =	vadd.f32 v31, v32;
	v31 =	vld [tilespmem:s18+$0xFFFFFFA0];
	v18 =	vadd.f32 v23, v18  }
0x2e1: {  	v23 =	vadd.f32 v35, v25;
	v17 =	vadd.f32 v28, v17;
	v25 =	vld [tilespmem:s18+$0xFFFFFFB0]  }
0x2e2: {  	v28 =	vadd.f32 v29, v30;
	v29 =	vld [tilespmem:s18+$0xFFFFFFE0];
	v18 =	vadd.f32 v20, v18  }
0x2e3: {  	v20 =	vadd.f32 v33, v23;
	v17 =	vadd.f32 v26, v17;
	v23 =	vld [tilespmem:s18+$0xFFFFFFF0]  }
0x2e4: {  	v26 =	vadd.f32 v27, v28;
	v27 =	vld [tilespmem:s18+$0x20];
	v18 =	vadd.f32 v19, v18  }
0x2e5: {  	v19 =	vadd.f32 v31, v20;
	v17 =	vadd.f32 v24, v17;
	v20 =	vld [tilespmem:s18+$0x30]  }
0x2e6: {  	v24 =	vadd.f32 v25, v26;
	v25 =	vld [tilespmem:s18+$0x60];
	v18 =	vadd.f32 v22, v18  }
0x2e7: {  	v19 =	vadd.f32 v29, v19;
	v17 =	vadd.f32 v21, v17;
	v21 =	vld [tilespmem:s18+$0x70]  }
0x2e8: {  	v22 =	vadd.f32 v23, v24;
	v23 =	vld [tilespmem:s18+$0xA0];
	v15 =	vadd.f32 v15, v18  }
0x2e9: {  	v18 =	vadd.f32 v27, v19;
	v16 =	vadd.f32 v16, v17;
	v17 =	vld [tilespmem:s18+$0xB0]  }
0x2ea: {  	v19 =	vadd.f32 v20, v22;
	v20 =	vld [tilespmem:s18+$0xE0];
	v14 =	vadd.f32 v14, v15  }
0x2eb: {  	v15 =	vadd.f32 v25, v18;
	v13 =	vadd.f32 v13, v16;
	v16 =	vld [tilespmem:s18+$0xF0]  }
0x2ec: {  	v18 =	vadd.f32 v21, v19;
	v19 =	vld [tilespmem:s18+$0x120];
	v12 =	vadd.f32 v12, v14  }
0x2ed: {  	v14 =	vadd.f32 v23, v15;
	v11 =	vadd.f32 v11, v13;
	v13 =	vld [tilespmem:s18+$0x130]  }
0x2ee: {  	v15 =	vadd.f32 v17, v18;
	v17 =	vld [tilespmem:s18+$0x160];
	v10 =	vadd.f32 v10, v12  }
0x2ef: {  	v12 =	vadd.f32 v20, v14;
	v9 =	vadd.f32 v9, v11;
	v11 =	vld [tilespmem:s18+$0x170]  }
0x2f0: {  	v14 =	vadd.f32 v16, v15;
	v15 =	vld [tilespmem:s18+$0x1A0];
	v8 =	vadd.f32 v8, v10  }
0x2f1: {  	v10 =	vadd.f32 v19, v12;
	v7 =	vadd.f32 v7, v9;
	v9 =	vld [tilespmem:s18+$0x1B0]  }
0x2f2: {  	v12 =	vadd.f32 v13, v14;
	v13 =	vld [tilespmem:s18+$0x1E0];
	v6 =	vadd.f32 v6, v8  }
0x2f3: {  	v8 =	vadd.f32 v17, v10;
	v5 =	vadd.f32 v5, v7;
	v7 =	vld [tilespmem:s18+$0x1F0]  }
0x2f4: {  	v10 =	vadd.f32 v11, v12;
	v11 =	vld [tilespmem:s18+$0x220]  }
0x2f5: {  	v8 =	vadd.f32 v15, v8;
	v4 =	vadd.f32 v4, v5;
	v5 =	vld [tilespmem:s18+$0x230]  }
0x2f6: {  	v9 =	vadd.f32 v9, v10;
	v10 =	vld [tilespmem:s18+$0x260]  }
0x2f7: {  	v8 =	vadd.f32 v13, v8;
	v3 =	vadd.f32 v3, v4;
	v4 =	vld [tilespmem:s18+$0x270]  }
0x2f8: {  	v7 =	vadd.f32 v7, v9  }
.Ltmp5:
0x2f9: {  	v8 =	vadd.f32 v11, v8;
	v2 =	vadd.f32 v2, v3;
	(pc) =	sbr.rel @p3 .LBB2_11-.Ltmp5, $4  }
0x2fa: {  	s5 =	sshra.s32 s5, $0x2;
	v3 =	vadd.f32 v5, v7;
	v5 =	vadd.f32 v1, v6  }
0x2fb: {  	v6 =	vadd.f32 v10, v8;
	[tilespmem:v0+s5+$0xFFFFFFE0 ss:$0x1] =	vst.idx.msk $0xffff, v2  }
0x2fc: {  	v1 =	vadd.f32 v4, v3;
	[tilespmem:v0+s5+$0xFFFFFFF0 ss:$0x1] =	vst.idx.msk $0xffff, v5  }
0x2fd: {  	[tilespmem:v0+s5+$0x0 ss:$0x1] =	vst.idx.msk $0xffff, v6  }
0x2fe: {  	s3 =	sadd.s32 @!p2 $0x6, s10  }
0x2ff: {  	s8 =	smulhi.u32 @!p2 $0x4EC4EC4F, s3;
	_ =	sdelay $0x1  }
0x300: {  	s8 =	sshrl.u32 @!p2 s8, $0x4  }
0x301: {  	s10 =	smul.u32 @!p2 $0xFFFFFFCC, s8;
	s8 =	sand.u32 @!p2 $0x1, s8  }
0x302: {  	p3 =	seq.s32 @!p2 s8, $0x1  }
0x303: {  	s8 =	simm.s32 @!p2 $0x1A;
	s3 =	sadd.s32 @!p2 s3, s10;
	p3 =	por !p3, p2  }
0x304: {  	s3 =	sshra.s32 @!p2 s3, $0x1;
	s8 =	simm.s32 @p3 $0x0  }
0x305: {  	s8 =	sadd.s32 @!p2 s8, s3  }
0x306: {  	s8 =	smul.u32 @!p2 $0x500, s8;
	_ =	sdelay $0x1  }
0x307: {  	[tilespmem:v0+s5+$0x10 ss:$0x1] =	vst.idx.msk $0xffff, v1;
	s5 =	sshra.s32 @!p2 s8, $0x2  }
0x308: {  	v0 =	vld @!p2 [tilespmem:s5+$0x0];
	_ =	sdelay $0x2  }
0x309: {  	s3 =	smul.u32 @!p2 $0x186A0, s3;
	_ =	sdelay $0x1  }
0x30a: {  	v0 =	vadd.s32 @!p2 s3, v0  }
0x30b: {  	[tilespmem:$0x4240] =	vst @!p2 v0  }
0x30c: {  	v0 =	vld @!p2 [tilespmem:s5+$0x10];
	_ =	sdelay $0x4  }
0x30d: {  	v0 =	vadd.s32 @!p2 s3, v0  }
0x30e: {  	[tilespmem:$0x4250] =	vst @!p2 v0  }
0x30f: {  	v0 =	vld @!p2 [tilespmem:s5+$0x20];
	_ =	sdelay $0x4  }
0x310: {  	v0 =	vadd.s32 @!p2 s3, v0  }
0x311: {  	[tilespmem:$0x4260] =	vst @!p2 v0  }
0x312: {  	v0 =	vld @!p2 [tilespmem:s5+$0x30];
	_ =	sdelay $0x4  }
0x313: {  	v0 =	vadd.s32 @!p2 s3, v0  }
0x314: {  	[tilespmem:$0x4270] =	vst @!p2 v0  }
0x315: {  	v0 =	vld @!p2 [tilespmem:s5+$0x40];
	_ =	sdelay $0x4  }
0x316: {  	v0 =	vadd.s32 @!p2 s3, v0  }
0x317: {  	[tilespmem:$0x4280] =	vst @!p2 v0  }
0x318: {  	v0 =	vld @!p2 [tilespmem:s5+$0x50];
	_ =	sdelay $0x4  }
0x319: {  	v0 =	vadd.s32 @!p2 s3, v0  }
0x31a: {  	[tilespmem:$0x4290] =	vst @!p2 v0  }
0x31b: {  	v0 =	vld @!p2 [tilespmem:s5+$0x60];
	_ =	sdelay $0x4  }
0x31c: {  	v0 =	vadd.s32 @!p2 s3, v0  }
0x31d: {  	[tilespmem:$0x42A0] =	vst @!p2 v0  }
0x31e: {  	v0 =	vld @!p2 [tilespmem:s5+$0x70];
	_ =	sdelay $0x4  }
0x31f: {  	v0 =	vadd.s32 @!p2 s3, v0  }
0x320: {  	[tilespmem:$0x42B0] =	vst @!p2 v0  }
0x321: {  	v0 =	vld @!p2 [tilespmem:s5+$0x80];
	_ =	sdelay $0x4  }
0x322: {  	v0 =	vadd.s32 @!p2 s3, v0  }
0x323: {  	[tilespmem:$0x42C0] =	vst @!p2 v0  }
0x324: {  	v0 =	vld @!p2 [tilespmem:s5+$0x90];
	_ =	sdelay $0x4  }
0x325: {  	v0 =	vadd.s32 @!p2 s3, v0  }
0x326: {  	s8 =	simm.s32 @!p2 $0x9380;
	s5 =	simm.s32 @!p2 $0x4240;
	s3 =	simm.s32 @!p2 $0xA0;
	[tilespmem:$0x42D0] =	vst @!p2 v0  }
0x327: {  	[tilespmem:s8], [sflag:$0x4] =	stream.indirect.gather @!p2 [hbm4b:s4+s3], $0x40, s5, s3, $0xb8;
	[tilespmem:$0x1B380] =	vst v63  }
0x328: {  	_ =	swait.ge [sflag:s24], $0x2800  }
0x329: {  	[sflag:s24] =	ssyncset.done $0x0  }
0x32a: {  	s10 =	simm.s32 $0xBE00;
	[sflag:s24] =	ssyncadd.s32 $0xFFFFD800  }
0x32b: {  	v7 =	vld [tilespmem:s10+$0xFFFFFD80]  }
0x32c: {  	v8 =	vld [tilespmem:s10+$0xFFFFFD90]  }
0x32d: {  	v9 =	vld [tilespmem:s10+$0xFFFFFDD0]  }
0x32e: {  	v1 =	vld [tilespmem:s10+$0x250]  }
0x32f: {  	v2 =	vld [tilespmem:s10+$0x240]  }
0x330: {  	v3 =	vld [tilespmem:s10+$0x200]  }
0x331: {  	v0 =	vld [tilespmem:s10+$0x1C0]  }
0x332: {  	v6 =	vld [tilespmem:s10+$0x180]  }
0x333: {  	v4 =	vld [tilespmem:s10+$0x210]  }
0x334: {  	v10 =	vld [tilespmem:s10+$0x140]  }
0x335: {  	v5 =	vld [tilespmem:s10+$0x1D0]  }
0x336: {  	v11 =	vld [tilespmem:s10+$0x100]  }
0x337: {  	v12 =	vld [tilespmem:s10+$0x190]  }
0x338: {  	v13 =	vld [tilespmem:s10+$0xC0]  }
0x339: {  	v14 =	vld [tilespmem:s10+$0x150]  }
0x33a: {  	v15 =	vld [tilespmem:s10+$0x80]  }
0x33b: {  	v16 =	vld [tilespmem:s10+$0x110]  }
0x33c: {  	v17 =	vld [tilespmem:s10+$0xD0]  }
0x33d: {  	v18 =	vld [tilespmem:s10+$0x50]  }
0x33e: {  	v19 =	vld [tilespmem:s10+$0x40]  }
0x33f: {  	v20 =	vld [tilespmem:s10+$0x10]  }
0x340: {  	v21 =	vld [tilespmem:s10+$0x0]  }
0x341: {  	v22 =	vld [tilespmem:s10+$0x90]  }
0x342: {  	v23 =	vld [tilespmem:s10+$0xFFFFFFD0]  }
0x343: {  	v24 =	vld [tilespmem:s10+$0xFFFFFFC0]  }
0x344: {  	v25 =	vld [tilespmem:s10+$0xFFFFFF90]  }
0x345: {  	v26 =	vld [tilespmem:s10+$0xFFFFFF80]  }
0x346: {  	v27 =	vld [tilespmem:s10+$0xFFFFFF50]  }
0x347: {  	v28 =	vld [tilespmem:s10+$0xFFFFFF40]  }
0x348: {  	v29 =	vld [tilespmem:s10+$0xFFFFFF10]  }
0x349: {  	v30 =	vld [tilespmem:s10+$0xFFFFFF00]  }
0x34a: {  	v31 =	vld [tilespmem:s10+$0xFFFFFED0]  }
0x34b: {  	v32 =	vld [tilespmem:s10+$0xFFFFFEC0]  }
0x34c: {  	v33 =	vld [tilespmem:s10+$0xFFFFFE90]  }
0x34d: {  	v34 =	vld [tilespmem:s10+$0xFFFFFE80]  }
0x34e: {  	v35 =	vld [tilespmem:s10+$0xFFFFFE50]  }
0x34f: {  	v36 =	vld [tilespmem:s10+$0xFFFFFE40]  }
0x350: {  	v37 =	vld [tilespmem:s10+$0xFFFFFE10]  }
0x351: {  	v38 =	vld [tilespmem:s10+$0xFFFFFDF0]  }
0x352: {  	v39 =	vld [tilespmem:s10+$0xFFFFFE00]  }
0x353: {  	v40 =	vld [tilespmem:s10+$0xFFFFFDC0]  }
0x354: {  	v41 =	vld [tilespmem:s10+$0xFFFFFDE0]  }
0x355: {  	v42 =	vld [tilespmem:s10+$0xFFFFFDA0]  }
0x356: {  	v43 =	vld [tilespmem:s10+$0xFFFFFDB0]  }
0x357: {  	v44 =	vld [tilespmem:s10+$0xFFFFFE20]  }
0x358: {  	v45 =	vld [tilespmem:s10+$0xFFFFFE30];
	v7 =	vadd.f32 v40, v7  }
0x359: {  	v46 =	vld [tilespmem:s10+$0xFFFFFE60];
	v8 =	vadd.f32 v9, v8  }
0x35a: {  	v47 =	vld [tilespmem:s10+$0xFFFFFE70];
	v41 =	vadd.f32 v41, v42;
	v7 =	vadd.f32 v39, v7  }
0x35b: {  	v49 =	vld [tilespmem:s10+$0xFFFFFEA0];
	v48 =	vadd.f32 v38, v43;
	v8 =	vadd.f32 v37, v8  }
0x35c: {  	v50 =	vld [tilespmem:s10+$0xFFFFFEB0];
	v41 =	vadd.f32 v44, v41;
	v7 =	vadd.f32 v36, v7  }
0x35d: {  	v52 =	vld [tilespmem:s10+$0xFFFFFEE0];
	v51 =	vadd.f32 v45, v48;
	v8 =	vadd.f32 v35, v8  }
0x35e: {  	v53 =	vld [tilespmem:s10+$0xFFFFFEF0];
	v9 =	vadd.f32 v46, v41;
	v7 =	vadd.f32 v34, v7  }
0x35f: {  	v55 =	vld [tilespmem:s10+$0xFFFFFF20];
	v54 =	vadd.f32 v47, v51;
	v8 =	vadd.f32 v33, v8  }
0x360: {  	v56 =	vld [tilespmem:s10+$0xFFFFFF30];
	v9 =	vadd.f32 v49, v9;
	v7 =	vadd.f32 v32, v7  }
0x361: {  	v58 =	vld [tilespmem:s10+$0xFFFFFF60];
	v57 =	vadd.f32 v50, v54;
	v8 =	vadd.f32 v31, v8  }
0x362: {  	v59 =	vld [tilespmem:s10+$0xFFFFFF70];
	v9 =	vadd.f32 v52, v9;
	v7 =	vadd.f32 v30, v7  }
0x363: {  	v61 =	vld [tilespmem:s10+$0xFFFFFFA0];
	v60 =	vadd.f32 v53, v57;
	v8 =	vadd.f32 v29, v8  }
0x364: {  	v62 =	vld [tilespmem:s10+$0xFFFFFFB0];
	v9 =	vadd.f32 v55, v9;
	v7 =	vadd.f32 v28, v7  }
0x365: {  	v32 =	vld [tilespmem:s10+$0xFFFFFFE0];
	v63 =	vadd.f32 v56, v60;
	v8 =	vadd.f32 v27, v8  }
0x366: {  	v34 =	vld [tilespmem:s10+$0xFFFFFFF0];
	v9 =	vadd.f32 v58, v9;
	v7 =	vadd.f32 v26, v7  }
0x367: {  	v36 =	vld [tilespmem:s10+$0x20];
	v35 =	vadd.f32 v59, v63;
	v8 =	vadd.f32 v25, v8  }
0x368: {  	v37 =	vld [tilespmem:s10+$0x30];
	v9 =	vadd.f32 v61, v9;
	v7 =	vadd.f32 v24, v7  }
0x369: {  	v39 =	vld [tilespmem:s10+$0x60];
	v38 =	vadd.f32 v62, v35;
	v8 =	vadd.f32 v23, v8  }
0x36a: {  	v40 =	vld [tilespmem:s10+$0x70];
	v9 =	vadd.f32 v32, v9;
	v7 =	vadd.f32 v21, v7  }
0x36b: {  	v42 =	vld [tilespmem:s10+$0xA0];
	v41 =	vadd.f32 v34, v38;
	v8 =	vadd.f32 v20, v8  }
0x36c: {  	v43 =	vld [tilespmem:s10+$0xB0];
	v9 =	vadd.f32 v36, v9;
	v7 =	vadd.f32 v19, v7  }
0x36d: {  	v45 =	vld [tilespmem:s10+$0xE0];
	v44 =	vadd.f32 v37, v41;
	v8 =	vadd.f32 v18, v8  }
0x36e: {  	v46 =	vld [tilespmem:s10+$0xF0];
	v9 =	vadd.f32 v39, v9;
	v7 =	vadd.f32 v15, v7  }
0x36f: {  	v47 =	vld [tilespmem:s10+$0x120];
	v18 =	vadd.f32 v40, v44;
	v8 =	vadd.f32 v22, v8  }
0x370: {  	v48 =	vld [tilespmem:s10+$0x130];
	v9 =	vadd.f32 v42, v9;
	v7 =	vadd.f32 v13, v7  }
0x371: {  	v50 =	vld [tilespmem:s10+$0x160];
	v49 =	vadd.f32 v43, v18;
	v8 =	vadd.f32 v17, v8  }
0x372: {  	v51 =	vld [tilespmem:s10+$0x170];
	v9 =	vadd.f32 v45, v9;
	v7 =	vadd.f32 v11, v7  }
0x373: {  	v52 =	vld [tilespmem:s10+$0x1A0];
	v15 =	vadd.f32 v46, v49;
	v8 =	vadd.f32 v16, v8  }
0x374: {  	v53 =	vld [tilespmem:s10+$0x1B0];
	v9 =	vadd.f32 v47, v9;
	v7 =	vadd.f32 v10, v7  }
0x375: {  	s18 =	sshll.u32 s9, $0x8;
	v54 =	vld [tilespmem:s10+$0x1E0];
	v13 =	vadd.f32 v48, v15;
	v8 =	vadd.f32 v14, v8  }
0x376: {  	s3 =	sadd.s32 s18, s15;
	v55 =	vld [tilespmem:s10+$0x1F0];
	v9 =	vadd.f32 v50, v9;
	v6 =	vadd.f32 v6, v7  }
0x377: {  	s3 =	sshra.s32 s3, $0x2;
	v56 =	vld [tilespmem:s10+$0x220];
	v11 =	vadd.f32 v51, v13;
	v8 =	vadd.f32 v12, v8  }
0x378: {  	s3 =	sadd.s32 $0x117B0, s3;
	v57 =	vld [tilespmem:s10+$0x230];
	v9 =	vadd.f32 v52, v9;
	v6 =	vadd.f32 v0, v6  }
0x379: {  	v59 =	vld [tilespmem:s10+$0x260];
	v58 =	vadd.f32 v53, v11;
	v0 =	vmov s3;
	v5 =	vadd.f32 v5, v8  }
0x37a: {  	v9 =	vadd.f32 v54, v9;
	v3 =	vadd.f32 v3, v6  }
0x37b: {  	v60 =	vld [tilespmem:s10+$0x270];
	v61 =	vadd.f32 v55, v58;
	v4 =	vadd.f32 v4, v5  }
0x37c: {  	v62 =	vadd.f32 v56, v9;
	v2 =	vadd.f32 v2, v3  }
0x37d: {  	s5 =	simm.s32 $0x0;
	v1 =	vadd.f32 v1, v4  }
0x37e: {  	v3 =	vadd.f32 v57, v61;
	v63 =	vadd.f32 v59, v62;
	[tilespmem:v0+s5+$0xFFFFFFD0 ss:$0x1] =	vst.idx.msk $0xffff, v2  }
0x37f: {  	[tilespmem:v0+s5+$0xFFFFFFE0 ss:$0x1] =	vst.idx.msk $0xffff, v1  }
0x380: {  	s3 =	simm.s32 $0x1A00;
	v1 =	vadd.f32 v60, v3;
	[tilespmem:v0+s5+$0xFFFFFFF0 ss:$0x1] =	vst.idx.msk $0xffff, v63  }
.LBB2_13:
0x381: {  	p2 =	sne.s32 s3, $0xB600  }
0x382: {  	[tilespmem:v0+s5+$0x0 ss:$0x1] =	vst.idx.msk $0xffff, v1;
	s10 =	sadd.s32 $0x500, s10;
	s5 =	smov.u32 s3;
	s3 =	sadd.s32 $0x1A00, s3  }
0x383: {  	v17 =	vld [tilespmem:s10+$0xFFFFFD80]  }
0x384: {  	v5 =	vld [tilespmem:s10+$0xFFFFFD90]  }
0x385: {  	v6 =	vld [tilespmem:s10+$0xFFFFFDD0]  }
0x386: {  	v1 =	vld [tilespmem:s10+$0x250]  }
0x387: {  	v2 =	vld [tilespmem:s10+$0x240]  }
0x388: {  	v3 =	vld [tilespmem:s10+$0x200]  }
0x389: {  	v4 =	vld [tilespmem:s10+$0x1C0]  }
0x38a: {  	v18 =	vadd.f32 v6, v5;
	v5 =	vld [tilespmem:s10+$0x180]  }
0x38b: {  	v6 =	vld [tilespmem:s10+$0x210]  }
0x38c: {  	v7 =	vld [tilespmem:s10+$0x140]  }
0x38d: {  	v8 =	vld [tilespmem:s10+$0x1D0]  }
0x38e: {  	v9 =	vld [tilespmem:s10+$0x100]  }
0x38f: {  	v10 =	vld [tilespmem:s10+$0x190]  }
0x390: {  	v11 =	vld [tilespmem:s10+$0xC0]  }
0x391: {  	v12 =	vld [tilespmem:s10+$0x150]  }
0x392: {  	v13 =	vld [tilespmem:s10+$0x80]  }
0x393: {  	v14 =	vld [tilespmem:s10+$0x110]  }
0x394: {  	v15 =	vld [tilespmem:s10+$0xD0]  }
0x395: {  	v19 =	vld [tilespmem:s10+$0x50]  }
0x396: {  	v16 =	vld [tilespmem:s10+$0x40]  }
0x397: {  	v20 =	vld [tilespmem:s10+$0x10]  }
0x398: {  	v21 =	vld [tilespmem:s10+$0x0]  }
0x399: {  	v22 =	vld [tilespmem:s10+$0x90]  }
0x39a: {  	v23 =	vld [tilespmem:s10+$0xFFFFFFD0]  }
0x39b: {  	v24 =	vld [tilespmem:s10+$0xFFFFFFC0]  }
0x39c: {  	v25 =	vld [tilespmem:s10+$0xFFFFFF90]  }
0x39d: {  	v26 =	vld [tilespmem:s10+$0xFFFFFF80]  }
0x39e: {  	v27 =	vld [tilespmem:s10+$0xFFFFFF50]  }
0x39f: {  	v28 =	vld [tilespmem:s10+$0xFFFFFF40]  }
0x3a0: {  	v29 =	vld [tilespmem:s10+$0xFFFFFF10]  }
0x3a1: {  	v30 =	vld [tilespmem:s10+$0xFFFFFF00]  }
0x3a2: {  	v31 =	vld [tilespmem:s10+$0xFFFFFED0]  }
0x3a3: {  	v32 =	vld [tilespmem:s10+$0xFFFFFEC0]  }
0x3a4: {  	v33 =	vld [tilespmem:s10+$0xFFFFFE90]  }
0x3a5: {  	v34 =	vld [tilespmem:s10+$0xFFFFFE80]  }
0x3a6: {  	v35 =	vld [tilespmem:s10+$0xFFFFFE50]  }
0x3a7: {  	v36 =	vld [tilespmem:s10+$0xFFFFFE40]  }
0x3a8: {  	v37 =	vld [tilespmem:s10+$0xFFFFFE10]  }
0x3a9: {  	v38 =	vld [tilespmem:s10+$0xFFFFFDF0]  }
0x3aa: {  	v39 =	vld [tilespmem:s10+$0xFFFFFE00]  }
0x3ab: {  	v40 =	vld [tilespmem:s10+$0xFFFFFDC0]  }
0x3ac: {  	v41 =	vld [tilespmem:s10+$0xFFFFFDE0]  }
0x3ad: {  	v42 =	vld [tilespmem:s10+$0xFFFFFDA0];
	v18 =	vadd.f32 v37, v18  }
0x3ae: {  	v37 =	vld [tilespmem:s10+$0xFFFFFDB0]  }
0x3af: {  	v43 =	vld [tilespmem:s10+$0xFFFFFE20];
	v18 =	vadd.f32 v35, v18  }
0x3b0: {  	v17 =	vadd.f32 v40, v17;
	v35 =	vld [tilespmem:s10+$0xFFFFFE30]  }
0x3b1: {  	v40 =	vld [tilespmem:s10+$0xFFFFFE60];
	v18 =	vadd.f32 v33, v18  }
0x3b2: {  	v33 =	vadd.f32 v41, v42;
	v17 =	vadd.f32 v39, v17;
	v39 =	vld [tilespmem:s10+$0xFFFFFE70]  }
0x3b3: {  	v37 =	vadd.f32 v38, v37;
	v38 =	vld [tilespmem:s10+$0xFFFFFEA0];
	v18 =	vadd.f32 v31, v18  }
0x3b4: {  	v31 =	vadd.f32 v43, v33;
	v17 =	vadd.f32 v36, v17;
	v33 =	vld [tilespmem:s10+$0xFFFFFEB0]  }
0x3b5: {  	v35 =	vadd.f32 v35, v37;
	v36 =	vld [tilespmem:s10+$0xFFFFFEE0];
	v18 =	vadd.f32 v29, v18  }
0x3b6: {  	v29 =	vadd.f32 v40, v31;
	v17 =	vadd.f32 v34, v17;
	v31 =	vld [tilespmem:s10+$0xFFFFFEF0]  }
0x3b7: {  	v34 =	vadd.f32 v39, v35;
	v35 =	vld [tilespmem:s10+$0xFFFFFF20];
	v18 =	vadd.f32 v27, v18  }
0x3b8: {  	v27 =	vadd.f32 v38, v29;
	v17 =	vadd.f32 v32, v17;
	v29 =	vld [tilespmem:s10+$0xFFFFFF30]  }
0x3b9: {  	v32 =	vadd.f32 v33, v34;
	v33 =	vld [tilespmem:s10+$0xFFFFFF60];
	v18 =	vadd.f32 v25, v18  }
0x3ba: {  	v25 =	vadd.f32 v36, v27;
	v17 =	vadd.f32 v30, v17;
	v27 =	vld [tilespmem:s10+$0xFFFFFF70]  }
0x3bb: {  	v30 =	vadd.f32 v31, v32;
	v31 =	vld [tilespmem:s10+$0xFFFFFFA0];
	v18 =	vadd.f32 v23, v18  }
0x3bc: {  	v23 =	vadd.f32 v35, v25;
	v17 =	vadd.f32 v28, v17;
	v25 =	vld [tilespmem:s10+$0xFFFFFFB0]  }
0x3bd: {  	v28 =	vadd.f32 v29, v30;
	v29 =	vld [tilespmem:s10+$0xFFFFFFE0];
	v18 =	vadd.f32 v20, v18  }
0x3be: {  	v20 =	vadd.f32 v33, v23;
	v17 =	vadd.f32 v26, v17;
	v23 =	vld [tilespmem:s10+$0xFFFFFFF0]  }
0x3bf: {  	v26 =	vadd.f32 v27, v28;
	v27 =	vld [tilespmem:s10+$0x20];
	v18 =	vadd.f32 v19, v18  }
0x3c0: {  	v19 =	vadd.f32 v31, v20;
	v17 =	vadd.f32 v24, v17;
	v20 =	vld [tilespmem:s10+$0x30]  }
0x3c1: {  	v24 =	vadd.f32 v25, v26;
	v25 =	vld [tilespmem:s10+$0x60];
	v18 =	vadd.f32 v22, v18  }
0x3c2: {  	v19 =	vadd.f32 v29, v19;
	v17 =	vadd.f32 v21, v17;
	v21 =	vld [tilespmem:s10+$0x70]  }
0x3c3: {  	v22 =	vadd.f32 v23, v24;
	v23 =	vld [tilespmem:s10+$0xA0];
	v15 =	vadd.f32 v15, v18  }
0x3c4: {  	v18 =	vadd.f32 v27, v19;
	v16 =	vadd.f32 v16, v17;
	v17 =	vld [tilespmem:s10+$0xB0]  }
0x3c5: {  	v19 =	vadd.f32 v20, v22;
	v20 =	vld [tilespmem:s10+$0xE0];
	v14 =	vadd.f32 v14, v15  }
0x3c6: {  	v15 =	vadd.f32 v25, v18;
	v13 =	vadd.f32 v13, v16;
	v16 =	vld [tilespmem:s10+$0xF0]  }
0x3c7: {  	v18 =	vadd.f32 v21, v19;
	v19 =	vld [tilespmem:s10+$0x120];
	v12 =	vadd.f32 v12, v14  }
0x3c8: {  	v14 =	vadd.f32 v23, v15;
	v11 =	vadd.f32 v11, v13;
	v13 =	vld [tilespmem:s10+$0x130]  }
0x3c9: {  	v15 =	vadd.f32 v17, v18;
	v17 =	vld [tilespmem:s10+$0x160];
	v10 =	vadd.f32 v10, v12  }
0x3ca: {  	v12 =	vadd.f32 v20, v14;
	v9 =	vadd.f32 v9, v11;
	v11 =	vld [tilespmem:s10+$0x170]  }
0x3cb: {  	v14 =	vadd.f32 v16, v15;
	v15 =	vld [tilespmem:s10+$0x1A0];
	v8 =	vadd.f32 v8, v10  }
0x3cc: {  	v10 =	vadd.f32 v19, v12;
	v7 =	vadd.f32 v7, v9;
	v9 =	vld [tilespmem:s10+$0x1B0]  }
0x3cd: {  	v12 =	vadd.f32 v13, v14;
	v13 =	vld [tilespmem:s10+$0x1E0];
	v6 =	vadd.f32 v6, v8  }
0x3ce: {  	v8 =	vadd.f32 v17, v10;
	v5 =	vadd.f32 v5, v7;
	v7 =	vld [tilespmem:s10+$0x1F0]  }
0x3cf: {  	v10 =	vadd.f32 v11, v12;
	v11 =	vld [tilespmem:s10+$0x220]  }
0x3d0: {  	v8 =	vadd.f32 v15, v8;
	v4 =	vadd.f32 v4, v5;
	v5 =	vld [tilespmem:s10+$0x230]  }
0x3d1: {  	v9 =	vadd.f32 v9, v10;
	v10 =	vld [tilespmem:s10+$0x260]  }
0x3d2: {  	v8 =	vadd.f32 v13, v8;
	v3 =	vadd.f32 v3, v4;
	v4 =	vld [tilespmem:s10+$0x270]  }
0x3d3: {  	v7 =	vadd.f32 v7, v9  }
.Ltmp6:
0x3d4: {  	v8 =	vadd.f32 v11, v8;
	v2 =	vadd.f32 v2, v3;
	(pc) =	sbr.rel @p2 .LBB2_13-.Ltmp6, $4  }
0x3d5: {  	s5 =	sshra.s32 s5, $0x2;
	v3 =	vadd.f32 v5, v7;
	v5 =	vadd.f32 v1, v6  }
0x3d6: {  	v6 =	vadd.f32 v10, v8;
	[tilespmem:v0+s5+$0xFFFFFFD0 ss:$0x1] =	vst.idx.msk $0xffff, v2  }
0x3d7: {  	v1 =	vadd.f32 v4, v3;
	[tilespmem:v0+s5+$0xFFFFFFE0 ss:$0x1] =	vst.idx.msk $0xffff, v5  }
0x3d8: {  	[tilespmem:v0+s5+$0xFFFFFFF0 ss:$0x1] =	vst.idx.msk $0xffff, v6  }
0x3d9: {  	_ = 	snop  }
0x3da: {  	p2 =	sne.s32 @!p1 s2, $0x33  }
0x3db: {  	p1 =	por p2, p1  }
0x3dc: {  	p6 =	sne.s32 s2, $0x33;
	p0 =	por !p0, !p0;
	s3 =	smul.u32 @!p1 $0xD00, s0  }
0x3dd: {  	[tilespmem:v0+s5+$0x0 ss:$0x1] =	vst.idx.msk $0xffff, v1;
	s31 =	sadd.s32 $0x1, s31;
	p0 =	por p6, p0;
	s5 =	simm.s32 @!p1 $0xE380  }
0x3de: {  	s0 =	smul.u32 @!p0 $0xD00, s0;
	s2 =	sadd.s32 @!p1 s7, s3;
	s3 =	simm.s32 @!p1 $0x0  }
0x3df: {  	[hbm4b:s2+s3] =	stream.linear.scatter @!p1 [tilespmem:s5], [sflag:$0x6], $0x6800, $0x38;
	[tilespmem:$0x1B380] =	vst v63  }
0x3e0: {  	s0 =	sadd.s32 @!p0 s7, s0;
	s2 =	simm.s32 @!p0 $0x0;
	s3 =	simm.s32 @!p0 $0x14B80  }
0x3e1: {  	[hbm4b:s0+s2] =	stream.linear.scatter @!p0 [tilespmem:s3], [sflag:$0x7], $0x6800, $0x38;
	[tilespmem:$0x1B380] =	vst v63  }
0x3e2: {  	p0 =	sne.s32 s31, $0x68  }
.Ltmp7:
0x3e3: {  	_ = 	snop;
	(pc) =	sbr.rel @p0 .LBB2_2-.Ltmp7, $4  }
.Ltmp8:
0x3e4: {  	_ = 	snop;
	(pc) =	sbr.rel @!p0 .LBB2_15-.Ltmp8, $4  }
0x3e5: {  	_ = 	snop  }
0x3e6: {  	_ = 	snop  }
0x3e7: {  	s30 =	sadd.s32 $0x4, s30;
	s29 =	sadd.s32 $0x4, s29  }
0x3e8: {  	_ = 	snop  }
.LBB2_6:
0x3e9: {  	p3 =	seq.s32 s31, $0x67  }
.Ltmp9:
0x3ea: {  	_ = 	snop;
	(pc) =	sbr.rel @p3 .LBB2_8-.Ltmp9, $4  }
.Ltmp10:
0x3eb: {  	_ = 	snop;
	(pc) =	sbr.rel @!p3 .LBB2_7-.Ltmp10, $4  }
0x3ec: {  	_ = 	snop  }
0x3ed: {  	_ = 	snop  }
0x3ee: {  	p2 =	por $0x1, $0x1  }
0x3ef: {  	_ = 	snop  }
.LBB2_16:
0x3f0: {  	_ =	sfence.sel $0x180000  }
0x3f1: {  	[bflag:$0x0] =	sbarrier.arrive $0xFFFF  }
0x3f2: {  	_ =	strace $0x90000047  }
0x3f3: {  	s0 =	stileid.u32;
	[bflag:$0x2] =	sbarrier.arrive $0xFFFF  }
0x3f4: {  	p0 =	sne.s32 s0, $0x0;
	s0 =	rddreg [dreg:$0x3]  }
0x3f5: {  	s0 =	sadd.s32 @!p0 $0x100000, s0  }
0x3f6: {  	[sflag:s0] =	ssyncadd.tile.s32 @!p0 $0x1;
	_ =	shalt  }
.Lfunc_end2:
_tile_overlayer_lowered:
.L_overlay_start_2:
0x3f7: {  	(tag) =	ssettag $0x2  }
0x3f8: {  	s0 =	rddreg [dreg:$0x0];
	s2 =	stileid.u32  }
0x3f9: {  	s1 =	rddreg [dreg:$0x1];
	p0 =	sne.s32 s2, $0x0  }
0x3fa: {  	s3 =	rddreg [dreg:$0x2];
	[bflag:$0x3] =	sbarrier.arrive $0xFFFF;
	s2 =	simm.s32 @!p0 $0x1C08  }
0x3fb: {  	[timem:s3], [sflag:s2] =	dma.local @!p0 [hbm:s0], s1  }
0x3fc: {  	s0 =	simm.s32 @!p0 $0x8  }
0x3fd: {  	_ =	swait.ge @!p0 [sflag:s0], s1  }
0x3fe: {  	s1 =	ssub.s32 @!p0 $0x0, s1;
	[sflag:s0] =	ssyncset.done @!p0 $0x0  }
0x3ff: {  	[sflag:s0] =	ssyncadd.s32 @!p0 s1  }
0x400: {  	[bflag:$0x3] =	sbarrier.arrive $0xFFFF  }
0x401: {  	_ =	shalt  }

</sc_bundles>
